<compile_context>
chip_gen: v7x
topology: tpu7x:2x2x1
jax: 0.10.2.dev20260603
libtpu: 0.0.44.dev20260713+nightly
codegen_flags: <defaults>
</compile_context>

<pallas_src>
import functools

import jax
import jax.numpy as jnp
import numpy as np
from jax import lax
from jax.experimental import pallas as pl
from jax.experimental.pallas import tpu as pltpu
from jax.experimental.pallas import tpu_sc as plsc

VOCAB = 100000
D = 128
BATCH = 4096
HIST = 50

_info = plsc.get_sparse_core_info()
NC = _info.num_cores
NS = _info.num_subcores
NW = NC * NS
LANES = 16

BPW = BATCH // NW
NBUF = 6

SCALE = float(np.sqrt(np.float32(D)))


def _gather_body(idx_hbm, table_hbm, out_hbm,
                 ix, rn0, rn1, rn2, rn3, rn4, rn5,
                 s0, s1, s2, s3, s4, s5):
    wid = lax.axis_index("s") * NC + lax.axis_index("c")
    base_b = wid * BPW

    bufs = ((rn0, s0), (rn1, s1), (rn2, s2), (rn3, s3), (rn4, s4), (rn5, s5))

    pltpu.sync_copy(idx_hbm.at[wid], ix)

    def start_gather(c, par):
        rn, sem = bufs[par]
        pltpu.async_copy(table_hbm.at[ix.at[c]], rn, sem)

    def wait_gather(c, par):
        rn, sem = bufs[par]
        pltpu.make_async_copy(table_hbm.at[ix.at[c]], rn, sem).wait()

    def out_slice(c):
        return out_hbm.at[c, pl.ds(base_b, BPW), :]

    def start_out(c, par):
        rn, sem = bufs[par]
        pltpu.async_copy(rn, out_slice(c), sem)

    def wait_out(c, par):
        rn, sem = bufs[par]
        pltpu.make_async_copy(rn, out_slice(c), sem).wait()

    def scale_chunk(par):
        rn, _ = bufs[par]

        def row_body(r, _):
            for q in range(D // LANES):
                sl = pl.ds(q * LANES, LANES)
                rn[r, sl] = rn[r, sl] * SCALE
            return 0

        lax.fori_loop(0, BPW, row_body, 0)

    def process(c, par, *, drain, issue):
        wait_gather(c, par)
        scale_chunk(par)
        start_out(c, par)
        if drain:
            wait_out(c - 1, (par + NBUF - 1) % NBUF)
        if issue:
            start_gather(c + NBUF - 1, (par + NBUF - 1) % NBUF)

    for c in range(NBUF - 1):
        start_gather(c, c)

    process(0, 0, drain=False, issue=True)
    for c in range(1, NBUF):
        process(c, c % NBUF, drain=True, issue=True)

    STEADY_ITERS = (HIST - 2 * (NBUF - 1)) // NBUF

    def steady(g, _):
        for p in range(NBUF):
            c = NBUF * g + p
            process(c, p, drain=True, issue=True)
        return 0

    lax.fori_loop(1, STEADY_ITERS, steady, 0)

    for c in range(NBUF * STEADY_ITERS, HIST):
        process(c, c % NBUF, drain=True, issue=(c + NBUF - 1 < HIST))

    wait_out(HIST - 1, (HIST - 1) % NBUF)


@jax.jit
def _embed(x, table):
    idx = x.reshape(NW, BPW, HIST).transpose(0, 2, 1)
    call = functools.partial(
        pl.kernel,
        mesh=plsc.VectorSubcoreMesh(core_axis_name="c", subcore_axis_name="s"),
        out_type=jax.ShapeDtypeStruct((HIST, BATCH, D), jnp.float32),
        scratch_types=[
            pltpu.VMEM((HIST, BPW), jnp.int32),
            pltpu.VMEM((BPW, D), jnp.float32),
            pltpu.VMEM((BPW, D), jnp.float32),
            pltpu.VMEM((BPW, D), jnp.float32),
            pltpu.VMEM((BPW, D), jnp.float32),
            pltpu.VMEM((BPW, D), jnp.float32),
            pltpu.VMEM((BPW, D), jnp.float32),
            pltpu.SemaphoreType.DMA,
            pltpu.SemaphoreType.DMA,
            pltpu.SemaphoreType.DMA,
            pltpu.SemaphoreType.DMA,
            pltpu.SemaphoreType.DMA,
            pltpu.SemaphoreType.DMA,
        ],
    )(_gather_body)
    hbd = call(idx, table)
    return jnp.transpose(hbd, (1, 0, 2))


def kernel(x, input_embedding_table):
    return _embed(x.astype(jnp.int32), input_embedding_table)

# --- scband reference (transcript-rebuilt; emitter-appended) ---
"""Pipeline reference for scband-embedder-5342939316548 (READ-ONLY COPY).

The authoritative reference and input builder live on the scoring server;
editing this copy changes nothing except your own understanding.
"""

import jax, jax.numpy as jnp
import numpy as np

VOCAB_SIZE = 100000
EMBED_DIM = 128
BATCH = 4096
HIST_LEN = 50


def setup_inputs(seed: int = 0) -> dict:
    key = jax.random.key(seed)
    k_idx, k_tab = jax.random.split(key)
    x = jax.random.randint(k_idx, (BATCH, HIST_LEN), 0, VOCAB_SIZE, dtype=jnp.int64 if jax.config.read('jax_enable_x64') else jnp.int32)
    # flax nn.initializers.normal() default stddev = 0.01
    input_embedding_table = jax.random.normal(k_tab, (VOCAB_SIZE, EMBED_DIM), dtype=jnp.float32) * 0.01
    return {"x": x, "input_embedding_table": input_embedding_table}


def reference(x, input_embedding_table):
    # Embedder.encode: gather rows then scale by sqrt(embed_dim)
    out = jnp.take(input_embedding_table, x, axis=0)
    out = out * jnp.sqrt(jnp.asarray(EMBED_DIM, dtype=out.dtype))
    return out

if __name__ == "__main__":
    import jax
    _d = setup_inputs()
    print(jax.jit(kernel)(*tuple(_d.values())))

</pallas_src>

<mosaic_0001>
#map = affine_map<(d0, d1) -> (0, 0, 0)>
#map1 = affine_map<(d0, d1) -> (0, 0)>
module attributes {stable_mosaic.version = 14 : i64} {
  func.func @_gather_body(%arg0: i32, %arg1: i32, %arg2: memref<32x50x128xi32, #tpu.memory_space<hbm>>, %arg3: memref<100000x128xf32, #tpu.memory_space<hbm>>, %arg4: memref<50x4096x128xf32, #tpu.memory_space<hbm>>, %arg5: memref<50x128xi32, #tpu.memory_space<vmem>>, %arg6: memref<128x128xf32, #tpu.memory_space<vmem>>, %arg7: memref<128x128xf32, #tpu.memory_space<vmem>>, %arg8: memref<128x128xf32, #tpu.memory_space<vmem>>, %arg9: memref<128x128xf32, #tpu.memory_space<vmem>>, %arg10: memref<128x128xf32, #tpu.memory_space<vmem>>, %arg11: memref<128x128xf32, #tpu.memory_space<vmem>>, %arg12: memref<!tpu.dma_semaphore, #tpu.memory_space<semaphore_mem>>, %arg13: memref<!tpu.dma_semaphore, #tpu.memory_space<semaphore_mem>>, %arg14: memref<!tpu.dma_semaphore, #tpu.memory_space<semaphore_mem>>, %arg15: memref<!tpu.dma_semaphore, #tpu.memory_space<semaphore_mem>>, %arg16: memref<!tpu.dma_semaphore, #tpu.memory_space<semaphore_mem>>, %arg17: memref<!tpu.dma_semaphore, #tpu.memory_space<semaphore_mem>>) attributes {dimension_semantics = [#tpu.dimension_semantics<core_parallel>, #tpu.dimension_semantics<subcore_parallel>], iteration_bounds = array<i64: 2, 16>, scalar_prefetch = 0 : i64, scratch_operands = 13 : i64, tpu.core_type = #tpu.core_type<sc_vector_subcore>, window_params = [{transform_indices = #map}, {transform_indices = #map1}, {transform_indices = #map}]} {
    %mul3A = arith.constant 2 : i32
    %mul3A_0 = arith.muli %arg1, %mul3A : i32
    %add3A = arith.addi %mul3A_0, %arg0 : i32
    %mul3A_1 = arith.constant 128 : i32
    %mul3A_2 = arith.muli %add3A, %mul3A_1 : i32
    "tpu.region"() ({
      %run_scoped3A = tpu.sem_alloc : memref<!tpu.dma_semaphore, #tpu.memory_space<semaphore_mem>>
      %dma_start3A_707 = arith.constant 0 : i32
      %dma_start3A_708 = arith.constant 0 : i32
      %dma_start3A_709 = tpu.memref_slice %arg2[%add3A, %dma_start3A_707, %dma_start3A_708] : memref<32x50x128xi32, #tpu.memory_space<hbm>> -> memref<1x50x128xi32, #tpu.memory_space<hbm>>
      %dma_start3A_710 = tpu.memref_squeeze %dma_start3A_709 : memref<1x50x128xi32, #tpu.memory_space<hbm>> -> memref<50x128xi32, #tpu.memory_space<hbm>>
      %dma_start3A_711 = arith.constant 0 : i32
      %dma_start3A_712 = arith.constant 0 : i32
      %dma_start3A_713 = tpu.memref_slice %arg2[%add3A, %dma_start3A_711, %dma_start3A_712] : memref<32x50x128xi32, #tpu.memory_space<hbm>> -> memref<1x50x128xi32, #tpu.memory_space<hbm>>
      %dma_start3A_714 = tpu.memref_squeeze %dma_start3A_713 : memref<1x50x128xi32, #tpu.memory_space<hbm>> -> memref<50x128xi32, #tpu.memory_space<hbm>>
      tpu.enqueue_dma source(%dma_start3A_714 : memref<50x128xi32, #tpu.memory_space<hbm>>) target(%arg5 : memref<50x128xi32, #tpu.memory_space<vmem>>) target_semaphore(%run_scoped3A : memref<!tpu.dma_semaphore, #tpu.memory_space<semaphore_mem>>)
      %dma_wait3A_715 = arith.constant 0 : i32
      %dma_wait3A_716 = arith.constant 0 : i32
      %dma_wait3A_717 = tpu.memref_slice %arg2[%add3A, %dma_wait3A_715, %dma_wait3A_716] : memref<32x50x128xi32, #tpu.memory_space<hbm>> -> memref<1x50x128xi32, #tpu.memory_space<hbm>>
      %dma_wait3A_718 = tpu.memref_squeeze %dma_wait3A_717 : memref<1x50x128xi32, #tpu.memory_space<hbm>> -> memref<50x128xi32, #tpu.memory_space<hbm>>
      %dma_wait3A_719 = arith.constant 0 : i32
      %dma_wait3A_720 = arith.constant 0 : i32
      %dma_wait3A_721 = tpu.memref_slice %arg2[%add3A, %dma_wait3A_719, %dma_wait3A_720] : memref<32x50x128xi32, #tpu.memory_space<hbm>> -> memref<1x50x128xi32, #tpu.memory_space<hbm>>
      %dma_wait3A_722 = tpu.memref_squeeze %dma_wait3A_721 : memref<1x50x128xi32, #tpu.memory_space<hbm>> -> memref<50x128xi32, #tpu.memory_space<hbm>>
      tpu.wait_dma2 semaphore(%run_scoped3A : memref<!tpu.dma_semaphore, #tpu.memory_space<semaphore_mem>>) src(%dma_wait3A_722 : memref<50x128xi32, #tpu.memory_space<hbm>>) dst(%arg5 : memref<50x128xi32, #tpu.memory_space<vmem>>)
      tpu.yield
    }) : () -> ()
    %dma_start3A = arith.constant 0 : i32
    %dma_start3A_3 = arith.constant 0 : i32
    %dma_start3A_4 = tpu.memref_slice %arg5[%dma_start3A, %dma_start3A_3] : memref<50x128xi32, #tpu.memory_space<vmem>> -> memref<1x128xi32, #tpu.memory_space<vmem>>
    %dma_start3A_5 = tpu.memref_squeeze %dma_start3A_4 : memref<1x128xi32, #tpu.memory_space<vmem>> -> memref<128xi32, #tpu.memory_space<vmem>>
    %dma_start3A_6 = arith.constant 0 : i32
    %dma_start3A_7 = arith.constant 0 : i32
    %dma_start3A_8 = tpu.memref_slice %arg3[%dma_start3A_6, %dma_start3A_7] : memref<100000x128xf32, #tpu.memory_space<hbm>> -> memref<100000x128xf32, #tpu.memory_space<hbm>>
    tpu.enqueue_indirect_dma source(%dma_start3A_8 : memref<100000x128xf32, #tpu.memory_space<hbm>>) target(%arg6 : memref<128x128xf32, #tpu.memory_space<vmem>>) offsets(%dma_start3A_5 : memref<128xi32, #tpu.memory_space<vmem>>) semaphore(%arg12 : memref<!tpu.dma_semaphore, #tpu.memory_space<semaphore_mem>>)
    %dma_start3A_9 = arith.constant 1 : i32
    %dma_start3A_10 = arith.constant 0 : i32
    %dma_start3A_11 = tpu.memref_slice %arg5[%dma_start3A_9, %dma_start3A_10] : memref<50x128xi32, #tpu.memory_space<vmem>> -> memref<1x128xi32, #tpu.memory_space<vmem>>
    %dma_start3A_12 = tpu.memref_squeeze %dma_start3A_11 : memref<1x128xi32, #tpu.memory_space<vmem>> -> memref<128xi32, #tpu.memory_space<vmem>>
    %dma_start3A_13 = arith.constant 0 : i32
    %dma_start3A_14 = arith.constant 0 : i32
    %dma_start3A_15 = tpu.memref_slice %arg3[%dma_start3A_13, %dma_start3A_14] : memref<100000x128xf32, #tpu.memory_space<hbm>> -> memref<100000x128xf32, #tpu.memory_space<hbm>>
    tpu.enqueue_indirect_dma source(%dma_start3A_15 : memref<100000x128xf32, #tpu.memory_space<hbm>>) target(%arg7 : memref<128x128xf32, #tpu.memory_space<vmem>>) offsets(%dma_start3A_12 : memref<128xi32, #tpu.memory_space<vmem>>) semaphore(%arg13 : memref<!tpu.dma_semaphore, #tpu.memory_space<semaphore_mem>>)
    %dma_start3A_16 = arith.constant 2 : i32
    %dma_start3A_17 = arith.constant 0 : i32
    %dma_start3A_18 = tpu.memref_slice %arg5[%dma_start3A_16, %dma_start3A_17] : memref<50x128xi32, #tpu.memory_space<vmem>> -> memref<1x128xi32, #tpu.memory_space<vmem>>
    %dma_start3A_19 = tpu.memref_squeeze %dma_start3A_18 : memref<1x128xi32, #tpu.memory_space<vmem>> -> memref<128xi32, #tpu.memory_space<vmem>>
    %dma_start3A_20 = arith.constant 0 : i32
    %dma_start3A_21 = arith.constant 0 : i32
    %dma_start3A_22 = tpu.memref_slice %arg3[%dma_start3A_20, %dma_start3A_21] : memref<100000x128xf32, #tpu.memory_space<hbm>> -> memref<100000x128xf32, #tpu.memory_space<hbm>>
    tpu.enqueue_indirect_dma source(%dma_start3A_22 : memref<100000x128xf32, #tpu.memory_space<hbm>>) target(%arg8 : memref<128x128xf32, #tpu.memory_space<vmem>>) offsets(%dma_start3A_19 : memref<128xi32, #tpu.memory_space<vmem>>) semaphore(%arg14 : memref<!tpu.dma_semaphore, #tpu.memory_space<semaphore_mem>>)
    %dma_start3A_23 = arith.constant 3 : i32
    %dma_start3A_24 = arith.constant 0 : i32
    %dma_start3A_25 = tpu.memref_slice %arg5[%dma_start3A_23, %dma_start3A_24] : memref<50x128xi32, #tpu.memory_space<vmem>> -> memref<1x128xi32, #tpu.memory_space<vmem>>
    %dma_start3A_26 = tpu.memref_squeeze %dma_start3A_25 : memref<1x128xi32, #tpu.memory_space<vmem>> -> memref<128xi32, #tpu.memory_space<vmem>>
    %dma_start3A_27 = arith.constant 0 : i32
    %dma_start3A_28 = arith.constant 0 : i32
    %dma_start3A_29 = tpu.memref_slice %arg3[%dma_start3A_27, %dma_start3A_28] : memref<100000x128xf32, #tpu.memory_space<hbm>> -> memref<100000x128xf32, #tpu.memory_space<hbm>>
    tpu.enqueue_indirect_dma source(%dma_start3A_29 : memref<100000x128xf32, #tpu.memory_space<hbm>>) target(%arg9 : memref<128x128xf32, #tpu.memory_space<vmem>>) offsets(%dma_start3A_26 : memref<128xi32, #tpu.memory_space<vmem>>) semaphore(%arg15 : memref<!tpu.dma_semaphore, #tpu.memory_space<semaphore_mem>>)
    %dma_start3A_30 = arith.constant 4 : i32
    %dma_start3A_31 = arith.constant 0 : i32
    %dma_start3A_32 = tpu.memref_slice %arg5[%dma_start3A_30, %dma_start3A_31] : memref<50x128xi32, #tpu.memory_space<vmem>> -> memref<1x128xi32, #tpu.memory_space<vmem>>
    %dma_start3A_33 = tpu.memref_squeeze %dma_start3A_32 : memref<1x128xi32, #tpu.memory_space<vmem>> -> memref<128xi32, #tpu.memory_space<vmem>>
    %dma_start3A_34 = arith.constant 0 : i32
    %dma_start3A_35 = arith.constant 0 : i32
    %dma_start3A_36 = tpu.memref_slice %arg3[%dma_start3A_34, %dma_start3A_35] : memref<100000x128xf32, #tpu.memory_space<hbm>> -> memref<100000x128xf32, #tpu.memory_space<hbm>>
    tpu.enqueue_indirect_dma source(%dma_start3A_36 : memref<100000x128xf32, #tpu.memory_space<hbm>>) target(%arg10 : memref<128x128xf32, #tpu.memory_space<vmem>>) offsets(%dma_start3A_33 : memref<128xi32, #tpu.memory_space<vmem>>) semaphore(%arg16 : memref<!tpu.dma_semaphore, #tpu.memory_space<semaphore_mem>>)
    %dma_wait3A = arith.constant 0 : i32
    %dma_wait3A_37 = arith.constant 0 : i32
    %dma_wait3A_38 = tpu.memref_slice %arg5[%dma_wait3A, %dma_wait3A_37] : memref<50x128xi32, #tpu.memory_space<vmem>> -> memref<1x128xi32, #tpu.memory_space<vmem>>
    %dma_wait3A_39 = tpu.memref_squeeze %dma_wait3A_38 : memref<1x128xi32, #tpu.memory_space<vmem>> -> memref<128xi32, #tpu.memory_space<vmem>>
    %dma_wait3A_40 = arith.constant 0 : i32
    %dma_wait3A_41 = arith.constant 0 : i32
    %dma_wait3A_42 = tpu.memref_slice %arg3[%dma_wait3A_40, %dma_wait3A_41] : memref<100000x128xf32, #tpu.memory_space<hbm>> -> memref<100000x128xf32, #tpu.memory_space<hbm>>
    tpu.wait_indirect_dma semaphore(%arg12 : memref<!tpu.dma_semaphore, #tpu.memory_space<semaphore_mem>>) src(%dma_wait3A_42 : memref<100000x128xf32, #tpu.memory_space<hbm>>) dst(%arg6 : memref<128x128xf32, #tpu.memory_space<vmem>>)
    %scan3A = arith.constant 0 : i32
    %scan3A_43 = arith.constant 0 : i32
    %scan3A_44 = arith.constant 128 : i32
    %scan3A_45 = arith.addi %scan3A_43, %scan3A_44 : i32
    %scan3A_46 = arith.constant 1 : i32
    %scan3A_47 = scf.for %scan3A_707 = %scan3A_43 to %scan3A_45 step %scan3A_46 iter_args(%scan3A_708 = %scan3A) -> (i32)  : i32 {
      %get3A = arith.index_cast %scan3A_707 : i32 to index
      %get3A_709 = arith.constant 0 : index
      %get3A_710 = tpu.vector_load %arg6[%get3A, %get3A_709] {strides = array<i32>} : memref<128x128xf32, #tpu.memory_space<vmem>>, vector<1x16xf32>,
      %get3A_711 = vector.shape_cast %get3A_710 : vector<1x16xf32> to vector<16xf32>
      %mul3A_712 = arith.constant 11.3137083 : f32
      %mul3A_713 = vector.broadcast %mul3A_712 : f32 to vector<16xf32>
      %mul3A_714 = arith.mulf %get3A_711, %mul3A_713 : vector<16xf32>
      %swap3A = arith.index_cast %scan3A_707 : i32 to index
      %swap3A_715 = arith.constant 0 : index
      %swap3A_716 = tpu.vector_load %arg6[%swap3A, %swap3A_715] {strides = array<i32>} : memref<128x128xf32, #tpu.memory_space<vmem>>, vector<1x16xf32>,
      %swap3A_717 = vector.shape_cast %swap3A_716 : vector<1x16xf32> to vector<16xf32>
      %swap3A_718 = vector.shape_cast %mul3A_714 : vector<16xf32> to vector<1x16xf32>
      tpu.vector_store %arg6[%swap3A, %swap3A_715], %swap3A_718 {strides = array<i32>} : memref<128x128xf32, #tpu.memory_space<vmem>>, vector<1x16xf32>,
      %get3A_719 = arith.index_cast %scan3A_707 : i32 to index
      %get3A_720 = arith.constant 16 : index
      %get3A_721 = tpu.vector_load %arg6[%get3A_719, %get3A_720] {strides = array<i32>} : memref<128x128xf32, #tpu.memory_space<vmem>>, vector<1x16xf32>,
      %get3A_722 = vector.shape_cast %get3A_721 : vector<1x16xf32> to vector<16xf32>
      %mul3A_723 = arith.constant 11.3137083 : f32
      %mul3A_724 = vector.broadcast %mul3A_723 : f32 to vector<16xf32>
      %mul3A_725 = arith.mulf %get3A_722, %mul3A_724 : vector<16xf32>
      %swap3A_726 = arith.index_cast %scan3A_707 : i32 to index
      %swap3A_727 = arith.constant 16 : index
      %swap3A_728 = tpu.vector_load %arg6[%swap3A_726, %swap3A_727] {strides = array<i32>} : memref<128x128xf32, #tpu.memory_space<vmem>>, vector<1x16xf32>,
      %swap3A_729 = vector.shape_cast %swap3A_728 : vector<1x16xf32> to vector<16xf32>
      %swap3A_730 = vector.shape_cast %mul3A_725 : vector<16xf32> to vector<1x16xf32>
      tpu.vector_store %arg6[%swap3A_726, %swap3A_727], %swap3A_730 {strides = array<i32>} : memref<128x128xf32, #tpu.memory_space<vmem>>, vector<1x16xf32>,
      %get3A_731 = arith.index_cast %scan3A_707 : i32 to index
      %get3A_732 = arith.constant 32 : index
      %get3A_733 = tpu.vector_load %arg6[%get3A_731, %get3A_732] {strides = array<i32>} : memref<128x128xf32, #tpu.memory_space<vmem>>, vector<1x16xf32>,
      %get3A_734 = vector.shape_cast %get3A_733 : vector<1x16xf32> to vector<16xf32>
      %mul3A_735 = arith.constant 11.3137083 : f32
      %mul3A_736 = vector.broadcast %mul3A_735 : f32 to vector<16xf32>
      %mul3A_737 = arith.mulf %get3A_734, %mul3A_736 : vector<16xf32>
      %swap3A_738 = arith.index_cast %scan3A_707 : i32 to index
      %swap3A_739 = arith.constant 32 : index
      %swap3A_740 = tpu.vector_load %arg6[%swap3A_738, %swap3A_739] {strides = array<i32>} : memref<128x128xf32, #tpu.memory_space<vmem>>, vector<1x16xf32>,
      %swap3A_741 = vector.shape_cast %swap3A_740 : vector<1x16xf32> to vector<16xf32>
      %swap3A_742 = vector.shape_cast %mul3A_737 : vector<16xf32> to vector<1x16xf32>
      tpu.vector_store %arg6[%swap3A_738, %swap3A_739], %swap3A_742 {strides = array<i32>} : memref<128x128xf32, #tpu.memory_space<vmem>>, vector<1x16xf32>,
      %get3A_743 = arith.index_cast %scan3A_707 : i32 to index
      %get3A_744 = arith.constant 48 : index
      %get3A_745 = tpu.vector_load %arg6[%get3A_743, %get3A_744] {strides = array<i32>} : memref<128x128xf32, #tpu.memory_space<vmem>>, vector<1x16xf32>,
      %get3A_746 = vector.shape_cast %get3A_745 : vector<1x16xf32> to vector<16xf32>
      %mul3A_747 = arith.constant 11.3137083 : f32
      %mul3A_748 = vector.broadcast %mul3A_747 : f32 to vector<16xf32>
      %mul3A_749 = arith.mulf %get3A_746, %mul3A_748 : vector<16xf32>
      %swap3A_750 = arith.index_cast %scan3A_707 : i32 to index
      %swap3A_751 = arith.constant 48 : index
      %swap3A_752 = tpu.vector_load %arg6[%swap3A_750, %swap3A_751] {strides = array<i32>} : memref<128x128xf32, #tpu.memory_space<vmem>>, vector<1x16xf32>,
      %swap3A_753 = vector.shape_cast %swap3A_752 : vector<1x16xf32> to vector<16xf32>
      %swap3A_754 = vector.shape_cast %mul3A_749 : vector<16xf32> to vector<1x16xf32>
      tpu.vector_store %arg6[%swap3A_750, %swap3A_751], %swap3A_754 {strides = array<i32>} : memref<128x128xf32, #tpu.memory_space<vmem>>, vector<1x16xf32>,
      %get3A_755 = arith.index_cast %scan3A_707 : i32 to index
      %get3A_756 = arith.constant 64 : index
      %get3A_757 = tpu.vector_load %arg6[%get3A_755, %get3A_756] {strides = array<i32>} : memref<128x128xf32, #tpu.memory_space<vmem>>, vector<1x16xf32>,
      %get3A_758 = vector.shape_cast %get3A_757 : vector<1x16xf32> to vector<16xf32>
      %mul3A_759 = arith.constant 11.3137083 : f32
      %mul3A_760 = vector.broadcast %mul3A_759 : f32 to vector<16xf32>
      %mul3A_761 = arith.mulf %get3A_758, %mul3A_760 : vector<16xf32>
      %swap3A_762 = arith.index_cast %scan3A_707 : i32 to index
      %swap3A_763 = arith.constant 64 : index
      %swap3A_764 = tpu.vector_load %arg6[%swap3A_762, %swap3A_763] {strides = array<i32>} : memref<128x128xf32, #tpu.memory_space<vmem>>, vector<1x16xf32>,
      %swap3A_765 = vector.shape_cast %swap3A_764 : vector<1x16xf32> to vector<16xf32>
      %swap3A_766 = vector.shape_cast %mul3A_761 : vector<16xf32> to vector<1x16xf32>
      tpu.vector_store %arg6[%swap3A_762, %swap3A_763], %swap3A_766 {strides = array<i32>} : memref<128x128xf32, #tpu.memory_space<vmem>>, vector<1x16xf32>,
      %get3A_767 = arith.index_cast %scan3A_707 : i32 to index
      %get3A_768 = arith.constant 80 : index
      %get3A_769 = tpu.vector_load %arg6[%get3A_767, %get3A_768] {strides = array<i32>} : memref<128x128xf32, #tpu.memory_space<vmem>>, vector<1x16xf32>,
      %get3A_770 = vector.shape_cast %get3A_769 : vector<1x16xf32> to vector<16xf32>
      %mul3A_771 = arith.constant 11.3137083 : f32
      %mul3A_772 = vector.broadcast %mul3A_771 : f32 to vector<16xf32>
      %mul3A_773 = arith.mulf %get3A_770, %mul3A_772 : vector<16xf32>
      %swap3A_774 = arith.index_cast %scan3A_707 : i32 to index
      %swap3A_775 = arith.constant 80 : index
      %swap3A_776 = tpu.vector_load %arg6[%swap3A_774, %swap3A_775] {strides = array<i32>} : memref<128x128xf32, #tpu.memory_space<vmem>>, vector<1x16xf32>,
      %swap3A_777 = vector.shape_cast %swap3A_776 : vector<1x16xf32> to vector<16xf32>
      %swap3A_778 = vector.shape_cast %mul3A_773 : vector<16xf32> to vector<1x16xf32>
      tpu.vector_store %arg6[%swap3A_774, %swap3A_775], %swap3A_778 {strides = array<i32>} : memref<128x128xf32, #tpu.memory_space<vmem>>, vector<1x16xf32>,
      %get3A_779 = arith.index_cast %scan3A_707 : i32 to index
      %get3A_780 = arith.constant 96 : index
      %get3A_781 = tpu.vector_load %arg6[%get3A_779, %get3A_780] {strides = array<i32>} : memref<128x128xf32, #tpu.memory_space<vmem>>, vector<1x16xf32>,
      %get3A_782 = vector.shape_cast %get3A_781 : vector<1x16xf32> to vector<16xf32>
      %mul3A_783 = arith.constant 11.3137083 : f32
      %mul3A_784 = vector.broadcast %mul3A_783 : f32 to vector<16xf32>
      %mul3A_785 = arith.mulf %get3A_782, %mul3A_784 : vector<16xf32>
      %swap3A_786 = arith.index_cast %scan3A_707 : i32 to index
      %swap3A_787 = arith.constant 96 : index
      %swap3A_788 = tpu.vector_load %arg6[%swap3A_786, %swap3A_787] {strides = array<i32>} : memref<128x128xf32, #tpu.memory_space<vmem>>, vector<1x16xf32>,
      %swap3A_789 = vector.shape_cast %swap3A_788 : vector<1x16xf32> to vector<16xf32>
      %swap3A_790 = vector.shape_cast %mul3A_785 : vector<16xf32> to vector<1x16xf32>
      tpu.vector_store %arg6[%swap3A_786, %swap3A_787], %swap3A_790 {strides = array<i32>} : memref<128x128xf32, #tpu.memory_space<vmem>>, vector<1x16xf32>,
      %get3A_791 = arith.index_cast %scan3A_707 : i32 to index
      %get3A_792 = arith.constant 112 : index
      %get3A_793 = tpu.vector_load %arg6[%get3A_791, %get3A_792] {strides = array<i32>} : memref<128x128xf32, #tpu.memory_space<vmem>>, vector<1x16xf32>,
      %get3A_794 = vector.shape_cast %get3A_793 : vector<1x16xf32> to vector<16xf32>
      %mul3A_795 = arith.constant 11.3137083 : f32
      %mul3A_796 = vector.broadcast %mul3A_795 : f32 to vector<16xf32>
      %mul3A_797 = arith.mulf %get3A_794, %mul3A_796 : vector<16xf32>
      %swap3A_798 = arith.index_cast %scan3A_707 : i32 to index
      %swap3A_799 = arith.constant 112 : index
      %swap3A_800 = tpu.vector_load %arg6[%swap3A_798, %swap3A_799] {strides = array<i32>} : memref<128x128xf32, #tpu.memory_space<vmem>>, vector<1x16xf32>,
      %swap3A_801 = vector.shape_cast %swap3A_800 : vector<1x16xf32> to vector<16xf32>
      %swap3A_802 = vector.shape_cast %mul3A_797 : vector<16xf32> to vector<1x16xf32>
      tpu.vector_store %arg6[%swap3A_798, %swap3A_799], %swap3A_802 {strides = array<i32>} : memref<128x128xf32, #tpu.memory_space<vmem>>, vector<1x16xf32>,
      %scan3A_803 = arith.constant 0 : i32
      scf.yield %scan3A_803 : i32
    }
    %scan3A_48 = arith.constant 128 : i32
    %dma_start3A_49 = arith.constant 0 : i32
    %dma_start3A_50 = arith.constant 0 : i32
    %dma_start3A_51 = tpu.memref_slice %arg4[%dma_start3A_49, %mul3A_2, %dma_start3A_50] : memref<50x4096x128xf32, #tpu.memory_space<hbm>> -> memref<1x128x128xf32, #tpu.memory_space<hbm>>
    %dma_start3A_52 = tpu.memref_squeeze %dma_start3A_51 : memref<1x128x128xf32, #tpu.memory_space<hbm>> -> memref<128x128xf32, #tpu.memory_space<hbm>>
    %dma_start3A_53 = arith.constant 0 : i32
    %dma_start3A_54 = tpu.memref_slice %arg4[%dma_start3A_49, %mul3A_2, %dma_start3A_53] : memref<50x4096x128xf32, #tpu.memory_space<hbm>> -> memref<1x128x128xf32, #tpu.memory_space<hbm>>
    %dma_start3A_55 = tpu.memref_squeeze %dma_start3A_54 : memref<1x128x128xf32, #tpu.memory_space<hbm>> -> memref<128x128xf32, #tpu.memory_space<hbm>>
    tpu.enqueue_dma source(%arg6 : memref<128x128xf32, #tpu.memory_space<vmem>>) target(%dma_start3A_55 : memref<128x128xf32, #tpu.memory_space<hbm>>) target_semaphore(%arg12 : memref<!tpu.dma_semaphore, #tpu.memory_space<semaphore_mem>>)
    %dma_start3A_56 = arith.constant 5 : i32
    %dma_start3A_57 = arith.constant 0 : i32
    %dma_start3A_58 = tpu.memref_slice %arg5[%dma_start3A_56, %dma_start3A_57] : memref<50x128xi32, #tpu.memory_space<vmem>> -> memref<1x128xi32, #tpu.memory_space<vmem>>
    %dma_start3A_59 = tpu.memref_squeeze %dma_start3A_58 : memref<1x128xi32, #tpu.memory_space<vmem>> -> memref<128xi32, #tpu.memory_space<vmem>>
    %dma_start3A_60 = arith.constant 0 : i32
    %dma_start3A_61 = arith.constant 0 : i32
    %dma_start3A_62 = tpu.memref_slice %arg3[%dma_start3A_60, %dma_start3A_61] : memref<100000x128xf32, #tpu.memory_space<hbm>> -> memref<100000x128xf32, #tpu.memory_space<hbm>>
    tpu.enqueue_indirect_dma source(%dma_start3A_62 : memref<100000x128xf32, #tpu.memory_space<hbm>>) target(%arg11 : memref<128x128xf32, #tpu.memory_space<vmem>>) offsets(%dma_start3A_59 : memref<128xi32, #tpu.memory_space<vmem>>) semaphore(%arg17 : memref<!tpu.dma_semaphore, #tpu.memory_space<semaphore_mem>>)
    %dma_wait3A_63 = arith.constant 1 : i32
    %dma_wait3A_64 = arith.constant 0 : i32
    %dma_wait3A_65 = tpu.memref_slice %arg5[%dma_wait3A_63, %dma_wait3A_64] : memref<50x128xi32, #tpu.memory_space<vmem>> -> memref<1x128xi32, #tpu.memory_space<vmem>>
    %dma_wait3A_66 = tpu.memref_squeeze %dma_wait3A_65 : memref<1x128xi32, #tpu.memory_space<vmem>> -> memref<128xi32, #tpu.memory_space<vmem>>
    %dma_wait3A_67 = arith.constant 0 : i32
    %dma_wait3A_68 = arith.constant 0 : i32
    %dma_wait3A_69 = tpu.memref_slice %arg3[%dma_wait3A_67, %dma_wait3A_68] : memref<100000x128xf32, #tpu.memory_space<hbm>> -> memref<100000x128xf32, #tpu.memory_space<hbm>>
    tpu.wait_indirect_dma semaphore(%arg13 : memref<!tpu.dma_semaphore, #tpu.memory_space<semaphore_mem>>) src(%dma_wait3A_69 : memref<100000x128xf32, #tpu.memory_space<hbm>>) dst(%arg7 : memref<128x128xf32, #tpu.memory_space<vmem>>)
    %scan3A_70 = arith.constant 0 : i32
    %scan3A_71 = arith.constant 0 : i32
    %scan3A_72 = arith.constant 128 : i32
    %scan3A_73 = arith.addi %scan3A_71, %scan3A_72 : i32
    %scan3A_74 = arith.constant 1 : i32
    %scan3A_75 = scf.for %scan3A_707 = %scan3A_71 to %scan3A_73 step %scan3A_74 iter_args(%scan3A_708 = %scan3A_70) -> (i32)  : i32 {
      %get3A = arith.index_cast %scan3A_707 : i32 to index
      %get3A_709 = arith.constant 0 : index
      %get3A_710 = tpu.vector_load %arg7[%get3A, %get3A_709] {strides = array<i32>} : memref<128x128xf32, #tpu.memory_space<vmem>>, vector<1x16xf32>,
      %get3A_711 = vector.shape_cast %get3A_710 : vector<1x16xf32> to vector<16xf32>
      %mul3A_712 = arith.constant 11.3137083 : f32
      %mul3A_713 = vector.broadcast %mul3A_712 : f32 to vector<16xf32>
      %mul3A_714 = arith.mulf %get3A_711, %mul3A_713 : vector<16xf32>
      %swap3A = arith.index_cast %scan3A_707 : i32 to index
      %swap3A_715 = arith.constant 0 : index
      %swap3A_716 = tpu.vector_load %arg7[%swap3A, %swap3A_715] {strides = array<i32>} : memref<128x128xf32, #tpu.memory_space<vmem>>, vector<1x16xf32>,
      %swap3A_717 = vector.shape_cast %swap3A_716 : vector<1x16xf32> to vector<16xf32>
      %swap3A_718 = vector.shape_cast %mul3A_714 : vector<16xf32> to vector<1x16xf32>
      tpu.vector_store %arg7[%swap3A, %swap3A_715], %swap3A_718 {strides = array<i32>} : memref<128x128xf32, #tpu.memory_space<vmem>>, vector<1x16xf32>,
      %get3A_719 = arith.index_cast %scan3A_707 : i32 to index
      %get3A_720 = arith.constant 16 : index
      %get3A_721 = tpu.vector_load %arg7[%get3A_719, %get3A_720] {strides = array<i32>} : memref<128x128xf32, #tpu.memory_space<vmem>>, vector<1x16xf32>,
      %get3A_722 = vector.shape_cast %get3A_721 : vector<1x16xf32> to vector<16xf32>
      %mul3A_723 = arith.constant 11.3137083 : f32
      %mul3A_724 = vector.broadcast %mul3A_723 : f32 to vector<16xf32>
      %mul3A_725 = arith.mulf %get3A_722, %mul3A_724 : vector<16xf32>
      %swap3A_726 = arith.index_cast %scan3A_707 : i32 to index
      %swap3A_727 = arith.constant 16 : index
      %swap3A_728 = tpu.vector_load %arg7[%swap3A_726, %swap3A_727] {strides = array<i32>} : memref<128x128xf32, #tpu.memory_space<vmem>>, vector<1x16xf32>,
      %swap3A_729 = vector.shape_cast %swap3A_728 : vector<1x16xf32> to vector<16xf32>
      %swap3A_730 = vector.shape_cast %mul3A_725 : vector<16xf32> to vector<1x16xf32>
      tpu.vector_store %arg7[%swap3A_726, %swap3A_727], %swap3A_730 {strides = array<i32>} : memref<128x128xf32, #tpu.memory_space<vmem>>, vector<1x16xf32>,
      %get3A_731 = arith.index_cast %scan3A_707 : i32 to index
      %get3A_732 = arith.constant 32 : index
      %get3A_733 = tpu.vector_load %arg7[%get3A_731, %get3A_732] {strides = array<i32>} : memref<128x128xf32, #tpu.memory_space<vmem>>, vector<1x16xf32>,
      %get3A_734 = vector.shape_cast %get3A_733 : vector<1x16xf32> to vector<16xf32>
      %mul3A_735 = arith.constant 11.3137083 : f32
      %mul3A_736 = vector.broadcast %mul3A_735 : f32 to vector<16xf32>
      %mul3A_737 = arith.mulf %get3A_734, %mul3A_736 : vector<16xf32>
      %swap3A_738 = arith.index_cast %scan3A_707 : i32 to index
      %swap3A_739 = arith.constant 32 : index
      %swap3A_740 = tpu.vector_load %arg7[%swap3A_738, %swap3A_739] {strides = array<i32>} : memref<128x128xf32, #tpu.memory_space<vmem>>, vector<1x16xf32>,
      %swap3A_741 = vector.shape_cast %swap3A_740 : vector<1x16xf32> to vector<16xf32>
      %swap3A_742 = vector.shape_cast %mul3A_737 : vector<16xf32> to vector<1x16xf32>
      tpu.vector_store %arg7[%swap3A_738, %swap3A_739], %swap3A_742 {strides = array<i32>} : memref<128x128xf32, #tpu.memory_space<vmem>>, vector<1x16xf32>,
      %get3A_743 = arith.index_cast %scan3A_707 : i32 to index
      %get3A_744 = arith.constant 48 : index
      %get3A_745 = tpu.vector_load %arg7[%get3A_743, %get3A_744] {strides = array<i32>} : memref<128x128xf32, #tpu.memory_space<vmem>>, vector<1x16xf32>,
      %get3A_746 = vector.shape_cast %get3A_745 : vector<1x16xf32> to vector<16xf32>
      %mul3A_747 = arith.constant 11.3137083 : f32
      %mul3A_748 = vector.broadcast %mul3A_747 : f32 to vector<16xf32>
      %mul3A_749 = arith.mulf %get3A_746, %mul3A_748 : vector<16xf32>
      %swap3A_750 = arith.index_cast %scan3A_707 : i32 to index
      %swap3A_751 = arith.constant 48 : index
      %swap3A_752 = tpu.vector_load %arg7[%swap3A_750, %swap3A_751] {strides = array<i32>} : memref<128x128xf32, #tpu.memory_space<vmem>>, vector<1x16xf32>,
      %swap3A_753 = vector.shape_cast %swap3A_752 : vector<1x16xf32> to vector<16xf32>
      %swap3A_754 = vector.shape_cast %mul3A_749 : vector<16xf32> to vector<1x16xf32>
      tpu.vector_store %arg7[%swap3A_750, %swap3A_751], %swap3A_754 {strides = array<i32>} : memref<128x128xf32, #tpu.memory_space<vmem>>, vector<1x16xf32>,
      %get3A_755 = arith.index_cast %scan3A_707 : i32 to index
      %get3A_756 = arith.constant 64 : index
      %get3A_757 = tpu.vector_load %arg7[%get3A_755, %get3A_756] {strides = array<i32>} : memref<128x128xf32, #tpu.memory_space<vmem>>, vector<1x16xf32>,
      %get3A_758 = vector.shape_cast %get3A_757 : vector<1x16xf32> to vector<16xf32>
      %mul3A_759 = arith.constant 11.3137083 : f32
      %mul3A_760 = vector.broadcast %mul3A_759 : f32 to vector<16xf32>
      %mul3A_761 = arith.mulf %get3A_758, %mul3A_760 : vector<16xf32>
      %swap3A_762 = arith.index_cast %scan3A_707 : i32 to index
      %swap3A_763 = arith.constant 64 : index
      %swap3A_764 = tpu.vector_load %arg7[%swap3A_762, %swap3A_763] {strides = array<i32>} : memref<128x128xf32, #tpu.memory_space<vmem>>, vector<1x16xf32>,
      %swap3A_765 = vector.shape_cast %swap3A_764 : vector<1x16xf32> to vector<16xf32>
      %swap3A_766 = vector.shape_cast %mul3A_761 : vector<16xf32> to vector<1x16xf32>
      tpu.vector_store %arg7[%swap3A_762, %swap3A_763], %swap3A_766 {strides = array<i32>} : memref<128x128xf32, #tpu.memory_space<vmem>>, vector<1x16xf32>,
      %get3A_767 = arith.index_cast %scan3A_707 : i32 to index
      %get3A_768 = arith.constant 80 : index
      %get3A_769 = tpu.vector_load %arg7[%get3A_767, %get3A_768] {strides = array<i32>} : memref<128x128xf32, #tpu.memory_space<vmem>>, vector<1x16xf32>,
      %get3A_770 = vector.shape_cast %get3A_769 : vector<1x16xf32> to vector<16xf32>
      %mul3A_771 = arith.constant 11.3137083 : f32
      %mul3A_772 = vector.broadcast %mul3A_771 : f32 to vector<16xf32>
      %mul3A_773 = arith.mulf %get3A_770, %mul3A_772 : vector<16xf32>
      %swap3A_774 = arith.index_cast %scan3A_707 : i32 to index
      %swap3A_775 = arith.constant 80 : index
      %swap3A_776 = tpu.vector_load %arg7[%swap3A_774, %swap3A_775] {strides = array<i32>} : memref<128x128xf32, #tpu.memory_space<vmem>>, vector<1x16xf32>,
      %swap3A_777 = vector.shape_cast %swap3A_776 : vector<1x16xf32> to vector<16xf32>
      %swap3A_778 = vector.shape_cast %mul3A_773 : vector<16xf32> to vector<1x16xf32>
      tpu.vector_store %arg7[%swap3A_774, %swap3A_775], %swap3A_778 {strides = array<i32>} : memref<128x128xf32, #tpu.memory_space<vmem>>, vector<1x16xf32>,
      %get3A_779 = arith.index_cast %scan3A_707 : i32 to index
      %get3A_780 = arith.constant 96 : index
      %get3A_781 = tpu.vector_load %arg7[%get3A_779, %get3A_780] {strides = array<i32>} : memref<128x128xf32, #tpu.memory_space<vmem>>, vector<1x16xf32>,
      %get3A_782 = vector.shape_cast %get3A_781 : vector<1x16xf32> to vector<16xf32>
      %mul3A_783 = arith.constant 11.3137083 : f32
      %mul3A_784 = vector.broadcast %mul3A_783 : f32 to vector<16xf32>
      %mul3A_785 = arith.mulf %get3A_782, %mul3A_784 : vector<16xf32>
      %swap3A_786 = arith.index_cast %scan3A_707 : i32 to index
      %swap3A_787 = arith.constant 96 : index
      %swap3A_788 = tpu.vector_load %arg7[%swap3A_786, %swap3A_787] {strides = array<i32>} : memref<128x128xf32, #tpu.memory_space<vmem>>, vector<1x16xf32>,
      %swap3A_789 = vector.shape_cast %swap3A_788 : vector<1x16xf32> to vector<16xf32>
      %swap3A_790 = vector.shape_cast %mul3A_785 : vector<16xf32> to vector<1x16xf32>
      tpu.vector_store %arg7[%swap3A_786, %swap3A_787], %swap3A_790 {strides = array<i32>} : memref<128x128xf32, #tpu.memory_space<vmem>>, vector<1x16xf32>,
      %get3A_791 = arith.index_cast %scan3A_707 : i32 to index
      %get3A_792 = arith.constant 112 : index
      %get3A_793 = tpu.vector_load %arg7[%get3A_791, %get3A_792] {strides = array<i32>} : memref<128x128xf32, #tpu.memory_space<vmem>>, vector<1x16xf32>,
      %get3A_794 = vector.shape_cast %get3A_793 : vector<1x16xf32> to vector<16xf32>
      %mul3A_795 = arith.constant 11.3137083 : f32
      %mul3A_796 = vector.broadcast %mul3A_795 : f32 to vector<16xf32>
      %mul3A_797 = arith.mulf %get3A_794, %mul3A_796 : vector<16xf32>
      %swap3A_798 = arith.index_cast %scan3A_707 : i32 to index
      %swap3A_799 = arith.constant 112 : index
      %swap3A_800 = tpu.vector_load %arg7[%swap3A_798, %swap3A_799] {strides = array<i32>} : memref<128x128xf32, #tpu.memory_space<vmem>>, vector<1x16xf32>,
      %swap3A_801 = vector.shape_cast %swap3A_800 : vector<1x16xf32> to vector<16xf32>
      %swap3A_802 = vector.shape_cast %mul3A_797 : vector<16xf32> to vector<1x16xf32>
      tpu.vector_store %arg7[%swap3A_798, %swap3A_799], %swap3A_802 {strides = array<i32>} : memref<128x128xf32, #tpu.memory_space<vmem>>, vector<1x16xf32>,
      %scan3A_803 = arith.constant 0 : i32
      scf.yield %scan3A_803 : i32
    }
    %scan3A_76 = arith.constant 128 : i32
    %dma_start3A_77 = arith.constant 1 : i32
    %dma_start3A_78 = arith.constant 0 : i32
    %dma_start3A_79 = tpu.memref_slice %arg4[%dma_start3A_77, %mul3A_2, %dma_start3A_78] : memref<50x4096x128xf32, #tpu.memory_space<hbm>> -> memref<1x128x128xf32, #tpu.memory_space<hbm>>
    %dma_start3A_80 = tpu.memref_squeeze %dma_start3A_79 : memref<1x128x128xf32, #tpu.memory_space<hbm>> -> memref<128x128xf32, #tpu.memory_space<hbm>>
    %dma_start3A_81 = arith.constant 0 : i32
    %dma_start3A_82 = tpu.memref_slice %arg4[%dma_start3A_77, %mul3A_2, %dma_start3A_81] : memref<50x4096x128xf32, #tpu.memory_space<hbm>> -> memref<1x128x128xf32, #tpu.memory_space<hbm>>
    %dma_start3A_83 = tpu.memref_squeeze %dma_start3A_82 : memref<1x128x128xf32, #tpu.memory_space<hbm>> -> memref<128x128xf32, #tpu.memory_space<hbm>>
    tpu.enqueue_dma source(%arg7 : memref<128x128xf32, #tpu.memory_space<vmem>>) target(%dma_start3A_83 : memref<128x128xf32, #tpu.memory_space<hbm>>) target_semaphore(%arg13 : memref<!tpu.dma_semaphore, #tpu.memory_space<semaphore_mem>>)
    %dma_wait3A_84 = arith.constant 0 : i32
    %dma_wait3A_85 = arith.constant 0 : i32
    %dma_wait3A_86 = tpu.memref_slice %arg4[%dma_wait3A_84, %mul3A_2, %dma_wait3A_85] : memref<50x4096x128xf32, #tpu.memory_space<hbm>> -> memref<1x128x128xf32, #tpu.memory_space<hbm>>
    %dma_wait3A_87 = tpu.memref_squeeze %dma_wait3A_86 : memref<1x128x128xf32, #tpu.memory_space<hbm>> -> memref<128x128xf32, #tpu.memory_space<hbm>>
    %dma_wait3A_88 = arith.constant 0 : i32
    %dma_wait3A_89 = tpu.memref_slice %arg4[%dma_wait3A_84, %mul3A_2, %dma_wait3A_88] : memref<50x4096x128xf32, #tpu.memory_space<hbm>> -> memref<1x128x128xf32, #tpu.memory_space<hbm>>
    %dma_wait3A_90 = tpu.memref_squeeze %dma_wait3A_89 : memref<1x128x128xf32, #tpu.memory_space<hbm>> -> memref<128x128xf32, #tpu.memory_space<hbm>>
    tpu.wait_dma2 semaphore(%arg12 : memref<!tpu.dma_semaphore, #tpu.memory_space<semaphore_mem>>) src(%arg6 : memref<128x128xf32, #tpu.memory_space<vmem>>) dst(%dma_wait3A_90 : memref<128x128xf32, #tpu.memory_space<hbm>>)
    %dma_start3A_91 = arith.constant 6 : i32
    %dma_start3A_92 = arith.constant 0 : i32
    %dma_start3A_93 = tpu.memref_slice %arg5[%dma_start3A_91, %dma_start3A_92] : memref<50x128xi32, #tpu.memory_space<vmem>> -> memref<1x128xi32, #tpu.memory_space<vmem>>
    %dma_start3A_94 = tpu.memref_squeeze %dma_start3A_93 : memref<1x128xi32, #tpu.memory_space<vmem>> -> memref<128xi32, #tpu.memory_space<vmem>>
    %dma_start3A_95 = arith.constant 0 : i32
    %dma_start3A_96 = arith.constant 0 : i32
    %dma_start3A_97 = tpu.memref_slice %arg3[%dma_start3A_95, %dma_start3A_96] : memref<100000x128xf32, #tpu.memory_space<hbm>> -> memref<100000x128xf32, #tpu.memory_space<hbm>>
    tpu.enqueue_indirect_dma source(%dma_start3A_97 : memref<100000x128xf32, #tpu.memory_space<hbm>>) target(%arg6 : memref<128x128xf32, #tpu.memory_space<vmem>>) offsets(%dma_start3A_94 : memref<128xi32, #tpu.memory_space<vmem>>) semaphore(%arg12 : memref<!tpu.dma_semaphore, #tpu.memory_space<semaphore_mem>>)
    %dma_wait3A_98 = arith.constant 2 : i32
    %dma_wait3A_99 = arith.constant 0 : i32
    %dma_wait3A_100 = tpu.memref_slice %arg5[%dma_wait3A_98, %dma_wait3A_99] : memref<50x128xi32, #tpu.memory_space<vmem>> -> memref<1x128xi32, #tpu.memory_space<vmem>>
    %dma_wait3A_101 = tpu.memref_squeeze %dma_wait3A_100 : memref<1x128xi32, #tpu.memory_space<vmem>> -> memref<128xi32, #tpu.memory_space<vmem>>
    %dma_wait3A_102 = arith.constant 0 : i32
    %dma_wait3A_103 = arith.constant 0 : i32
    %dma_wait3A_104 = tpu.memref_slice %arg3[%dma_wait3A_102, %dma_wait3A_103] : memref<100000x128xf32, #tpu.memory_space<hbm>> -> memref<100000x128xf32, #tpu.memory_space<hbm>>
    tpu.wait_indirect_dma semaphore(%arg14 : memref<!tpu.dma_semaphore, #tpu.memory_space<semaphore_mem>>) src(%dma_wait3A_104 : memref<100000x128xf32, #tpu.memory_space<hbm>>) dst(%arg8 : memref<128x128xf32, #tpu.memory_space<vmem>>)
    %scan3A_105 = arith.constant 0 : i32
    %scan3A_106 = arith.constant 0 : i32
    %scan3A_107 = arith.constant 128 : i32
    %scan3A_108 = arith.addi %scan3A_106, %scan3A_107 : i32
    %scan3A_109 = arith.constant 1 : i32
    %scan3A_110 = scf.for %scan3A_707 = %scan3A_106 to %scan3A_108 step %scan3A_109 iter_args(%scan3A_708 = %scan3A_105) -> (i32)  : i32 {
      %get3A = arith.index_cast %scan3A_707 : i32 to index
      %get3A_709 = arith.constant 0 : index
      %get3A_710 = tpu.vector_load %arg8[%get3A, %get3A_709] {strides = array<i32>} : memref<128x128xf32, #tpu.memory_space<vmem>>, vector<1x16xf32>,
      %get3A_711 = vector.shape_cast %get3A_710 : vector<1x16xf32> to vector<16xf32>
      %mul3A_712 = arith.constant 11.3137083 : f32
      %mul3A_713 = vector.broadcast %mul3A_712 : f32 to vector<16xf32>
      %mul3A_714 = arith.mulf %get3A_711, %mul3A_713 : vector<16xf32>
      %swap3A = arith.index_cast %scan3A_707 : i32 to index
      %swap3A_715 = arith.constant 0 : index
      %swap3A_716 = tpu.vector_load %arg8[%swap3A, %swap3A_715] {strides = array<i32>} : memref<128x128xf32, #tpu.memory_space<vmem>>, vector<1x16xf32>,
      %swap3A_717 = vector.shape_cast %swap3A_716 : vector<1x16xf32> to vector<16xf32>
      %swap3A_718 = vector.shape_cast %mul3A_714 : vector<16xf32> to vector<1x16xf32>
      tpu.vector_store %arg8[%swap3A, %swap3A_715], %swap3A_718 {strides = array<i32>} : memref<128x128xf32, #tpu.memory_space<vmem>>, vector<1x16xf32>,
      %get3A_719 = arith.index_cast %scan3A_707 : i32 to index
      %get3A_720 = arith.constant 16 : index
      %get3A_721 = tpu.vector_load %arg8[%get3A_719, %get3A_720] {strides = array<i32>} : memref<128x128xf32, #tpu.memory_space<vmem>>, vector<1x16xf32>,
      %get3A_722 = vector.shape_cast %get3A_721 : vector<1x16xf32> to vector<16xf32>
      %mul3A_723 = arith.constant 11.3137083 : f32
      %mul3A_724 = vector.broadcast %mul3A_723 : f32 to vector<16xf32>
      %mul3A_725 = arith.mulf %get3A_722, %mul3A_724 : vector<16xf32>
      %swap3A_726 = arith.index_cast %scan3A_707 : i32 to index
      %swap3A_727 = arith.constant 16 : index
      %swap3A_728 = tpu.vector_load %arg8[%swap3A_726, %swap3A_727] {strides = array<i32>} : memref<128x128xf32, #tpu.memory_space<vmem>>, vector<1x16xf32>,
      %swap3A_729 = vector.shape_cast %swap3A_728 : vector<1x16xf32> to vector<16xf32>
      %swap3A_730 = vector.shape_cast %mul3A_725 : vector<16xf32> to vector<1x16xf32>
      tpu.vector_store %arg8[%swap3A_726, %swap3A_727], %swap3A_730 {strides = array<i32>} : memref<128x128xf32, #tpu.memory_space<vmem>>, vector<1x16xf32>,
      %get3A_731 = arith.index_cast %scan3A_707 : i32 to index
      %get3A_732 = arith.constant 32 : index
      %get3A_733 = tpu.vector_load %arg8[%get3A_731, %get3A_732] {strides = array<i32>} : memref<128x128xf32, #tpu.memory_space<vmem>>, vector<1x16xf32>,
      %get3A_734 = vector.shape_cast %get3A_733 : vector<1x16xf32> to vector<16xf32>
      %mul3A_735 = arith.constant 11.3137083 : f32
      %mul3A_736 = vector.broadcast %mul3A_735 : f32 to vector<16xf32>
      %mul3A_737 = arith.mulf %get3A_734, %mul3A_736 : vector<16xf32>
      %swap3A_738 = arith.index_cast %scan3A_707 : i32 to index
      %swap3A_739 = arith.constant 32 : index
      %swap3A_740 = tpu.vector_load %arg8[%swap3A_738, %swap3A_739] {strides = array<i32>} : memref<128x128xf32, #tpu.memory_space<vmem>>, vector<1x16xf32>,
      %swap3A_741 = vector.shape_cast %swap3A_740 : vector<1x16xf32> to vector<16xf32>
      %swap3A_742 = vector.shape_cast %mul3A_737 : vector<16xf32> to vector<1x16xf32>
      tpu.vector_store %arg8[%swap3A_738, %swap3A_739], %swap3A_742 {strides = array<i32>} : memref<128x128xf32, #tpu.memory_space<vmem>>, vector<1x16xf32>,
      %get3A_743 = arith.index_cast %scan3A_707 : i32 to index
      %get3A_744 = arith.constant 48 : index
      %get3A_745 = tpu.vector_load %arg8[%get3A_743, %get3A_744] {strides = array<i32>} : memref<128x128xf32, #tpu.memory_space<vmem>>, vector<1x16xf32>,
      %get3A_746 = vector.shape_cast %get3A_745 : vector<1x16xf32> to vector<16xf32>
      %mul3A_747 = arith.constant 11.3137083 : f32
      %mul3A_748 = vector.broadcast %mul3A_747 : f32 to vector<16xf32>
      %mul3A_749 = arith.mulf %get3A_746, %mul3A_748 : vector<16xf32>
      %swap3A_750 = arith.index_cast %scan3A_707 : i32 to index
      %swap3A_751 = arith.constant 48 : index
      %swap3A_752 = tpu.vector_load %arg8[%swap3A_750, %swap3A_751] {strides = array<i32>} : memref<128x128xf32, #tpu.memory_space<vmem>>, vector<1x16xf32>,
      %swap3A_753 = vector.shape_cast %swap3A_752 : vector<1x16xf32> to vector<16xf32>
      %swap3A_754 = vector.shape_cast %mul3A_749 : vector<16xf32> to vector<1x16xf32>
      tpu.vector_store %arg8[%swap3A_750, %swap3A_751], %swap3A_754 {strides = array<i32>} : memref<128x128xf32, #tpu.memory_space<vmem>>, vector<1x16xf32>,
      %get3A_755 = arith.index_cast %scan3A_707 : i32 to index
      %get3A_756 = arith.constant 64 : index
      %get3A_757 = tpu.vector_load %arg8[%get3A_755, %get3A_756] {strides = array<i32>} : memref<128x128xf32, #tpu.memory_space<vmem>>, vector<1x16xf32>,
      %get3A_758 = vector.shape_cast %get3A_757 : vector<1x16xf32> to vector<16xf32>
      %mul3A_759 = arith.constant 11.3137083 : f32
      %mul3A_760 = vector.broadcast %mul3A_759 : f32 to vector<16xf32>
      %mul3A_761 = arith.mulf %get3A_758, %mul3A_760 : vector<16xf32>
      %swap3A_762 = arith.index_cast %scan3A_707 : i32 to index
      %swap3A_763 = arith.constant 64 : index
      %swap3A_764 = tpu.vector_load %arg8[%swap3A_762, %swap3A_763] {strides = array<i32>} : memref<128x128xf32, #tpu.memory_space<vmem>>, vector<1x16xf32>,
      %swap3A_765 = vector.shape_cast %swap3A_764 : vector<1x16xf32> to vector<16xf32>
      %swap3A_766 = vector.shape_cast %mul3A_761 : vector<16xf32> to vector<1x16xf32>
      tpu.vector_store %arg8[%swap3A_762, %swap3A_763], %swap3A_766 {strides = array<i32>} : memref<128x128xf32, #tpu.memory_space<vmem>>, vector<1x16xf32>,
      %get3A_767 = arith.index_cast %scan3A_707 : i32 to index
      %get3A_768 = arith.constant 80 : index
      %get3A_769 = tpu.vector_load %arg8[%get3A_767, %get3A_768] {strides = array<i32>} : memref<128x128xf32, #tpu.memory_space<vmem>>, vector<1x16xf32>,
      %get3A_770 = vector.shape_cast %get3A_769 : vector<1x16xf32> to vector<16xf32>
      %mul3A_771 = arith.constant 11.3137083 : f32
      %mul3A_772 = vector.broadcast %mul3A_771 : f32 to vector<16xf32>
      %mul3A_773 = arith.mulf %get3A_770, %mul3A_772 : vector<16xf32>
      %swap3A_774 = arith.index_cast %scan3A_707 : i32 to index
      %swap3A_775 = arith.constant 80 : index
      %swap3A_776 = tpu.vector_load %arg8[%swap3A_774, %swap3A_775] {strides = array<i32>} : memref<128x128xf32, #tpu.memory_space<vmem>>, vector<1x16xf32>,
      %swap3A_777 = vector.shape_cast %swap3A_776 : vector<1x16xf32> to vector<16xf32>
      %swap3A_778 = vector.shape_cast %mul3A_773 : vector<16xf32> to vector<1x16xf32>
      tpu.vector_store %arg8[%swap3A_774, %swap3A_775], %swap3A_778 {strides = array<i32>} : memref<128x128xf32, #tpu.memory_space<vmem>>, vector<1x16xf32>,
      %get3A_779 = arith.index_cast %scan3A_707 : i32 to index
      %get3A_780 = arith.constant 96 : index
      %get3A_781 = tpu.vector_load %arg8[%get3A_779, %get3A_780] {strides = array<i32>} : memref<128x128xf32, #tpu.memory_space<vmem>>, vector<1x16xf32>,
      %get3A_782 = vector.shape_cast %get3A_781 : vector<1x16xf32> to vector<16xf32>
      %mul3A_783 = arith.constant 11.3137083 : f32
      %mul3A_784 = vector.broadcast %mul3A_783 : f32 to vector<16xf32>
      %mul3A_785 = arith.mulf %get3A_782, %mul3A_784 : vector<16xf32>
      %swap3A_786 = arith.index_cast %scan3A_707 : i32 to index
      %swap3A_787 = arith.constant 96 : index
      %swap3A_788 = tpu.vector_load %arg8[%swap3A_786, %swap3A_787] {strides = array<i32>} : memref<128x128xf32, #tpu.memory_space<vmem>>, vector<1x16xf32>,
      %swap3A_789 = vector.shape_cast %swap3A_788 : vector<1x16xf32> to vector<16xf32>
      %swap3A_790 = vector.shape_cast %mul3A_785 : vector<16xf32> to vector<1x16xf32>
      tpu.vector_store %arg8[%swap3A_786, %swap3A_787], %swap3A_790 {strides = array<i32>} : memref<128x128xf32, #tpu.memory_space<vmem>>, vector<1x16xf32>,
      %get3A_791 = arith.index_cast %scan3A_707 : i32 to index
      %get3A_792 = arith.constant 112 : index
      %get3A_793 = tpu.vector_load %arg8[%get3A_791, %get3A_792] {strides = array<i32>} : memref<128x128xf32, #tpu.memory_space<vmem>>, vector<1x16xf32>,
      %get3A_794 = vector.shape_cast %get3A_793 : vector<1x16xf32> to vector<16xf32>
      %mul3A_795 = arith.constant 11.3137083 : f32
      %mul3A_796 = vector.broadcast %mul3A_795 : f32 to vector<16xf32>
      %mul3A_797 = arith.mulf %get3A_794, %mul3A_796 : vector<16xf32>
      %swap3A_798 = arith.index_cast %scan3A_707 : i32 to index
      %swap3A_799 = arith.constant 112 : index
      %swap3A_800 = tpu.vector_load %arg8[%swap3A_798, %swap3A_799] {strides = array<i32>} : memref<128x128xf32, #tpu.memory_space<vmem>>, vector<1x16xf32>,
      %swap3A_801 = vector.shape_cast %swap3A_800 : vector<1x16xf32> to vector<16xf32>
      %swap3A_802 = vector.shape_cast %mul3A_797 : vector<16xf32> to vector<1x16xf32>
      tpu.vector_store %arg8[%swap3A_798, %swap3A_799], %swap3A_802 {strides = array<i32>} : memref<128x128xf32, #tpu.memory_space<vmem>>, vector<1x16xf32>,
      %scan3A_803 = arith.constant 0 : i32
      scf.yield %scan3A_803 : i32
    }
    %scan3A_111 = arith.constant 128 : i32
    %dma_start3A_112 = arith.constant 2 : i32
    %dma_start3A_113 = arith.constant 0 : i32
    %dma_start3A_114 = tpu.memref_slice %arg4[%dma_start3A_112, %mul3A_2, %dma_start3A_113] : memref<50x4096x128xf32, #tpu.memory_space<hbm>> -> memref<1x128x128xf32, #tpu.memory_space<hbm>>
    %dma_start3A_115 = tpu.memref_squeeze %dma_start3A_114 : memref<1x128x128xf32, #tpu.memory_space<hbm>> -> memref<128x128xf32, #tpu.memory_space<hbm>>
    %dma_start3A_116 = arith.constant 0 : i32
    %dma_start3A_117 = tpu.memref_slice %arg4[%dma_start3A_112, %mul3A_2, %dma_start3A_116] : memref<50x4096x128xf32, #tpu.memory_space<hbm>> -> memref<1x128x128xf32, #tpu.memory_space<hbm>>
    %dma_start3A_118 = tpu.memref_squeeze %dma_start3A_117 : memref<1x128x128xf32, #tpu.memory_space<hbm>> -> memref<128x128xf32, #tpu.memory_space<hbm>>
    tpu.enqueue_dma source(%arg8 : memref<128x128xf32, #tpu.memory_space<vmem>>) target(%dma_start3A_118 : memref<128x128xf32, #tpu.memory_space<hbm>>) target_semaphore(%arg14 : memref<!tpu.dma_semaphore, #tpu.memory_space<semaphore_mem>>)
    %dma_wait3A_119 = arith.constant 1 : i32
    %dma_wait3A_120 = arith.constant 0 : i32
    %dma_wait3A_121 = tpu.memref_slice %arg4[%dma_wait3A_119, %mul3A_2, %dma_wait3A_120] : memref<50x4096x128xf32, #tpu.memory_space<hbm>> -> memref<1x128x128xf32, #tpu.memory_space<hbm>>
    %dma_wait3A_122 = tpu.memref_squeeze %dma_wait3A_121 : memref<1x128x128xf32, #tpu.memory_space<hbm>> -> memref<128x128xf32, #tpu.memory_space<hbm>>
    %dma_wait3A_123 = arith.constant 0 : i32
    %dma_wait3A_124 = tpu.memref_slice %arg4[%dma_wait3A_119, %mul3A_2, %dma_wait3A_123] : memref<50x4096x128xf32, #tpu.memory_space<hbm>> -> memref<1x128x128xf32, #tpu.memory_space<hbm>>
    %dma_wait3A_125 = tpu.memref_squeeze %dma_wait3A_124 : memref<1x128x128xf32, #tpu.memory_space<hbm>> -> memref<128x128xf32, #tpu.memory_space<hbm>>
    tpu.wait_dma2 semaphore(%arg13 : memref<!tpu.dma_semaphore, #tpu.memory_space<semaphore_mem>>) src(%arg7 : memref<128x128xf32, #tpu.memory_space<vmem>>) dst(%dma_wait3A_125 : memref<128x128xf32, #tpu.memory_space<hbm>>)
    %dma_start3A_126 = arith.constant 7 : i32
    %dma_start3A_127 = arith.constant 0 : i32
    %dma_start3A_128 = tpu.memref_slice %arg5[%dma_start3A_126, %dma_start3A_127] : memref<50x128xi32, #tpu.memory_space<vmem>> -> memref<1x128xi32, #tpu.memory_space<vmem>>
    %dma_start3A_129 = tpu.memref_squeeze %dma_start3A_128 : memref<1x128xi32, #tpu.memory_space<vmem>> -> memref<128xi32, #tpu.memory_space<vmem>>
    %dma_start3A_130 = arith.constant 0 : i32
    %dma_start3A_131 = arith.constant 0 : i32
    %dma_start3A_132 = tpu.memref_slice %arg3[%dma_start3A_130, %dma_start3A_131] : memref<100000x128xf32, #tpu.memory_space<hbm>> -> memref<100000x128xf32, #tpu.memory_space<hbm>>
    tpu.enqueue_indirect_dma source(%dma_start3A_132 : memref<100000x128xf32, #tpu.memory_space<hbm>>) target(%arg7 : memref<128x128xf32, #tpu.memory_space<vmem>>) offsets(%dma_start3A_129 : memref<128xi32, #tpu.memory_space<vmem>>) semaphore(%arg13 : memref<!tpu.dma_semaphore, #tpu.memory_space<semaphore_mem>>)
    %dma_wait3A_133 = arith.constant 3 : i32
    %dma_wait3A_134 = arith.constant 0 : i32
    %dma_wait3A_135 = tpu.memref_slice %arg5[%dma_wait3A_133, %dma_wait3A_134] : memref<50x128xi32, #tpu.memory_space<vmem>> -> memref<1x128xi32, #tpu.memory_space<vmem>>
    %dma_wait3A_136 = tpu.memref_squeeze %dma_wait3A_135 : memref<1x128xi32, #tpu.memory_space<vmem>> -> memref<128xi32, #tpu.memory_space<vmem>>
    %dma_wait3A_137 = arith.constant 0 : i32
    %dma_wait3A_138 = arith.constant 0 : i32
    %dma_wait3A_139 = tpu.memref_slice %arg3[%dma_wait3A_137, %dma_wait3A_138] : memref<100000x128xf32, #tpu.memory_space<hbm>> -> memref<100000x128xf32, #tpu.memory_space<hbm>>
    tpu.wait_indirect_dma semaphore(%arg15 : memref<!tpu.dma_semaphore, #tpu.memory_space<semaphore_mem>>) src(%dma_wait3A_139 : memref<100000x128xf32, #tpu.memory_space<hbm>>) dst(%arg9 : memref<128x128xf32, #tpu.memory_space<vmem>>)
    %scan3A_140 = arith.constant 0 : i32
    %scan3A_141 = arith.constant 0 : i32
    %scan3A_142 = arith.constant 128 : i32
    %scan3A_143 = arith.addi %scan3A_141, %scan3A_142 : i32
    %scan3A_144 = arith.constant 1 : i32
    %scan3A_145 = scf.for %scan3A_707 = %scan3A_141 to %scan3A_143 step %scan3A_144 iter_args(%scan3A_708 = %scan3A_140) -> (i32)  : i32 {
      %get3A = arith.index_cast %scan3A_707 : i32 to index
      %get3A_709 = arith.constant 0 : index
      %get3A_710 = tpu.vector_load %arg9[%get3A, %get3A_709] {strides = array<i32>} : memref<128x128xf32, #tpu.memory_space<vmem>>, vector<1x16xf32>,
      %get3A_711 = vector.shape_cast %get3A_710 : vector<1x16xf32> to vector<16xf32>
      %mul3A_712 = arith.constant 11.3137083 : f32
      %mul3A_713 = vector.broadcast %mul3A_712 : f32 to vector<16xf32>
      %mul3A_714 = arith.mulf %get3A_711, %mul3A_713 : vector<16xf32>
      %swap3A = arith.index_cast %scan3A_707 : i32 to index
      %swap3A_715 = arith.constant 0 : index
      %swap3A_716 = tpu.vector_load %arg9[%swap3A, %swap3A_715] {strides = array<i32>} : memref<128x128xf32, #tpu.memory_space<vmem>>, vector<1x16xf32>,
      %swap3A_717 = vector.shape_cast %swap3A_716 : vector<1x16xf32> to vector<16xf32>
      %swap3A_718 = vector.shape_cast %mul3A_714 : vector<16xf32> to vector<1x16xf32>
      tpu.vector_store %arg9[%swap3A, %swap3A_715], %swap3A_718 {strides = array<i32>} : memref<128x128xf32, #tpu.memory_space<vmem>>, vector<1x16xf32>,
      %get3A_719 = arith.index_cast %scan3A_707 : i32 to index
      %get3A_720 = arith.constant 16 : index
      %get3A_721 = tpu.vector_load %arg9[%get3A_719, %get3A_720] {strides = array<i32>} : memref<128x128xf32, #tpu.memory_space<vmem>>, vector<1x16xf32>,
      %get3A_722 = vector.shape_cast %get3A_721 : vector<1x16xf32> to vector<16xf32>
      %mul3A_723 = arith.constant 11.3137083 : f32
      %mul3A_724 = vector.broadcast %mul3A_723 : f32 to vector<16xf32>
      %mul3A_725 = arith.mulf %get3A_722, %mul3A_724 : vector<16xf32>
      %swap3A_726 = arith.index_cast %scan3A_707 : i32 to index
      %swap3A_727 = arith.constant 16 : index
      %swap3A_728 = tpu.vector_load %arg9[%swap3A_726, %swap3A_727] {strides = array<i32>} : memref<128x128xf32, #tpu.memory_space<vmem>>, vector<1x16xf32>,
      %swap3A_729 = vector.shape_cast %swap3A_728 : vector<1x16xf32> to vector<16xf32>
      %swap3A_730 = vector.shape_cast %mul3A_725 : vector<16xf32> to vector<1x16xf32>
      tpu.vector_store %arg9[%swap3A_726, %swap3A_727], %swap3A_730 {strides = array<i32>} : memref<128x128xf32, #tpu.memory_space<vmem>>, vector<1x16xf32>,
      %get3A_731 = arith.index_cast %scan3A_707 : i32 to index
      %get3A_732 = arith.constant 32 : index
      %get3A_733 = tpu.vector_load %arg9[%get3A_731, %get3A_732] {strides = array<i32>} : memref<128x128xf32, #tpu.memory_space<vmem>>, vector<1x16xf32>,
      %get3A_734 = vector.shape_cast %get3A_733 : vector<1x16xf32> to vector<16xf32>
      %mul3A_735 = arith.constant 11.3137083 : f32
      %mul3A_736 = vector.broadcast %mul3A_735 : f32 to vector<16xf32>
      %mul3A_737 = arith.mulf %get3A_734, %mul3A_736 : vector<16xf32>
      %swap3A_738 = arith.index_cast %scan3A_707 : i32 to index
      %swap3A_739 = arith.constant 32 : index
      %swap3A_740 = tpu.vector_load %arg9[%swap3A_738, %swap3A_739] {strides = array<i32>} : memref<128x128xf32, #tpu.memory_space<vmem>>, vector<1x16xf32>,
      %swap3A_741 = vector.shape_cast %swap3A_740 : vector<1x16xf32> to vector<16xf32>
      %swap3A_742 = vector.shape_cast %mul3A_737 : vector<16xf32> to vector<1x16xf32>
      tpu.vector_store %arg9[%swap3A_738, %swap3A_739], %swap3A_742 {strides = array<i32>} : memref<128x128xf32, #tpu.memory_space<vmem>>, vector<1x16xf32>,
      %get3A_743 = arith.index_cast %scan3A_707 : i32 to index
      %get3A_744 = arith.constant 48 : index
      %get3A_745 = tpu.vector_load %arg9[%get3A_743, %get3A_744] {strides = array<i32>} : memref<128x128xf32, #tpu.memory_space<vmem>>, vector<1x16xf32>,
      %get3A_746 = vector.shape_cast %get3A_745 : vector<1x16xf32> to vector<16xf32>
      %mul3A_747 = arith.constant 11.3137083 : f32
      %mul3A_748 = vector.broadcast %mul3A_747 : f32 to vector<16xf32>
      %mul3A_749 = arith.mulf %get3A_746, %mul3A_748 : vector<16xf32>
      %swap3A_750 = arith.index_cast %scan3A_707 : i32 to index
      %swap3A_751 = arith.constant 48 : index
      %swap3A_752 = tpu.vector_load %arg9[%swap3A_750, %swap3A_751] {strides = array<i32>} : memref<128x128xf32, #tpu.memory_space<vmem>>, vector<1x16xf32>,
      %swap3A_753 = vector.shape_cast %swap3A_752 : vector<1x16xf32> to vector<16xf32>
      %swap3A_754 = vector.shape_cast %mul3A_749 : vector<16xf32> to vector<1x16xf32>
      tpu.vector_store %arg9[%swap3A_750, %swap3A_751], %swap3A_754 {strides = array<i32>} : memref<128x128xf32, #tpu.memory_space<vmem>>, vector<1x16xf32>,
      %get3A_755 = arith.index_cast %scan3A_707 : i32 to index
      %get3A_756 = arith.constant 64 : index
      %get3A_757 = tpu.vector_load %arg9[%get3A_755, %get3A_756] {strides = array<i32>} : memref<128x128xf32, #tpu.memory_space<vmem>>, vector<1x16xf32>,
      %get3A_758 = vector.shape_cast %get3A_757 : vector<1x16xf32> to vector<16xf32>
      %mul3A_759 = arith.constant 11.3137083 : f32
      %mul3A_760 = vector.broadcast %mul3A_759 : f32 to vector<16xf32>
      %mul3A_761 = arith.mulf %get3A_758, %mul3A_760 : vector<16xf32>
      %swap3A_762 = arith.index_cast %scan3A_707 : i32 to index
      %swap3A_763 = arith.constant 64 : index
      %swap3A_764 = tpu.vector_load %arg9[%swap3A_762, %swap3A_763] {strides = array<i32>} : memref<128x128xf32, #tpu.memory_space<vmem>>, vector<1x16xf32>,
      %swap3A_765 = vector.shape_cast %swap3A_764 : vector<1x16xf32> to vector<16xf32>
      %swap3A_766 = vector.shape_cast %mul3A_761 : vector<16xf32> to vector<1x16xf32>
      tpu.vector_store %arg9[%swap3A_762, %swap3A_763], %swap3A_766 {strides = array<i32>} : memref<128x128xf32, #tpu.memory_space<vmem>>, vector<1x16xf32>,
      %get3A_767 = arith.index_cast %scan3A_707 : i32 to index
      %get3A_768 = arith.constant 80 : index
      %get3A_769 = tpu.vector_load %arg9[%get3A_767, %get3A_768] {strides = array<i32>} : memref<128x128xf32, #tpu.memory_space<vmem>>, vector<1x16xf32>,
      %get3A_770 = vector.shape_cast %get3A_769 : vector<1x16xf32> to vector<16xf32>
      %mul3A_771 = arith.constant 11.3137083 : f32
      %mul3A_772 = vector.broadcast %mul3A_771 : f32 to vector<16xf32>
      %mul3A_773 = arith.mulf %get3A_770, %mul3A_772 : vector<16xf32>
      %swap3A_774 = arith.index_cast %scan3A_707 : i32 to index
      %swap3A_775 = arith.constant 80 : index
      %swap3A_776 = tpu.vector_load %arg9[%swap3A_774, %swap3A_775] {strides = array<i32>} : memref<128x128xf32, #tpu.memory_space<vmem>>, vector<1x16xf32>,
      %swap3A_777 = vector.shape_cast %swap3A_776 : vector<1x16xf32> to vector<16xf32>
      %swap3A_778 = vector.shape_cast %mul3A_773 : vector<16xf32> to vector<1x16xf32>
      tpu.vector_store %arg9[%swap3A_774, %swap3A_775], %swap3A_778 {strides = array<i32>} : memref<128x128xf32, #tpu.memory_space<vmem>>, vector<1x16xf32>,
      %get3A_779 = arith.index_cast %scan3A_707 : i32 to index
      %get3A_780 = arith.constant 96 : index
      %get3A_781 = tpu.vector_load %arg9[%get3A_779, %get3A_780] {strides = array<i32>} : memref<128x128xf32, #tpu.memory_space<vmem>>, vector<1x16xf32>,
      %get3A_782 = vector.shape_cast %get3A_781 : vector<1x16xf32> to vector<16xf32>
      %mul3A_783 = arith.constant 11.3137083 : f32
      %mul3A_784 = vector.broadcast %mul3A_783 : f32 to vector<16xf32>
      %mul3A_785 = arith.mulf %get3A_782, %mul3A_784 : vector<16xf32>
      %swap3A_786 = arith.index_cast %scan3A_707 : i32 to index
      %swap3A_787 = arith.constant 96 : index
      %swap3A_788 = tpu.vector_load %arg9[%swap3A_786, %swap3A_787] {strides = array<i32>} : memref<128x128xf32, #tpu.memory_space<vmem>>, vector<1x16xf32>,
      %swap3A_789 = vector.shape_cast %swap3A_788 : vector<1x16xf32> to vector<16xf32>
      %swap3A_790 = vector.shape_cast %mul3A_785 : vector<16xf32> to vector<1x16xf32>
      tpu.vector_store %arg9[%swap3A_786, %swap3A_787], %swap3A_790 {strides = array<i32>} : memref<128x128xf32, #tpu.memory_space<vmem>>, vector<1x16xf32>,
      %get3A_791 = arith.index_cast %scan3A_707 : i32 to index
      %get3A_792 = arith.constant 112 : index
      %get3A_793 = tpu.vector_load %arg9[%get3A_791, %get3A_792] {strides = array<i32>} : memref<128x128xf32, #tpu.memory_space<vmem>>, vector<1x16xf32>,
      %get3A_794 = vector.shape_cast %get3A_793 : vector<1x16xf32> to vector<16xf32>
      %mul3A_795 = arith.constant 11.3137083 : f32
      %mul3A_796 = vector.broadcast %mul3A_795 : f32 to vector<16xf32>
      %mul3A_797 = arith.mulf %get3A_794, %mul3A_796 : vector<16xf32>
      %swap3A_798 = arith.index_cast %scan3A_707 : i32 to index
      %swap3A_799 = arith.constant 112 : index
      %swap3A_800 = tpu.vector_load %arg9[%swap3A_798, %swap3A_799] {strides = array<i32>} : memref<128x128xf32, #tpu.memory_space<vmem>>, vector<1x16xf32>,
      %swap3A_801 = vector.shape_cast %swap3A_800 : vector<1x16xf32> to vector<16xf32>
      %swap3A_802 = vector.shape_cast %mul3A_797 : vector<16xf32> to vector<1x16xf32>
      tpu.vector_store %arg9[%swap3A_798, %swap3A_799], %swap3A_802 {strides = array<i32>} : memref<128x128xf32, #tpu.memory_space<vmem>>, vector<1x16xf32>,
      %scan3A_803 = arith.constant 0 : i32
      scf.yield %scan3A_803 : i32
    }
    %scan3A_146 = arith.constant 128 : i32
    %dma_start3A_147 = arith.constant 3 : i32
    %dma_start3A_148 = arith.constant 0 : i32
    %dma_start3A_149 = tpu.memref_slice %arg4[%dma_start3A_147, %mul3A_2, %dma_start3A_148] : memref<50x4096x128xf32, #tpu.memory_space<hbm>> -> memref<1x128x128xf32, #tpu.memory_space<hbm>>
    %dma_start3A_150 = tpu.memref_squeeze %dma_start3A_149 : memref<1x128x128xf32, #tpu.memory_space<hbm>> -> memref<128x128xf32, #tpu.memory_space<hbm>>
    %dma_start3A_151 = arith.constant 0 : i32
    %dma_start3A_152 = tpu.memref_slice %arg4[%dma_start3A_147, %mul3A_2, %dma_start3A_151] : memref<50x4096x128xf32, #tpu.memory_space<hbm>> -> memref<1x128x128xf32, #tpu.memory_space<hbm>>
    %dma_start3A_153 = tpu.memref_squeeze %dma_start3A_152 : memref<1x128x128xf32, #tpu.memory_space<hbm>> -> memref<128x128xf32, #tpu.memory_space<hbm>>
    tpu.enqueue_dma source(%arg9 : memref<128x128xf32, #tpu.memory_space<vmem>>) target(%dma_start3A_153 : memref<128x128xf32, #tpu.memory_space<hbm>>) target_semaphore(%arg15 : memref<!tpu.dma_semaphore, #tpu.memory_space<semaphore_mem>>)
    %dma_wait3A_154 = arith.constant 2 : i32
    %dma_wait3A_155 = arith.constant 0 : i32
    %dma_wait3A_156 = tpu.memref_slice %arg4[%dma_wait3A_154, %mul3A_2, %dma_wait3A_155] : memref<50x4096x128xf32, #tpu.memory_space<hbm>> -> memref<1x128x128xf32, #tpu.memory_space<hbm>>
    %dma_wait3A_157 = tpu.memref_squeeze %dma_wait3A_156 : memref<1x128x128xf32, #tpu.memory_space<hbm>> -> memref<128x128xf32, #tpu.memory_space<hbm>>
    %dma_wait3A_158 = arith.constant 0 : i32
    %dma_wait3A_159 = tpu.memref_slice %arg4[%dma_wait3A_154, %mul3A_2, %dma_wait3A_158] : memref<50x4096x128xf32, #tpu.memory_space<hbm>> -> memref<1x128x128xf32, #tpu.memory_space<hbm>>
    %dma_wait3A_160 = tpu.memref_squeeze %dma_wait3A_159 : memref<1x128x128xf32, #tpu.memory_space<hbm>> -> memref<128x128xf32, #tpu.memory_space<hbm>>
    tpu.wait_dma2 semaphore(%arg14 : memref<!tpu.dma_semaphore, #tpu.memory_space<semaphore_mem>>) src(%arg8 : memref<128x128xf32, #tpu.memory_space<vmem>>) dst(%dma_wait3A_160 : memref<128x128xf32, #tpu.memory_space<hbm>>)
    %dma_start3A_161 = arith.constant 8 : i32
    %dma_start3A_162 = arith.constant 0 : i32
    %dma_start3A_163 = tpu.memref_slice %arg5[%dma_start3A_161, %dma_start3A_162] : memref<50x128xi32, #tpu.memory_space<vmem>> -> memref<1x128xi32, #tpu.memory_space<vmem>>
    %dma_start3A_164 = tpu.memref_squeeze %dma_start3A_163 : memref<1x128xi32, #tpu.memory_space<vmem>> -> memref<128xi32, #tpu.memory_space<vmem>>
    %dma_start3A_165 = arith.constant 0 : i32
    %dma_start3A_166 = arith.constant 0 : i32
    %dma_start3A_167 = tpu.memref_slice %arg3[%dma_start3A_165, %dma_start3A_166] : memref<100000x128xf32, #tpu.memory_space<hbm>> -> memref<100000x128xf32, #tpu.memory_space<hbm>>
    tpu.enqueue_indirect_dma source(%dma_start3A_167 : memref<100000x128xf32, #tpu.memory_space<hbm>>) target(%arg8 : memref<128x128xf32, #tpu.memory_space<vmem>>) offsets(%dma_start3A_164 : memref<128xi32, #tpu.memory_space<vmem>>) semaphore(%arg14 : memref<!tpu.dma_semaphore, #tpu.memory_space<semaphore_mem>>)
    %dma_wait3A_168 = arith.constant 4 : i32
    %dma_wait3A_169 = arith.constant 0 : i32
    %dma_wait3A_170 = tpu.memref_slice %arg5[%dma_wait3A_168, %dma_wait3A_169] : memref<50x128xi32, #tpu.memory_space<vmem>> -> memref<1x128xi32, #tpu.memory_space<vmem>>
    %dma_wait3A_171 = tpu.memref_squeeze %dma_wait3A_170 : memref<1x128xi32, #tpu.memory_space<vmem>> -> memref<128xi32, #tpu.memory_space<vmem>>
    %dma_wait3A_172 = arith.constant 0 : i32
    %dma_wait3A_173 = arith.constant 0 : i32
    %dma_wait3A_174 = tpu.memref_slice %arg3[%dma_wait3A_172, %dma_wait3A_173] : memref<100000x128xf32, #tpu.memory_space<hbm>> -> memref<100000x128xf32, #tpu.memory_space<hbm>>
    tpu.wait_indirect_dma semaphore(%arg16 : memref<!tpu.dma_semaphore, #tpu.memory_space<semaphore_mem>>) src(%dma_wait3A_174 : memref<100000x128xf32, #tpu.memory_space<hbm>>) dst(%arg10 : memref<128x128xf32, #tpu.memory_space<vmem>>)
    %scan3A_175 = arith.constant 0 : i32
    %scan3A_176 = arith.constant 0 : i32
    %scan3A_177 = arith.constant 128 : i32
    %scan3A_178 = arith.addi %scan3A_176, %scan3A_177 : i32
    %scan3A_179 = arith.constant 1 : i32
    %scan3A_180 = scf.for %scan3A_707 = %scan3A_176 to %scan3A_178 step %scan3A_179 iter_args(%scan3A_708 = %scan3A_175) -> (i32)  : i32 {
      %get3A = arith.index_cast %scan3A_707 : i32 to index
      %get3A_709 = arith.constant 0 : index
      %get3A_710 = tpu.vector_load %arg10[%get3A, %get3A_709] {strides = array<i32>} : memref<128x128xf32, #tpu.memory_space<vmem>>, vector<1x16xf32>,
      %get3A_711 = vector.shape_cast %get3A_710 : vector<1x16xf32> to vector<16xf32>
      %mul3A_712 = arith.constant 11.3137083 : f32
      %mul3A_713 = vector.broadcast %mul3A_712 : f32 to vector<16xf32>
      %mul3A_714 = arith.mulf %get3A_711, %mul3A_713 : vector<16xf32>
      %swap3A = arith.index_cast %scan3A_707 : i32 to index
      %swap3A_715 = arith.constant 0 : index
      %swap3A_716 = tpu.vector_load %arg10[%swap3A, %swap3A_715] {strides = array<i32>} : memref<128x128xf32, #tpu.memory_space<vmem>>, vector<1x16xf32>,
      %swap3A_717 = vector.shape_cast %swap3A_716 : vector<1x16xf32> to vector<16xf32>
      %swap3A_718 = vector.shape_cast %mul3A_714 : vector<16xf32> to vector<1x16xf32>
      tpu.vector_store %arg10[%swap3A, %swap3A_715], %swap3A_718 {strides = array<i32>} : memref<128x128xf32, #tpu.memory_space<vmem>>, vector<1x16xf32>,
      %get3A_719 = arith.index_cast %scan3A_707 : i32 to index
      %get3A_720 = arith.constant 16 : index
      %get3A_721 = tpu.vector_load %arg10[%get3A_719, %get3A_720] {strides = array<i32>} : memref<128x128xf32, #tpu.memory_space<vmem>>, vector<1x16xf32>,
      %get3A_722 = vector.shape_cast %get3A_721 : vector<1x16xf32> to vector<16xf32>
      %mul3A_723 = arith.constant 11.3137083 : f32
      %mul3A_724 = vector.broadcast %mul3A_723 : f32 to vector<16xf32>
      %mul3A_725 = arith.mulf %get3A_722, %mul3A_724 : vector<16xf32>
      %swap3A_726 = arith.index_cast %scan3A_707 : i32 to index
      %swap3A_727 = arith.constant 16 : index
      %swap3A_728 = tpu.vector_load %arg10[%swap3A_726, %swap3A_727] {strides = array<i32>} : memref<128x128xf32, #tpu.memory_space<vmem>>, vector<1x16xf32>,
      %swap3A_729 = vector.shape_cast %swap3A_728 : vector<1x16xf32> to vector<16xf32>
      %swap3A_730 = vector.shape_cast %mul3A_725 : vector<16xf32> to vector<1x16xf32>
      tpu.vector_store %arg10[%swap3A_726, %swap3A_727], %swap3A_730 {strides = array<i32>} : memref<128x128xf32, #tpu.memory_space<vmem>>, vector<1x16xf32>,
      %get3A_731 = arith.index_cast %scan3A_707 : i32 to index
      %get3A_732 = arith.constant 32 : index
      %get3A_733 = tpu.vector_load %arg10[%get3A_731, %get3A_732] {strides = array<i32>} : memref<128x128xf32, #tpu.memory_space<vmem>>, vector<1x16xf32>,
      %get3A_734 = vector.shape_cast %get3A_733 : vector<1x16xf32> to vector<16xf32>
      %mul3A_735 = arith.constant 11.3137083 : f32
      %mul3A_736 = vector.broadcast %mul3A_735 : f32 to vector<16xf32>
      %mul3A_737 = arith.mulf %get3A_734, %mul3A_736 : vector<16xf32>
      %swap3A_738 = arith.index_cast %scan3A_707 : i32 to index
      %swap3A_739 = arith.constant 32 : index
      %swap3A_740 = tpu.vector_load %arg10[%swap3A_738, %swap3A_739] {strides = array<i32>} : memref<128x128xf32, #tpu.memory_space<vmem>>, vector<1x16xf32>,
      %swap3A_741 = vector.shape_cast %swap3A_740 : vector<1x16xf32> to vector<16xf32>
      %swap3A_742 = vector.shape_cast %mul3A_737 : vector<16xf32> to vector<1x16xf32>
      tpu.vector_store %arg10[%swap3A_738, %swap3A_739], %swap3A_742 {strides = array<i32>} : memref<128x128xf32, #tpu.memory_space<vmem>>, vector<1x16xf32>,
      %get3A_743 = arith.index_cast %scan3A_707 : i32 to index
      %get3A_744 = arith.constant 48 : index
      %get3A_745 = tpu.vector_load %arg10[%get3A_743, %get3A_744] {strides = array<i32>} : memref<128x128xf32, #tpu.memory_space<vmem>>, vector<1x16xf32>,
      %get3A_746 = vector.shape_cast %get3A_745 : vector<1x16xf32> to vector<16xf32>
      %mul3A_747 = arith.constant 11.3137083 : f32
      %mul3A_748 = vector.broadcast %mul3A_747 : f32 to vector<16xf32>
      %mul3A_749 = arith.mulf %get3A_746, %mul3A_748 : vector<16xf32>
      %swap3A_750 = arith.index_cast %scan3A_707 : i32 to index
      %swap3A_751 = arith.constant 48 : index
      %swap3A_752 = tpu.vector_load %arg10[%swap3A_750, %swap3A_751] {strides = array<i32>} : memref<128x128xf32, #tpu.memory_space<vmem>>, vector<1x16xf32>,
      %swap3A_753 = vector.shape_cast %swap3A_752 : vector<1x16xf32> to vector<16xf32>
      %swap3A_754 = vector.shape_cast %mul3A_749 : vector<16xf32> to vector<1x16xf32>
      tpu.vector_store %arg10[%swap3A_750, %swap3A_751], %swap3A_754 {strides = array<i32>} : memref<128x128xf32, #tpu.memory_space<vmem>>, vector<1x16xf32>,
      %get3A_755 = arith.index_cast %scan3A_707 : i32 to index
      %get3A_756 = arith.constant 64 : index
      %get3A_757 = tpu.vector_load %arg10[%get3A_755, %get3A_756] {strides = array<i32>} : memref<128x128xf32, #tpu.memory_space<vmem>>, vector<1x16xf32>,
      %get3A_758 = vector.shape_cast %get3A_757 : vector<1x16xf32> to vector<16xf32>
      %mul3A_759 = arith.constant 11.3137083 : f32
      %mul3A_760 = vector.broadcast %mul3A_759 : f32 to vector<16xf32>
      %mul3A_761 = arith.mulf %get3A_758, %mul3A_760 : vector<16xf32>
      %swap3A_762 = arith.index_cast %scan3A_707 : i32 to index
      %swap3A_763 = arith.constant 64 : index
      %swap3A_764 = tpu.vector_load %arg10[%swap3A_762, %swap3A_763] {strides = array<i32>} : memref<128x128xf32, #tpu.memory_space<vmem>>, vector<1x16xf32>,
      %swap3A_765 = vector.shape_cast %swap3A_764 : vector<1x16xf32> to vector<16xf32>
      %swap3A_766 = vector.shape_cast %mul3A_761 : vector<16xf32> to vector<1x16xf32>
      tpu.vector_store %arg10[%swap3A_762, %swap3A_763], %swap3A_766 {strides = array<i32>} : memref<128x128xf32, #tpu.memory_space<vmem>>, vector<1x16xf32>,
      %get3A_767 = arith.index_cast %scan3A_707 : i32 to index
      %get3A_768 = arith.constant 80 : index
      %get3A_769 = tpu.vector_load %arg10[%get3A_767, %get3A_768] {strides = array<i32>} : memref<128x128xf32, #tpu.memory_space<vmem>>, vector<1x16xf32>,
      %get3A_770 = vector.shape_cast %get3A_769 : vector<1x16xf32> to vector<16xf32>
      %mul3A_771 = arith.constant 11.3137083 : f32
      %mul3A_772 = vector.broadcast %mul3A_771 : f32 to vector<16xf32>
      %mul3A_773 = arith.mulf %get3A_770, %mul3A_772 : vector<16xf32>
      %swap3A_774 = arith.index_cast %scan3A_707 : i32 to index
      %swap3A_775 = arith.constant 80 : index
      %swap3A_776 = tpu.vector_load %arg10[%swap3A_774, %swap3A_775] {strides = array<i32>} : memref<128x128xf32, #tpu.memory_space<vmem>>, vector<1x16xf32>,
      %swap3A_777 = vector.shape_cast %swap3A_776 : vector<1x16xf32> to vector<16xf32>
      %swap3A_778 = vector.shape_cast %mul3A_773 : vector<16xf32> to vector<1x16xf32>
      tpu.vector_store %arg10[%swap3A_774, %swap3A_775], %swap3A_778 {strides = array<i32>} : memref<128x128xf32, #tpu.memory_space<vmem>>, vector<1x16xf32>,
      %get3A_779 = arith.index_cast %scan3A_707 : i32 to index
      %get3A_780 = arith.constant 96 : index
      %get3A_781 = tpu.vector_load %arg10[%get3A_779, %get3A_780] {strides = array<i32>} : memref<128x128xf32, #tpu.memory_space<vmem>>, vector<1x16xf32>,
      %get3A_782 = vector.shape_cast %get3A_781 : vector<1x16xf32> to vector<16xf32>
      %mul3A_783 = arith.constant 11.3137083 : f32
      %mul3A_784 = vector.broadcast %mul3A_783 : f32 to vector<16xf32>
      %mul3A_785 = arith.mulf %get3A_782, %mul3A_784 : vector<16xf32>
      %swap3A_786 = arith.index_cast %scan3A_707 : i32 to index
      %swap3A_787 = arith.constant 96 : index
      %swap3A_788 = tpu.vector_load %arg10[%swap3A_786, %swap3A_787] {strides = array<i32>} : memref<128x128xf32, #tpu.memory_space<vmem>>, vector<1x16xf32>,
      %swap3A_789 = vector.shape_cast %swap3A_788 : vector<1x16xf32> to vector<16xf32>
      %swap3A_790 = vector.shape_cast %mul3A_785 : vector<16xf32> to vector<1x16xf32>
      tpu.vector_store %arg10[%swap3A_786, %swap3A_787], %swap3A_790 {strides = array<i32>} : memref<128x128xf32, #tpu.memory_space<vmem>>, vector<1x16xf32>,
      %get3A_791 = arith.index_cast %scan3A_707 : i32 to index
      %get3A_792 = arith.constant 112 : index
      %get3A_793 = tpu.vector_load %arg10[%get3A_791, %get3A_792] {strides = array<i32>} : memref<128x128xf32, #tpu.memory_space<vmem>>, vector<1x16xf32>,
      %get3A_794 = vector.shape_cast %get3A_793 : vector<1x16xf32> to vector<16xf32>
      %mul3A_795 = arith.constant 11.3137083 : f32
      %mul3A_796 = vector.broadcast %mul3A_795 : f32 to vector<16xf32>
      %mul3A_797 = arith.mulf %get3A_794, %mul3A_796 : vector<16xf32>
      %swap3A_798 = arith.index_cast %scan3A_707 : i32 to index
      %swap3A_799 = arith.constant 112 : index
      %swap3A_800 = tpu.vector_load %arg10[%swap3A_798, %swap3A_799] {strides = array<i32>} : memref<128x128xf32, #tpu.memory_space<vmem>>, vector<1x16xf32>,
      %swap3A_801 = vector.shape_cast %swap3A_800 : vector<1x16xf32> to vector<16xf32>
      %swap3A_802 = vector.shape_cast %mul3A_797 : vector<16xf32> to vector<1x16xf32>
      tpu.vector_store %arg10[%swap3A_798, %swap3A_799], %swap3A_802 {strides = array<i32>} : memref<128x128xf32, #tpu.memory_space<vmem>>, vector<1x16xf32>,
      %scan3A_803 = arith.constant 0 : i32
      scf.yield %scan3A_803 : i32
    }
    %scan3A_181 = arith.constant 128 : i32
    %dma_start3A_182 = arith.constant 4 : i32
    %dma_start3A_183 = arith.constant 0 : i32
    %dma_start3A_184 = tpu.memref_slice %arg4[%dma_start3A_182, %mul3A_2, %dma_start3A_183] : memref<50x4096x128xf32, #tpu.memory_space<hbm>> -> memref<1x128x128xf32, #tpu.memory_space<hbm>>
    %dma_start3A_185 = tpu.memref_squeeze %dma_start3A_184 : memref<1x128x128xf32, #tpu.memory_space<hbm>> -> memref<128x128xf32, #tpu.memory_space<hbm>>
    %dma_start3A_186 = arith.constant 0 : i32
    %dma_start3A_187 = tpu.memref_slice %arg4[%dma_start3A_182, %mul3A_2, %dma_start3A_186] : memref<50x4096x128xf32, #tpu.memory_space<hbm>> -> memref<1x128x128xf32, #tpu.memory_space<hbm>>
    %dma_start3A_188 = tpu.memref_squeeze %dma_start3A_187 : memref<1x128x128xf32, #tpu.memory_space<hbm>> -> memref<128x128xf32, #tpu.memory_space<hbm>>
    tpu.enqueue_dma source(%arg10 : memref<128x128xf32, #tpu.memory_space<vmem>>) target(%dma_start3A_188 : memref<128x128xf32, #tpu.memory_space<hbm>>) target_semaphore(%arg16 : memref<!tpu.dma_semaphore, #tpu.memory_space<semaphore_mem>>)
    %dma_wait3A_189 = arith.constant 3 : i32
    %dma_wait3A_190 = arith.constant 0 : i32
    %dma_wait3A_191 = tpu.memref_slice %arg4[%dma_wait3A_189, %mul3A_2, %dma_wait3A_190] : memref<50x4096x128xf32, #tpu.memory_space<hbm>> -> memref<1x128x128xf32, #tpu.memory_space<hbm>>
    %dma_wait3A_192 = tpu.memref_squeeze %dma_wait3A_191 : memref<1x128x128xf32, #tpu.memory_space<hbm>> -> memref<128x128xf32, #tpu.memory_space<hbm>>
    %dma_wait3A_193 = arith.constant 0 : i32
    %dma_wait3A_194 = tpu.memref_slice %arg4[%dma_wait3A_189, %mul3A_2, %dma_wait3A_193] : memref<50x4096x128xf32, #tpu.memory_space<hbm>> -> memref<1x128x128xf32, #tpu.memory_space<hbm>>
    %dma_wait3A_195 = tpu.memref_squeeze %dma_wait3A_194 : memref<1x128x128xf32, #tpu.memory_space<hbm>> -> memref<128x128xf32, #tpu.memory_space<hbm>>
    tpu.wait_dma2 semaphore(%arg15 : memref<!tpu.dma_semaphore, #tpu.memory_space<semaphore_mem>>) src(%arg9 : memref<128x128xf32, #tpu.memory_space<vmem>>) dst(%dma_wait3A_195 : memref<128x128xf32, #tpu.memory_space<hbm>>)
    %dma_start3A_196 = arith.constant 9 : i32
    %dma_start3A_197 = arith.constant 0 : i32
    %dma_start3A_198 = tpu.memref_slice %arg5[%dma_start3A_196, %dma_start3A_197] : memref<50x128xi32, #tpu.memory_space<vmem>> -> memref<1x128xi32, #tpu.memory_space<vmem>>
    %dma_start3A_199 = tpu.memref_squeeze %dma_start3A_198 : memref<1x128xi32, #tpu.memory_space<vmem>> -> memref<128xi32, #tpu.memory_space<vmem>>
    %dma_start3A_200 = arith.constant 0 : i32
    %dma_start3A_201 = arith.constant 0 : i32
    %dma_start3A_202 = tpu.memref_slice %arg3[%dma_start3A_200, %dma_start3A_201] : memref<100000x128xf32, #tpu.memory_space<hbm>> -> memref<100000x128xf32, #tpu.memory_space<hbm>>
    tpu.enqueue_indirect_dma source(%dma_start3A_202 : memref<100000x128xf32, #tpu.memory_space<hbm>>) target(%arg9 : memref<128x128xf32, #tpu.memory_space<vmem>>) offsets(%dma_start3A_199 : memref<128xi32, #tpu.memory_space<vmem>>) semaphore(%arg15 : memref<!tpu.dma_semaphore, #tpu.memory_space<semaphore_mem>>)
    %dma_wait3A_203 = arith.constant 5 : i32
    %dma_wait3A_204 = arith.constant 0 : i32
    %dma_wait3A_205 = tpu.memref_slice %arg5[%dma_wait3A_203, %dma_wait3A_204] : memref<50x128xi32, #tpu.memory_space<vmem>> -> memref<1x128xi32, #tpu.memory_space<vmem>>
    %dma_wait3A_206 = tpu.memref_squeeze %dma_wait3A_205 : memref<1x128xi32, #tpu.memory_space<vmem>> -> memref<128xi32, #tpu.memory_space<vmem>>
    %dma_wait3A_207 = arith.constant 0 : i32
    %dma_wait3A_208 = arith.constant 0 : i32
    %dma_wait3A_209 = tpu.memref_slice %arg3[%dma_wait3A_207, %dma_wait3A_208] : memref<100000x128xf32, #tpu.memory_space<hbm>> -> memref<100000x128xf32, #tpu.memory_space<hbm>>
    tpu.wait_indirect_dma semaphore(%arg17 : memref<!tpu.dma_semaphore, #tpu.memory_space<semaphore_mem>>) src(%dma_wait3A_209 : memref<100000x128xf32, #tpu.memory_space<hbm>>) dst(%arg11 : memref<128x128xf32, #tpu.memory_space<vmem>>)
    %scan3A_210 = arith.constant 0 : i32
    %scan3A_211 = arith.constant 0 : i32
    %scan3A_212 = arith.constant 128 : i32
    %scan3A_213 = arith.addi %scan3A_211, %scan3A_212 : i32
    %scan3A_214 = arith.constant 1 : i32
    %scan3A_215 = scf.for %scan3A_707 = %scan3A_211 to %scan3A_213 step %scan3A_214 iter_args(%scan3A_708 = %scan3A_210) -> (i32)  : i32 {
      %get3A = arith.index_cast %scan3A_707 : i32 to index
      %get3A_709 = arith.constant 0 : index
      %get3A_710 = tpu.vector_load %arg11[%get3A, %get3A_709] {strides = array<i32>} : memref<128x128xf32, #tpu.memory_space<vmem>>, vector<1x16xf32>,
      %get3A_711 = vector.shape_cast %get3A_710 : vector<1x16xf32> to vector<16xf32>
      %mul3A_712 = arith.constant 11.3137083 : f32
      %mul3A_713 = vector.broadcast %mul3A_712 : f32 to vector<16xf32>
      %mul3A_714 = arith.mulf %get3A_711, %mul3A_713 : vector<16xf32>
      %swap3A = arith.index_cast %scan3A_707 : i32 to index
      %swap3A_715 = arith.constant 0 : index
      %swap3A_716 = tpu.vector_load %arg11[%swap3A, %swap3A_715] {strides = array<i32>} : memref<128x128xf32, #tpu.memory_space<vmem>>, vector<1x16xf32>,
      %swap3A_717 = vector.shape_cast %swap3A_716 : vector<1x16xf32> to vector<16xf32>
      %swap3A_718 = vector.shape_cast %mul3A_714 : vector<16xf32> to vector<1x16xf32>
      tpu.vector_store %arg11[%swap3A, %swap3A_715], %swap3A_718 {strides = array<i32>} : memref<128x128xf32, #tpu.memory_space<vmem>>, vector<1x16xf32>,
      %get3A_719 = arith.index_cast %scan3A_707 : i32 to index
      %get3A_720 = arith.constant 16 : index
      %get3A_721 = tpu.vector_load %arg11[%get3A_719, %get3A_720] {strides = array<i32>} : memref<128x128xf32, #tpu.memory_space<vmem>>, vector<1x16xf32>,
      %get3A_722 = vector.shape_cast %get3A_721 : vector<1x16xf32> to vector<16xf32>
      %mul3A_723 = arith.constant 11.3137083 : f32
      %mul3A_724 = vector.broadcast %mul3A_723 : f32 to vector<16xf32>
      %mul3A_725 = arith.mulf %get3A_722, %mul3A_724 : vector<16xf32>
      %swap3A_726 = arith.index_cast %scan3A_707 : i32 to index
      %swap3A_727 = arith.constant 16 : index
      %swap3A_728 = tpu.vector_load %arg11[%swap3A_726, %swap3A_727] {strides = array<i32>} : memref<128x128xf32, #tpu.memory_space<vmem>>, vector<1x16xf32>,
      %swap3A_729 = vector.shape_cast %swap3A_728 : vector<1x16xf32> to vector<16xf32>
      %swap3A_730 = vector.shape_cast %mul3A_725 : vector<16xf32> to vector<1x16xf32>
      tpu.vector_store %arg11[%swap3A_726, %swap3A_727], %swap3A_730 {strides = array<i32>} : memref<128x128xf32, #tpu.memory_space<vmem>>, vector<1x16xf32>,
      %get3A_731 = arith.index_cast %scan3A_707 : i32 to index
      %get3A_732 = arith.constant 32 : index
      %get3A_733 = tpu.vector_load %arg11[%get3A_731, %get3A_732] {strides = array<i32>} : memref<128x128xf32, #tpu.memory_space<vmem>>, vector<1x16xf32>,
      %get3A_734 = vector.shape_cast %get3A_733 : vector<1x16xf32> to vector<16xf32>
      %mul3A_735 = arith.constant 11.3137083 : f32
      %mul3A_736 = vector.broadcast %mul3A_735 : f32 to vector<16xf32>
      %mul3A_737 = arith.mulf %get3A_734, %mul3A_736 : vector<16xf32>
      %swap3A_738 = arith.index_cast %scan3A_707 : i32 to index
      %swap3A_739 = arith.constant 32 : index
      %swap3A_740 = tpu.vector_load %arg11[%swap3A_738, %swap3A_739] {strides = array<i32>} : memref<128x128xf32, #tpu.memory_space<vmem>>, vector<1x16xf32>,
      %swap3A_741 = vector.shape_cast %swap3A_740 : vector<1x16xf32> to vector<16xf32>
      %swap3A_742 = vector.shape_cast %mul3A_737 : vector<16xf32> to vector<1x16xf32>
      tpu.vector_store %arg11[%swap3A_738, %swap3A_739], %swap3A_742 {strides = array<i32>} : memref<128x128xf32, #tpu.memory_space<vmem>>, vector<1x16xf32>,
      %get3A_743 = arith.index_cast %scan3A_707 : i32 to index
      %get3A_744 = arith.constant 48 : index
      %get3A_745 = tpu.vector_load %arg11[%get3A_743, %get3A_744] {strides = array<i32>} : memref<128x128xf32, #tpu.memory_space<vmem>>, vector<1x16xf32>,
      %get3A_746 = vector.shape_cast %get3A_745 : vector<1x16xf32> to vector<16xf32>
      %mul3A_747 = arith.constant 11.3137083 : f32
      %mul3A_748 = vector.broadcast %mul3A_747 : f32 to vector<16xf32>
      %mul3A_749 = arith.mulf %get3A_746, %mul3A_748 : vector<16xf32>
      %swap3A_750 = arith.index_cast %scan3A_707 : i32 to index
      %swap3A_751 = arith.constant 48 : index
      %swap3A_752 = tpu.vector_load %arg11[%swap3A_750, %swap3A_751] {strides = array<i32>} : memref<128x128xf32, #tpu.memory_space<vmem>>, vector<1x16xf32>,
      %swap3A_753 = vector.shape_cast %swap3A_752 : vector<1x16xf32> to vector<16xf32>
      %swap3A_754 = vector.shape_cast %mul3A_749 : vector<16xf32> to vector<1x16xf32>
      tpu.vector_store %arg11[%swap3A_750, %swap3A_751], %swap3A_754 {strides = array<i32>} : memref<128x128xf32, #tpu.memory_space<vmem>>, vector<1x16xf32>,
      %get3A_755 = arith.index_cast %scan3A_707 : i32 to index
      %get3A_756 = arith.constant 64 : index
      %get3A_757 = tpu.vector_load %arg11[%get3A_755, %get3A_756] {strides = array<i32>} : memref<128x128xf32, #tpu.memory_space<vmem>>, vector<1x16xf32>,
      %get3A_758 = vector.shape_cast %get3A_757 : vector<1x16xf32> to vector<16xf32>
      %mul3A_759 = arith.constant 11.3137083 : f32
      %mul3A_760 = vector.broadcast %mul3A_759 : f32 to vector<16xf32>
      %mul3A_761 = arith.mulf %get3A_758, %mul3A_760 : vector<16xf32>
      %swap3A_762 = arith.index_cast %scan3A_707 : i32 to index
      %swap3A_763 = arith.constant 64 : index
      %swap3A_764 = tpu.vector_load %arg11[%swap3A_762, %swap3A_763] {strides = array<i32>} : memref<128x128xf32, #tpu.memory_space<vmem>>, vector<1x16xf32>,
      %swap3A_765 = vector.shape_cast %swap3A_764 : vector<1x16xf32> to vector<16xf32>
      %swap3A_766 = vector.shape_cast %mul3A_761 : vector<16xf32> to vector<1x16xf32>
      tpu.vector_store %arg11[%swap3A_762, %swap3A_763], %swap3A_766 {strides = array<i32>} : memref<128x128xf32, #tpu.memory_space<vmem>>, vector<1x16xf32>,
      %get3A_767 = arith.index_cast %scan3A_707 : i32 to index
      %get3A_768 = arith.constant 80 : index
      %get3A_769 = tpu.vector_load %arg11[%get3A_767, %get3A_768] {strides = array<i32>} : memref<128x128xf32, #tpu.memory_space<vmem>>, vector<1x16xf32>,
      %get3A_770 = vector.shape_cast %get3A_769 : vector<1x16xf32> to vector<16xf32>
      %mul3A_771 = arith.constant 11.3137083 : f32
      %mul3A_772 = vector.broadcast %mul3A_771 : f32 to vector<16xf32>
      %mul3A_773 = arith.mulf %get3A_770, %mul3A_772 : vector<16xf32>
      %swap3A_774 = arith.index_cast %scan3A_707 : i32 to index
      %swap3A_775 = arith.constant 80 : index
      %swap3A_776 = tpu.vector_load %arg11[%swap3A_774, %swap3A_775] {strides = array<i32>} : memref<128x128xf32, #tpu.memory_space<vmem>>, vector<1x16xf32>,
      %swap3A_777 = vector.shape_cast %swap3A_776 : vector<1x16xf32> to vector<16xf32>
      %swap3A_778 = vector.shape_cast %mul3A_773 : vector<16xf32> to vector<1x16xf32>
      tpu.vector_store %arg11[%swap3A_774, %swap3A_775], %swap3A_778 {strides = array<i32>} : memref<128x128xf32, #tpu.memory_space<vmem>>, vector<1x16xf32>,
      %get3A_779 = arith.index_cast %scan3A_707 : i32 to index
      %get3A_780 = arith.constant 96 : index
      %get3A_781 = tpu.vector_load %arg11[%get3A_779, %get3A_780] {strides = array<i32>} : memref<128x128xf32, #tpu.memory_space<vmem>>, vector<1x16xf32>,
      %get3A_782 = vector.shape_cast %get3A_781 : vector<1x16xf32> to vector<16xf32>
      %mul3A_783 = arith.constant 11.3137083 : f32
      %mul3A_784 = vector.broadcast %mul3A_783 : f32 to vector<16xf32>
      %mul3A_785 = arith.mulf %get3A_782, %mul3A_784 : vector<16xf32>
      %swap3A_786 = arith.index_cast %scan3A_707 : i32 to index
      %swap3A_787 = arith.constant 96 : index
      %swap3A_788 = tpu.vector_load %arg11[%swap3A_786, %swap3A_787] {strides = array<i32>} : memref<128x128xf32, #tpu.memory_space<vmem>>, vector<1x16xf32>,
      %swap3A_789 = vector.shape_cast %swap3A_788 : vector<1x16xf32> to vector<16xf32>
      %swap3A_790 = vector.shape_cast %mul3A_785 : vector<16xf32> to vector<1x16xf32>
      tpu.vector_store %arg11[%swap3A_786, %swap3A_787], %swap3A_790 {strides = array<i32>} : memref<128x128xf32, #tpu.memory_space<vmem>>, vector<1x16xf32>,
      %get3A_791 = arith.index_cast %scan3A_707 : i32 to index
      %get3A_792 = arith.constant 112 : index
      %get3A_793 = tpu.vector_load %arg11[%get3A_791, %get3A_792] {strides = array<i32>} : memref<128x128xf32, #tpu.memory_space<vmem>>, vector<1x16xf32>,
      %get3A_794 = vector.shape_cast %get3A_793 : vector<1x16xf32> to vector<16xf32>
      %mul3A_795 = arith.constant 11.3137083 : f32
      %mul3A_796 = vector.broadcast %mul3A_795 : f32 to vector<16xf32>
      %mul3A_797 = arith.mulf %get3A_794, %mul3A_796 : vector<16xf32>
      %swap3A_798 = arith.index_cast %scan3A_707 : i32 to index
      %swap3A_799 = arith.constant 112 : index
      %swap3A_800 = tpu.vector_load %arg11[%swap3A_798, %swap3A_799] {strides = array<i32>} : memref<128x128xf32, #tpu.memory_space<vmem>>, vector<1x16xf32>,
      %swap3A_801 = vector.shape_cast %swap3A_800 : vector<1x16xf32> to vector<16xf32>
      %swap3A_802 = vector.shape_cast %mul3A_797 : vector<16xf32> to vector<1x16xf32>
      tpu.vector_store %arg11[%swap3A_798, %swap3A_799], %swap3A_802 {strides = array<i32>} : memref<128x128xf32, #tpu.memory_space<vmem>>, vector<1x16xf32>,
      %scan3A_803 = arith.constant 0 : i32
      scf.yield %scan3A_803 : i32
    }
    %scan3A_216 = arith.constant 128 : i32
    %dma_start3A_217 = arith.constant 5 : i32
    %dma_start3A_218 = arith.constant 0 : i32
    %dma_start3A_219 = tpu.memref_slice %arg4[%dma_start3A_217, %mul3A_2, %dma_start3A_218] : memref<50x4096x128xf32, #tpu.memory_space<hbm>> -> memref<1x128x128xf32, #tpu.memory_space<hbm>>
    %dma_start3A_220 = tpu.memref_squeeze %dma_start3A_219 : memref<1x128x128xf32, #tpu.memory_space<hbm>> -> memref<128x128xf32, #tpu.memory_space<hbm>>
    %dma_start3A_221 = arith.constant 0 : i32
    %dma_start3A_222 = tpu.memref_slice %arg4[%dma_start3A_217, %mul3A_2, %dma_start3A_221] : memref<50x4096x128xf32, #tpu.memory_space<hbm>> -> memref<1x128x128xf32, #tpu.memory_space<hbm>>
    %dma_start3A_223 = tpu.memref_squeeze %dma_start3A_222 : memref<1x128x128xf32, #tpu.memory_space<hbm>> -> memref<128x128xf32, #tpu.memory_space<hbm>>
    tpu.enqueue_dma source(%arg11 : memref<128x128xf32, #tpu.memory_space<vmem>>) target(%dma_start3A_223 : memref<128x128xf32, #tpu.memory_space<hbm>>) target_semaphore(%arg17 : memref<!tpu.dma_semaphore, #tpu.memory_space<semaphore_mem>>)
    %dma_wait3A_224 = arith.constant 4 : i32
    %dma_wait3A_225 = arith.constant 0 : i32
    %dma_wait3A_226 = tpu.memref_slice %arg4[%dma_wait3A_224, %mul3A_2, %dma_wait3A_225] : memref<50x4096x128xf32, #tpu.memory_space<hbm>> -> memref<1x128x128xf32, #tpu.memory_space<hbm>>
    %dma_wait3A_227 = tpu.memref_squeeze %dma_wait3A_226 : memref<1x128x128xf32, #tpu.memory_space<hbm>> -> memref<128x128xf32, #tpu.memory_space<hbm>>
    %dma_wait3A_228 = arith.constant 0 : i32
    %dma_wait3A_229 = tpu.memref_slice %arg4[%dma_wait3A_224, %mul3A_2, %dma_wait3A_228] : memref<50x4096x128xf32, #tpu.memory_space<hbm>> -> memref<1x128x128xf32, #tpu.memory_space<hbm>>
    %dma_wait3A_230 = tpu.memref_squeeze %dma_wait3A_229 : memref<1x128x128xf32, #tpu.memory_space<hbm>> -> memref<128x128xf32, #tpu.memory_space<hbm>>
    tpu.wait_dma2 semaphore(%arg16 : memref<!tpu.dma_semaphore, #tpu.memory_space<semaphore_mem>>) src(%arg10 : memref<128x128xf32, #tpu.memory_space<vmem>>) dst(%dma_wait3A_230 : memref<128x128xf32, #tpu.memory_space<hbm>>)
    %dma_start3A_231 = arith.constant 10 : i32
    %dma_start3A_232 = arith.constant 0 : i32
    %dma_start3A_233 = tpu.memref_slice %arg5[%dma_start3A_231, %dma_start3A_232] : memref<50x128xi32, #tpu.memory_space<vmem>> -> memref<1x128xi32, #tpu.memory_space<vmem>>
    %dma_start3A_234 = tpu.memref_squeeze %dma_start3A_233 : memref<1x128xi32, #tpu.memory_space<vmem>> -> memref<128xi32, #tpu.memory_space<vmem>>
    %dma_start3A_235 = arith.constant 0 : i32
    %dma_start3A_236 = arith.constant 0 : i32
    %dma_start3A_237 = tpu.memref_slice %arg3[%dma_start3A_235, %dma_start3A_236] : memref<100000x128xf32, #tpu.memory_space<hbm>> -> memref<100000x128xf32, #tpu.memory_space<hbm>>
    tpu.enqueue_indirect_dma source(%dma_start3A_237 : memref<100000x128xf32, #tpu.memory_space<hbm>>) target(%arg10 : memref<128x128xf32, #tpu.memory_space<vmem>>) offsets(%dma_start3A_234 : memref<128xi32, #tpu.memory_space<vmem>>) semaphore(%arg16 : memref<!tpu.dma_semaphore, #tpu.memory_space<semaphore_mem>>)
    %scan3A_238 = arith.constant 0 : i32
    %scan3A_239 = arith.constant 1 : i32
    %scan3A_240 = arith.constant 5 : i32
    %scan3A_241 = arith.addi %scan3A_239, %scan3A_240 : i32
    %scan3A_242 = arith.constant 1 : i32
    %scan3A_243 = scf.for %scan3A_707 = %scan3A_239 to %scan3A_241 step %scan3A_242 iter_args(%scan3A_708 = %scan3A_238) -> (i32)  : i32 {
      %mul3A_709 = arith.constant 6 : i32
      %mul3A_710 = arith.muli %mul3A_709, %scan3A_707 : i32
      %add3A_711 = arith.constant 0 : i32
      %add3A_712 = arith.addi %mul3A_710, %add3A_711 : i32
      %dma_wait3A_713 = arith.constant 0 : i32
      %dma_wait3A_714 = tpu.memref_slice %arg5[%add3A_712, %dma_wait3A_713] : memref<50x128xi32, #tpu.memory_space<vmem>> -> memref<1x128xi32, #tpu.memory_space<vmem>>
      %dma_wait3A_715 = tpu.memref_squeeze %dma_wait3A_714 : memref<1x128xi32, #tpu.memory_space<vmem>> -> memref<128xi32, #tpu.memory_space<vmem>>
      %dma_wait3A_716 = arith.constant 0 : i32
      %dma_wait3A_717 = arith.constant 0 : i32
      %dma_wait3A_718 = tpu.memref_slice %arg3[%dma_wait3A_716, %dma_wait3A_717] : memref<100000x128xf32, #tpu.memory_space<hbm>> -> memref<100000x128xf32, #tpu.memory_space<hbm>>
      tpu.wait_indirect_dma semaphore(%arg12 : memref<!tpu.dma_semaphore, #tpu.memory_space<semaphore_mem>>) src(%dma_wait3A_718 : memref<100000x128xf32, #tpu.memory_space<hbm>>) dst(%arg6 : memref<128x128xf32, #tpu.memory_space<vmem>>)
      %scan3A_719 = arith.constant 0 : i32
      %scan3A_720 = arith.constant 0 : i32
      %scan3A_721 = arith.constant 128 : i32
      %scan3A_722 = arith.addi %scan3A_720, %scan3A_721 : i32
      %scan3A_723 = arith.constant 1 : i32
      %scan3A_724 = scf.for %scan3A_955 = %scan3A_720 to %scan3A_722 step %scan3A_723 iter_args(%scan3A_956 = %scan3A_719) -> (i32)  : i32 {
        %get3A = arith.index_cast %scan3A_955 : i32 to index
        %get3A_957 = arith.constant 0 : index
        %get3A_958 = tpu.vector_load %arg6[%get3A, %get3A_957] {strides = array<i32>} : memref<128x128xf32, #tpu.memory_space<vmem>>, vector<1x16xf32>,
        %get3A_959 = vector.shape_cast %get3A_958 : vector<1x16xf32> to vector<16xf32>
        %mul3A_960 = arith.constant 11.3137083 : f32
        %mul3A_961 = vector.broadcast %mul3A_960 : f32 to vector<16xf32>
        %mul3A_962 = arith.mulf %get3A_959, %mul3A_961 : vector<16xf32>
        %swap3A = arith.index_cast %scan3A_955 : i32 to index
        %swap3A_963 = arith.constant 0 : index
        %swap3A_964 = tpu.vector_load %arg6[%swap3A, %swap3A_963] {strides = array<i32>} : memref<128x128xf32, #tpu.memory_space<vmem>>, vector<1x16xf32>,
        %swap3A_965 = vector.shape_cast %swap3A_964 : vector<1x16xf32> to vector<16xf32>
        %swap3A_966 = vector.shape_cast %mul3A_962 : vector<16xf32> to vector<1x16xf32>
        tpu.vector_store %arg6[%swap3A, %swap3A_963], %swap3A_966 {strides = array<i32>} : memref<128x128xf32, #tpu.memory_space<vmem>>, vector<1x16xf32>,
        %get3A_967 = arith.index_cast %scan3A_955 : i32 to index
        %get3A_968 = arith.constant 16 : index
        %get3A_969 = tpu.vector_load %arg6[%get3A_967, %get3A_968] {strides = array<i32>} : memref<128x128xf32, #tpu.memory_space<vmem>>, vector<1x16xf32>,
        %get3A_970 = vector.shape_cast %get3A_969 : vector<1x16xf32> to vector<16xf32>
        %mul3A_971 = arith.constant 11.3137083 : f32
        %mul3A_972 = vector.broadcast %mul3A_971 : f32 to vector<16xf32>
        %mul3A_973 = arith.mulf %get3A_970, %mul3A_972 : vector<16xf32>
        %swap3A_974 = arith.index_cast %scan3A_955 : i32 to index
        %swap3A_975 = arith.constant 16 : index
        %swap3A_976 = tpu.vector_load %arg6[%swap3A_974, %swap3A_975] {strides = array<i32>} : memref<128x128xf32, #tpu.memory_space<vmem>>, vector<1x16xf32>,
        %swap3A_977 = vector.shape_cast %swap3A_976 : vector<1x16xf32> to vector<16xf32>
        %swap3A_978 = vector.shape_cast %mul3A_973 : vector<16xf32> to vector<1x16xf32>
        tpu.vector_store %arg6[%swap3A_974, %swap3A_975], %swap3A_978 {strides = array<i32>} : memref<128x128xf32, #tpu.memory_space<vmem>>, vector<1x16xf32>,
        %get3A_979 = arith.index_cast %scan3A_955 : i32 to index
        %get3A_980 = arith.constant 32 : index
        %get3A_981 = tpu.vector_load %arg6[%get3A_979, %get3A_980] {strides = array<i32>} : memref<128x128xf32, #tpu.memory_space<vmem>>, vector<1x16xf32>,
        %get3A_982 = vector.shape_cast %get3A_981 : vector<1x16xf32> to vector<16xf32>
        %mul3A_983 = arith.constant 11.3137083 : f32
        %mul3A_984 = vector.broadcast %mul3A_983 : f32 to vector<16xf32>
        %mul3A_985 = arith.mulf %get3A_982, %mul3A_984 : vector<16xf32>
        %swap3A_986 = arith.index_cast %scan3A_955 : i32 to index
        %swap3A_987 = arith.constant 32 : index
        %swap3A_988 = tpu.vector_load %arg6[%swap3A_986, %swap3A_987] {strides = array<i32>} : memref<128x128xf32, #tpu.memory_space<vmem>>, vector<1x16xf32>,
        %swap3A_989 = vector.shape_cast %swap3A_988 : vector<1x16xf32> to vector<16xf32>
        %swap3A_990 = vector.shape_cast %mul3A_985 : vector<16xf32> to vector<1x16xf32>
        tpu.vector_store %arg6[%swap3A_986, %swap3A_987], %swap3A_990 {strides = array<i32>} : memref<128x128xf32, #tpu.memory_space<vmem>>, vector<1x16xf32>,
        %get3A_991 = arith.index_cast %scan3A_955 : i32 to index
        %get3A_992 = arith.constant 48 : index
        %get3A_993 = tpu.vector_load %arg6[%get3A_991, %get3A_992] {strides = array<i32>} : memref<128x128xf32, #tpu.memory_space<vmem>>, vector<1x16xf32>,
        %get3A_994 = vector.shape_cast %get3A_993 : vector<1x16xf32> to vector<16xf32>
        %mul3A_995 = arith.constant 11.3137083 : f32
        %mul3A_996 = vector.broadcast %mul3A_995 : f32 to vector<16xf32>
        %mul3A_997 = arith.mulf %get3A_994, %mul3A_996 : vector<16xf32>
        %swap3A_998 = arith.index_cast %scan3A_955 : i32 to index
        %swap3A_999 = arith.constant 48 : index
        %swap3A_1000 = tpu.vector_load %arg6[%swap3A_998, %swap3A_999] {strides = array<i32>} : memref<128x128xf32, #tpu.memory_space<vmem>>, vector<1x16xf32>,
        %swap3A_1001 = vector.shape_cast %swap3A_1000 : vector<1x16xf32> to vector<16xf32>
        %swap3A_1002 = vector.shape_cast %mul3A_997 : vector<16xf32> to vector<1x16xf32>
        tpu.vector_store %arg6[%swap3A_998, %swap3A_999], %swap3A_1002 {strides = array<i32>} : memref<128x128xf32, #tpu.memory_space<vmem>>, vector<1x16xf32>,
        %get3A_1003 = arith.index_cast %scan3A_955 : i32 to index
        %get3A_1004 = arith.constant 64 : index
        %get3A_1005 = tpu.vector_load %arg6[%get3A_1003, %get3A_1004] {strides = array<i32>} : memref<128x128xf32, #tpu.memory_space<vmem>>, vector<1x16xf32>,
        %get3A_1006 = vector.shape_cast %get3A_1005 : vector<1x16xf32> to vector<16xf32>
        %mul3A_1007 = arith.constant 11.3137083 : f32
        %mul3A_1008 = vector.broadcast %mul3A_1007 : f32 to vector<16xf32>
        %mul3A_1009 = arith.mulf %get3A_1006, %mul3A_1008 : vector<16xf32>
        %swap3A_1010 = arith.index_cast %scan3A_955 : i32 to index
        %swap3A_1011 = arith.constant 64 : index
        %swap3A_1012 = tpu.vector_load %arg6[%swap3A_1010, %swap3A_1011] {strides = array<i32>} : memref<128x128xf32, #tpu.memory_space<vmem>>, vector<1x16xf32>,
        %swap3A_1013 = vector.shape_cast %swap3A_1012 : vector<1x16xf32> to vector<16xf32>
        %swap3A_1014 = vector.shape_cast %mul3A_1009 : vector<16xf32> to vector<1x16xf32>
        tpu.vector_store %arg6[%swap3A_1010, %swap3A_1011], %swap3A_1014 {strides = array<i32>} : memref<128x128xf32, #tpu.memory_space<vmem>>, vector<1x16xf32>,
        %get3A_1015 = arith.index_cast %scan3A_955 : i32 to index
        %get3A_1016 = arith.constant 80 : index
        %get3A_1017 = tpu.vector_load %arg6[%get3A_1015, %get3A_1016] {strides = array<i32>} : memref<128x128xf32, #tpu.memory_space<vmem>>, vector<1x16xf32>,
        %get3A_1018 = vector.shape_cast %get3A_1017 : vector<1x16xf32> to vector<16xf32>
        %mul3A_1019 = arith.constant 11.3137083 : f32
        %mul3A_1020 = vector.broadcast %mul3A_1019 : f32 to vector<16xf32>
        %mul3A_1021 = arith.mulf %get3A_1018, %mul3A_1020 : vector<16xf32>
        %swap3A_1022 = arith.index_cast %scan3A_955 : i32 to index
        %swap3A_1023 = arith.constant 80 : index
        %swap3A_1024 = tpu.vector_load %arg6[%swap3A_1022, %swap3A_1023] {strides = array<i32>} : memref<128x128xf32, #tpu.memory_space<vmem>>, vector<1x16xf32>,
        %swap3A_1025 = vector.shape_cast %swap3A_1024 : vector<1x16xf32> to vector<16xf32>
        %swap3A_1026 = vector.shape_cast %mul3A_1021 : vector<16xf32> to vector<1x16xf32>
        tpu.vector_store %arg6[%swap3A_1022, %swap3A_1023], %swap3A_1026 {strides = array<i32>} : memref<128x128xf32, #tpu.memory_space<vmem>>, vector<1x16xf32>,
        %get3A_1027 = arith.index_cast %scan3A_955 : i32 to index
        %get3A_1028 = arith.constant 96 : index
        %get3A_1029 = tpu.vector_load %arg6[%get3A_1027, %get3A_1028] {strides = array<i32>} : memref<128x128xf32, #tpu.memory_space<vmem>>, vector<1x16xf32>,
        %get3A_1030 = vector.shape_cast %get3A_1029 : vector<1x16xf32> to vector<16xf32>
        %mul3A_1031 = arith.constant 11.3137083 : f32
        %mul3A_1032 = vector.broadcast %mul3A_1031 : f32 to vector<16xf32>
        %mul3A_1033 = arith.mulf %get3A_1030, %mul3A_1032 : vector<16xf32>
        %swap3A_1034 = arith.index_cast %scan3A_955 : i32 to index
        %swap3A_1035 = arith.constant 96 : index
        %swap3A_1036 = tpu.vector_load %arg6[%swap3A_1034, %swap3A_1035] {strides = array<i32>} : memref<128x128xf32, #tpu.memory_space<vmem>>, vector<1x16xf32>,
        %swap3A_1037 = vector.shape_cast %swap3A_1036 : vector<1x16xf32> to vector<16xf32>
        %swap3A_1038 = vector.shape_cast %mul3A_1033 : vector<16xf32> to vector<1x16xf32>
        tpu.vector_store %arg6[%swap3A_1034, %swap3A_1035], %swap3A_1038 {strides = array<i32>} : memref<128x128xf32, #tpu.memory_space<vmem>>, vector<1x16xf32>,
        %get3A_1039 = arith.index_cast %scan3A_955 : i32 to index
        %get3A_1040 = arith.constant 112 : index
        %get3A_1041 = tpu.vector_load %arg6[%get3A_1039, %get3A_1040] {strides = array<i32>} : memref<128x128xf32, #tpu.memory_space<vmem>>, vector<1x16xf32>,
        %get3A_1042 = vector.shape_cast %get3A_1041 : vector<1x16xf32> to vector<16xf32>
        %mul3A_1043 = arith.constant 11.3137083 : f32
        %mul3A_1044 = vector.broadcast %mul3A_1043 : f32 to vector<16xf32>
        %mul3A_1045 = arith.mulf %get3A_1042, %mul3A_1044 : vector<16xf32>
        %swap3A_1046 = arith.index_cast %scan3A_955 : i32 to index
        %swap3A_1047 = arith.constant 112 : index
        %swap3A_1048 = tpu.vector_load %arg6[%swap3A_1046, %swap3A_1047] {strides = array<i32>} : memref<128x128xf32, #tpu.memory_space<vmem>>, vector<1x16xf32>,
        %swap3A_1049 = vector.shape_cast %swap3A_1048 : vector<1x16xf32> to vector<16xf32>
        %swap3A_1050 = vector.shape_cast %mul3A_1045 : vector<16xf32> to vector<1x16xf32>
        tpu.vector_store %arg6[%swap3A_1046, %swap3A_1047], %swap3A_1050 {strides = array<i32>} : memref<128x128xf32, #tpu.memory_space<vmem>>, vector<1x16xf32>,
        %scan3A_1051 = arith.constant 0 : i32
        scf.yield %scan3A_1051 : i32
      }
      %scan3A_725 = arith.constant 128 : i32
      %dma_start3A_726 = arith.constant 0 : i32
      %dma_start3A_727 = tpu.memref_slice %arg4[%add3A_712, %mul3A_2, %dma_start3A_726] : memref<50x4096x128xf32, #tpu.memory_space<hbm>> -> memref<1x128x128xf32, #tpu.memory_space<hbm>>
      %dma_start3A_728 = tpu.memref_squeeze %dma_start3A_727 : memref<1x128x128xf32, #tpu.memory_space<hbm>> -> memref<128x128xf32, #tpu.memory_space<hbm>>
      %dma_start3A_729 = arith.constant 0 : i32
      %dma_start3A_730 = tpu.memref_slice %arg4[%add3A_712, %mul3A_2, %dma_start3A_729] : memref<50x4096x128xf32, #tpu.memory_space<hbm>> -> memref<1x128x128xf32, #tpu.memory_space<hbm>>
      %dma_start3A_731 = tpu.memref_squeeze %dma_start3A_730 : memref<1x128x128xf32, #tpu.memory_space<hbm>> -> memref<128x128xf32, #tpu.memory_space<hbm>>
      tpu.enqueue_dma source(%arg6 : memref<128x128xf32, #tpu.memory_space<vmem>>) target(%dma_start3A_731 : memref<128x128xf32, #tpu.memory_space<hbm>>) target_semaphore(%arg12 : memref<!tpu.dma_semaphore, #tpu.memory_space<semaphore_mem>>)
      %sub3A = arith.constant 1 : i32
      %sub3A_732 = arith.subi %add3A_712, %sub3A : i32
      %dma_wait3A_733 = arith.constant 0 : i32
      %dma_wait3A_734 = tpu.memref_slice %arg4[%sub3A_732, %mul3A_2, %dma_wait3A_733] : memref<50x4096x128xf32, #tpu.memory_space<hbm>> -> memref<1x128x128xf32, #tpu.memory_space<hbm>>
      %dma_wait3A_735 = tpu.memref_squeeze %dma_wait3A_734 : memref<1x128x128xf32, #tpu.memory_space<hbm>> -> memref<128x128xf32, #tpu.memory_space<hbm>>
      %dma_wait3A_736 = arith.constant 0 : i32
      %dma_wait3A_737 = tpu.memref_slice %arg4[%sub3A_732, %mul3A_2, %dma_wait3A_736] : memref<50x4096x128xf32, #tpu.memory_space<hbm>> -> memref<1x128x128xf32, #tpu.memory_space<hbm>>
      %dma_wait3A_738 = tpu.memref_squeeze %dma_wait3A_737 : memref<1x128x128xf32, #tpu.memory_space<hbm>> -> memref<128x128xf32, #tpu.memory_space<hbm>>
      tpu.wait_dma2 semaphore(%arg17 : memref<!tpu.dma_semaphore, #tpu.memory_space<semaphore_mem>>) src(%arg11 : memref<128x128xf32, #tpu.memory_space<vmem>>) dst(%dma_wait3A_738 : memref<128x128xf32, #tpu.memory_space<hbm>>)
      %add3A_739 = arith.constant 6 : i32
      %add3A_740 = arith.addi %add3A_712, %add3A_739 : i32
      %sub3A_741 = arith.constant 1 : i32
      %sub3A_742 = arith.subi %add3A_740, %sub3A_741 : i32
      %dma_start3A_743 = arith.constant 0 : i32
      %dma_start3A_744 = tpu.memref_slice %arg5[%sub3A_742, %dma_start3A_743] : memref<50x128xi32, #tpu.memory_space<vmem>> -> memref<1x128xi32, #tpu.memory_space<vmem>>
      %dma_start3A_745 = tpu.memref_squeeze %dma_start3A_744 : memref<1x128xi32, #tpu.memory_space<vmem>> -> memref<128xi32, #tpu.memory_space<vmem>>
      %dma_start3A_746 = arith.constant 0 : i32
      %dma_start3A_747 = arith.constant 0 : i32
      %dma_start3A_748 = tpu.memref_slice %arg3[%dma_start3A_746, %dma_start3A_747] : memref<100000x128xf32, #tpu.memory_space<hbm>> -> memref<100000x128xf32, #tpu.memory_space<hbm>>
      tpu.enqueue_indirect_dma source(%dma_start3A_748 : memref<100000x128xf32, #tpu.memory_space<hbm>>) target(%arg11 : memref<128x128xf32, #tpu.memory_space<vmem>>) offsets(%dma_start3A_745 : memref<128xi32, #tpu.memory_space<vmem>>) semaphore(%arg17 : memref<!tpu.dma_semaphore, #tpu.memory_space<semaphore_mem>>)
      %mul3A_749 = arith.constant 6 : i32
      %mul3A_750 = arith.muli %mul3A_749, %scan3A_707 : i32
      %add3A_751 = arith.constant 1 : i32
      %add3A_752 = arith.addi %mul3A_750, %add3A_751 : i32
      %dma_wait3A_753 = arith.constant 0 : i32
      %dma_wait3A_754 = tpu.memref_slice %arg5[%add3A_752, %dma_wait3A_753] : memref<50x128xi32, #tpu.memory_space<vmem>> -> memref<1x128xi32, #tpu.memory_space<vmem>>
      %dma_wait3A_755 = tpu.memref_squeeze %dma_wait3A_754 : memref<1x128xi32, #tpu.memory_space<vmem>> -> memref<128xi32, #tpu.memory_space<vmem>>
      %dma_wait3A_756 = arith.constant 0 : i32
      %dma_wait3A_757 = arith.constant 0 : i32
      %dma_wait3A_758 = tpu.memref_slice %arg3[%dma_wait3A_756, %dma_wait3A_757] : memref<100000x128xf32, #tpu.memory_space<hbm>> -> memref<100000x128xf32, #tpu.memory_space<hbm>>
      tpu.wait_indirect_dma semaphore(%arg13 : memref<!tpu.dma_semaphore, #tpu.memory_space<semaphore_mem>>) src(%dma_wait3A_758 : memref<100000x128xf32, #tpu.memory_space<hbm>>) dst(%arg7 : memref<128x128xf32, #tpu.memory_space<vmem>>)
      %scan3A_759 = arith.constant 0 : i32
      %scan3A_760 = arith.constant 0 : i32
      %scan3A_761 = arith.constant 128 : i32
      %scan3A_762 = arith.addi %scan3A_760, %scan3A_761 : i32
      %scan3A_763 = arith.constant 1 : i32
      %scan3A_764 = scf.for %scan3A_955 = %scan3A_760 to %scan3A_762 step %scan3A_763 iter_args(%scan3A_956 = %scan3A_759) -> (i32)  : i32 {
        %get3A = arith.index_cast %scan3A_955 : i32 to index
        %get3A_957 = arith.constant 0 : index
        %get3A_958 = tpu.vector_load %arg7[%get3A, %get3A_957] {strides = array<i32>} : memref<128x128xf32, #tpu.memory_space<vmem>>, vector<1x16xf32>,
        %get3A_959 = vector.shape_cast %get3A_958 : vector<1x16xf32> to vector<16xf32>
        %mul3A_960 = arith.constant 11.3137083 : f32
        %mul3A_961 = vector.broadcast %mul3A_960 : f32 to vector<16xf32>
        %mul3A_962 = arith.mulf %get3A_959, %mul3A_961 : vector<16xf32>
        %swap3A = arith.index_cast %scan3A_955 : i32 to index
        %swap3A_963 = arith.constant 0 : index
        %swap3A_964 = tpu.vector_load %arg7[%swap3A, %swap3A_963] {strides = array<i32>} : memref<128x128xf32, #tpu.memory_space<vmem>>, vector<1x16xf32>,
        %swap3A_965 = vector.shape_cast %swap3A_964 : vector<1x16xf32> to vector<16xf32>
        %swap3A_966 = vector.shape_cast %mul3A_962 : vector<16xf32> to vector<1x16xf32>
        tpu.vector_store %arg7[%swap3A, %swap3A_963], %swap3A_966 {strides = array<i32>} : memref<128x128xf32, #tpu.memory_space<vmem>>, vector<1x16xf32>,
        %get3A_967 = arith.index_cast %scan3A_955 : i32 to index
        %get3A_968 = arith.constant 16 : index
        %get3A_969 = tpu.vector_load %arg7[%get3A_967, %get3A_968] {strides = array<i32>} : memref<128x128xf32, #tpu.memory_space<vmem>>, vector<1x16xf32>,
        %get3A_970 = vector.shape_cast %get3A_969 : vector<1x16xf32> to vector<16xf32>
        %mul3A_971 = arith.constant 11.3137083 : f32
        %mul3A_972 = vector.broadcast %mul3A_971 : f32 to vector<16xf32>
        %mul3A_973 = arith.mulf %get3A_970, %mul3A_972 : vector<16xf32>
        %swap3A_974 = arith.index_cast %scan3A_955 : i32 to index
        %swap3A_975 = arith.constant 16 : index
        %swap3A_976 = tpu.vector_load %arg7[%swap3A_974, %swap3A_975] {strides = array<i32>} : memref<128x128xf32, #tpu.memory_space<vmem>>, vector<1x16xf32>,
        %swap3A_977 = vector.shape_cast %swap3A_976 : vector<1x16xf32> to vector<16xf32>
        %swap3A_978 = vector.shape_cast %mul3A_973 : vector<16xf32> to vector<1x16xf32>
        tpu.vector_store %arg7[%swap3A_974, %swap3A_975], %swap3A_978 {strides = array<i32>} : memref<128x128xf32, #tpu.memory_space<vmem>>, vector<1x16xf32>,
        %get3A_979 = arith.index_cast %scan3A_955 : i32 to index
        %get3A_980 = arith.constant 32 : index
        %get3A_981 = tpu.vector_load %arg7[%get3A_979, %get3A_980] {strides = array<i32>} : memref<128x128xf32, #tpu.memory_space<vmem>>, vector<1x16xf32>,
        %get3A_982 = vector.shape_cast %get3A_981 : vector<1x16xf32> to vector<16xf32>
        %mul3A_983 = arith.constant 11.3137083 : f32
        %mul3A_984 = vector.broadcast %mul3A_983 : f32 to vector<16xf32>
        %mul3A_985 = arith.mulf %get3A_982, %mul3A_984 : vector<16xf32>
        %swap3A_986 = arith.index_cast %scan3A_955 : i32 to index
        %swap3A_987 = arith.constant 32 : index
        %swap3A_988 = tpu.vector_load %arg7[%swap3A_986, %swap3A_987] {strides = array<i32>} : memref<128x128xf32, #tpu.memory_space<vmem>>, vector<1x16xf32>,
        %swap3A_989 = vector.shape_cast %swap3A_988 : vector<1x16xf32> to vector<16xf32>
        %swap3A_990 = vector.shape_cast %mul3A_985 : vector<16xf32> to vector<1x16xf32>
        tpu.vector_store %arg7[%swap3A_986, %swap3A_987], %swap3A_990 {strides = array<i32>} : memref<128x128xf32, #tpu.memory_space<vmem>>, vector<1x16xf32>,
        %get3A_991 = arith.index_cast %scan3A_955 : i32 to index
        %get3A_992 = arith.constant 48 : index
        %get3A_993 = tpu.vector_load %arg7[%get3A_991, %get3A_992] {strides = array<i32>} : memref<128x128xf32, #tpu.memory_space<vmem>>, vector<1x16xf32>,
        %get3A_994 = vector.shape_cast %get3A_993 : vector<1x16xf32> to vector<16xf32>
        %mul3A_995 = arith.constant 11.3137083 : f32
        %mul3A_996 = vector.broadcast %mul3A_995 : f32 to vector<16xf32>
        %mul3A_997 = arith.mulf %get3A_994, %mul3A_996 : vector<16xf32>
        %swap3A_998 = arith.index_cast %scan3A_955 : i32 to index
        %swap3A_999 = arith.constant 48 : index
        %swap3A_1000 = tpu.vector_load %arg7[%swap3A_998, %swap3A_999] {strides = array<i32>} : memref<128x128xf32, #tpu.memory_space<vmem>>, vector<1x16xf32>,
        %swap3A_1001 = vector.shape_cast %swap3A_1000 : vector<1x16xf32> to vector<16xf32>
        %swap3A_1002 = vector.shape_cast %mul3A_997 : vector<16xf32> to vector<1x16xf32>
        tpu.vector_store %arg7[%swap3A_998, %swap3A_999], %swap3A_1002 {strides = array<i32>} : memref<128x128xf32, #tpu.memory_space<vmem>>, vector<1x16xf32>,
        %get3A_1003 = arith.index_cast %scan3A_955 : i32 to index
        %get3A_1004 = arith.constant 64 : index
        %get3A_1005 = tpu.vector_load %arg7[%get3A_1003, %get3A_1004] {strides = array<i32>} : memref<128x128xf32, #tpu.memory_space<vmem>>, vector<1x16xf32>,
        %get3A_1006 = vector.shape_cast %get3A_1005 : vector<1x16xf32> to vector<16xf32>
        %mul3A_1007 = arith.constant 11.3137083 : f32
        %mul3A_1008 = vector.broadcast %mul3A_1007 : f32 to vector<16xf32>
        %mul3A_1009 = arith.mulf %get3A_1006, %mul3A_1008 : vector<16xf32>
        %swap3A_1010 = arith.index_cast %scan3A_955 : i32 to index
        %swap3A_1011 = arith.constant 64 : index
        %swap3A_1012 = tpu.vector_load %arg7[%swap3A_1010, %swap3A_1011] {strides = array<i32>} : memref<128x128xf32, #tpu.memory_space<vmem>>, vector<1x16xf32>,
        %swap3A_1013 = vector.shape_cast %swap3A_1012 : vector<1x16xf32> to vector<16xf32>
        %swap3A_1014 = vector.shape_cast %mul3A_1009 : vector<16xf32> to vector<1x16xf32>
        tpu.vector_store %arg7[%swap3A_1010, %swap3A_1011], %swap3A_1014 {strides = array<i32>} : memref<128x128xf32, #tpu.memory_space<vmem>>, vector<1x16xf32>,
        %get3A_1015 = arith.index_cast %scan3A_955 : i32 to index
        %get3A_1016 = arith.constant 80 : index
        %get3A_1017 = tpu.vector_load %arg7[%get3A_1015, %get3A_1016] {strides = array<i32>} : memref<128x128xf32, #tpu.memory_space<vmem>>, vector<1x16xf32>,
        %get3A_1018 = vector.shape_cast %get3A_1017 : vector<1x16xf32> to vector<16xf32>
        %mul3A_1019 = arith.constant 11.3137083 : f32
        %mul3A_1020 = vector.broadcast %mul3A_1019 : f32 to vector<16xf32>
        %mul3A_1021 = arith.mulf %get3A_1018, %mul3A_1020 : vector<16xf32>
        %swap3A_1022 = arith.index_cast %scan3A_955 : i32 to index
        %swap3A_1023 = arith.constant 80 : index
        %swap3A_1024 = tpu.vector_load %arg7[%swap3A_1022, %swap3A_1023] {strides = array<i32>} : memref<128x128xf32, #tpu.memory_space<vmem>>, vector<1x16xf32>,
        %swap3A_1025 = vector.shape_cast %swap3A_1024 : vector<1x16xf32> to vector<16xf32>
        %swap3A_1026 = vector.shape_cast %mul3A_1021 : vector<16xf32> to vector<1x16xf32>
        tpu.vector_store %arg7[%swap3A_1022, %swap3A_1023], %swap3A_1026 {strides = array<i32>} : memref<128x128xf32, #tpu.memory_space<vmem>>, vector<1x16xf32>,
        %get3A_1027 = arith.index_cast %scan3A_955 : i32 to index
        %get3A_1028 = arith.constant 96 : index
        %get3A_1029 = tpu.vector_load %arg7[%get3A_1027, %get3A_1028] {strides = array<i32>} : memref<128x128xf32, #tpu.memory_space<vmem>>, vector<1x16xf32>,
        %get3A_1030 = vector.shape_cast %get3A_1029 : vector<1x16xf32> to vector<16xf32>
        %mul3A_1031 = arith.constant 11.3137083 : f32
        %mul3A_1032 = vector.broadcast %mul3A_1031 : f32 to vector<16xf32>
        %mul3A_1033 = arith.mulf %get3A_1030, %mul3A_1032 : vector<16xf32>
        %swap3A_1034 = arith.index_cast %scan3A_955 : i32 to index
        %swap3A_1035 = arith.constant 96 : index
        %swap3A_1036 = tpu.vector_load %arg7[%swap3A_1034, %swap3A_1035] {strides = array<i32>} : memref<128x128xf32, #tpu.memory_space<vmem>>, vector<1x16xf32>,
        %swap3A_1037 = vector.shape_cast %swap3A_1036 : vector<1x16xf32> to vector<16xf32>
        %swap3A_1038 = vector.shape_cast %mul3A_1033 : vector<16xf32> to vector<1x16xf32>
        tpu.vector_store %arg7[%swap3A_1034, %swap3A_1035], %swap3A_1038 {strides = array<i32>} : memref<128x128xf32, #tpu.memory_space<vmem>>, vector<1x16xf32>,
        %get3A_1039 = arith.index_cast %scan3A_955 : i32 to index
        %get3A_1040 = arith.constant 112 : index
        %get3A_1041 = tpu.vector_load %arg7[%get3A_1039, %get3A_1040] {strides = array<i32>} : memref<128x128xf32, #tpu.memory_space<vmem>>, vector<1x16xf32>,
        %get3A_1042 = vector.shape_cast %get3A_1041 : vector<1x16xf32> to vector<16xf32>
        %mul3A_1043 = arith.constant 11.3137083 : f32
        %mul3A_1044 = vector.broadcast %mul3A_1043 : f32 to vector<16xf32>
        %mul3A_1045 = arith.mulf %get3A_1042, %mul3A_1044 : vector<16xf32>
        %swap3A_1046 = arith.index_cast %scan3A_955 : i32 to index
        %swap3A_1047 = arith.constant 112 : index
        %swap3A_1048 = tpu.vector_load %arg7[%swap3A_1046, %swap3A_1047] {strides = array<i32>} : memref<128x128xf32, #tpu.memory_space<vmem>>, vector<1x16xf32>,
        %swap3A_1049 = vector.shape_cast %swap3A_1048 : vector<1x16xf32> to vector<16xf32>
        %swap3A_1050 = vector.shape_cast %mul3A_1045 : vector<16xf32> to vector<1x16xf32>
        tpu.vector_store %arg7[%swap3A_1046, %swap3A_1047], %swap3A_1050 {strides = array<i32>} : memref<128x128xf32, #tpu.memory_space<vmem>>, vector<1x16xf32>,
        %scan3A_1051 = arith.constant 0 : i32
        scf.yield %scan3A_1051 : i32
      }
      %scan3A_765 = arith.constant 128 : i32
      %dma_start3A_766 = arith.constant 0 : i32
      %dma_start3A_767 = tpu.memref_slice %arg4[%add3A_752, %mul3A_2, %dma_start3A_766] : memref<50x4096x128xf32, #tpu.memory_space<hbm>> -> memref<1x128x128xf32, #tpu.memory_space<hbm>>
      %dma_start3A_768 = tpu.memref_squeeze %dma_start3A_767 : memref<1x128x128xf32, #tpu.memory_space<hbm>> -> memref<128x128xf32, #tpu.memory_space<hbm>>
      %dma_start3A_769 = arith.constant 0 : i32
      %dma_start3A_770 = tpu.memref_slice %arg4[%add3A_752, %mul3A_2, %dma_start3A_769] : memref<50x4096x128xf32, #tpu.memory_space<hbm>> -> memref<1x128x128xf32, #tpu.memory_space<hbm>>
      %dma_start3A_771 = tpu.memref_squeeze %dma_start3A_770 : memref<1x128x128xf32, #tpu.memory_space<hbm>> -> memref<128x128xf32, #tpu.memory_space<hbm>>
      tpu.enqueue_dma source(%arg7 : memref<128x128xf32, #tpu.memory_space<vmem>>) target(%dma_start3A_771 : memref<128x128xf32, #tpu.memory_space<hbm>>) target_semaphore(%arg13 : memref<!tpu.dma_semaphore, #tpu.memory_space<semaphore_mem>>)
      %sub3A_772 = arith.constant 1 : i32
      %sub3A_773 = arith.subi %add3A_752, %sub3A_772 : i32
      %dma_wait3A_774 = arith.constant 0 : i32
      %dma_wait3A_775 = tpu.memref_slice %arg4[%sub3A_773, %mul3A_2, %dma_wait3A_774] : memref<50x4096x128xf32, #tpu.memory_space<hbm>> -> memref<1x128x128xf32, #tpu.memory_space<hbm>>
      %dma_wait3A_776 = tpu.memref_squeeze %dma_wait3A_775 : memref<1x128x128xf32, #tpu.memory_space<hbm>> -> memref<128x128xf32, #tpu.memory_space<hbm>>
      %dma_wait3A_777 = arith.constant 0 : i32
      %dma_wait3A_778 = tpu.memref_slice %arg4[%sub3A_773, %mul3A_2, %dma_wait3A_777] : memref<50x4096x128xf32, #tpu.memory_space<hbm>> -> memref<1x128x128xf32, #tpu.memory_space<hbm>>
      %dma_wait3A_779 = tpu.memref_squeeze %dma_wait3A_778 : memref<1x128x128xf32, #tpu.memory_space<hbm>> -> memref<128x128xf32, #tpu.memory_space<hbm>>
      tpu.wait_dma2 semaphore(%arg12 : memref<!tpu.dma_semaphore, #tpu.memory_space<semaphore_mem>>) src(%arg6 : memref<128x128xf32, #tpu.memory_space<vmem>>) dst(%dma_wait3A_779 : memref<128x128xf32, #tpu.memory_space<hbm>>)
      %add3A_780 = arith.constant 6 : i32
      %add3A_781 = arith.addi %add3A_752, %add3A_780 : i32
      %sub3A_782 = arith.constant 1 : i32
      %sub3A_783 = arith.subi %add3A_781, %sub3A_782 : i32
      %dma_start3A_784 = arith.constant 0 : i32
      %dma_start3A_785 = tpu.memref_slice %arg5[%sub3A_783, %dma_start3A_784] : memref<50x128xi32, #tpu.memory_space<vmem>> -> memref<1x128xi32, #tpu.memory_space<vmem>>
      %dma_start3A_786 = tpu.memref_squeeze %dma_start3A_785 : memref<1x128xi32, #tpu.memory_space<vmem>> -> memref<128xi32, #tpu.memory_space<vmem>>
      %dma_start3A_787 = arith.constant 0 : i32
      %dma_start3A_788 = arith.constant 0 : i32
      %dma_start3A_789 = tpu.memref_slice %arg3[%dma_start3A_787, %dma_start3A_788] : memref<100000x128xf32, #tpu.memory_space<hbm>> -> memref<100000x128xf32, #tpu.memory_space<hbm>>
      tpu.enqueue_indirect_dma source(%dma_start3A_789 : memref<100000x128xf32, #tpu.memory_space<hbm>>) target(%arg6 : memref<128x128xf32, #tpu.memory_space<vmem>>) offsets(%dma_start3A_786 : memref<128xi32, #tpu.memory_space<vmem>>) semaphore(%arg12 : memref<!tpu.dma_semaphore, #tpu.memory_space<semaphore_mem>>)
      %mul3A_790 = arith.constant 6 : i32
      %mul3A_791 = arith.muli %mul3A_790, %scan3A_707 : i32
      %add3A_792 = arith.constant 2 : i32
      %add3A_793 = arith.addi %mul3A_791, %add3A_792 : i32
      %dma_wait3A_794 = arith.constant 0 : i32
      %dma_wait3A_795 = tpu.memref_slice %arg5[%add3A_793, %dma_wait3A_794] : memref<50x128xi32, #tpu.memory_space<vmem>> -> memref<1x128xi32, #tpu.memory_space<vmem>>
      %dma_wait3A_796 = tpu.memref_squeeze %dma_wait3A_795 : memref<1x128xi32, #tpu.memory_space<vmem>> -> memref<128xi32, #tpu.memory_space<vmem>>
      %dma_wait3A_797 = arith.constant 0 : i32
      %dma_wait3A_798 = arith.constant 0 : i32
      %dma_wait3A_799 = tpu.memref_slice %arg3[%dma_wait3A_797, %dma_wait3A_798] : memref<100000x128xf32, #tpu.memory_space<hbm>> -> memref<100000x128xf32, #tpu.memory_space<hbm>>
      tpu.wait_indirect_dma semaphore(%arg14 : memref<!tpu.dma_semaphore, #tpu.memory_space<semaphore_mem>>) src(%dma_wait3A_799 : memref<100000x128xf32, #tpu.memory_space<hbm>>) dst(%arg8 : memref<128x128xf32, #tpu.memory_space<vmem>>)
      %scan3A_800 = arith.constant 0 : i32
      %scan3A_801 = arith.constant 0 : i32
      %scan3A_802 = arith.constant 128 : i32
      %scan3A_803 = arith.addi %scan3A_801, %scan3A_802 : i32
      %scan3A_804 = arith.constant 1 : i32
      %scan3A_805 = scf.for %scan3A_955 = %scan3A_801 to %scan3A_803 step %scan3A_804 iter_args(%scan3A_956 = %scan3A_800) -> (i32)  : i32 {
        %get3A = arith.index_cast %scan3A_955 : i32 to index
        %get3A_957 = arith.constant 0 : index
        %get3A_958 = tpu.vector_load %arg8[%get3A, %get3A_957] {strides = array<i32>} : memref<128x128xf32, #tpu.memory_space<vmem>>, vector<1x16xf32>,
        %get3A_959 = vector.shape_cast %get3A_958 : vector<1x16xf32> to vector<16xf32>
        %mul3A_960 = arith.constant 11.3137083 : f32
        %mul3A_961 = vector.broadcast %mul3A_960 : f32 to vector<16xf32>
        %mul3A_962 = arith.mulf %get3A_959, %mul3A_961 : vector<16xf32>
        %swap3A = arith.index_cast %scan3A_955 : i32 to index
        %swap3A_963 = arith.constant 0 : index
        %swap3A_964 = tpu.vector_load %arg8[%swap3A, %swap3A_963] {strides = array<i32>} : memref<128x128xf32, #tpu.memory_space<vmem>>, vector<1x16xf32>,
        %swap3A_965 = vector.shape_cast %swap3A_964 : vector<1x16xf32> to vector<16xf32>
        %swap3A_966 = vector.shape_cast %mul3A_962 : vector<16xf32> to vector<1x16xf32>
        tpu.vector_store %arg8[%swap3A, %swap3A_963], %swap3A_966 {strides = array<i32>} : memref<128x128xf32, #tpu.memory_space<vmem>>, vector<1x16xf32>,
        %get3A_967 = arith.index_cast %scan3A_955 : i32 to index
        %get3A_968 = arith.constant 16 : index
        %get3A_969 = tpu.vector_load %arg8[%get3A_967, %get3A_968] {strides = array<i32>} : memref<128x128xf32, #tpu.memory_space<vmem>>, vector<1x16xf32>,
        %get3A_970 = vector.shape_cast %get3A_969 : vector<1x16xf32> to vector<16xf32>
        %mul3A_971 = arith.constant 11.3137083 : f32
        %mul3A_972 = vector.broadcast %mul3A_971 : f32 to vector<16xf32>
        %mul3A_973 = arith.mulf %get3A_970, %mul3A_972 : vector<16xf32>
        %swap3A_974 = arith.index_cast %scan3A_955 : i32 to index
        %swap3A_975 = arith.constant 16 : index
        %swap3A_976 = tpu.vector_load %arg8[%swap3A_974, %swap3A_975] {strides = array<i32>} : memref<128x128xf32, #tpu.memory_space<vmem>>, vector<1x16xf32>,
        %swap3A_977 = vector.shape_cast %swap3A_976 : vector<1x16xf32> to vector<16xf32>
        %swap3A_978 = vector.shape_cast %mul3A_973 : vector<16xf32> to vector<1x16xf32>
        tpu.vector_store %arg8[%swap3A_974, %swap3A_975], %swap3A_978 {strides = array<i32>} : memref<128x128xf32, #tpu.memory_space<vmem>>, vector<1x16xf32>,
        %get3A_979 = arith.index_cast %scan3A_955 : i32 to index
        %get3A_980 = arith.constant 32 : index
        %get3A_981 = tpu.vector_load %arg8[%get3A_979, %get3A_980] {strides = array<i32>} : memref<128x128xf32, #tpu.memory_space<vmem>>, vector<1x16xf32>,
        %get3A_982 = vector.shape_cast %get3A_981 : vector<1x16xf32> to vector<16xf32>
        %mul3A_983 = arith.constant 11.3137083 : f32
        %mul3A_984 = vector.broadcast %mul3A_983 : f32 to vector<16xf32>
        %mul3A_985 = arith.mulf %get3A_982, %mul3A_984 : vector<16xf32>
        %swap3A_986 = arith.index_cast %scan3A_955 : i32 to index
        %swap3A_987 = arith.constant 32 : index
        %swap3A_988 = tpu.vector_load %arg8[%swap3A_986, %swap3A_987] {strides = array<i32>} : memref<128x128xf32, #tpu.memory_space<vmem>>, vector<1x16xf32>,
        %swap3A_989 = vector.shape_cast %swap3A_988 : vector<1x16xf32> to vector<16xf32>
        %swap3A_990 = vector.shape_cast %mul3A_985 : vector<16xf32> to vector<1x16xf32>
        tpu.vector_store %arg8[%swap3A_986, %swap3A_987], %swap3A_990 {strides = array<i32>} : memref<128x128xf32, #tpu.memory_space<vmem>>, vector<1x16xf32>,
        %get3A_991 = arith.index_cast %scan3A_955 : i32 to index
        %get3A_992 = arith.constant 48 : index
        %get3A_993 = tpu.vector_load %arg8[%get3A_991, %get3A_992] {strides = array<i32>} : memref<128x128xf32, #tpu.memory_space<vmem>>, vector<1x16xf32>,
        %get3A_994 = vector.shape_cast %get3A_993 : vector<1x16xf32> to vector<16xf32>
        %mul3A_995 = arith.constant 11.3137083 : f32
        %mul3A_996 = vector.broadcast %mul3A_995 : f32 to vector<16xf32>
        %mul3A_997 = arith.mulf %get3A_994, %mul3A_996 : vector<16xf32>
        %swap3A_998 = arith.index_cast %scan3A_955 : i32 to index
        %swap3A_999 = arith.constant 48 : index
        %swap3A_1000 = tpu.vector_load %arg8[%swap3A_998, %swap3A_999] {strides = array<i32>} : memref<128x128xf32, #tpu.memory_space<vmem>>, vector<1x16xf32>,
        %swap3A_1001 = vector.shape_cast %swap3A_1000 : vector<1x16xf32> to vector<16xf32>
        %swap3A_1002 = vector.shape_cast %mul3A_997 : vector<16xf32> to vector<1x16xf32>
        tpu.vector_store %arg8[%swap3A_998, %swap3A_999], %swap3A_1002 {strides = array<i32>} : memref<128x128xf32, #tpu.memory_space<vmem>>, vector<1x16xf32>,
        %get3A_1003 = arith.index_cast %scan3A_955 : i32 to index
        %get3A_1004 = arith.constant 64 : index
        %get3A_1005 = tpu.vector_load %arg8[%get3A_1003, %get3A_1004] {strides = array<i32>} : memref<128x128xf32, #tpu.memory_space<vmem>>, vector<1x16xf32>,
        %get3A_1006 = vector.shape_cast %get3A_1005 : vector<1x16xf32> to vector<16xf32>
        %mul3A_1007 = arith.constant 11.3137083 : f32
        %mul3A_1008 = vector.broadcast %mul3A_1007 : f32 to vector<16xf32>
        %mul3A_1009 = arith.mulf %get3A_1006, %mul3A_1008 : vector<16xf32>
        %swap3A_1010 = arith.index_cast %scan3A_955 : i32 to index
        %swap3A_1011 = arith.constant 64 : index
        %swap3A_1012 = tpu.vector_load %arg8[%swap3A_1010, %swap3A_1011] {strides = array<i32>} : memref<128x128xf32, #tpu.memory_space<vmem>>, vector<1x16xf32>,
        %swap3A_1013 = vector.shape_cast %swap3A_1012 : vector<1x16xf32> to vector<16xf32>
        %swap3A_1014 = vector.shape_cast %mul3A_1009 : vector<16xf32> to vector<1x16xf32>
        tpu.vector_store %arg8[%swap3A_1010, %swap3A_1011], %swap3A_1014 {strides = array<i32>} : memref<128x128xf32, #tpu.memory_space<vmem>>, vector<1x16xf32>,
        %get3A_1015 = arith.index_cast %scan3A_955 : i32 to index
        %get3A_1016 = arith.constant 80 : index
        %get3A_1017 = tpu.vector_load %arg8[%get3A_1015, %get3A_1016] {strides = array<i32>} : memref<128x128xf32, #tpu.memory_space<vmem>>, vector<1x16xf32>,
        %get3A_1018 = vector.shape_cast %get3A_1017 : vector<1x16xf32> to vector<16xf32>
        %mul3A_1019 = arith.constant 11.3137083 : f32
        %mul3A_1020 = vector.broadcast %mul3A_1019 : f32 to vector<16xf32>
        %mul3A_1021 = arith.mulf %get3A_1018, %mul3A_1020 : vector<16xf32>
        %swap3A_1022 = arith.index_cast %scan3A_955 : i32 to index
        %swap3A_1023 = arith.constant 80 : index
        %swap3A_1024 = tpu.vector_load %arg8[%swap3A_1022, %swap3A_1023] {strides = array<i32>} : memref<128x128xf32, #tpu.memory_space<vmem>>, vector<1x16xf32>,
        %swap3A_1025 = vector.shape_cast %swap3A_1024 : vector<1x16xf32> to vector<16xf32>
        %swap3A_1026 = vector.shape_cast %mul3A_1021 : vector<16xf32> to vector<1x16xf32>
        tpu.vector_store %arg8[%swap3A_1022, %swap3A_1023], %swap3A_1026 {strides = array<i32>} : memref<128x128xf32, #tpu.memory_space<vmem>>, vector<1x16xf32>,
        %get3A_1027 = arith.index_cast %scan3A_955 : i32 to index
        %get3A_1028 = arith.constant 96 : index
        %get3A_1029 = tpu.vector_load %arg8[%get3A_1027, %get3A_1028] {strides = array<i32>} : memref<128x128xf32, #tpu.memory_space<vmem>>, vector<1x16xf32>,
        %get3A_1030 = vector.shape_cast %get3A_1029 : vector<1x16xf32> to vector<16xf32>
        %mul3A_1031 = arith.constant 11.3137083 : f32
        %mul3A_1032 = vector.broadcast %mul3A_1031 : f32 to vector<16xf32>
        %mul3A_1033 = arith.mulf %get3A_1030, %mul3A_1032 : vector<16xf32>
        %swap3A_1034 = arith.index_cast %scan3A_955 : i32 to index
        %swap3A_1035 = arith.constant 96 : index
        %swap3A_1036 = tpu.vector_load %arg8[%swap3A_1034, %swap3A_1035] {strides = array<i32>} : memref<128x128xf32, #tpu.memory_space<vmem>>, vector<1x16xf32>,
        %swap3A_1037 = vector.shape_cast %swap3A_1036 : vector<1x16xf32> to vector<16xf32>
        %swap3A_1038 = vector.shape_cast %mul3A_1033 : vector<16xf32> to vector<1x16xf32>
        tpu.vector_store %arg8[%swap3A_1034, %swap3A_1035], %swap3A_1038 {strides = array<i32>} : memref<128x128xf32, #tpu.memory_space<vmem>>, vector<1x16xf32>,
        %get3A_1039 = arith.index_cast %scan3A_955 : i32 to index
        %get3A_1040 = arith.constant 112 : index
        %get3A_1041 = tpu.vector_load %arg8[%get3A_1039, %get3A_1040] {strides = array<i32>} : memref<128x128xf32, #tpu.memory_space<vmem>>, vector<1x16xf32>,
        %get3A_1042 = vector.shape_cast %get3A_1041 : vector<1x16xf32> to vector<16xf32>
        %mul3A_1043 = arith.constant 11.3137083 : f32
        %mul3A_1044 = vector.broadcast %mul3A_1043 : f32 to vector<16xf32>
        %mul3A_1045 = arith.mulf %get3A_1042, %mul3A_1044 : vector<16xf32>
        %swap3A_1046 = arith.index_cast %scan3A_955 : i32 to index
        %swap3A_1047 = arith.constant 112 : index
        %swap3A_1048 = tpu.vector_load %arg8[%swap3A_1046, %swap3A_1047] {strides = array<i32>} : memref<128x128xf32, #tpu.memory_space<vmem>>, vector<1x16xf32>,
        %swap3A_1049 = vector.shape_cast %swap3A_1048 : vector<1x16xf32> to vector<16xf32>
        %swap3A_1050 = vector.shape_cast %mul3A_1045 : vector<16xf32> to vector<1x16xf32>
        tpu.vector_store %arg8[%swap3A_1046, %swap3A_1047], %swap3A_1050 {strides = array<i32>} : memref<128x128xf32, #tpu.memory_space<vmem>>, vector<1x16xf32>,
        %scan3A_1051 = arith.constant 0 : i32
        scf.yield %scan3A_1051 : i32
      }
      %scan3A_806 = arith.constant 128 : i32
      %dma_start3A_807 = arith.constant 0 : i32
      %dma_start3A_808 = tpu.memref_slice %arg4[%add3A_793, %mul3A_2, %dma_start3A_807] : memref<50x4096x128xf32, #tpu.memory_space<hbm>> -> memref<1x128x128xf32, #tpu.memory_space<hbm>>
      %dma_start3A_809 = tpu.memref_squeeze %dma_start3A_808 : memref<1x128x128xf32, #tpu.memory_space<hbm>> -> memref<128x128xf32, #tpu.memory_space<hbm>>
      %dma_start3A_810 = arith.constant 0 : i32
      %dma_start3A_811 = tpu.memref_slice %arg4[%add3A_793, %mul3A_2, %dma_start3A_810] : memref<50x4096x128xf32, #tpu.memory_space<hbm>> -> memref<1x128x128xf32, #tpu.memory_space<hbm>>
      %dma_start3A_812 = tpu.memref_squeeze %dma_start3A_811 : memref<1x128x128xf32, #tpu.memory_space<hbm>> -> memref<128x128xf32, #tpu.memory_space<hbm>>
      tpu.enqueue_dma source(%arg8 : memref<128x128xf32, #tpu.memory_space<vmem>>) target(%dma_start3A_812 : memref<128x128xf32, #tpu.memory_space<hbm>>) target_semaphore(%arg14 : memref<!tpu.dma_semaphore, #tpu.memory_space<semaphore_mem>>)
      %sub3A_813 = arith.constant 1 : i32
      %sub3A_814 = arith.subi %add3A_793, %sub3A_813 : i32
      %dma_wait3A_815 = arith.constant 0 : i32
      %dma_wait3A_816 = tpu.memref_slice %arg4[%sub3A_814, %mul3A_2, %dma_wait3A_815] : memref<50x4096x128xf32, #tpu.memory_space<hbm>> -> memref<1x128x128xf32, #tpu.memory_space<hbm>>
      %dma_wait3A_817 = tpu.memref_squeeze %dma_wait3A_816 : memref<1x128x128xf32, #tpu.memory_space<hbm>> -> memref<128x128xf32, #tpu.memory_space<hbm>>
      %dma_wait3A_818 = arith.constant 0 : i32
      %dma_wait3A_819 = tpu.memref_slice %arg4[%sub3A_814, %mul3A_2, %dma_wait3A_818] : memref<50x4096x128xf32, #tpu.memory_space<hbm>> -> memref<1x128x128xf32, #tpu.memory_space<hbm>>
      %dma_wait3A_820 = tpu.memref_squeeze %dma_wait3A_819 : memref<1x128x128xf32, #tpu.memory_space<hbm>> -> memref<128x128xf32, #tpu.memory_space<hbm>>
      tpu.wait_dma2 semaphore(%arg13 : memref<!tpu.dma_semaphore, #tpu.memory_space<semaphore_mem>>) src(%arg7 : memref<128x128xf32, #tpu.memory_space<vmem>>) dst(%dma_wait3A_820 : memref<128x128xf32, #tpu.memory_space<hbm>>)
      %add3A_821 = arith.constant 6 : i32
      %add3A_822 = arith.addi %add3A_793, %add3A_821 : i32
      %sub3A_823 = arith.constant 1 : i32
      %sub3A_824 = arith.subi %add3A_822, %sub3A_823 : i32
      %dma_start3A_825 = arith.constant 0 : i32
      %dma_start3A_826 = tpu.memref_slice %arg5[%sub3A_824, %dma_start3A_825] : memref<50x128xi32, #tpu.memory_space<vmem>> -> memref<1x128xi32, #tpu.memory_space<vmem>>
      %dma_start3A_827 = tpu.memref_squeeze %dma_start3A_826 : memref<1x128xi32, #tpu.memory_space<vmem>> -> memref<128xi32, #tpu.memory_space<vmem>>
      %dma_start3A_828 = arith.constant 0 : i32
      %dma_start3A_829 = arith.constant 0 : i32
      %dma_start3A_830 = tpu.memref_slice %arg3[%dma_start3A_828, %dma_start3A_829] : memref<100000x128xf32, #tpu.memory_space<hbm>> -> memref<100000x128xf32, #tpu.memory_space<hbm>>
      tpu.enqueue_indirect_dma source(%dma_start3A_830 : memref<100000x128xf32, #tpu.memory_space<hbm>>) target(%arg7 : memref<128x128xf32, #tpu.memory_space<vmem>>) offsets(%dma_start3A_827 : memref<128xi32, #tpu.memory_space<vmem>>) semaphore(%arg13 : memref<!tpu.dma_semaphore, #tpu.memory_space<semaphore_mem>>)
      %mul3A_831 = arith.constant 6 : i32
      %mul3A_832 = arith.muli %mul3A_831, %scan3A_707 : i32
      %add3A_833 = arith.constant 3 : i32
      %add3A_834 = arith.addi %mul3A_832, %add3A_833 : i32
      %dma_wait3A_835 = arith.constant 0 : i32
      %dma_wait3A_836 = tpu.memref_slice %arg5[%add3A_834, %dma_wait3A_835] : memref<50x128xi32, #tpu.memory_space<vmem>> -> memref<1x128xi32, #tpu.memory_space<vmem>>
      %dma_wait3A_837 = tpu.memref_squeeze %dma_wait3A_836 : memref<1x128xi32, #tpu.memory_space<vmem>> -> memref<128xi32, #tpu.memory_space<vmem>>
      %dma_wait3A_838 = arith.constant 0 : i32
      %dma_wait3A_839 = arith.constant 0 : i32
      %dma_wait3A_840 = tpu.memref_slice %arg3[%dma_wait3A_838, %dma_wait3A_839] : memref<100000x128xf32, #tpu.memory_space<hbm>> -> memref<100000x128xf32, #tpu.memory_space<hbm>>
      tpu.wait_indirect_dma semaphore(%arg15 : memref<!tpu.dma_semaphore, #tpu.memory_space<semaphore_mem>>) src(%dma_wait3A_840 : memref<100000x128xf32, #tpu.memory_space<hbm>>) dst(%arg9 : memref<128x128xf32, #tpu.memory_space<vmem>>)
      %scan3A_841 = arith.constant 0 : i32
      %scan3A_842 = arith.constant 0 : i32
      %scan3A_843 = arith.constant 128 : i32
      %scan3A_844 = arith.addi %scan3A_842, %scan3A_843 : i32
      %scan3A_845 = arith.constant 1 : i32
      %scan3A_846 = scf.for %scan3A_955 = %scan3A_842 to %scan3A_844 step %scan3A_845 iter_args(%scan3A_956 = %scan3A_841) -> (i32)  : i32 {
        %get3A = arith.index_cast %scan3A_955 : i32 to index
        %get3A_957 = arith.constant 0 : index
        %get3A_958 = tpu.vector_load %arg9[%get3A, %get3A_957] {strides = array<i32>} : memref<128x128xf32, #tpu.memory_space<vmem>>, vector<1x16xf32>,
        %get3A_959 = vector.shape_cast %get3A_958 : vector<1x16xf32> to vector<16xf32>
        %mul3A_960 = arith.constant 11.3137083 : f32
        %mul3A_961 = vector.broadcast %mul3A_960 : f32 to vector<16xf32>
        %mul3A_962 = arith.mulf %get3A_959, %mul3A_961 : vector<16xf32>
        %swap3A = arith.index_cast %scan3A_955 : i32 to index
        %swap3A_963 = arith.constant 0 : index
        %swap3A_964 = tpu.vector_load %arg9[%swap3A, %swap3A_963] {strides = array<i32>} : memref<128x128xf32, #tpu.memory_space<vmem>>, vector<1x16xf32>,
        %swap3A_965 = vector.shape_cast %swap3A_964 : vector<1x16xf32> to vector<16xf32>
        %swap3A_966 = vector.shape_cast %mul3A_962 : vector<16xf32> to vector<1x16xf32>
        tpu.vector_store %arg9[%swap3A, %swap3A_963], %swap3A_966 {strides = array<i32>} : memref<128x128xf32, #tpu.memory_space<vmem>>, vector<1x16xf32>,
        %get3A_967 = arith.index_cast %scan3A_955 : i32 to index
        %get3A_968 = arith.constant 16 : index
        %get3A_969 = tpu.vector_load %arg9[%get3A_967, %get3A_968] {strides = array<i32>} : memref<128x128xf32, #tpu.memory_space<vmem>>, vector<1x16xf32>,
        %get3A_970 = vector.shape_cast %get3A_969 : vector<1x16xf32> to vector<16xf32>
        %mul3A_971 = arith.constant 11.3137083 : f32
        %mul3A_972 = vector.broadcast %mul3A_971 : f32 to vector<16xf32>
        %mul3A_973 = arith.mulf %get3A_970, %mul3A_972 : vector<16xf32>
        %swap3A_974 = arith.index_cast %scan3A_955 : i32 to index
        %swap3A_975 = arith.constant 16 : index
        %swap3A_976 = tpu.vector_load %arg9[%swap3A_974, %swap3A_975] {strides = array<i32>} : memref<128x128xf32, #tpu.memory_space<vmem>>, vector<1x16xf32>,
        %swap3A_977 = vector.shape_cast %swap3A_976 : vector<1x16xf32> to vector<16xf32>
        %swap3A_978 = vector.shape_cast %mul3A_973 : vector<16xf32> to vector<1x16xf32>
        tpu.vector_store %arg9[%swap3A_974, %swap3A_975], %swap3A_978 {strides = array<i32>} : memref<128x128xf32, #tpu.memory_space<vmem>>, vector<1x16xf32>,
        %get3A_979 = arith.index_cast %scan3A_955 : i32 to index
        %get3A_980 = arith.constant 32 : index
        %get3A_981 = tpu.vector_load %arg9[%get3A_979, %get3A_980] {strides = array<i32>} : memref<128x128xf32, #tpu.memory_space<vmem>>, vector<1x16xf32>,
        %get3A_982 = vector.shape_cast %get3A_981 : vector<1x16xf32> to vector<16xf32>
        %mul3A_983 = arith.constant 11.3137083 : f32
        %mul3A_984 = vector.broadcast %mul3A_983 : f32 to vector<16xf32>
        %mul3A_985 = arith.mulf %get3A_982, %mul3A_984 : vector<16xf32>
        %swap3A_986 = arith.index_cast %scan3A_955 : i32 to index
        %swap3A_987 = arith.constant 32 : index
        %swap3A_988 = tpu.vector_load %arg9[%swap3A_986, %swap3A_987] {strides = array<i32>} : memref<128x128xf32, #tpu.memory_space<vmem>>, vector<1x16xf32>,
        %swap3A_989 = vector.shape_cast %swap3A_988 : vector<1x16xf32> to vector<16xf32>
        %swap3A_990 = vector.shape_cast %mul3A_985 : vector<16xf32> to vector<1x16xf32>
        tpu.vector_store %arg9[%swap3A_986, %swap3A_987], %swap3A_990 {strides = array<i32>} : memref<128x128xf32, #tpu.memory_space<vmem>>, vector<1x16xf32>,
        %get3A_991 = arith.index_cast %scan3A_955 : i32 to index
        %get3A_992 = arith.constant 48 : index
        %get3A_993 = tpu.vector_load %arg9[%get3A_991, %get3A_992] {strides = array<i32>} : memref<128x128xf32, #tpu.memory_space<vmem>>, vector<1x16xf32>,
        %get3A_994 = vector.shape_cast %get3A_993 : vector<1x16xf32> to vector<16xf32>
        %mul3A_995 = arith.constant 11.3137083 : f32
        %mul3A_996 = vector.broadcast %mul3A_995 : f32 to vector<16xf32>
        %mul3A_997 = arith.mulf %get3A_994, %mul3A_996 : vector<16xf32>
        %swap3A_998 = arith.index_cast %scan3A_955 : i32 to index
        %swap3A_999 = arith.constant 48 : index
        %swap3A_1000 = tpu.vector_load %arg9[%swap3A_998, %swap3A_999] {strides = array<i32>} : memref<128x128xf32, #tpu.memory_space<vmem>>, vector<1x16xf32>,
        %swap3A_1001 = vector.shape_cast %swap3A_1000 : vector<1x16xf32> to vector<16xf32>
        %swap3A_1002 = vector.shape_cast %mul3A_997 : vector<16xf32> to vector<1x16xf32>
        tpu.vector_store %arg9[%swap3A_998, %swap3A_999], %swap3A_1002 {strides = array<i32>} : memref<128x128xf32, #tpu.memory_space<vmem>>, vector<1x16xf32>,
        %get3A_1003 = arith.index_cast %scan3A_955 : i32 to index
        %get3A_1004 = arith.constant 64 : index
        %get3A_1005 = tpu.vector_load %arg9[%get3A_1003, %get3A_1004] {strides = array<i32>} : memref<128x128xf32, #tpu.memory_space<vmem>>, vector<1x16xf32>,
        %get3A_1006 = vector.shape_cast %get3A_1005 : vector<1x16xf32> to vector<16xf32>
        %mul3A_1007 = arith.constant 11.3137083 : f32
        %mul3A_1008 = vector.broadcast %mul3A_1007 : f32 to vector<16xf32>
        %mul3A_1009 = arith.mulf %get3A_1006, %mul3A_1008 : vector<16xf32>
        %swap3A_1010 = arith.index_cast %scan3A_955 : i32 to index
        %swap3A_1011 = arith.constant 64 : index
        %swap3A_1012 = tpu.vector_load %arg9[%swap3A_1010, %swap3A_1011] {strides = array<i32>} : memref<128x128xf32, #tpu.memory_space<vmem>>, vector<1x16xf32>,
        %swap3A_1013 = vector.shape_cast %swap3A_1012 : vector<1x16xf32> to vector<16xf32>
        %swap3A_1014 = vector.shape_cast %mul3A_1009 : vector<16xf32> to vector<1x16xf32>
        tpu.vector_store %arg9[%swap3A_1010, %swap3A_1011], %swap3A_1014 {strides = array<i32>} : memref<128x128xf32, #tpu.memory_space<vmem>>, vector<1x16xf32>,
        %get3A_1015 = arith.index_cast %scan3A_955 : i32 to index
        %get3A_1016 = arith.constant 80 : index
        %get3A_1017 = tpu.vector_load %arg9[%get3A_1015, %get3A_1016] {strides = array<i32>} : memref<128x128xf32, #tpu.memory_space<vmem>>, vector<1x16xf32>,
        %get3A_1018 = vector.shape_cast %get3A_1017 : vector<1x16xf32> to vector<16xf32>
        %mul3A_1019 = arith.constant 11.3137083 : f32
        %mul3A_1020 = vector.broadcast %mul3A_1019 : f32 to vector<16xf32>
        %mul3A_1021 = arith.mulf %get3A_1018, %mul3A_1020 : vector<16xf32>
        %swap3A_1022 = arith.index_cast %scan3A_955 : i32 to index
        %swap3A_1023 = arith.constant 80 : index
        %swap3A_1024 = tpu.vector_load %arg9[%swap3A_1022, %swap3A_1023] {strides = array<i32>} : memref<128x128xf32, #tpu.memory_space<vmem>>, vector<1x16xf32>,
        %swap3A_1025 = vector.shape_cast %swap3A_1024 : vector<1x16xf32> to vector<16xf32>
        %swap3A_1026 = vector.shape_cast %mul3A_1021 : vector<16xf32> to vector<1x16xf32>
        tpu.vector_store %arg9[%swap3A_1022, %swap3A_1023], %swap3A_1026 {strides = array<i32>} : memref<128x128xf32, #tpu.memory_space<vmem>>, vector<1x16xf32>,
        %get3A_1027 = arith.index_cast %scan3A_955 : i32 to index
        %get3A_1028 = arith.constant 96 : index
        %get3A_1029 = tpu.vector_load %arg9[%get3A_1027, %get3A_1028] {strides = array<i32>} : memref<128x128xf32, #tpu.memory_space<vmem>>, vector<1x16xf32>,
        %get3A_1030 = vector.shape_cast %get3A_1029 : vector<1x16xf32> to vector<16xf32>
        %mul3A_1031 = arith.constant 11.3137083 : f32
        %mul3A_1032 = vector.broadcast %mul3A_1031 : f32 to vector<16xf32>
        %mul3A_1033 = arith.mulf %get3A_1030, %mul3A_1032 : vector<16xf32>
        %swap3A_1034 = arith.index_cast %scan3A_955 : i32 to index
        %swap3A_1035 = arith.constant 96 : index
        %swap3A_1036 = tpu.vector_load %arg9[%swap3A_1034, %swap3A_1035] {strides = array<i32>} : memref<128x128xf32, #tpu.memory_space<vmem>>, vector<1x16xf32>,
        %swap3A_1037 = vector.shape_cast %swap3A_1036 : vector<1x16xf32> to vector<16xf32>
        %swap3A_1038 = vector.shape_cast %mul3A_1033 : vector<16xf32> to vector<1x16xf32>
        tpu.vector_store %arg9[%swap3A_1034, %swap3A_1035], %swap3A_1038 {strides = array<i32>} : memref<128x128xf32, #tpu.memory_space<vmem>>, vector<1x16xf32>,
        %get3A_1039 = arith.index_cast %scan3A_955 : i32 to index
        %get3A_1040 = arith.constant 112 : index
        %get3A_1041 = tpu.vector_load %arg9[%get3A_1039, %get3A_1040] {strides = array<i32>} : memref<128x128xf32, #tpu.memory_space<vmem>>, vector<1x16xf32>,
        %get3A_1042 = vector.shape_cast %get3A_1041 : vector<1x16xf32> to vector<16xf32>
        %mul3A_1043 = arith.constant 11.3137083 : f32
        %mul3A_1044 = vector.broadcast %mul3A_1043 : f32 to vector<16xf32>
        %mul3A_1045 = arith.mulf %get3A_1042, %mul3A_1044 : vector<16xf32>
        %swap3A_1046 = arith.index_cast %scan3A_955 : i32 to index
        %swap3A_1047 = arith.constant 112 : index
        %swap3A_1048 = tpu.vector_load %arg9[%swap3A_1046, %swap3A_1047] {strides = array<i32>} : memref<128x128xf32, #tpu.memory_space<vmem>>, vector<1x16xf32>,
        %swap3A_1049 = vector.shape_cast %swap3A_1048 : vector<1x16xf32> to vector<16xf32>
        %swap3A_1050 = vector.shape_cast %mul3A_1045 : vector<16xf32> to vector<1x16xf32>
        tpu.vector_store %arg9[%swap3A_1046, %swap3A_1047], %swap3A_1050 {strides = array<i32>} : memref<128x128xf32, #tpu.memory_space<vmem>>, vector<1x16xf32>,
        %scan3A_1051 = arith.constant 0 : i32
        scf.yield %scan3A_1051 : i32
      }
      %scan3A_847 = arith.constant 128 : i32
      %dma_start3A_848 = arith.constant 0 : i32
      %dma_start3A_849 = tpu.memref_slice %arg4[%add3A_834, %mul3A_2, %dma_start3A_848] : memref<50x4096x128xf32, #tpu.memory_space<hbm>> -> memref<1x128x128xf32, #tpu.memory_space<hbm>>
      %dma_start3A_850 = tpu.memref_squeeze %dma_start3A_849 : memref<1x128x128xf32, #tpu.memory_space<hbm>> -> memref<128x128xf32, #tpu.memory_space<hbm>>
      %dma_start3A_851 = arith.constant 0 : i32
      %dma_start3A_852 = tpu.memref_slice %arg4[%add3A_834, %mul3A_2, %dma_start3A_851] : memref<50x4096x128xf32, #tpu.memory_space<hbm>> -> memref<1x128x128xf32, #tpu.memory_space<hbm>>
      %dma_start3A_853 = tpu.memref_squeeze %dma_start3A_852 : memref<1x128x128xf32, #tpu.memory_space<hbm>> -> memref<128x128xf32, #tpu.memory_space<hbm>>
      tpu.enqueue_dma source(%arg9 : memref<128x128xf32, #tpu.memory_space<vmem>>) target(%dma_start3A_853 : memref<128x128xf32, #tpu.memory_space<hbm>>) target_semaphore(%arg15 : memref<!tpu.dma_semaphore, #tpu.memory_space<semaphore_mem>>)
      %sub3A_854 = arith.constant 1 : i32
      %sub3A_855 = arith.subi %add3A_834, %sub3A_854 : i32
      %dma_wait3A_856 = arith.constant 0 : i32
      %dma_wait3A_857 = tpu.memref_slice %arg4[%sub3A_855, %mul3A_2, %dma_wait3A_856] : memref<50x4096x128xf32, #tpu.memory_space<hbm>> -> memref<1x128x128xf32, #tpu.memory_space<hbm>>
      %dma_wait3A_858 = tpu.memref_squeeze %dma_wait3A_857 : memref<1x128x128xf32, #tpu.memory_space<hbm>> -> memref<128x128xf32, #tpu.memory_space<hbm>>
      %dma_wait3A_859 = arith.constant 0 : i32
      %dma_wait3A_860 = tpu.memref_slice %arg4[%sub3A_855, %mul3A_2, %dma_wait3A_859] : memref<50x4096x128xf32, #tpu.memory_space<hbm>> -> memref<1x128x128xf32, #tpu.memory_space<hbm>>
      %dma_wait3A_861 = tpu.memref_squeeze %dma_wait3A_860 : memref<1x128x128xf32, #tpu.memory_space<hbm>> -> memref<128x128xf32, #tpu.memory_space<hbm>>
      tpu.wait_dma2 semaphore(%arg14 : memref<!tpu.dma_semaphore, #tpu.memory_space<semaphore_mem>>) src(%arg8 : memref<128x128xf32, #tpu.memory_space<vmem>>) dst(%dma_wait3A_861 : memref<128x128xf32, #tpu.memory_space<hbm>>)
      %add3A_862 = arith.constant 6 : i32
      %add3A_863 = arith.addi %add3A_834, %add3A_862 : i32
      %sub3A_864 = arith.constant 1 : i32
      %sub3A_865 = arith.subi %add3A_863, %sub3A_864 : i32
      %dma_start3A_866 = arith.constant 0 : i32
      %dma_start3A_867 = tpu.memref_slice %arg5[%sub3A_865, %dma_start3A_866] : memref<50x128xi32, #tpu.memory_space<vmem>> -> memref<1x128xi32, #tpu.memory_space<vmem>>
      %dma_start3A_868 = tpu.memref_squeeze %dma_start3A_867 : memref<1x128xi32, #tpu.memory_space<vmem>> -> memref<128xi32, #tpu.memory_space<vmem>>
      %dma_start3A_869 = arith.constant 0 : i32
      %dma_start3A_870 = arith.constant 0 : i32
      %dma_start3A_871 = tpu.memref_slice %arg3[%dma_start3A_869, %dma_start3A_870] : memref<100000x128xf32, #tpu.memory_space<hbm>> -> memref<100000x128xf32, #tpu.memory_space<hbm>>
      tpu.enqueue_indirect_dma source(%dma_start3A_871 : memref<100000x128xf32, #tpu.memory_space<hbm>>) target(%arg8 : memref<128x128xf32, #tpu.memory_space<vmem>>) offsets(%dma_start3A_868 : memref<128xi32, #tpu.memory_space<vmem>>) semaphore(%arg14 : memref<!tpu.dma_semaphore, #tpu.memory_space<semaphore_mem>>)
      %mul3A_872 = arith.constant 6 : i32
      %mul3A_873 = arith.muli %mul3A_872, %scan3A_707 : i32
      %add3A_874 = arith.constant 4 : i32
      %add3A_875 = arith.addi %mul3A_873, %add3A_874 : i32
      %dma_wait3A_876 = arith.constant 0 : i32
      %dma_wait3A_877 = tpu.memref_slice %arg5[%add3A_875, %dma_wait3A_876] : memref<50x128xi32, #tpu.memory_space<vmem>> -> memref<1x128xi32, #tpu.memory_space<vmem>>
      %dma_wait3A_878 = tpu.memref_squeeze %dma_wait3A_877 : memref<1x128xi32, #tpu.memory_space<vmem>> -> memref<128xi32, #tpu.memory_space<vmem>>
      %dma_wait3A_879 = arith.constant 0 : i32
      %dma_wait3A_880 = arith.constant 0 : i32
      %dma_wait3A_881 = tpu.memref_slice %arg3[%dma_wait3A_879, %dma_wait3A_880] : memref<100000x128xf32, #tpu.memory_space<hbm>> -> memref<100000x128xf32, #tpu.memory_space<hbm>>
      tpu.wait_indirect_dma semaphore(%arg16 : memref<!tpu.dma_semaphore, #tpu.memory_space<semaphore_mem>>) src(%dma_wait3A_881 : memref<100000x128xf32, #tpu.memory_space<hbm>>) dst(%arg10 : memref<128x128xf32, #tpu.memory_space<vmem>>)
      %scan3A_882 = arith.constant 0 : i32
      %scan3A_883 = arith.constant 0 : i32
      %scan3A_884 = arith.constant 128 : i32
      %scan3A_885 = arith.addi %scan3A_883, %scan3A_884 : i32
      %scan3A_886 = arith.constant 1 : i32
      %scan3A_887 = scf.for %scan3A_955 = %scan3A_883 to %scan3A_885 step %scan3A_886 iter_args(%scan3A_956 = %scan3A_882) -> (i32)  : i32 {
        %get3A = arith.index_cast %scan3A_955 : i32 to index
        %get3A_957 = arith.constant 0 : index
        %get3A_958 = tpu.vector_load %arg10[%get3A, %get3A_957] {strides = array<i32>} : memref<128x128xf32, #tpu.memory_space<vmem>>, vector<1x16xf32>,
        %get3A_959 = vector.shape_cast %get3A_958 : vector<1x16xf32> to vector<16xf32>
        %mul3A_960 = arith.constant 11.3137083 : f32
        %mul3A_961 = vector.broadcast %mul3A_960 : f32 to vector<16xf32>
        %mul3A_962 = arith.mulf %get3A_959, %mul3A_961 : vector<16xf32>
        %swap3A = arith.index_cast %scan3A_955 : i32 to index
        %swap3A_963 = arith.constant 0 : index
        %swap3A_964 = tpu.vector_load %arg10[%swap3A, %swap3A_963] {strides = array<i32>} : memref<128x128xf32, #tpu.memory_space<vmem>>, vector<1x16xf32>,
        %swap3A_965 = vector.shape_cast %swap3A_964 : vector<1x16xf32> to vector<16xf32>
        %swap3A_966 = vector.shape_cast %mul3A_962 : vector<16xf32> to vector<1x16xf32>
        tpu.vector_store %arg10[%swap3A, %swap3A_963], %swap3A_966 {strides = array<i32>} : memref<128x128xf32, #tpu.memory_space<vmem>>, vector<1x16xf32>,
        %get3A_967 = arith.index_cast %scan3A_955 : i32 to index
        %get3A_968 = arith.constant 16 : index
        %get3A_969 = tpu.vector_load %arg10[%get3A_967, %get3A_968] {strides = array<i32>} : memref<128x128xf32, #tpu.memory_space<vmem>>, vector<1x16xf32>,
        %get3A_970 = vector.shape_cast %get3A_969 : vector<1x16xf32> to vector<16xf32>
        %mul3A_971 = arith.constant 11.3137083 : f32
        %mul3A_972 = vector.broadcast %mul3A_971 : f32 to vector<16xf32>
        %mul3A_973 = arith.mulf %get3A_970, %mul3A_972 : vector<16xf32>
        %swap3A_974 = arith.index_cast %scan3A_955 : i32 to index
        %swap3A_975 = arith.constant 16 : index
        %swap3A_976 = tpu.vector_load %arg10[%swap3A_974, %swap3A_975] {strides = array<i32>} : memref<128x128xf32, #tpu.memory_space<vmem>>, vector<1x16xf32>,
        %swap3A_977 = vector.shape_cast %swap3A_976 : vector<1x16xf32> to vector<16xf32>
        %swap3A_978 = vector.shape_cast %mul3A_973 : vector<16xf32> to vector<1x16xf32>
        tpu.vector_store %arg10[%swap3A_974, %swap3A_975], %swap3A_978 {strides = array<i32>} : memref<128x128xf32, #tpu.memory_space<vmem>>, vector<1x16xf32>,
        %get3A_979 = arith.index_cast %scan3A_955 : i32 to index
        %get3A_980 = arith.constant 32 : index
        %get3A_981 = tpu.vector_load %arg10[%get3A_979, %get3A_980] {strides = array<i32>} : memref<128x128xf32, #tpu.memory_space<vmem>>, vector<1x16xf32>,
        %get3A_982 = vector.shape_cast %get3A_981 : vector<1x16xf32> to vector<16xf32>
        %mul3A_983 = arith.constant 11.3137083 : f32
        %mul3A_984 = vector.broadcast %mul3A_983 : f32 to vector<16xf32>
        %mul3A_985 = arith.mulf %get3A_982, %mul3A_984 : vector<16xf32>
        %swap3A_986 = arith.index_cast %scan3A_955 : i32 to index
        %swap3A_987 = arith.constant 32 : index
        %swap3A_988 = tpu.vector_load %arg10[%swap3A_986, %swap3A_987] {strides = array<i32>} : memref<128x128xf32, #tpu.memory_space<vmem>>, vector<1x16xf32>,
        %swap3A_989 = vector.shape_cast %swap3A_988 : vector<1x16xf32> to vector<16xf32>
        %swap3A_990 = vector.shape_cast %mul3A_985 : vector<16xf32> to vector<1x16xf32>
        tpu.vector_store %arg10[%swap3A_986, %swap3A_987], %swap3A_990 {strides = array<i32>} : memref<128x128xf32, #tpu.memory_space<vmem>>, vector<1x16xf32>,
        %get3A_991 = arith.index_cast %scan3A_955 : i32 to index
        %get3A_992 = arith.constant 48 : index
        %get3A_993 = tpu.vector_load %arg10[%get3A_991, %get3A_992] {strides = array<i32>} : memref<128x128xf32, #tpu.memory_space<vmem>>, vector<1x16xf32>,
        %get3A_994 = vector.shape_cast %get3A_993 : vector<1x16xf32> to vector<16xf32>
        %mul3A_995 = arith.constant 11.3137083 : f32
        %mul3A_996 = vector.broadcast %mul3A_995 : f32 to vector<16xf32>
        %mul3A_997 = arith.mulf %get3A_994, %mul3A_996 : vector<16xf32>
        %swap3A_998 = arith.index_cast %scan3A_955 : i32 to index
        %swap3A_999 = arith.constant 48 : index
        %swap3A_1000 = tpu.vector_load %arg10[%swap3A_998, %swap3A_999] {strides = array<i32>} : memref<128x128xf32, #tpu.memory_space<vmem>>, vector<1x16xf32>,
        %swap3A_1001 = vector.shape_cast %swap3A_1000 : vector<1x16xf32> to vector<16xf32>
        %swap3A_1002 = vector.shape_cast %mul3A_997 : vector<16xf32> to vector<1x16xf32>
        tpu.vector_store %arg10[%swap3A_998, %swap3A_999], %swap3A_1002 {strides = array<i32>} : memref<128x128xf32, #tpu.memory_space<vmem>>, vector<1x16xf32>,
        %get3A_1003 = arith.index_cast %scan3A_955 : i32 to index
        %get3A_1004 = arith.constant 64 : index
        %get3A_1005 = tpu.vector_load %arg10[%get3A_1003, %get3A_1004] {strides = array<i32>} : memref<128x128xf32, #tpu.memory_space<vmem>>, vector<1x16xf32>,
        %get3A_1006 = vector.shape_cast %get3A_1005 : vector<1x16xf32> to vector<16xf32>
        %mul3A_1007 = arith.constant 11.3137083 : f32
        %mul3A_1008 = vector.broadcast %mul3A_1007 : f32 to vector<16xf32>
        %mul3A_1009 = arith.mulf %get3A_1006, %mul3A_1008 : vector<16xf32>
        %swap3A_1010 = arith.index_cast %scan3A_955 : i32 to index
        %swap3A_1011 = arith.constant 64 : index
        %swap3A_1012 = tpu.vector_load %arg10[%swap3A_1010, %swap3A_1011] {strides = array<i32>} : memref<128x128xf32, #tpu.memory_space<vmem>>, vector<1x16xf32>,
        %swap3A_1013 = vector.shape_cast %swap3A_1012 : vector<1x16xf32> to vector<16xf32>
        %swap3A_1014 = vector.shape_cast %mul3A_1009 : vector<16xf32> to vector<1x16xf32>
        tpu.vector_store %arg10[%swap3A_1010, %swap3A_1011], %swap3A_1014 {strides = array<i32>} : memref<128x128xf32, #tpu.memory_space<vmem>>, vector<1x16xf32>,
        %get3A_1015 = arith.index_cast %scan3A_955 : i32 to index
        %get3A_1016 = arith.constant 80 : index
        %get3A_1017 = tpu.vector_load %arg10[%get3A_1015, %get3A_1016] {strides = array<i32>} : memref<128x128xf32, #tpu.memory_space<vmem>>, vector<1x16xf32>,
        %get3A_1018 = vector.shape_cast %get3A_1017 : vector<1x16xf32> to vector<16xf32>
        %mul3A_1019 = arith.constant 11.3137083 : f32
        %mul3A_1020 = vector.broadcast %mul3A_1019 : f32 to vector<16xf32>
        %mul3A_1021 = arith.mulf %get3A_1018, %mul3A_1020 : vector<16xf32>
        %swap3A_1022 = arith.index_cast %scan3A_955 : i32 to index
        %swap3A_1023 = arith.constant 80 : index
        %swap3A_1024 = tpu.vector_load %arg10[%swap3A_1022, %swap3A_1023] {strides = array<i32>} : memref<128x128xf32, #tpu.memory_space<vmem>>, vector<1x16xf32>,
        %swap3A_1025 = vector.shape_cast %swap3A_1024 : vector<1x16xf32> to vector<16xf32>
        %swap3A_1026 = vector.shape_cast %mul3A_1021 : vector<16xf32> to vector<1x16xf32>
        tpu.vector_store %arg10[%swap3A_1022, %swap3A_1023], %swap3A_1026 {strides = array<i32>} : memref<128x128xf32, #tpu.memory_space<vmem>>, vector<1x16xf32>,
        %get3A_1027 = arith.index_cast %scan3A_955 : i32 to index
        %get3A_1028 = arith.constant 96 : index
        %get3A_1029 = tpu.vector_load %arg10[%get3A_1027, %get3A_1028] {strides = array<i32>} : memref<128x128xf32, #tpu.memory_space<vmem>>, vector<1x16xf32>,
        %get3A_1030 = vector.shape_cast %get3A_1029 : vector<1x16xf32> to vector<16xf32>
        %mul3A_1031 = arith.constant 11.3137083 : f32
        %mul3A_1032 = vector.broadcast %mul3A_1031 : f32 to vector<16xf32>
        %mul3A_1033 = arith.mulf %get3A_1030, %mul3A_1032 : vector<16xf32>
        %swap3A_1034 = arith.index_cast %scan3A_955 : i32 to index
        %swap3A_1035 = arith.constant 96 : index
        %swap3A_1036 = tpu.vector_load %arg10[%swap3A_1034, %swap3A_1035] {strides = array<i32>} : memref<128x128xf32, #tpu.memory_space<vmem>>, vector<1x16xf32>,
        %swap3A_1037 = vector.shape_cast %swap3A_1036 : vector<1x16xf32> to vector<16xf32>
        %swap3A_1038 = vector.shape_cast %mul3A_1033 : vector<16xf32> to vector<1x16xf32>
        tpu.vector_store %arg10[%swap3A_1034, %swap3A_1035], %swap3A_1038 {strides = array<i32>} : memref<128x128xf32, #tpu.memory_space<vmem>>, vector<1x16xf32>,
        %get3A_1039 = arith.index_cast %scan3A_955 : i32 to index
        %get3A_1040 = arith.constant 112 : index
        %get3A_1041 = tpu.vector_load %arg10[%get3A_1039, %get3A_1040] {strides = array<i32>} : memref<128x128xf32, #tpu.memory_space<vmem>>, vector<1x16xf32>,
        %get3A_1042 = vector.shape_cast %get3A_1041 : vector<1x16xf32> to vector<16xf32>
        %mul3A_1043 = arith.constant 11.3137083 : f32
        %mul3A_1044 = vector.broadcast %mul3A_1043 : f32 to vector<16xf32>
        %mul3A_1045 = arith.mulf %get3A_1042, %mul3A_1044 : vector<16xf32>
        %swap3A_1046 = arith.index_cast %scan3A_955 : i32 to index
        %swap3A_1047 = arith.constant 112 : index
        %swap3A_1048 = tpu.vector_load %arg10[%swap3A_1046, %swap3A_1047] {strides = array<i32>} : memref<128x128xf32, #tpu.memory_space<vmem>>, vector<1x16xf32>,
        %swap3A_1049 = vector.shape_cast %swap3A_1048 : vector<1x16xf32> to vector<16xf32>
        %swap3A_1050 = vector.shape_cast %mul3A_1045 : vector<16xf32> to vector<1x16xf32>
        tpu.vector_store %arg10[%swap3A_1046, %swap3A_1047], %swap3A_1050 {strides = array<i32>} : memref<128x128xf32, #tpu.memory_space<vmem>>, vector<1x16xf32>,
        %scan3A_1051 = arith.constant 0 : i32
        scf.yield %scan3A_1051 : i32
      }
      %scan3A_888 = arith.constant 128 : i32
      %dma_start3A_889 = arith.constant 0 : i32
      %dma_start3A_890 = tpu.memref_slice %arg4[%add3A_875, %mul3A_2, %dma_start3A_889] : memref<50x4096x128xf32, #tpu.memory_space<hbm>> -> memref<1x128x128xf32, #tpu.memory_space<hbm>>
      %dma_start3A_891 = tpu.memref_squeeze %dma_start3A_890 : memref<1x128x128xf32, #tpu.memory_space<hbm>> -> memref<128x128xf32, #tpu.memory_space<hbm>>
      %dma_start3A_892 = arith.constant 0 : i32
      %dma_start3A_893 = tpu.memref_slice %arg4[%add3A_875, %mul3A_2, %dma_start3A_892] : memref<50x4096x128xf32, #tpu.memory_space<hbm>> -> memref<1x128x128xf32, #tpu.memory_space<hbm>>
      %dma_start3A_894 = tpu.memref_squeeze %dma_start3A_893 : memref<1x128x128xf32, #tpu.memory_space<hbm>> -> memref<128x128xf32, #tpu.memory_space<hbm>>
      tpu.enqueue_dma source(%arg10 : memref<128x128xf32, #tpu.memory_space<vmem>>) target(%dma_start3A_894 : memref<128x128xf32, #tpu.memory_space<hbm>>) target_semaphore(%arg16 : memref<!tpu.dma_semaphore, #tpu.memory_space<semaphore_mem>>)
      %sub3A_895 = arith.constant 1 : i32
      %sub3A_896 = arith.subi %add3A_875, %sub3A_895 : i32
      %dma_wait3A_897 = arith.constant 0 : i32
      %dma_wait3A_898 = tpu.memref_slice %arg4[%sub3A_896, %mul3A_2, %dma_wait3A_897] : memref<50x4096x128xf32, #tpu.memory_space<hbm>> -> memref<1x128x128xf32, #tpu.memory_space<hbm>>
      %dma_wait3A_899 = tpu.memref_squeeze %dma_wait3A_898 : memref<1x128x128xf32, #tpu.memory_space<hbm>> -> memref<128x128xf32, #tpu.memory_space<hbm>>
      %dma_wait3A_900 = arith.constant 0 : i32
      %dma_wait3A_901 = tpu.memref_slice %arg4[%sub3A_896, %mul3A_2, %dma_wait3A_900] : memref<50x4096x128xf32, #tpu.memory_space<hbm>> -> memref<1x128x128xf32, #tpu.memory_space<hbm>>
      %dma_wait3A_902 = tpu.memref_squeeze %dma_wait3A_901 : memref<1x128x128xf32, #tpu.memory_space<hbm>> -> memref<128x128xf32, #tpu.memory_space<hbm>>
      tpu.wait_dma2 semaphore(%arg15 : memref<!tpu.dma_semaphore, #tpu.memory_space<semaphore_mem>>) src(%arg9 : memref<128x128xf32, #tpu.memory_space<vmem>>) dst(%dma_wait3A_902 : memref<128x128xf32, #tpu.memory_space<hbm>>)
      %add3A_903 = arith.constant 6 : i32
      %add3A_904 = arith.addi %add3A_875, %add3A_903 : i32
      %sub3A_905 = arith.constant 1 : i32
      %sub3A_906 = arith.subi %add3A_904, %sub3A_905 : i32
      %dma_start3A_907 = arith.constant 0 : i32
      %dma_start3A_908 = tpu.memref_slice %arg5[%sub3A_906, %dma_start3A_907] : memref<50x128xi32, #tpu.memory_space<vmem>> -> memref<1x128xi32, #tpu.memory_space<vmem>>
      %dma_start3A_909 = tpu.memref_squeeze %dma_start3A_908 : memref<1x128xi32, #tpu.memory_space<vmem>> -> memref<128xi32, #tpu.memory_space<vmem>>
      %dma_start3A_910 = arith.constant 0 : i32
      %dma_start3A_911 = arith.constant 0 : i32
      %dma_start3A_912 = tpu.memref_slice %arg3[%dma_start3A_910, %dma_start3A_911] : memref<100000x128xf32, #tpu.memory_space<hbm>> -> memref<100000x128xf32, #tpu.memory_space<hbm>>
      tpu.enqueue_indirect_dma source(%dma_start3A_912 : memref<100000x128xf32, #tpu.memory_space<hbm>>) target(%arg9 : memref<128x128xf32, #tpu.memory_space<vmem>>) offsets(%dma_start3A_909 : memref<128xi32, #tpu.memory_space<vmem>>) semaphore(%arg15 : memref<!tpu.dma_semaphore, #tpu.memory_space<semaphore_mem>>)
      %mul3A_913 = arith.constant 6 : i32
      %mul3A_914 = arith.muli %mul3A_913, %scan3A_707 : i32
      %add3A_915 = arith.constant 5 : i32
      %add3A_916 = arith.addi %mul3A_914, %add3A_915 : i32
      %dma_wait3A_917 = arith.constant 0 : i32
      %dma_wait3A_918 = tpu.memref_slice %arg5[%add3A_916, %dma_wait3A_917] : memref<50x128xi32, #tpu.memory_space<vmem>> -> memref<1x128xi32, #tpu.memory_space<vmem>>
      %dma_wait3A_919 = tpu.memref_squeeze %dma_wait3A_918 : memref<1x128xi32, #tpu.memory_space<vmem>> -> memref<128xi32, #tpu.memory_space<vmem>>
      %dma_wait3A_920 = arith.constant 0 : i32
      %dma_wait3A_921 = arith.constant 0 : i32
      %dma_wait3A_922 = tpu.memref_slice %arg3[%dma_wait3A_920, %dma_wait3A_921] : memref<100000x128xf32, #tpu.memory_space<hbm>> -> memref<100000x128xf32, #tpu.memory_space<hbm>>
      tpu.wait_indirect_dma semaphore(%arg17 : memref<!tpu.dma_semaphore, #tpu.memory_space<semaphore_mem>>) src(%dma_wait3A_922 : memref<100000x128xf32, #tpu.memory_space<hbm>>) dst(%arg11 : memref<128x128xf32, #tpu.memory_space<vmem>>)
      %scan3A_923 = arith.constant 0 : i32
      %scan3A_924 = arith.constant 0 : i32
      %scan3A_925 = arith.constant 128 : i32
      %scan3A_926 = arith.addi %scan3A_924, %scan3A_925 : i32
      %scan3A_927 = arith.constant 1 : i32
      %scan3A_928 = scf.for %scan3A_955 = %scan3A_924 to %scan3A_926 step %scan3A_927 iter_args(%scan3A_956 = %scan3A_923) -> (i32)  : i32 {
        %get3A = arith.index_cast %scan3A_955 : i32 to index
        %get3A_957 = arith.constant 0 : index
        %get3A_958 = tpu.vector_load %arg11[%get3A, %get3A_957] {strides = array<i32>} : memref<128x128xf32, #tpu.memory_space<vmem>>, vector<1x16xf32>,
        %get3A_959 = vector.shape_cast %get3A_958 : vector<1x16xf32> to vector<16xf32>
        %mul3A_960 = arith.constant 11.3137083 : f32
        %mul3A_961 = vector.broadcast %mul3A_960 : f32 to vector<16xf32>
        %mul3A_962 = arith.mulf %get3A_959, %mul3A_961 : vector<16xf32>
        %swap3A = arith.index_cast %scan3A_955 : i32 to index
        %swap3A_963 = arith.constant 0 : index
        %swap3A_964 = tpu.vector_load %arg11[%swap3A, %swap3A_963] {strides = array<i32>} : memref<128x128xf32, #tpu.memory_space<vmem>>, vector<1x16xf32>,
        %swap3A_965 = vector.shape_cast %swap3A_964 : vector<1x16xf32> to vector<16xf32>
        %swap3A_966 = vector.shape_cast %mul3A_962 : vector<16xf32> to vector<1x16xf32>
        tpu.vector_store %arg11[%swap3A, %swap3A_963], %swap3A_966 {strides = array<i32>} : memref<128x128xf32, #tpu.memory_space<vmem>>, vector<1x16xf32>,
        %get3A_967 = arith.index_cast %scan3A_955 : i32 to index
        %get3A_968 = arith.constant 16 : index
        %get3A_969 = tpu.vector_load %arg11[%get3A_967, %get3A_968] {strides = array<i32>} : memref<128x128xf32, #tpu.memory_space<vmem>>, vector<1x16xf32>,
        %get3A_970 = vector.shape_cast %get3A_969 : vector<1x16xf32> to vector<16xf32>
        %mul3A_971 = arith.constant 11.3137083 : f32
        %mul3A_972 = vector.broadcast %mul3A_971 : f32 to vector<16xf32>
        %mul3A_973 = arith.mulf %get3A_970, %mul3A_972 : vector<16xf32>
        %swap3A_974 = arith.index_cast %scan3A_955 : i32 to index
        %swap3A_975 = arith.constant 16 : index
        %swap3A_976 = tpu.vector_load %arg11[%swap3A_974, %swap3A_975] {strides = array<i32>} : memref<128x128xf32, #tpu.memory_space<vmem>>, vector<1x16xf32>,
        %swap3A_977 = vector.shape_cast %swap3A_976 : vector<1x16xf32> to vector<16xf32>
        %swap3A_978 = vector.shape_cast %mul3A_973 : vector<16xf32> to vector<1x16xf32>
        tpu.vector_store %arg11[%swap3A_974, %swap3A_975], %swap3A_978 {strides = array<i32>} : memref<128x128xf32, #tpu.memory_space<vmem>>, vector<1x16xf32>,
        %get3A_979 = arith.index_cast %scan3A_955 : i32 to index
        %get3A_980 = arith.constant 32 : index
        %get3A_981 = tpu.vector_load %arg11[%get3A_979, %get3A_980] {strides = array<i32>} : memref<128x128xf32, #tpu.memory_space<vmem>>, vector<1x16xf32>,
        %get3A_982 = vector.shape_cast %get3A_981 : vector<1x16xf32> to vector<16xf32>
        %mul3A_983 = arith.constant 11.3137083 : f32
        %mul3A_984 = vector.broadcast %mul3A_983 : f32 to vector<16xf32>
        %mul3A_985 = arith.mulf %get3A_982, %mul3A_984 : vector<16xf32>
        %swap3A_986 = arith.index_cast %scan3A_955 : i32 to index
        %swap3A_987 = arith.constant 32 : index
        %swap3A_988 = tpu.vector_load %arg11[%swap3A_986, %swap3A_987] {strides = array<i32>} : memref<128x128xf32, #tpu.memory_space<vmem>>, vector<1x16xf32>,
        %swap3A_989 = vector.shape_cast %swap3A_988 : vector<1x16xf32> to vector<16xf32>
        %swap3A_990 = vector.shape_cast %mul3A_985 : vector<16xf32> to vector<1x16xf32>
        tpu.vector_store %arg11[%swap3A_986, %swap3A_987], %swap3A_990 {strides = array<i32>} : memref<128x128xf32, #tpu.memory_space<vmem>>, vector<1x16xf32>,
        %get3A_991 = arith.index_cast %scan3A_955 : i32 to index
        %get3A_992 = arith.constant 48 : index
        %get3A_993 = tpu.vector_load %arg11[%get3A_991, %get3A_992] {strides = array<i32>} : memref<128x128xf32, #tpu.memory_space<vmem>>, vector<1x16xf32>,
        %get3A_994 = vector.shape_cast %get3A_993 : vector<1x16xf32> to vector<16xf32>
        %mul3A_995 = arith.constant 11.3137083 : f32
        %mul3A_996 = vector.broadcast %mul3A_995 : f32 to vector<16xf32>
        %mul3A_997 = arith.mulf %get3A_994, %mul3A_996 : vector<16xf32>
        %swap3A_998 = arith.index_cast %scan3A_955 : i32 to index
        %swap3A_999 = arith.constant 48 : index
        %swap3A_1000 = tpu.vector_load %arg11[%swap3A_998, %swap3A_999] {strides = array<i32>} : memref<128x128xf32, #tpu.memory_space<vmem>>, vector<1x16xf32>,
        %swap3A_1001 = vector.shape_cast %swap3A_1000 : vector<1x16xf32> to vector<16xf32>
        %swap3A_1002 = vector.shape_cast %mul3A_997 : vector<16xf32> to vector<1x16xf32>
        tpu.vector_store %arg11[%swap3A_998, %swap3A_999], %swap3A_1002 {strides = array<i32>} : memref<128x128xf32, #tpu.memory_space<vmem>>, vector<1x16xf32>,
        %get3A_1003 = arith.index_cast %scan3A_955 : i32 to index
        %get3A_1004 = arith.constant 64 : index
        %get3A_1005 = tpu.vector_load %arg11[%get3A_1003, %get3A_1004] {strides = array<i32>} : memref<128x128xf32, #tpu.memory_space<vmem>>, vector<1x16xf32>,
        %get3A_1006 = vector.shape_cast %get3A_1005 : vector<1x16xf32> to vector<16xf32>
        %mul3A_1007 = arith.constant 11.3137083 : f32
        %mul3A_1008 = vector.broadcast %mul3A_1007 : f32 to vector<16xf32>
        %mul3A_1009 = arith.mulf %get3A_1006, %mul3A_1008 : vector<16xf32>
        %swap3A_1010 = arith.index_cast %scan3A_955 : i32 to index
        %swap3A_1011 = arith.constant 64 : index
        %swap3A_1012 = tpu.vector_load %arg11[%swap3A_1010, %swap3A_1011] {strides = array<i32>} : memref<128x128xf32, #tpu.memory_space<vmem>>, vector<1x16xf32>,
        %swap3A_1013 = vector.shape_cast %swap3A_1012 : vector<1x16xf32> to vector<16xf32>
        %swap3A_1014 = vector.shape_cast %mul3A_1009 : vector<16xf32> to vector<1x16xf32>
        tpu.vector_store %arg11[%swap3A_1010, %swap3A_1011], %swap3A_1014 {strides = array<i32>} : memref<128x128xf32, #tpu.memory_space<vmem>>, vector<1x16xf32>,
        %get3A_1015 = arith.index_cast %scan3A_955 : i32 to index
        %get3A_1016 = arith.constant 80 : index
        %get3A_1017 = tpu.vector_load %arg11[%get3A_1015, %get3A_1016] {strides = array<i32>} : memref<128x128xf32, #tpu.memory_space<vmem>>, vector<1x16xf32>,
        %get3A_1018 = vector.shape_cast %get3A_1017 : vector<1x16xf32> to vector<16xf32>
        %mul3A_1019 = arith.constant 11.3137083 : f32
        %mul3A_1020 = vector.broadcast %mul3A_1019 : f32 to vector<16xf32>
        %mul3A_1021 = arith.mulf %get3A_1018, %mul3A_1020 : vector<16xf32>
        %swap3A_1022 = arith.index_cast %scan3A_955 : i32 to index
        %swap3A_1023 = arith.constant 80 : index
        %swap3A_1024 = tpu.vector_load %arg11[%swap3A_1022, %swap3A_1023] {strides = array<i32>} : memref<128x128xf32, #tpu.memory_space<vmem>>, vector<1x16xf32>,
        %swap3A_1025 = vector.shape_cast %swap3A_1024 : vector<1x16xf32> to vector<16xf32>
        %swap3A_1026 = vector.shape_cast %mul3A_1021 : vector<16xf32> to vector<1x16xf32>
        tpu.vector_store %arg11[%swap3A_1022, %swap3A_1023], %swap3A_1026 {strides = array<i32>} : memref<128x128xf32, #tpu.memory_space<vmem>>, vector<1x16xf32>,
        %get3A_1027 = arith.index_cast %scan3A_955 : i32 to index
        %get3A_1028 = arith.constant 96 : index
        %get3A_1029 = tpu.vector_load %arg11[%get3A_1027, %get3A_1028] {strides = array<i32>} : memref<128x128xf32, #tpu.memory_space<vmem>>, vector<1x16xf32>,
        %get3A_1030 = vector.shape_cast %get3A_1029 : vector<1x16xf32> to vector<16xf32>
        %mul3A_1031 = arith.constant 11.3137083 : f32
        %mul3A_1032 = vector.broadcast %mul3A_1031 : f32 to vector<16xf32>
        %mul3A_1033 = arith.mulf %get3A_1030, %mul3A_1032 : vector<16xf32>
        %swap3A_1034 = arith.index_cast %scan3A_955 : i32 to index
        %swap3A_1035 = arith.constant 96 : index
        %swap3A_1036 = tpu.vector_load %arg11[%swap3A_1034, %swap3A_1035] {strides = array<i32>} : memref<128x128xf32, #tpu.memory_space<vmem>>, vector<1x16xf32>,
        %swap3A_1037 = vector.shape_cast %swap3A_1036 : vector<1x16xf32> to vector<16xf32>
        %swap3A_1038 = vector.shape_cast %mul3A_1033 : vector<16xf32> to vector<1x16xf32>
        tpu.vector_store %arg11[%swap3A_1034, %swap3A_1035], %swap3A_1038 {strides = array<i32>} : memref<128x128xf32, #tpu.memory_space<vmem>>, vector<1x16xf32>,
        %get3A_1039 = arith.index_cast %scan3A_955 : i32 to index
        %get3A_1040 = arith.constant 112 : index
        %get3A_1041 = tpu.vector_load %arg11[%get3A_1039, %get3A_1040] {strides = array<i32>} : memref<128x128xf32, #tpu.memory_space<vmem>>, vector<1x16xf32>,
        %get3A_1042 = vector.shape_cast %get3A_1041 : vector<1x16xf32> to vector<16xf32>
        %mul3A_1043 = arith.constant 11.3137083 : f32
        %mul3A_1044 = vector.broadcast %mul3A_1043 : f32 to vector<16xf32>
        %mul3A_1045 = arith.mulf %get3A_1042, %mul3A_1044 : vector<16xf32>
        %swap3A_1046 = arith.index_cast %scan3A_955 : i32 to index
        %swap3A_1047 = arith.constant 112 : index
        %swap3A_1048 = tpu.vector_load %arg11[%swap3A_1046, %swap3A_1047] {strides = array<i32>} : memref<128x128xf32, #tpu.memory_space<vmem>>, vector<1x16xf32>,
        %swap3A_1049 = vector.shape_cast %swap3A_1048 : vector<1x16xf32> to vector<16xf32>
        %swap3A_1050 = vector.shape_cast %mul3A_1045 : vector<16xf32> to vector<1x16xf32>
        tpu.vector_store %arg11[%swap3A_1046, %swap3A_1047], %swap3A_1050 {strides = array<i32>} : memref<128x128xf32, #tpu.memory_space<vmem>>, vector<1x16xf32>,
        %scan3A_1051 = arith.constant 0 : i32
        scf.yield %scan3A_1051 : i32
      }
      %scan3A_929 = arith.constant 128 : i32
      %dma_start3A_930 = arith.constant 0 : i32
      %dma_start3A_931 = tpu.memref_slice %arg4[%add3A_916, %mul3A_2, %dma_start3A_930] : memref<50x4096x128xf32, #tpu.memory_space<hbm>> -> memref<1x128x128xf32, #tpu.memory_space<hbm>>
      %dma_start3A_932 = tpu.memref_squeeze %dma_start3A_931 : memref<1x128x128xf32, #tpu.memory_space<hbm>> -> memref<128x128xf32, #tpu.memory_space<hbm>>
      %dma_start3A_933 = arith.constant 0 : i32
      %dma_start3A_934 = tpu.memref_slice %arg4[%add3A_916, %mul3A_2, %dma_start3A_933] : memref<50x4096x128xf32, #tpu.memory_space<hbm>> -> memref<1x128x128xf32, #tpu.memory_space<hbm>>
      %dma_start3A_935 = tpu.memref_squeeze %dma_start3A_934 : memref<1x128x128xf32, #tpu.memory_space<hbm>> -> memref<128x128xf32, #tpu.memory_space<hbm>>
      tpu.enqueue_dma source(%arg11 : memref<128x128xf32, #tpu.memory_space<vmem>>) target(%dma_start3A_935 : memref<128x128xf32, #tpu.memory_space<hbm>>) target_semaphore(%arg17 : memref<!tpu.dma_semaphore, #tpu.memory_space<semaphore_mem>>)
      %sub3A_936 = arith.constant 1 : i32
      %sub3A_937 = arith.subi %add3A_916, %sub3A_936 : i32
      %dma_wait3A_938 = arith.constant 0 : i32
      %dma_wait3A_939 = tpu.memref_slice %arg4[%sub3A_937, %mul3A_2, %dma_wait3A_938] : memref<50x4096x128xf32, #tpu.memory_space<hbm>> -> memref<1x128x128xf32, #tpu.memory_space<hbm>>
      %dma_wait3A_940 = tpu.memref_squeeze %dma_wait3A_939 : memref<1x128x128xf32, #tpu.memory_space<hbm>> -> memref<128x128xf32, #tpu.memory_space<hbm>>
      %dma_wait3A_941 = arith.constant 0 : i32
      %dma_wait3A_942 = tpu.memref_slice %arg4[%sub3A_937, %mul3A_2, %dma_wait3A_941] : memref<50x4096x128xf32, #tpu.memory_space<hbm>> -> memref<1x128x128xf32, #tpu.memory_space<hbm>>
      %dma_wait3A_943 = tpu.memref_squeeze %dma_wait3A_942 : memref<1x128x128xf32, #tpu.memory_space<hbm>> -> memref<128x128xf32, #tpu.memory_space<hbm>>
      tpu.wait_dma2 semaphore(%arg16 : memref<!tpu.dma_semaphore, #tpu.memory_space<semaphore_mem>>) src(%arg10 : memref<128x128xf32, #tpu.memory_space<vmem>>) dst(%dma_wait3A_943 : memref<128x128xf32, #tpu.memory_space<hbm>>)
      %add3A_944 = arith.constant 6 : i32
      %add3A_945 = arith.addi %add3A_916, %add3A_944 : i32
      %sub3A_946 = arith.constant 1 : i32
      %sub3A_947 = arith.subi %add3A_945, %sub3A_946 : i32
      %dma_start3A_948 = arith.constant 0 : i32
      %dma_start3A_949 = tpu.memref_slice %arg5[%sub3A_947, %dma_start3A_948] : memref<50x128xi32, #tpu.memory_space<vmem>> -> memref<1x128xi32, #tpu.memory_space<vmem>>
      %dma_start3A_950 = tpu.memref_squeeze %dma_start3A_949 : memref<1x128xi32, #tpu.memory_space<vmem>> -> memref<128xi32, #tpu.memory_space<vmem>>
      %dma_start3A_951 = arith.constant 0 : i32
      %dma_start3A_952 = arith.constant 0 : i32
      %dma_start3A_953 = tpu.memref_slice %arg3[%dma_start3A_951, %dma_start3A_952] : memref<100000x128xf32, #tpu.memory_space<hbm>> -> memref<100000x128xf32, #tpu.memory_space<hbm>>
      tpu.enqueue_indirect_dma source(%dma_start3A_953 : memref<100000x128xf32, #tpu.memory_space<hbm>>) target(%arg10 : memref<128x128xf32, #tpu.memory_space<vmem>>) offsets(%dma_start3A_950 : memref<128xi32, #tpu.memory_space<vmem>>) semaphore(%arg16 : memref<!tpu.dma_semaphore, #tpu.memory_space<semaphore_mem>>)
      %scan3A_954 = arith.constant 0 : i32
      scf.yield %scan3A_954 : i32
    }
    %scan3A_244 = arith.constant 5 : i32
    %dma_wait3A_245 = arith.constant 36 : i32
    %dma_wait3A_246 = arith.constant 0 : i32
    %dma_wait3A_247 = tpu.memref_slice %arg5[%dma_wait3A_245, %dma_wait3A_246] : memref<50x128xi32, #tpu.memory_space<vmem>> -> memref<1x128xi32, #tpu.memory_space<vmem>>
    %dma_wait3A_248 = tpu.memref_squeeze %dma_wait3A_247 : memref<1x128xi32, #tpu.memory_space<vmem>> -> memref<128xi32, #tpu.memory_space<vmem>>
    %dma_wait3A_249 = arith.constant 0 : i32
    %dma_wait3A_250 = arith.constant 0 : i32
    %dma_wait3A_251 = tpu.memref_slice %arg3[%dma_wait3A_249, %dma_wait3A_250] : memref<100000x128xf32, #tpu.memory_space<hbm>> -> memref<100000x128xf32, #tpu.memory_space<hbm>>
    tpu.wait_indirect_dma semaphore(%arg12 : memref<!tpu.dma_semaphore, #tpu.memory_space<semaphore_mem>>) src(%dma_wait3A_251 : memref<100000x128xf32, #tpu.memory_space<hbm>>) dst(%arg6 : memref<128x128xf32, #tpu.memory_space<vmem>>)
    %scan3A_252 = arith.constant 0 : i32
    %scan3A_253 = arith.constant 0 : i32
    %scan3A_254 = arith.constant 128 : i32
    %scan3A_255 = arith.addi %scan3A_253, %scan3A_254 : i32
    %scan3A_256 = arith.constant 1 : i32
    %scan3A_257 = scf.for %scan3A_707 = %scan3A_253 to %scan3A_255 step %scan3A_256 iter_args(%scan3A_708 = %scan3A_252) -> (i32)  : i32 {
      %get3A = arith.index_cast %scan3A_707 : i32 to index
      %get3A_709 = arith.constant 0 : index
      %get3A_710 = tpu.vector_load %arg6[%get3A, %get3A_709] {strides = array<i32>} : memref<128x128xf32, #tpu.memory_space<vmem>>, vector<1x16xf32>,
      %get3A_711 = vector.shape_cast %get3A_710 : vector<1x16xf32> to vector<16xf32>
      %mul3A_712 = arith.constant 11.3137083 : f32
      %mul3A_713 = vector.broadcast %mul3A_712 : f32 to vector<16xf32>
      %mul3A_714 = arith.mulf %get3A_711, %mul3A_713 : vector<16xf32>
      %swap3A = arith.index_cast %scan3A_707 : i32 to index
      %swap3A_715 = arith.constant 0 : index
      %swap3A_716 = tpu.vector_load %arg6[%swap3A, %swap3A_715] {strides = array<i32>} : memref<128x128xf32, #tpu.memory_space<vmem>>, vector<1x16xf32>,
      %swap3A_717 = vector.shape_cast %swap3A_716 : vector<1x16xf32> to vector<16xf32>
      %swap3A_718 = vector.shape_cast %mul3A_714 : vector<16xf32> to vector<1x16xf32>
      tpu.vector_store %arg6[%swap3A, %swap3A_715], %swap3A_718 {strides = array<i32>} : memref<128x128xf32, #tpu.memory_space<vmem>>, vector<1x16xf32>,
      %get3A_719 = arith.index_cast %scan3A_707 : i32 to index
      %get3A_720 = arith.constant 16 : index
      %get3A_721 = tpu.vector_load %arg6[%get3A_719, %get3A_720] {strides = array<i32>} : memref<128x128xf32, #tpu.memory_space<vmem>>, vector<1x16xf32>,
      %get3A_722 = vector.shape_cast %get3A_721 : vector<1x16xf32> to vector<16xf32>
      %mul3A_723 = arith.constant 11.3137083 : f32
      %mul3A_724 = vector.broadcast %mul3A_723 : f32 to vector<16xf32>
      %mul3A_725 = arith.mulf %get3A_722, %mul3A_724 : vector<16xf32>
      %swap3A_726 = arith.index_cast %scan3A_707 : i32 to index
      %swap3A_727 = arith.constant 16 : index
      %swap3A_728 = tpu.vector_load %arg6[%swap3A_726, %swap3A_727] {strides = array<i32>} : memref<128x128xf32, #tpu.memory_space<vmem>>, vector<1x16xf32>,
      %swap3A_729 = vector.shape_cast %swap3A_728 : vector<1x16xf32> to vector<16xf32>
      %swap3A_730 = vector.shape_cast %mul3A_725 : vector<16xf32> to vector<1x16xf32>
      tpu.vector_store %arg6[%swap3A_726, %swap3A_727], %swap3A_730 {strides = array<i32>} : memref<128x128xf32, #tpu.memory_space<vmem>>, vector<1x16xf32>,
      %get3A_731 = arith.index_cast %scan3A_707 : i32 to index
      %get3A_732 = arith.constant 32 : index
      %get3A_733 = tpu.vector_load %arg6[%get3A_731, %get3A_732] {strides = array<i32>} : memref<128x128xf32, #tpu.memory_space<vmem>>, vector<1x16xf32>,
      %get3A_734 = vector.shape_cast %get3A_733 : vector<1x16xf32> to vector<16xf32>
      %mul3A_735 = arith.constant 11.3137083 : f32
      %mul3A_736 = vector.broadcast %mul3A_735 : f32 to vector<16xf32>
      %mul3A_737 = arith.mulf %get3A_734, %mul3A_736 : vector<16xf32>
      %swap3A_738 = arith.index_cast %scan3A_707 : i32 to index
      %swap3A_739 = arith.constant 32 : index
      %swap3A_740 = tpu.vector_load %arg6[%swap3A_738, %swap3A_739] {strides = array<i32>} : memref<128x128xf32, #tpu.memory_space<vmem>>, vector<1x16xf32>,
      %swap3A_741 = vector.shape_cast %swap3A_740 : vector<1x16xf32> to vector<16xf32>
      %swap3A_742 = vector.shape_cast %mul3A_737 : vector<16xf32> to vector<1x16xf32>
      tpu.vector_store %arg6[%swap3A_738, %swap3A_739], %swap3A_742 {strides = array<i32>} : memref<128x128xf32, #tpu.memory_space<vmem>>, vector<1x16xf32>,
      %get3A_743 = arith.index_cast %scan3A_707 : i32 to index
      %get3A_744 = arith.constant 48 : index
      %get3A_745 = tpu.vector_load %arg6[%get3A_743, %get3A_744] {strides = array<i32>} : memref<128x128xf32, #tpu.memory_space<vmem>>, vector<1x16xf32>,
      %get3A_746 = vector.shape_cast %get3A_745 : vector<1x16xf32> to vector<16xf32>
      %mul3A_747 = arith.constant 11.3137083 : f32
      %mul3A_748 = vector.broadcast %mul3A_747 : f32 to vector<16xf32>
      %mul3A_749 = arith.mulf %get3A_746, %mul3A_748 : vector<16xf32>
      %swap3A_750 = arith.index_cast %scan3A_707 : i32 to index
      %swap3A_751 = arith.constant 48 : index
      %swap3A_752 = tpu.vector_load %arg6[%swap3A_750, %swap3A_751] {strides = array<i32>} : memref<128x128xf32, #tpu.memory_space<vmem>>, vector<1x16xf32>,
      %swap3A_753 = vector.shape_cast %swap3A_752 : vector<1x16xf32> to vector<16xf32>
      %swap3A_754 = vector.shape_cast %mul3A_749 : vector<16xf32> to vector<1x16xf32>
      tpu.vector_store %arg6[%swap3A_750, %swap3A_751], %swap3A_754 {strides = array<i32>} : memref<128x128xf32, #tpu.memory_space<vmem>>, vector<1x16xf32>,
      %get3A_755 = arith.index_cast %scan3A_707 : i32 to index
      %get3A_756 = arith.constant 64 : index
      %get3A_757 = tpu.vector_load %arg6[%get3A_755, %get3A_756] {strides = array<i32>} : memref<128x128xf32, #tpu.memory_space<vmem>>, vector<1x16xf32>,
      %get3A_758 = vector.shape_cast %get3A_757 : vector<1x16xf32> to vector<16xf32>
      %mul3A_759 = arith.constant 11.3137083 : f32
      %mul3A_760 = vector.broadcast %mul3A_759 : f32 to vector<16xf32>
      %mul3A_761 = arith.mulf %get3A_758, %mul3A_760 : vector<16xf32>
      %swap3A_762 = arith.index_cast %scan3A_707 : i32 to index
      %swap3A_763 = arith.constant 64 : index
      %swap3A_764 = tpu.vector_load %arg6[%swap3A_762, %swap3A_763] {strides = array<i32>} : memref<128x128xf32, #tpu.memory_space<vmem>>, vector<1x16xf32>,
      %swap3A_765 = vector.shape_cast %swap3A_764 : vector<1x16xf32> to vector<16xf32>
      %swap3A_766 = vector.shape_cast %mul3A_761 : vector<16xf32> to vector<1x16xf32>
      tpu.vector_store %arg6[%swap3A_762, %swap3A_763], %swap3A_766 {strides = array<i32>} : memref<128x128xf32, #tpu.memory_space<vmem>>, vector<1x16xf32>,
      %get3A_767 = arith.index_cast %scan3A_707 : i32 to index
      %get3A_768 = arith.constant 80 : index
      %get3A_769 = tpu.vector_load %arg6[%get3A_767, %get3A_768] {strides = array<i32>} : memref<128x128xf32, #tpu.memory_space<vmem>>, vector<1x16xf32>,
      %get3A_770 = vector.shape_cast %get3A_769 : vector<1x16xf32> to vector<16xf32>
      %mul3A_771 = arith.constant 11.3137083 : f32
      %mul3A_772 = vector.broadcast %mul3A_771 : f32 to vector<16xf32>
      %mul3A_773 = arith.mulf %get3A_770, %mul3A_772 : vector<16xf32>
      %swap3A_774 = arith.index_cast %scan3A_707 : i32 to index
      %swap3A_775 = arith.constant 80 : index
      %swap3A_776 = tpu.vector_load %arg6[%swap3A_774, %swap3A_775] {strides = array<i32>} : memref<128x128xf32, #tpu.memory_space<vmem>>, vector<1x16xf32>,
      %swap3A_777 = vector.shape_cast %swap3A_776 : vector<1x16xf32> to vector<16xf32>
      %swap3A_778 = vector.shape_cast %mul3A_773 : vector<16xf32> to vector<1x16xf32>
      tpu.vector_store %arg6[%swap3A_774, %swap3A_775], %swap3A_778 {strides = array<i32>} : memref<128x128xf32, #tpu.memory_space<vmem>>, vector<1x16xf32>,
      %get3A_779 = arith.index_cast %scan3A_707 : i32 to index
      %get3A_780 = arith.constant 96 : index
      %get3A_781 = tpu.vector_load %arg6[%get3A_779, %get3A_780] {strides = array<i32>} : memref<128x128xf32, #tpu.memory_space<vmem>>, vector<1x16xf32>,
      %get3A_782 = vector.shape_cast %get3A_781 : vector<1x16xf32> to vector<16xf32>
      %mul3A_783 = arith.constant 11.3137083 : f32
      %mul3A_784 = vector.broadcast %mul3A_783 : f32 to vector<16xf32>
      %mul3A_785 = arith.mulf %get3A_782, %mul3A_784 : vector<16xf32>
      %swap3A_786 = arith.index_cast %scan3A_707 : i32 to index
      %swap3A_787 = arith.constant 96 : index
      %swap3A_788 = tpu.vector_load %arg6[%swap3A_786, %swap3A_787] {strides = array<i32>} : memref<128x128xf32, #tpu.memory_space<vmem>>, vector<1x16xf32>,
      %swap3A_789 = vector.shape_cast %swap3A_788 : vector<1x16xf32> to vector<16xf32>
      %swap3A_790 = vector.shape_cast %mul3A_785 : vector<16xf32> to vector<1x16xf32>
      tpu.vector_store %arg6[%swap3A_786, %swap3A_787], %swap3A_790 {strides = array<i32>} : memref<128x128xf32, #tpu.memory_space<vmem>>, vector<1x16xf32>,
      %get3A_791 = arith.index_cast %scan3A_707 : i32 to index
      %get3A_792 = arith.constant 112 : index
      %get3A_793 = tpu.vector_load %arg6[%get3A_791, %get3A_792] {strides = array<i32>} : memref<128x128xf32, #tpu.memory_space<vmem>>, vector<1x16xf32>,
      %get3A_794 = vector.shape_cast %get3A_793 : vector<1x16xf32> to vector<16xf32>
      %mul3A_795 = arith.constant 11.3137083 : f32
      %mul3A_796 = vector.broadcast %mul3A_795 : f32 to vector<16xf32>
      %mul3A_797 = arith.mulf %get3A_794, %mul3A_796 : vector<16xf32>
      %swap3A_798 = arith.index_cast %scan3A_707 : i32 to index
      %swap3A_799 = arith.constant 112 : index
      %swap3A_800 = tpu.vector_load %arg6[%swap3A_798, %swap3A_799] {strides = array<i32>} : memref<128x128xf32, #tpu.memory_space<vmem>>, vector<1x16xf32>,
      %swap3A_801 = vector.shape_cast %swap3A_800 : vector<1x16xf32> to vector<16xf32>
      %swap3A_802 = vector.shape_cast %mul3A_797 : vector<16xf32> to vector<1x16xf32>
      tpu.vector_store %arg6[%swap3A_798, %swap3A_799], %swap3A_802 {strides = array<i32>} : memref<128x128xf32, #tpu.memory_space<vmem>>, vector<1x16xf32>,
      %scan3A_803 = arith.constant 0 : i32
      scf.yield %scan3A_803 : i32
    }
    %scan3A_258 = arith.constant 128 : i32
    %dma_start3A_259 = arith.constant 36 : i32
    %dma_start3A_260 = arith.constant 0 : i32
    %dma_start3A_261 = tpu.memref_slice %arg4[%dma_start3A_259, %mul3A_2, %dma_start3A_260] : memref<50x4096x128xf32, #tpu.memory_space<hbm>> -> memref<1x128x128xf32, #tpu.memory_space<hbm>>
    %dma_start3A_262 = tpu.memref_squeeze %dma_start3A_261 : memref<1x128x128xf32, #tpu.memory_space<hbm>> -> memref<128x128xf32, #tpu.memory_space<hbm>>
    %dma_start3A_263 = arith.constant 0 : i32
    %dma_start3A_264 = tpu.memref_slice %arg4[%dma_start3A_259, %mul3A_2, %dma_start3A_263] : memref<50x4096x128xf32, #tpu.memory_space<hbm>> -> memref<1x128x128xf32, #tpu.memory_space<hbm>>
    %dma_start3A_265 = tpu.memref_squeeze %dma_start3A_264 : memref<1x128x128xf32, #tpu.memory_space<hbm>> -> memref<128x128xf32, #tpu.memory_space<hbm>>
    tpu.enqueue_dma source(%arg6 : memref<128x128xf32, #tpu.memory_space<vmem>>) target(%dma_start3A_265 : memref<128x128xf32, #tpu.memory_space<hbm>>) target_semaphore(%arg12 : memref<!tpu.dma_semaphore, #tpu.memory_space<semaphore_mem>>)
    %dma_wait3A_266 = arith.constant 35 : i32
    %dma_wait3A_267 = arith.constant 0 : i32
    %dma_wait3A_268 = tpu.memref_slice %arg4[%dma_wait3A_266, %mul3A_2, %dma_wait3A_267] : memref<50x4096x128xf32, #tpu.memory_space<hbm>> -> memref<1x128x128xf32, #tpu.memory_space<hbm>>
    %dma_wait3A_269 = tpu.memref_squeeze %dma_wait3A_268 : memref<1x128x128xf32, #tpu.memory_space<hbm>> -> memref<128x128xf32, #tpu.memory_space<hbm>>
    %dma_wait3A_270 = arith.constant 0 : i32
    %dma_wait3A_271 = tpu.memref_slice %arg4[%dma_wait3A_266, %mul3A_2, %dma_wait3A_270] : memref<50x4096x128xf32, #tpu.memory_space<hbm>> -> memref<1x128x128xf32, #tpu.memory_space<hbm>>
    %dma_wait3A_272 = tpu.memref_squeeze %dma_wait3A_271 : memref<1x128x128xf32, #tpu.memory_space<hbm>> -> memref<128x128xf32, #tpu.memory_space<hbm>>
    tpu.wait_dma2 semaphore(%arg17 : memref<!tpu.dma_semaphore, #tpu.memory_space<semaphore_mem>>) src(%arg11 : memref<128x128xf32, #tpu.memory_space<vmem>>) dst(%dma_wait3A_272 : memref<128x128xf32, #tpu.memory_space<hbm>>)
    %dma_start3A_273 = arith.constant 41 : i32
    %dma_start3A_274 = arith.constant 0 : i32
    %dma_start3A_275 = tpu.memref_slice %arg5[%dma_start3A_273, %dma_start3A_274] : memref<50x128xi32, #tpu.memory_space<vmem>> -> memref<1x128xi32, #tpu.memory_space<vmem>>
    %dma_start3A_276 = tpu.memref_squeeze %dma_start3A_275 : memref<1x128xi32, #tpu.memory_space<vmem>> -> memref<128xi32, #tpu.memory_space<vmem>>
    %dma_start3A_277 = arith.constant 0 : i32
    %dma_start3A_278 = arith.constant 0 : i32
    %dma_start3A_279 = tpu.memref_slice %arg3[%dma_start3A_277, %dma_start3A_278] : memref<100000x128xf32, #tpu.memory_space<hbm>> -> memref<100000x128xf32, #tpu.memory_space<hbm>>
    tpu.enqueue_indirect_dma source(%dma_start3A_279 : memref<100000x128xf32, #tpu.memory_space<hbm>>) target(%arg11 : memref<128x128xf32, #tpu.memory_space<vmem>>) offsets(%dma_start3A_276 : memref<128xi32, #tpu.memory_space<vmem>>) semaphore(%arg17 : memref<!tpu.dma_semaphore, #tpu.memory_space<semaphore_mem>>)
    %dma_wait3A_280 = arith.constant 37 : i32
    %dma_wait3A_281 = arith.constant 0 : i32
    %dma_wait3A_282 = tpu.memref_slice %arg5[%dma_wait3A_280, %dma_wait3A_281] : memref<50x128xi32, #tpu.memory_space<vmem>> -> memref<1x128xi32, #tpu.memory_space<vmem>>
    %dma_wait3A_283 = tpu.memref_squeeze %dma_wait3A_282 : memref<1x128xi32, #tpu.memory_space<vmem>> -> memref<128xi32, #tpu.memory_space<vmem>>
    %dma_wait3A_284 = arith.constant 0 : i32
    %dma_wait3A_285 = arith.constant 0 : i32
    %dma_wait3A_286 = tpu.memref_slice %arg3[%dma_wait3A_284, %dma_wait3A_285] : memref<100000x128xf32, #tpu.memory_space<hbm>> -> memref<100000x128xf32, #tpu.memory_space<hbm>>
    tpu.wait_indirect_dma semaphore(%arg13 : memref<!tpu.dma_semaphore, #tpu.memory_space<semaphore_mem>>) src(%dma_wait3A_286 : memref<100000x128xf32, #tpu.memory_space<hbm>>) dst(%arg7 : memref<128x128xf32, #tpu.memory_space<vmem>>)
    %scan3A_287 = arith.constant 0 : i32
    %scan3A_288 = arith.constant 0 : i32
    %scan3A_289 = arith.constant 128 : i32
    %scan3A_290 = arith.addi %scan3A_288, %scan3A_289 : i32
    %scan3A_291 = arith.constant 1 : i32
    %scan3A_292 = scf.for %scan3A_707 = %scan3A_288 to %scan3A_290 step %scan3A_291 iter_args(%scan3A_708 = %scan3A_287) -> (i32)  : i32 {
      %get3A = arith.index_cast %scan3A_707 : i32 to index
      %get3A_709 = arith.constant 0 : index
      %get3A_710 = tpu.vector_load %arg7[%get3A, %get3A_709] {strides = array<i32>} : memref<128x128xf32, #tpu.memory_space<vmem>>, vector<1x16xf32>,
      %get3A_711 = vector.shape_cast %get3A_710 : vector<1x16xf32> to vector<16xf32>
      %mul3A_712 = arith.constant 11.3137083 : f32
      %mul3A_713 = vector.broadcast %mul3A_712 : f32 to vector<16xf32>
      %mul3A_714 = arith.mulf %get3A_711, %mul3A_713 : vector<16xf32>
      %swap3A = arith.index_cast %scan3A_707 : i32 to index
      %swap3A_715 = arith.constant 0 : index
      %swap3A_716 = tpu.vector_load %arg7[%swap3A, %swap3A_715] {strides = array<i32>} : memref<128x128xf32, #tpu.memory_space<vmem>>, vector<1x16xf32>,
      %swap3A_717 = vector.shape_cast %swap3A_716 : vector<1x16xf32> to vector<16xf32>
      %swap3A_718 = vector.shape_cast %mul3A_714 : vector<16xf32> to vector<1x16xf32>
      tpu.vector_store %arg7[%swap3A, %swap3A_715], %swap3A_718 {strides = array<i32>} : memref<128x128xf32, #tpu.memory_space<vmem>>, vector<1x16xf32>,
      %get3A_719 = arith.index_cast %scan3A_707 : i32 to index
      %get3A_720 = arith.constant 16 : index
      %get3A_721 = tpu.vector_load %arg7[%get3A_719, %get3A_720] {strides = array<i32>} : memref<128x128xf32, #tpu.memory_space<vmem>>, vector<1x16xf32>,
      %get3A_722 = vector.shape_cast %get3A_721 : vector<1x16xf32> to vector<16xf32>
      %mul3A_723 = arith.constant 11.3137083 : f32
      %mul3A_724 = vector.broadcast %mul3A_723 : f32 to vector<16xf32>
      %mul3A_725 = arith.mulf %get3A_722, %mul3A_724 : vector<16xf32>
      %swap3A_726 = arith.index_cast %scan3A_707 : i32 to index
      %swap3A_727 = arith.constant 16 : index
      %swap3A_728 = tpu.vector_load %arg7[%swap3A_726, %swap3A_727] {strides = array<i32>} : memref<128x128xf32, #tpu.memory_space<vmem>>, vector<1x16xf32>,
      %swap3A_729 = vector.shape_cast %swap3A_728 : vector<1x16xf32> to vector<16xf32>
      %swap3A_730 = vector.shape_cast %mul3A_725 : vector<16xf32> to vector<1x16xf32>
      tpu.vector_store %arg7[%swap3A_726, %swap3A_727], %swap3A_730 {strides = array<i32>} : memref<128x128xf32, #tpu.memory_space<vmem>>, vector<1x16xf32>,
      %get3A_731 = arith.index_cast %scan3A_707 : i32 to index
      %get3A_732 = arith.constant 32 : index
      %get3A_733 = tpu.vector_load %arg7[%get3A_731, %get3A_732] {strides = array<i32>} : memref<128x128xf32, #tpu.memory_space<vmem>>, vector<1x16xf32>,
      %get3A_734 = vector.shape_cast %get3A_733 : vector<1x16xf32> to vector<16xf32>
      %mul3A_735 = arith.constant 11.3137083 : f32
      %mul3A_736 = vector.broadcast %mul3A_735 : f32 to vector<16xf32>
      %mul3A_737 = arith.mulf %get3A_734, %mul3A_736 : vector<16xf32>
      %swap3A_738 = arith.index_cast %scan3A_707 : i32 to index
      %swap3A_739 = arith.constant 32 : index
      %swap3A_740 = tpu.vector_load %arg7[%swap3A_738, %swap3A_739] {strides = array<i32>} : memref<128x128xf32, #tpu.memory_space<vmem>>, vector<1x16xf32>,
      %swap3A_741 = vector.shape_cast %swap3A_740 : vector<1x16xf32> to vector<16xf32>
      %swap3A_742 = vector.shape_cast %mul3A_737 : vector<16xf32> to vector<1x16xf32>
      tpu.vector_store %arg7[%swap3A_738, %swap3A_739], %swap3A_742 {strides = array<i32>} : memref<128x128xf32, #tpu.memory_space<vmem>>, vector<1x16xf32>,
      %get3A_743 = arith.index_cast %scan3A_707 : i32 to index
      %get3A_744 = arith.constant 48 : index
      %get3A_745 = tpu.vector_load %arg7[%get3A_743, %get3A_744] {strides = array<i32>} : memref<128x128xf32, #tpu.memory_space<vmem>>, vector<1x16xf32>,
      %get3A_746 = vector.shape_cast %get3A_745 : vector<1x16xf32> to vector<16xf32>
      %mul3A_747 = arith.constant 11.3137083 : f32
      %mul3A_748 = vector.broadcast %mul3A_747 : f32 to vector<16xf32>
      %mul3A_749 = arith.mulf %get3A_746, %mul3A_748 : vector<16xf32>
      %swap3A_750 = arith.index_cast %scan3A_707 : i32 to index
      %swap3A_751 = arith.constant 48 : index
      %swap3A_752 = tpu.vector_load %arg7[%swap3A_750, %swap3A_751] {strides = array<i32>} : memref<128x128xf32, #tpu.memory_space<vmem>>, vector<1x16xf32>,
      %swap3A_753 = vector.shape_cast %swap3A_752 : vector<1x16xf32> to vector<16xf32>
      %swap3A_754 = vector.shape_cast %mul3A_749 : vector<16xf32> to vector<1x16xf32>
      tpu.vector_store %arg7[%swap3A_750, %swap3A_751], %swap3A_754 {strides = array<i32>} : memref<128x128xf32, #tpu.memory_space<vmem>>, vector<1x16xf32>,
      %get3A_755 = arith.index_cast %scan3A_707 : i32 to index
      %get3A_756 = arith.constant 64 : index
      %get3A_757 = tpu.vector_load %arg7[%get3A_755, %get3A_756] {strides = array<i32>} : memref<128x128xf32, #tpu.memory_space<vmem>>, vector<1x16xf32>,
      %get3A_758 = vector.shape_cast %get3A_757 : vector<1x16xf32> to vector<16xf32>
      %mul3A_759 = arith.constant 11.3137083 : f32
      %mul3A_760 = vector.broadcast %mul3A_759 : f32 to vector<16xf32>
      %mul3A_761 = arith.mulf %get3A_758, %mul3A_760 : vector<16xf32>
      %swap3A_762 = arith.index_cast %scan3A_707 : i32 to index
      %swap3A_763 = arith.constant 64 : index
      %swap3A_764 = tpu.vector_load %arg7[%swap3A_762, %swap3A_763] {strides = array<i32>} : memref<128x128xf32, #tpu.memory_space<vmem>>, vector<1x16xf32>,
      %swap3A_765 = vector.shape_cast %swap3A_764 : vector<1x16xf32> to vector<16xf32>
      %swap3A_766 = vector.shape_cast %mul3A_761 : vector<16xf32> to vector<1x16xf32>
      tpu.vector_store %arg7[%swap3A_762, %swap3A_763], %swap3A_766 {strides = array<i32>} : memref<128x128xf32, #tpu.memory_space<vmem>>, vector<1x16xf32>,
      %get3A_767 = arith.index_cast %scan3A_707 : i32 to index
      %get3A_768 = arith.constant 80 : index
      %get3A_769 = tpu.vector_load %arg7[%get3A_767, %get3A_768] {strides = array<i32>} : memref<128x128xf32, #tpu.memory_space<vmem>>, vector<1x16xf32>,
      %get3A_770 = vector.shape_cast %get3A_769 : vector<1x16xf32> to vector<16xf32>
      %mul3A_771 = arith.constant 11.3137083 : f32
      %mul3A_772 = vector.broadcast %mul3A_771 : f32 to vector<16xf32>
      %mul3A_773 = arith.mulf %get3A_770, %mul3A_772 : vector<16xf32>
      %swap3A_774 = arith.index_cast %scan3A_707 : i32 to index
      %swap3A_775 = arith.constant 80 : index
      %swap3A_776 = tpu.vector_load %arg7[%swap3A_774, %swap3A_775] {strides = array<i32>} : memref<128x128xf32, #tpu.memory_space<vmem>>, vector<1x16xf32>,
      %swap3A_777 = vector.shape_cast %swap3A_776 : vector<1x16xf32> to vector<16xf32>
      %swap3A_778 = vector.shape_cast %mul3A_773 : vector<16xf32> to vector<1x16xf32>
      tpu.vector_store %arg7[%swap3A_774, %swap3A_775], %swap3A_778 {strides = array<i32>} : memref<128x128xf32, #tpu.memory_space<vmem>>, vector<1x16xf32>,
      %get3A_779 = arith.index_cast %scan3A_707 : i32 to index
      %get3A_780 = arith.constant 96 : index
      %get3A_781 = tpu.vector_load %arg7[%get3A_779, %get3A_780] {strides = array<i32>} : memref<128x128xf32, #tpu.memory_space<vmem>>, vector<1x16xf32>,
      %get3A_782 = vector.shape_cast %get3A_781 : vector<1x16xf32> to vector<16xf32>
      %mul3A_783 = arith.constant 11.3137083 : f32
      %mul3A_784 = vector.broadcast %mul3A_783 : f32 to vector<16xf32>
      %mul3A_785 = arith.mulf %get3A_782, %mul3A_784 : vector<16xf32>
      %swap3A_786 = arith.index_cast %scan3A_707 : i32 to index
      %swap3A_787 = arith.constant 96 : index
      %swap3A_788 = tpu.vector_load %arg7[%swap3A_786, %swap3A_787] {strides = array<i32>} : memref<128x128xf32, #tpu.memory_space<vmem>>, vector<1x16xf32>,
      %swap3A_789 = vector.shape_cast %swap3A_788 : vector<1x16xf32> to vector<16xf32>
      %swap3A_790 = vector.shape_cast %mul3A_785 : vector<16xf32> to vector<1x16xf32>
      tpu.vector_store %arg7[%swap3A_786, %swap3A_787], %swap3A_790 {strides = array<i32>} : memref<128x128xf32, #tpu.memory_space<vmem>>, vector<1x16xf32>,
      %get3A_791 = arith.index_cast %scan3A_707 : i32 to index
      %get3A_792 = arith.constant 112 : index
      %get3A_793 = tpu.vector_load %arg7[%get3A_791, %get3A_792] {strides = array<i32>} : memref<128x128xf32, #tpu.memory_space<vmem>>, vector<1x16xf32>,
      %get3A_794 = vector.shape_cast %get3A_793 : vector<1x16xf32> to vector<16xf32>
      %mul3A_795 = arith.constant 11.3137083 : f32
      %mul3A_796 = vector.broadcast %mul3A_795 : f32 to vector<16xf32>
      %mul3A_797 = arith.mulf %get3A_794, %mul3A_796 : vector<16xf32>
      %swap3A_798 = arith.index_cast %scan3A_707 : i32 to index
      %swap3A_799 = arith.constant 112 : index
      %swap3A_800 = tpu.vector_load %arg7[%swap3A_798, %swap3A_799] {strides = array<i32>} : memref<128x128xf32, #tpu.memory_space<vmem>>, vector<1x16xf32>,
      %swap3A_801 = vector.shape_cast %swap3A_800 : vector<1x16xf32> to vector<16xf32>
      %swap3A_802 = vector.shape_cast %mul3A_797 : vector<16xf32> to vector<1x16xf32>
      tpu.vector_store %arg7[%swap3A_798, %swap3A_799], %swap3A_802 {strides = array<i32>} : memref<128x128xf32, #tpu.memory_space<vmem>>, vector<1x16xf32>,
      %scan3A_803 = arith.constant 0 : i32
      scf.yield %scan3A_803 : i32
    }
    %scan3A_293 = arith.constant 128 : i32
    %dma_start3A_294 = arith.constant 37 : i32
    %dma_start3A_295 = arith.constant 0 : i32
    %dma_start3A_296 = tpu.memref_slice %arg4[%dma_start3A_294, %mul3A_2, %dma_start3A_295] : memref<50x4096x128xf32, #tpu.memory_space<hbm>> -> memref<1x128x128xf32, #tpu.memory_space<hbm>>
    %dma_start3A_297 = tpu.memref_squeeze %dma_start3A_296 : memref<1x128x128xf32, #tpu.memory_space<hbm>> -> memref<128x128xf32, #tpu.memory_space<hbm>>
    %dma_start3A_298 = arith.constant 0 : i32
    %dma_start3A_299 = tpu.memref_slice %arg4[%dma_start3A_294, %mul3A_2, %dma_start3A_298] : memref<50x4096x128xf32, #tpu.memory_space<hbm>> -> memref<1x128x128xf32, #tpu.memory_space<hbm>>
    %dma_start3A_300 = tpu.memref_squeeze %dma_start3A_299 : memref<1x128x128xf32, #tpu.memory_space<hbm>> -> memref<128x128xf32, #tpu.memory_space<hbm>>
    tpu.enqueue_dma source(%arg7 : memref<128x128xf32, #tpu.memory_space<vmem>>) target(%dma_start3A_300 : memref<128x128xf32, #tpu.memory_space<hbm>>) target_semaphore(%arg13 : memref<!tpu.dma_semaphore, #tpu.memory_space<semaphore_mem>>)
    %dma_wait3A_301 = arith.constant 36 : i32
    %dma_wait3A_302 = arith.constant 0 : i32
    %dma_wait3A_303 = tpu.memref_slice %arg4[%dma_wait3A_301, %mul3A_2, %dma_wait3A_302] : memref<50x4096x128xf32, #tpu.memory_space<hbm>> -> memref<1x128x128xf32, #tpu.memory_space<hbm>>
    %dma_wait3A_304 = tpu.memref_squeeze %dma_wait3A_303 : memref<1x128x128xf32, #tpu.memory_space<hbm>> -> memref<128x128xf32, #tpu.memory_space<hbm>>
    %dma_wait3A_305 = arith.constant 0 : i32
    %dma_wait3A_306 = tpu.memref_slice %arg4[%dma_wait3A_301, %mul3A_2, %dma_wait3A_305] : memref<50x4096x128xf32, #tpu.memory_space<hbm>> -> memref<1x128x128xf32, #tpu.memory_space<hbm>>
    %dma_wait3A_307 = tpu.memref_squeeze %dma_wait3A_306 : memref<1x128x128xf32, #tpu.memory_space<hbm>> -> memref<128x128xf32, #tpu.memory_space<hbm>>
    tpu.wait_dma2 semaphore(%arg12 : memref<!tpu.dma_semaphore, #tpu.memory_space<semaphore_mem>>) src(%arg6 : memref<128x128xf32, #tpu.memory_space<vmem>>) dst(%dma_wait3A_307 : memref<128x128xf32, #tpu.memory_space<hbm>>)
    %dma_start3A_308 = arith.constant 42 : i32
    %dma_start3A_309 = arith.constant 0 : i32
    %dma_start3A_310 = tpu.memref_slice %arg5[%dma_start3A_308, %dma_start3A_309] : memref<50x128xi32, #tpu.memory_space<vmem>> -> memref<1x128xi32, #tpu.memory_space<vmem>>
    %dma_start3A_311 = tpu.memref_squeeze %dma_start3A_310 : memref<1x128xi32, #tpu.memory_space<vmem>> -> memref<128xi32, #tpu.memory_space<vmem>>
    %dma_start3A_312 = arith.constant 0 : i32
    %dma_start3A_313 = arith.constant 0 : i32
    %dma_start3A_314 = tpu.memref_slice %arg3[%dma_start3A_312, %dma_start3A_313] : memref<100000x128xf32, #tpu.memory_space<hbm>> -> memref<100000x128xf32, #tpu.memory_space<hbm>>
    tpu.enqueue_indirect_dma source(%dma_start3A_314 : memref<100000x128xf32, #tpu.memory_space<hbm>>) target(%arg6 : memref<128x128xf32, #tpu.memory_space<vmem>>) offsets(%dma_start3A_311 : memref<128xi32, #tpu.memory_space<vmem>>) semaphore(%arg12 : memref<!tpu.dma_semaphore, #tpu.memory_space<semaphore_mem>>)
    %dma_wait3A_315 = arith.constant 38 : i32
    %dma_wait3A_316 = arith.constant 0 : i32
    %dma_wait3A_317 = tpu.memref_slice %arg5[%dma_wait3A_315, %dma_wait3A_316] : memref<50x128xi32, #tpu.memory_space<vmem>> -> memref<1x128xi32, #tpu.memory_space<vmem>>
    %dma_wait3A_318 = tpu.memref_squeeze %dma_wait3A_317 : memref<1x128xi32, #tpu.memory_space<vmem>> -> memref<128xi32, #tpu.memory_space<vmem>>
    %dma_wait3A_319 = arith.constant 0 : i32
    %dma_wait3A_320 = arith.constant 0 : i32
    %dma_wait3A_321 = tpu.memref_slice %arg3[%dma_wait3A_319, %dma_wait3A_320] : memref<100000x128xf32, #tpu.memory_space<hbm>> -> memref<100000x128xf32, #tpu.memory_space<hbm>>
    tpu.wait_indirect_dma semaphore(%arg14 : memref<!tpu.dma_semaphore, #tpu.memory_space<semaphore_mem>>) src(%dma_wait3A_321 : memref<100000x128xf32, #tpu.memory_space<hbm>>) dst(%arg8 : memref<128x128xf32, #tpu.memory_space<vmem>>)
    %scan3A_322 = arith.constant 0 : i32
    %scan3A_323 = arith.constant 0 : i32
    %scan3A_324 = arith.constant 128 : i32
    %scan3A_325 = arith.addi %scan3A_323, %scan3A_324 : i32
    %scan3A_326 = arith.constant 1 : i32
    %scan3A_327 = scf.for %scan3A_707 = %scan3A_323 to %scan3A_325 step %scan3A_326 iter_args(%scan3A_708 = %scan3A_322) -> (i32)  : i32 {
      %get3A = arith.index_cast %scan3A_707 : i32 to index
      %get3A_709 = arith.constant 0 : index
      %get3A_710 = tpu.vector_load %arg8[%get3A, %get3A_709] {strides = array<i32>} : memref<128x128xf32, #tpu.memory_space<vmem>>, vector<1x16xf32>,
      %get3A_711 = vector.shape_cast %get3A_710 : vector<1x16xf32> to vector<16xf32>
      %mul3A_712 = arith.constant 11.3137083 : f32
      %mul3A_713 = vector.broadcast %mul3A_712 : f32 to vector<16xf32>
      %mul3A_714 = arith.mulf %get3A_711, %mul3A_713 : vector<16xf32>
      %swap3A = arith.index_cast %scan3A_707 : i32 to index
      %swap3A_715 = arith.constant 0 : index
      %swap3A_716 = tpu.vector_load %arg8[%swap3A, %swap3A_715] {strides = array<i32>} : memref<128x128xf32, #tpu.memory_space<vmem>>, vector<1x16xf32>,
      %swap3A_717 = vector.shape_cast %swap3A_716 : vector<1x16xf32> to vector<16xf32>
      %swap3A_718 = vector.shape_cast %mul3A_714 : vector<16xf32> to vector<1x16xf32>
      tpu.vector_store %arg8[%swap3A, %swap3A_715], %swap3A_718 {strides = array<i32>} : memref<128x128xf32, #tpu.memory_space<vmem>>, vector<1x16xf32>,
      %get3A_719 = arith.index_cast %scan3A_707 : i32 to index
      %get3A_720 = arith.constant 16 : index
      %get3A_721 = tpu.vector_load %arg8[%get3A_719, %get3A_720] {strides = array<i32>} : memref<128x128xf32, #tpu.memory_space<vmem>>, vector<1x16xf32>,
      %get3A_722 = vector.shape_cast %get3A_721 : vector<1x16xf32> to vector<16xf32>
      %mul3A_723 = arith.constant 11.3137083 : f32
      %mul3A_724 = vector.broadcast %mul3A_723 : f32 to vector<16xf32>
      %mul3A_725 = arith.mulf %get3A_722, %mul3A_724 : vector<16xf32>
      %swap3A_726 = arith.index_cast %scan3A_707 : i32 to index
      %swap3A_727 = arith.constant 16 : index
      %swap3A_728 = tpu.vector_load %arg8[%swap3A_726, %swap3A_727] {strides = array<i32>} : memref<128x128xf32, #tpu.memory_space<vmem>>, vector<1x16xf32>,
      %swap3A_729 = vector.shape_cast %swap3A_728 : vector<1x16xf32> to vector<16xf32>
      %swap3A_730 = vector.shape_cast %mul3A_725 : vector<16xf32> to vector<1x16xf32>
      tpu.vector_store %arg8[%swap3A_726, %swap3A_727], %swap3A_730 {strides = array<i32>} : memref<128x128xf32, #tpu.memory_space<vmem>>, vector<1x16xf32>,
      %get3A_731 = arith.index_cast %scan3A_707 : i32 to index
      %get3A_732 = arith.constant 32 : index
      %get3A_733 = tpu.vector_load %arg8[%get3A_731, %get3A_732] {strides = array<i32>} : memref<128x128xf32, #tpu.memory_space<vmem>>, vector<1x16xf32>,
      %get3A_734 = vector.shape_cast %get3A_733 : vector<1x16xf32> to vector<16xf32>
      %mul3A_735 = arith.constant 11.3137083 : f32
      %mul3A_736 = vector.broadcast %mul3A_735 : f32 to vector<16xf32>
      %mul3A_737 = arith.mulf %get3A_734, %mul3A_736 : vector<16xf32>
      %swap3A_738 = arith.index_cast %scan3A_707 : i32 to index
      %swap3A_739 = arith.constant 32 : index
      %swap3A_740 = tpu.vector_load %arg8[%swap3A_738, %swap3A_739] {strides = array<i32>} : memref<128x128xf32, #tpu.memory_space<vmem>>, vector<1x16xf32>,
      %swap3A_741 = vector.shape_cast %swap3A_740 : vector<1x16xf32> to vector<16xf32>
      %swap3A_742 = vector.shape_cast %mul3A_737 : vector<16xf32> to vector<1x16xf32>
      tpu.vector_store %arg8[%swap3A_738, %swap3A_739], %swap3A_742 {strides = array<i32>} : memref<128x128xf32, #tpu.memory_space<vmem>>, vector<1x16xf32>,
      %get3A_743 = arith.index_cast %scan3A_707 : i32 to index
      %get3A_744 = arith.constant 48 : index
      %get3A_745 = tpu.vector_load %arg8[%get3A_743, %get3A_744] {strides = array<i32>} : memref<128x128xf32, #tpu.memory_space<vmem>>, vector<1x16xf32>,
      %get3A_746 = vector.shape_cast %get3A_745 : vector<1x16xf32> to vector<16xf32>
      %mul3A_747 = arith.constant 11.3137083 : f32
      %mul3A_748 = vector.broadcast %mul3A_747 : f32 to vector<16xf32>
      %mul3A_749 = arith.mulf %get3A_746, %mul3A_748 : vector<16xf32>
      %swap3A_750 = arith.index_cast %scan3A_707 : i32 to index
      %swap3A_751 = arith.constant 48 : index
      %swap3A_752 = tpu.vector_load %arg8[%swap3A_750, %swap3A_751] {strides = array<i32>} : memref<128x128xf32, #tpu.memory_space<vmem>>, vector<1x16xf32>,
      %swap3A_753 = vector.shape_cast %swap3A_752 : vector<1x16xf32> to vector<16xf32>
      %swap3A_754 = vector.shape_cast %mul3A_749 : vector<16xf32> to vector<1x16xf32>
      tpu.vector_store %arg8[%swap3A_750, %swap3A_751], %swap3A_754 {strides = array<i32>} : memref<128x128xf32, #tpu.memory_space<vmem>>, vector<1x16xf32>,
      %get3A_755 = arith.index_cast %scan3A_707 : i32 to index
      %get3A_756 = arith.constant 64 : index
      %get3A_757 = tpu.vector_load %arg8[%get3A_755, %get3A_756] {strides = array<i32>} : memref<128x128xf32, #tpu.memory_space<vmem>>, vector<1x16xf32>,
      %get3A_758 = vector.shape_cast %get3A_757 : vector<1x16xf32> to vector<16xf32>
      %mul3A_759 = arith.constant 11.3137083 : f32
      %mul3A_760 = vector.broadcast %mul3A_759 : f32 to vector<16xf32>
      %mul3A_761 = arith.mulf %get3A_758, %mul3A_760 : vector<16xf32>
      %swap3A_762 = arith.index_cast %scan3A_707 : i32 to index
      %swap3A_763 = arith.constant 64 : index
      %swap3A_764 = tpu.vector_load %arg8[%swap3A_762, %swap3A_763] {strides = array<i32>} : memref<128x128xf32, #tpu.memory_space<vmem>>, vector<1x16xf32>,
      %swap3A_765 = vector.shape_cast %swap3A_764 : vector<1x16xf32> to vector<16xf32>
      %swap3A_766 = vector.shape_cast %mul3A_761 : vector<16xf32> to vector<1x16xf32>
      tpu.vector_store %arg8[%swap3A_762, %swap3A_763], %swap3A_766 {strides = array<i32>} : memref<128x128xf32, #tpu.memory_space<vmem>>, vector<1x16xf32>,
      %get3A_767 = arith.index_cast %scan3A_707 : i32 to index
      %get3A_768 = arith.constant 80 : index
      %get3A_769 = tpu.vector_load %arg8[%get3A_767, %get3A_768] {strides = array<i32>} : memref<128x128xf32, #tpu.memory_space<vmem>>, vector<1x16xf32>,
      %get3A_770 = vector.shape_cast %get3A_769 : vector<1x16xf32> to vector<16xf32>
      %mul3A_771 = arith.constant 11.3137083 : f32
      %mul3A_772 = vector.broadcast %mul3A_771 : f32 to vector<16xf32>
      %mul3A_773 = arith.mulf %get3A_770, %mul3A_772 : vector<16xf32>
      %swap3A_774 = arith.index_cast %scan3A_707 : i32 to index
      %swap3A_775 = arith.constant 80 : index
      %swap3A_776 = tpu.vector_load %arg8[%swap3A_774, %swap3A_775] {strides = array<i32>} : memref<128x128xf32, #tpu.memory_space<vmem>>, vector<1x16xf32>,
      %swap3A_777 = vector.shape_cast %swap3A_776 : vector<1x16xf32> to vector<16xf32>
      %swap3A_778 = vector.shape_cast %mul3A_773 : vector<16xf32> to vector<1x16xf32>
      tpu.vector_store %arg8[%swap3A_774, %swap3A_775], %swap3A_778 {strides = array<i32>} : memref<128x128xf32, #tpu.memory_space<vmem>>, vector<1x16xf32>,
      %get3A_779 = arith.index_cast %scan3A_707 : i32 to index
      %get3A_780 = arith.constant 96 : index
      %get3A_781 = tpu.vector_load %arg8[%get3A_779, %get3A_780] {strides = array<i32>} : memref<128x128xf32, #tpu.memory_space<vmem>>, vector<1x16xf32>,
      %get3A_782 = vector.shape_cast %get3A_781 : vector<1x16xf32> to vector<16xf32>
      %mul3A_783 = arith.constant 11.3137083 : f32
      %mul3A_784 = vector.broadcast %mul3A_783 : f32 to vector<16xf32>
      %mul3A_785 = arith.mulf %get3A_782, %mul3A_784 : vector<16xf32>
      %swap3A_786 = arith.index_cast %scan3A_707 : i32 to index
      %swap3A_787 = arith.constant 96 : index
      %swap3A_788 = tpu.vector_load %arg8[%swap3A_786, %swap3A_787] {strides = array<i32>} : memref<128x128xf32, #tpu.memory_space<vmem>>, vector<1x16xf32>,
      %swap3A_789 = vector.shape_cast %swap3A_788 : vector<1x16xf32> to vector<16xf32>
      %swap3A_790 = vector.shape_cast %mul3A_785 : vector<16xf32> to vector<1x16xf32>
      tpu.vector_store %arg8[%swap3A_786, %swap3A_787], %swap3A_790 {strides = array<i32>} : memref<128x128xf32, #tpu.memory_space<vmem>>, vector<1x16xf32>,
      %get3A_791 = arith.index_cast %scan3A_707 : i32 to index
      %get3A_792 = arith.constant 112 : index
      %get3A_793 = tpu.vector_load %arg8[%get3A_791, %get3A_792] {strides = array<i32>} : memref<128x128xf32, #tpu.memory_space<vmem>>, vector<1x16xf32>,
      %get3A_794 = vector.shape_cast %get3A_793 : vector<1x16xf32> to vector<16xf32>
      %mul3A_795 = arith.constant 11.3137083 : f32
      %mul3A_796 = vector.broadcast %mul3A_795 : f32 to vector<16xf32>
      %mul3A_797 = arith.mulf %get3A_794, %mul3A_796 : vector<16xf32>
      %swap3A_798 = arith.index_cast %scan3A_707 : i32 to index
      %swap3A_799 = arith.constant 112 : index
      %swap3A_800 = tpu.vector_load %arg8[%swap3A_798, %swap3A_799] {strides = array<i32>} : memref<128x128xf32, #tpu.memory_space<vmem>>, vector<1x16xf32>,
      %swap3A_801 = vector.shape_cast %swap3A_800 : vector<1x16xf32> to vector<16xf32>
      %swap3A_802 = vector.shape_cast %mul3A_797 : vector<16xf32> to vector<1x16xf32>
      tpu.vector_store %arg8[%swap3A_798, %swap3A_799], %swap3A_802 {strides = array<i32>} : memref<128x128xf32, #tpu.memory_space<vmem>>, vector<1x16xf32>,
      %scan3A_803 = arith.constant 0 : i32
      scf.yield %scan3A_803 : i32
    }
    %scan3A_328 = arith.constant 128 : i32
    %dma_start3A_329 = arith.constant 38 : i32
    %dma_start3A_330 = arith.constant 0 : i32
    %dma_start3A_331 = tpu.memref_slice %arg4[%dma_start3A_329, %mul3A_2, %dma_start3A_330] : memref<50x4096x128xf32, #tpu.memory_space<hbm>> -> memref<1x128x128xf32, #tpu.memory_space<hbm>>
    %dma_start3A_332 = tpu.memref_squeeze %dma_start3A_331 : memref<1x128x128xf32, #tpu.memory_space<hbm>> -> memref<128x128xf32, #tpu.memory_space<hbm>>
    %dma_start3A_333 = arith.constant 0 : i32
    %dma_start3A_334 = tpu.memref_slice %arg4[%dma_start3A_329, %mul3A_2, %dma_start3A_333] : memref<50x4096x128xf32, #tpu.memory_space<hbm>> -> memref<1x128x128xf32, #tpu.memory_space<hbm>>
    %dma_start3A_335 = tpu.memref_squeeze %dma_start3A_334 : memref<1x128x128xf32, #tpu.memory_space<hbm>> -> memref<128x128xf32, #tpu.memory_space<hbm>>
    tpu.enqueue_dma source(%arg8 : memref<128x128xf32, #tpu.memory_space<vmem>>) target(%dma_start3A_335 : memref<128x128xf32, #tpu.memory_space<hbm>>) target_semaphore(%arg14 : memref<!tpu.dma_semaphore, #tpu.memory_space<semaphore_mem>>)
    %dma_wait3A_336 = arith.constant 37 : i32
    %dma_wait3A_337 = arith.constant 0 : i32
    %dma_wait3A_338 = tpu.memref_slice %arg4[%dma_wait3A_336, %mul3A_2, %dma_wait3A_337] : memref<50x4096x128xf32, #tpu.memory_space<hbm>> -> memref<1x128x128xf32, #tpu.memory_space<hbm>>
    %dma_wait3A_339 = tpu.memref_squeeze %dma_wait3A_338 : memref<1x128x128xf32, #tpu.memory_space<hbm>> -> memref<128x128xf32, #tpu.memory_space<hbm>>
    %dma_wait3A_340 = arith.constant 0 : i32
    %dma_wait3A_341 = tpu.memref_slice %arg4[%dma_wait3A_336, %mul3A_2, %dma_wait3A_340] : memref<50x4096x128xf32, #tpu.memory_space<hbm>> -> memref<1x128x128xf32, #tpu.memory_space<hbm>>
    %dma_wait3A_342 = tpu.memref_squeeze %dma_wait3A_341 : memref<1x128x128xf32, #tpu.memory_space<hbm>> -> memref<128x128xf32, #tpu.memory_space<hbm>>
    tpu.wait_dma2 semaphore(%arg13 : memref<!tpu.dma_semaphore, #tpu.memory_space<semaphore_mem>>) src(%arg7 : memref<128x128xf32, #tpu.memory_space<vmem>>) dst(%dma_wait3A_342 : memref<128x128xf32, #tpu.memory_space<hbm>>)
    %dma_start3A_343 = arith.constant 43 : i32
    %dma_start3A_344 = arith.constant 0 : i32
    %dma_start3A_345 = tpu.memref_slice %arg5[%dma_start3A_343, %dma_start3A_344] : memref<50x128xi32, #tpu.memory_space<vmem>> -> memref<1x128xi32, #tpu.memory_space<vmem>>
    %dma_start3A_346 = tpu.memref_squeeze %dma_start3A_345 : memref<1x128xi32, #tpu.memory_space<vmem>> -> memref<128xi32, #tpu.memory_space<vmem>>
    %dma_start3A_347 = arith.constant 0 : i32
    %dma_start3A_348 = arith.constant 0 : i32
    %dma_start3A_349 = tpu.memref_slice %arg3[%dma_start3A_347, %dma_start3A_348] : memref<100000x128xf32, #tpu.memory_space<hbm>> -> memref<100000x128xf32, #tpu.memory_space<hbm>>
    tpu.enqueue_indirect_dma source(%dma_start3A_349 : memref<100000x128xf32, #tpu.memory_space<hbm>>) target(%arg7 : memref<128x128xf32, #tpu.memory_space<vmem>>) offsets(%dma_start3A_346 : memref<128xi32, #tpu.memory_space<vmem>>) semaphore(%arg13 : memref<!tpu.dma_semaphore, #tpu.memory_space<semaphore_mem>>)
    %dma_wait3A_350 = arith.constant 39 : i32
    %dma_wait3A_351 = arith.constant 0 : i32
    %dma_wait3A_352 = tpu.memref_slice %arg5[%dma_wait3A_350, %dma_wait3A_351] : memref<50x128xi32, #tpu.memory_space<vmem>> -> memref<1x128xi32, #tpu.memory_space<vmem>>
    %dma_wait3A_353 = tpu.memref_squeeze %dma_wait3A_352 : memref<1x128xi32, #tpu.memory_space<vmem>> -> memref<128xi32, #tpu.memory_space<vmem>>
    %dma_wait3A_354 = arith.constant 0 : i32
    %dma_wait3A_355 = arith.constant 0 : i32
    %dma_wait3A_356 = tpu.memref_slice %arg3[%dma_wait3A_354, %dma_wait3A_355] : memref<100000x128xf32, #tpu.memory_space<hbm>> -> memref<100000x128xf32, #tpu.memory_space<hbm>>
    tpu.wait_indirect_dma semaphore(%arg15 : memref<!tpu.dma_semaphore, #tpu.memory_space<semaphore_mem>>) src(%dma_wait3A_356 : memref<100000x128xf32, #tpu.memory_space<hbm>>) dst(%arg9 : memref<128x128xf32, #tpu.memory_space<vmem>>)
    %scan3A_357 = arith.constant 0 : i32
    %scan3A_358 = arith.constant 0 : i32
    %scan3A_359 = arith.constant 128 : i32
    %scan3A_360 = arith.addi %scan3A_358, %scan3A_359 : i32
    %scan3A_361 = arith.constant 1 : i32
    %scan3A_362 = scf.for %scan3A_707 = %scan3A_358 to %scan3A_360 step %scan3A_361 iter_args(%scan3A_708 = %scan3A_357) -> (i32)  : i32 {
      %get3A = arith.index_cast %scan3A_707 : i32 to index
      %get3A_709 = arith.constant 0 : index
      %get3A_710 = tpu.vector_load %arg9[%get3A, %get3A_709] {strides = array<i32>} : memref<128x128xf32, #tpu.memory_space<vmem>>, vector<1x16xf32>,
      %get3A_711 = vector.shape_cast %get3A_710 : vector<1x16xf32> to vector<16xf32>
      %mul3A_712 = arith.constant 11.3137083 : f32
      %mul3A_713 = vector.broadcast %mul3A_712 : f32 to vector<16xf32>
      %mul3A_714 = arith.mulf %get3A_711, %mul3A_713 : vector<16xf32>
      %swap3A = arith.index_cast %scan3A_707 : i32 to index
      %swap3A_715 = arith.constant 0 : index
      %swap3A_716 = tpu.vector_load %arg9[%swap3A, %swap3A_715] {strides = array<i32>} : memref<128x128xf32, #tpu.memory_space<vmem>>, vector<1x16xf32>,
      %swap3A_717 = vector.shape_cast %swap3A_716 : vector<1x16xf32> to vector<16xf32>
      %swap3A_718 = vector.shape_cast %mul3A_714 : vector<16xf32> to vector<1x16xf32>
      tpu.vector_store %arg9[%swap3A, %swap3A_715], %swap3A_718 {strides = array<i32>} : memref<128x128xf32, #tpu.memory_space<vmem>>, vector<1x16xf32>,
      %get3A_719 = arith.index_cast %scan3A_707 : i32 to index
      %get3A_720 = arith.constant 16 : index
      %get3A_721 = tpu.vector_load %arg9[%get3A_719, %get3A_720] {strides = array<i32>} : memref<128x128xf32, #tpu.memory_space<vmem>>, vector<1x16xf32>,
      %get3A_722 = vector.shape_cast %get3A_721 : vector<1x16xf32> to vector<16xf32>
      %mul3A_723 = arith.constant 11.3137083 : f32
      %mul3A_724 = vector.broadcast %mul3A_723 : f32 to vector<16xf32>
      %mul3A_725 = arith.mulf %get3A_722, %mul3A_724 : vector<16xf32>
      %swap3A_726 = arith.index_cast %scan3A_707 : i32 to index
      %swap3A_727 = arith.constant 16 : index
      %swap3A_728 = tpu.vector_load %arg9[%swap3A_726, %swap3A_727] {strides = array<i32>} : memref<128x128xf32, #tpu.memory_space<vmem>>, vector<1x16xf32>,
      %swap3A_729 = vector.shape_cast %swap3A_728 : vector<1x16xf32> to vector<16xf32>
      %swap3A_730 = vector.shape_cast %mul3A_725 : vector<16xf32> to vector<1x16xf32>
      tpu.vector_store %arg9[%swap3A_726, %swap3A_727], %swap3A_730 {strides = array<i32>} : memref<128x128xf32, #tpu.memory_space<vmem>>, vector<1x16xf32>,
      %get3A_731 = arith.index_cast %scan3A_707 : i32 to index
      %get3A_732 = arith.constant 32 : index
      %get3A_733 = tpu.vector_load %arg9[%get3A_731, %get3A_732] {strides = array<i32>} : memref<128x128xf32, #tpu.memory_space<vmem>>, vector<1x16xf32>,
      %get3A_734 = vector.shape_cast %get3A_733 : vector<1x16xf32> to vector<16xf32>
      %mul3A_735 = arith.constant 11.3137083 : f32
      %mul3A_736 = vector.broadcast %mul3A_735 : f32 to vector<16xf32>
      %mul3A_737 = arith.mulf %get3A_734, %mul3A_736 : vector<16xf32>
      %swap3A_738 = arith.index_cast %scan3A_707 : i32 to index
      %swap3A_739 = arith.constant 32 : index
      %swap3A_740 = tpu.vector_load %arg9[%swap3A_738, %swap3A_739] {strides = array<i32>} : memref<128x128xf32, #tpu.memory_space<vmem>>, vector<1x16xf32>,
      %swap3A_741 = vector.shape_cast %swap3A_740 : vector<1x16xf32> to vector<16xf32>
      %swap3A_742 = vector.shape_cast %mul3A_737 : vector<16xf32> to vector<1x16xf32>
      tpu.vector_store %arg9[%swap3A_738, %swap3A_739], %swap3A_742 {strides = array<i32>} : memref<128x128xf32, #tpu.memory_space<vmem>>, vector<1x16xf32>,
      %get3A_743 = arith.index_cast %scan3A_707 : i32 to index
      %get3A_744 = arith.constant 48 : index
      %get3A_745 = tpu.vector_load %arg9[%get3A_743, %get3A_744] {strides = array<i32>} : memref<128x128xf32, #tpu.memory_space<vmem>>, vector<1x16xf32>,
      %get3A_746 = vector.shape_cast %get3A_745 : vector<1x16xf32> to vector<16xf32>
      %mul3A_747 = arith.constant 11.3137083 : f32
      %mul3A_748 = vector.broadcast %mul3A_747 : f32 to vector<16xf32>
      %mul3A_749 = arith.mulf %get3A_746, %mul3A_748 : vector<16xf32>
      %swap3A_750 = arith.index_cast %scan3A_707 : i32 to index
      %swap3A_751 = arith.constant 48 : index
      %swap3A_752 = tpu.vector_load %arg9[%swap3A_750, %swap3A_751] {strides = array<i32>} : memref<128x128xf32, #tpu.memory_space<vmem>>, vector<1x16xf32>,
      %swap3A_753 = vector.shape_cast %swap3A_752 : vector<1x16xf32> to vector<16xf32>
      %swap3A_754 = vector.shape_cast %mul3A_749 : vector<16xf32> to vector<1x16xf32>
      tpu.vector_store %arg9[%swap3A_750, %swap3A_751], %swap3A_754 {strides = array<i32>} : memref<128x128xf32, #tpu.memory_space<vmem>>, vector<1x16xf32>,
      %get3A_755 = arith.index_cast %scan3A_707 : i32 to index
      %get3A_756 = arith.constant 64 : index
      %get3A_757 = tpu.vector_load %arg9[%get3A_755, %get3A_756] {strides = array<i32>} : memref<128x128xf32, #tpu.memory_space<vmem>>, vector<1x16xf32>,
      %get3A_758 = vector.shape_cast %get3A_757 : vector<1x16xf32> to vector<16xf32>
      %mul3A_759 = arith.constant 11.3137083 : f32
      %mul3A_760 = vector.broadcast %mul3A_759 : f32 to vector<16xf32>
      %mul3A_761 = arith.mulf %get3A_758, %mul3A_760 : vector<16xf32>
      %swap3A_762 = arith.index_cast %scan3A_707 : i32 to index
      %swap3A_763 = arith.constant 64 : index
      %swap3A_764 = tpu.vector_load %arg9[%swap3A_762, %swap3A_763] {strides = array<i32>} : memref<128x128xf32, #tpu.memory_space<vmem>>, vector<1x16xf32>,
      %swap3A_765 = vector.shape_cast %swap3A_764 : vector<1x16xf32> to vector<16xf32>
      %swap3A_766 = vector.shape_cast %mul3A_761 : vector<16xf32> to vector<1x16xf32>
      tpu.vector_store %arg9[%swap3A_762, %swap3A_763], %swap3A_766 {strides = array<i32>} : memref<128x128xf32, #tpu.memory_space<vmem>>, vector<1x16xf32>,
      %get3A_767 = arith.index_cast %scan3A_707 : i32 to index
      %get3A_768 = arith.constant 80 : index
      %get3A_769 = tpu.vector_load %arg9[%get3A_767, %get3A_768] {strides = array<i32>} : memref<128x128xf32, #tpu.memory_space<vmem>>, vector<1x16xf32>,
      %get3A_770 = vector.shape_cast %get3A_769 : vector<1x16xf32> to vector<16xf32>
      %mul3A_771 = arith.constant 11.3137083 : f32
      %mul3A_772 = vector.broadcast %mul3A_771 : f32 to vector<16xf32>
      %mul3A_773 = arith.mulf %get3A_770, %mul3A_772 : vector<16xf32>
      %swap3A_774 = arith.index_cast %scan3A_707 : i32 to index
      %swap3A_775 = arith.constant 80 : index
      %swap3A_776 = tpu.vector_load %arg9[%swap3A_774, %swap3A_775] {strides = array<i32>} : memref<128x128xf32, #tpu.memory_space<vmem>>, vector<1x16xf32>,
      %swap3A_777 = vector.shape_cast %swap3A_776 : vector<1x16xf32> to vector<16xf32>
      %swap3A_778 = vector.shape_cast %mul3A_773 : vector<16xf32> to vector<1x16xf32>
      tpu.vector_store %arg9[%swap3A_774, %swap3A_775], %swap3A_778 {strides = array<i32>} : memref<128x128xf32, #tpu.memory_space<vmem>>, vector<1x16xf32>,
      %get3A_779 = arith.index_cast %scan3A_707 : i32 to index
      %get3A_780 = arith.constant 96 : index
      %get3A_781 = tpu.vector_load %arg9[%get3A_779, %get3A_780] {strides = array<i32>} : memref<128x128xf32, #tpu.memory_space<vmem>>, vector<1x16xf32>,
      %get3A_782 = vector.shape_cast %get3A_781 : vector<1x16xf32> to vector<16xf32>
      %mul3A_783 = arith.constant 11.3137083 : f32
      %mul3A_784 = vector.broadcast %mul3A_783 : f32 to vector<16xf32>
      %mul3A_785 = arith.mulf %get3A_782, %mul3A_784 : vector<16xf32>
      %swap3A_786 = arith.index_cast %scan3A_707 : i32 to index
      %swap3A_787 = arith.constant 96 : index
      %swap3A_788 = tpu.vector_load %arg9[%swap3A_786, %swap3A_787] {strides = array<i32>} : memref<128x128xf32, #tpu.memory_space<vmem>>, vector<1x16xf32>,
      %swap3A_789 = vector.shape_cast %swap3A_788 : vector<1x16xf32> to vector<16xf32>
      %swap3A_790 = vector.shape_cast %mul3A_785 : vector<16xf32> to vector<1x16xf32>
      tpu.vector_store %arg9[%swap3A_786, %swap3A_787], %swap3A_790 {strides = array<i32>} : memref<128x128xf32, #tpu.memory_space<vmem>>, vector<1x16xf32>,
      %get3A_791 = arith.index_cast %scan3A_707 : i32 to index
      %get3A_792 = arith.constant 112 : index
      %get3A_793 = tpu.vector_load %arg9[%get3A_791, %get3A_792] {strides = array<i32>} : memref<128x128xf32, #tpu.memory_space<vmem>>, vector<1x16xf32>,
      %get3A_794 = vector.shape_cast %get3A_793 : vector<1x16xf32> to vector<16xf32>
      %mul3A_795 = arith.constant 11.3137083 : f32
      %mul3A_796 = vector.broadcast %mul3A_795 : f32 to vector<16xf32>
      %mul3A_797 = arith.mulf %get3A_794, %mul3A_796 : vector<16xf32>
      %swap3A_798 = arith.index_cast %scan3A_707 : i32 to index
      %swap3A_799 = arith.constant 112 : index
      %swap3A_800 = tpu.vector_load %arg9[%swap3A_798, %swap3A_799] {strides = array<i32>} : memref<128x128xf32, #tpu.memory_space<vmem>>, vector<1x16xf32>,
      %swap3A_801 = vector.shape_cast %swap3A_800 : vector<1x16xf32> to vector<16xf32>
      %swap3A_802 = vector.shape_cast %mul3A_797 : vector<16xf32> to vector<1x16xf32>
      tpu.vector_store %arg9[%swap3A_798, %swap3A_799], %swap3A_802 {strides = array<i32>} : memref<128x128xf32, #tpu.memory_space<vmem>>, vector<1x16xf32>,
      %scan3A_803 = arith.constant 0 : i32
      scf.yield %scan3A_803 : i32
    }
    %scan3A_363 = arith.constant 128 : i32
    %dma_start3A_364 = arith.constant 39 : i32
    %dma_start3A_365 = arith.constant 0 : i32
    %dma_start3A_366 = tpu.memref_slice %arg4[%dma_start3A_364, %mul3A_2, %dma_start3A_365] : memref<50x4096x128xf32, #tpu.memory_space<hbm>> -> memref<1x128x128xf32, #tpu.memory_space<hbm>>
    %dma_start3A_367 = tpu.memref_squeeze %dma_start3A_366 : memref<1x128x128xf32, #tpu.memory_space<hbm>> -> memref<128x128xf32, #tpu.memory_space<hbm>>
    %dma_start3A_368 = arith.constant 0 : i32
    %dma_start3A_369 = tpu.memref_slice %arg4[%dma_start3A_364, %mul3A_2, %dma_start3A_368] : memref<50x4096x128xf32, #tpu.memory_space<hbm>> -> memref<1x128x128xf32, #tpu.memory_space<hbm>>
    %dma_start3A_370 = tpu.memref_squeeze %dma_start3A_369 : memref<1x128x128xf32, #tpu.memory_space<hbm>> -> memref<128x128xf32, #tpu.memory_space<hbm>>
    tpu.enqueue_dma source(%arg9 : memref<128x128xf32, #tpu.memory_space<vmem>>) target(%dma_start3A_370 : memref<128x128xf32, #tpu.memory_space<hbm>>) target_semaphore(%arg15 : memref<!tpu.dma_semaphore, #tpu.memory_space<semaphore_mem>>)
    %dma_wait3A_371 = arith.constant 38 : i32
    %dma_wait3A_372 = arith.constant 0 : i32
    %dma_wait3A_373 = tpu.memref_slice %arg4[%dma_wait3A_371, %mul3A_2, %dma_wait3A_372] : memref<50x4096x128xf32, #tpu.memory_space<hbm>> -> memref<1x128x128xf32, #tpu.memory_space<hbm>>
    %dma_wait3A_374 = tpu.memref_squeeze %dma_wait3A_373 : memref<1x128x128xf32, #tpu.memory_space<hbm>> -> memref<128x128xf32, #tpu.memory_space<hbm>>
    %dma_wait3A_375 = arith.constant 0 : i32
    %dma_wait3A_376 = tpu.memref_slice %arg4[%dma_wait3A_371, %mul3A_2, %dma_wait3A_375] : memref<50x4096x128xf32, #tpu.memory_space<hbm>> -> memref<1x128x128xf32, #tpu.memory_space<hbm>>
    %dma_wait3A_377 = tpu.memref_squeeze %dma_wait3A_376 : memref<1x128x128xf32, #tpu.memory_space<hbm>> -> memref<128x128xf32, #tpu.memory_space<hbm>>
    tpu.wait_dma2 semaphore(%arg14 : memref<!tpu.dma_semaphore, #tpu.memory_space<semaphore_mem>>) src(%arg8 : memref<128x128xf32, #tpu.memory_space<vmem>>) dst(%dma_wait3A_377 : memref<128x128xf32, #tpu.memory_space<hbm>>)
    %dma_start3A_378 = arith.constant 44 : i32
    %dma_start3A_379 = arith.constant 0 : i32
    %dma_start3A_380 = tpu.memref_slice %arg5[%dma_start3A_378, %dma_start3A_379] : memref<50x128xi32, #tpu.memory_space<vmem>> -> memref<1x128xi32, #tpu.memory_space<vmem>>
    %dma_start3A_381 = tpu.memref_squeeze %dma_start3A_380 : memref<1x128xi32, #tpu.memory_space<vmem>> -> memref<128xi32, #tpu.memory_space<vmem>>
    %dma_start3A_382 = arith.constant 0 : i32
    %dma_start3A_383 = arith.constant 0 : i32
    %dma_start3A_384 = tpu.memref_slice %arg3[%dma_start3A_382, %dma_start3A_383] : memref<100000x128xf32, #tpu.memory_space<hbm>> -> memref<100000x128xf32, #tpu.memory_space<hbm>>
    tpu.enqueue_indirect_dma source(%dma_start3A_384 : memref<100000x128xf32, #tpu.memory_space<hbm>>) target(%arg8 : memref<128x128xf32, #tpu.memory_space<vmem>>) offsets(%dma_start3A_381 : memref<128xi32, #tpu.memory_space<vmem>>) semaphore(%arg14 : memref<!tpu.dma_semaphore, #tpu.memory_space<semaphore_mem>>)
    %dma_wait3A_385 = arith.constant 40 : i32
    %dma_wait3A_386 = arith.constant 0 : i32
    %dma_wait3A_387 = tpu.memref_slice %arg5[%dma_wait3A_385, %dma_wait3A_386] : memref<50x128xi32, #tpu.memory_space<vmem>> -> memref<1x128xi32, #tpu.memory_space<vmem>>
    %dma_wait3A_388 = tpu.memref_squeeze %dma_wait3A_387 : memref<1x128xi32, #tpu.memory_space<vmem>> -> memref<128xi32, #tpu.memory_space<vmem>>
    %dma_wait3A_389 = arith.constant 0 : i32
    %dma_wait3A_390 = arith.constant 0 : i32
    %dma_wait3A_391 = tpu.memref_slice %arg3[%dma_wait3A_389, %dma_wait3A_390] : memref<100000x128xf32, #tpu.memory_space<hbm>> -> memref<100000x128xf32, #tpu.memory_space<hbm>>
    tpu.wait_indirect_dma semaphore(%arg16 : memref<!tpu.dma_semaphore, #tpu.memory_space<semaphore_mem>>) src(%dma_wait3A_391 : memref<100000x128xf32, #tpu.memory_space<hbm>>) dst(%arg10 : memref<128x128xf32, #tpu.memory_space<vmem>>)
    %scan3A_392 = arith.constant 0 : i32
    %scan3A_393 = arith.constant 0 : i32
    %scan3A_394 = arith.constant 128 : i32
    %scan3A_395 = arith.addi %scan3A_393, %scan3A_394 : i32
    %scan3A_396 = arith.constant 1 : i32
    %scan3A_397 = scf.for %scan3A_707 = %scan3A_393 to %scan3A_395 step %scan3A_396 iter_args(%scan3A_708 = %scan3A_392) -> (i32)  : i32 {
      %get3A = arith.index_cast %scan3A_707 : i32 to index
      %get3A_709 = arith.constant 0 : index
      %get3A_710 = tpu.vector_load %arg10[%get3A, %get3A_709] {strides = array<i32>} : memref<128x128xf32, #tpu.memory_space<vmem>>, vector<1x16xf32>,
      %get3A_711 = vector.shape_cast %get3A_710 : vector<1x16xf32> to vector<16xf32>
      %mul3A_712 = arith.constant 11.3137083 : f32
      %mul3A_713 = vector.broadcast %mul3A_712 : f32 to vector<16xf32>
      %mul3A_714 = arith.mulf %get3A_711, %mul3A_713 : vector<16xf32>
      %swap3A = arith.index_cast %scan3A_707 : i32 to index
      %swap3A_715 = arith.constant 0 : index
      %swap3A_716 = tpu.vector_load %arg10[%swap3A, %swap3A_715] {strides = array<i32>} : memref<128x128xf32, #tpu.memory_space<vmem>>, vector<1x16xf32>,
      %swap3A_717 = vector.shape_cast %swap3A_716 : vector<1x16xf32> to vector<16xf32>
      %swap3A_718 = vector.shape_cast %mul3A_714 : vector<16xf32> to vector<1x16xf32>
      tpu.vector_store %arg10[%swap3A, %swap3A_715], %swap3A_718 {strides = array<i32>} : memref<128x128xf32, #tpu.memory_space<vmem>>, vector<1x16xf32>,
      %get3A_719 = arith.index_cast %scan3A_707 : i32 to index
      %get3A_720 = arith.constant 16 : index
      %get3A_721 = tpu.vector_load %arg10[%get3A_719, %get3A_720] {strides = array<i32>} : memref<128x128xf32, #tpu.memory_space<vmem>>, vector<1x16xf32>,
      %get3A_722 = vector.shape_cast %get3A_721 : vector<1x16xf32> to vector<16xf32>
      %mul3A_723 = arith.constant 11.3137083 : f32
      %mul3A_724 = vector.broadcast %mul3A_723 : f32 to vector<16xf32>
      %mul3A_725 = arith.mulf %get3A_722, %mul3A_724 : vector<16xf32>
      %swap3A_726 = arith.index_cast %scan3A_707 : i32 to index
      %swap3A_727 = arith.constant 16 : index
      %swap3A_728 = tpu.vector_load %arg10[%swap3A_726, %swap3A_727] {strides = array<i32>} : memref<128x128xf32, #tpu.memory_space<vmem>>, vector<1x16xf32>,
      %swap3A_729 = vector.shape_cast %swap3A_728 : vector<1x16xf32> to vector<16xf32>
      %swap3A_730 = vector.shape_cast %mul3A_725 : vector<16xf32> to vector<1x16xf32>
      tpu.vector_store %arg10[%swap3A_726, %swap3A_727], %swap3A_730 {strides = array<i32>} : memref<128x128xf32, #tpu.memory_space<vmem>>, vector<1x16xf32>,
      %get3A_731 = arith.index_cast %scan3A_707 : i32 to index
      %get3A_732 = arith.constant 32 : index
      %get3A_733 = tpu.vector_load %arg10[%get3A_731, %get3A_732] {strides = array<i32>} : memref<128x128xf32, #tpu.memory_space<vmem>>, vector<1x16xf32>,
      %get3A_734 = vector.shape_cast %get3A_733 : vector<1x16xf32> to vector<16xf32>
      %mul3A_735 = arith.constant 11.3137083 : f32
      %mul3A_736 = vector.broadcast %mul3A_735 : f32 to vector<16xf32>
      %mul3A_737 = arith.mulf %get3A_734, %mul3A_736 : vector<16xf32>
      %swap3A_738 = arith.index_cast %scan3A_707 : i32 to index
      %swap3A_739 = arith.constant 32 : index
      %swap3A_740 = tpu.vector_load %arg10[%swap3A_738, %swap3A_739] {strides = array<i32>} : memref<128x128xf32, #tpu.memory_space<vmem>>, vector<1x16xf32>,
      %swap3A_741 = vector.shape_cast %swap3A_740 : vector<1x16xf32> to vector<16xf32>
      %swap3A_742 = vector.shape_cast %mul3A_737 : vector<16xf32> to vector<1x16xf32>
      tpu.vector_store %arg10[%swap3A_738, %swap3A_739], %swap3A_742 {strides = array<i32>} : memref<128x128xf32, #tpu.memory_space<vmem>>, vector<1x16xf32>,
      %get3A_743 = arith.index_cast %scan3A_707 : i32 to index
      %get3A_744 = arith.constant 48 : index
      %get3A_745 = tpu.vector_load %arg10[%get3A_743, %get3A_744] {strides = array<i32>} : memref<128x128xf32, #tpu.memory_space<vmem>>, vector<1x16xf32>,
      %get3A_746 = vector.shape_cast %get3A_745 : vector<1x16xf32> to vector<16xf32>
      %mul3A_747 = arith.constant 11.3137083 : f32
      %mul3A_748 = vector.broadcast %mul3A_747 : f32 to vector<16xf32>
      %mul3A_749 = arith.mulf %get3A_746, %mul3A_748 : vector<16xf32>
      %swap3A_750 = arith.index_cast %scan3A_707 : i32 to index
      %swap3A_751 = arith.constant 48 : index
      %swap3A_752 = tpu.vector_load %arg10[%swap3A_750, %swap3A_751] {strides = array<i32>} : memref<128x128xf32, #tpu.memory_space<vmem>>, vector<1x16xf32>,
      %swap3A_753 = vector.shape_cast %swap3A_752 : vector<1x16xf32> to vector<16xf32>
      %swap3A_754 = vector.shape_cast %mul3A_749 : vector<16xf32> to vector<1x16xf32>
      tpu.vector_store %arg10[%swap3A_750, %swap3A_751], %swap3A_754 {strides = array<i32>} : memref<128x128xf32, #tpu.memory_space<vmem>>, vector<1x16xf32>,
      %get3A_755 = arith.index_cast %scan3A_707 : i32 to index
      %get3A_756 = arith.constant 64 : index
      %get3A_757 = tpu.vector_load %arg10[%get3A_755, %get3A_756] {strides = array<i32>} : memref<128x128xf32, #tpu.memory_space<vmem>>, vector<1x16xf32>,
      %get3A_758 = vector.shape_cast %get3A_757 : vector<1x16xf32> to vector<16xf32>
      %mul3A_759 = arith.constant 11.3137083 : f32
      %mul3A_760 = vector.broadcast %mul3A_759 : f32 to vector<16xf32>
      %mul3A_761 = arith.mulf %get3A_758, %mul3A_760 : vector<16xf32>
      %swap3A_762 = arith.index_cast %scan3A_707 : i32 to index
      %swap3A_763 = arith.constant 64 : index
      %swap3A_764 = tpu.vector_load %arg10[%swap3A_762, %swap3A_763] {strides = array<i32>} : memref<128x128xf32, #tpu.memory_space<vmem>>, vector<1x16xf32>,
      %swap3A_765 = vector.shape_cast %swap3A_764 : vector<1x16xf32> to vector<16xf32>
      %swap3A_766 = vector.shape_cast %mul3A_761 : vector<16xf32> to vector<1x16xf32>
      tpu.vector_store %arg10[%swap3A_762, %swap3A_763], %swap3A_766 {strides = array<i32>} : memref<128x128xf32, #tpu.memory_space<vmem>>, vector<1x16xf32>,
      %get3A_767 = arith.index_cast %scan3A_707 : i32 to index
      %get3A_768 = arith.constant 80 : index
      %get3A_769 = tpu.vector_load %arg10[%get3A_767, %get3A_768] {strides = array<i32>} : memref<128x128xf32, #tpu.memory_space<vmem>>, vector<1x16xf32>,
      %get3A_770 = vector.shape_cast %get3A_769 : vector<1x16xf32> to vector<16xf32>
      %mul3A_771 = arith.constant 11.3137083 : f32
      %mul3A_772 = vector.broadcast %mul3A_771 : f32 to vector<16xf32>
      %mul3A_773 = arith.mulf %get3A_770, %mul3A_772 : vector<16xf32>
      %swap3A_774 = arith.index_cast %scan3A_707 : i32 to index
      %swap3A_775 = arith.constant 80 : index
      %swap3A_776 = tpu.vector_load %arg10[%swap3A_774, %swap3A_775] {strides = array<i32>} : memref<128x128xf32, #tpu.memory_space<vmem>>, vector<1x16xf32>,
      %swap3A_777 = vector.shape_cast %swap3A_776 : vector<1x16xf32> to vector<16xf32>
      %swap3A_778 = vector.shape_cast %mul3A_773 : vector<16xf32> to vector<1x16xf32>
      tpu.vector_store %arg10[%swap3A_774, %swap3A_775], %swap3A_778 {strides = array<i32>} : memref<128x128xf32, #tpu.memory_space<vmem>>, vector<1x16xf32>,
      %get3A_779 = arith.index_cast %scan3A_707 : i32 to index
      %get3A_780 = arith.constant 96 : index
      %get3A_781 = tpu.vector_load %arg10[%get3A_779, %get3A_780] {strides = array<i32>} : memref<128x128xf32, #tpu.memory_space<vmem>>, vector<1x16xf32>,
      %get3A_782 = vector.shape_cast %get3A_781 : vector<1x16xf32> to vector<16xf32>
      %mul3A_783 = arith.constant 11.3137083 : f32
      %mul3A_784 = vector.broadcast %mul3A_783 : f32 to vector<16xf32>
      %mul3A_785 = arith.mulf %get3A_782, %mul3A_784 : vector<16xf32>
      %swap3A_786 = arith.index_cast %scan3A_707 : i32 to index
      %swap3A_787 = arith.constant 96 : index
      %swap3A_788 = tpu.vector_load %arg10[%swap3A_786, %swap3A_787] {strides = array<i32>} : memref<128x128xf32, #tpu.memory_space<vmem>>, vector<1x16xf32>,
      %swap3A_789 = vector.shape_cast %swap3A_788 : vector<1x16xf32> to vector<16xf32>
      %swap3A_790 = vector.shape_cast %mul3A_785 : vector<16xf32> to vector<1x16xf32>
      tpu.vector_store %arg10[%swap3A_786, %swap3A_787], %swap3A_790 {strides = array<i32>} : memref<128x128xf32, #tpu.memory_space<vmem>>, vector<1x16xf32>,
      %get3A_791 = arith.index_cast %scan3A_707 : i32 to index
      %get3A_792 = arith.constant 112 : index
      %get3A_793 = tpu.vector_load %arg10[%get3A_791, %get3A_792] {strides = array<i32>} : memref<128x128xf32, #tpu.memory_space<vmem>>, vector<1x16xf32>,
      %get3A_794 = vector.shape_cast %get3A_793 : vector<1x16xf32> to vector<16xf32>
      %mul3A_795 = arith.constant 11.3137083 : f32
      %mul3A_796 = vector.broadcast %mul3A_795 : f32 to vector<16xf32>
      %mul3A_797 = arith.mulf %get3A_794, %mul3A_796 : vector<16xf32>
      %swap3A_798 = arith.index_cast %scan3A_707 : i32 to index
      %swap3A_799 = arith.constant 112 : index
      %swap3A_800 = tpu.vector_load %arg10[%swap3A_798, %swap3A_799] {strides = array<i32>} : memref<128x128xf32, #tpu.memory_space<vmem>>, vector<1x16xf32>,
      %swap3A_801 = vector.shape_cast %swap3A_800 : vector<1x16xf32> to vector<16xf32>
      %swap3A_802 = vector.shape_cast %mul3A_797 : vector<16xf32> to vector<1x16xf32>
      tpu.vector_store %arg10[%swap3A_798, %swap3A_799], %swap3A_802 {strides = array<i32>} : memref<128x128xf32, #tpu.memory_space<vmem>>, vector<1x16xf32>,
      %scan3A_803 = arith.constant 0 : i32
      scf.yield %scan3A_803 : i32
    }
    %scan3A_398 = arith.constant 128 : i32
    %dma_start3A_399 = arith.constant 40 : i32
    %dma_start3A_400 = arith.constant 0 : i32
    %dma_start3A_401 = tpu.memref_slice %arg4[%dma_start3A_399, %mul3A_2, %dma_start3A_400] : memref<50x4096x128xf32, #tpu.memory_space<hbm>> -> memref<1x128x128xf32, #tpu.memory_space<hbm>>
    %dma_start3A_402 = tpu.memref_squeeze %dma_start3A_401 : memref<1x128x128xf32, #tpu.memory_space<hbm>> -> memref<128x128xf32, #tpu.memory_space<hbm>>
    %dma_start3A_403 = arith.constant 0 : i32
    %dma_start3A_404 = tpu.memref_slice %arg4[%dma_start3A_399, %mul3A_2, %dma_start3A_403] : memref<50x4096x128xf32, #tpu.memory_space<hbm>> -> memref<1x128x128xf32, #tpu.memory_space<hbm>>
    %dma_start3A_405 = tpu.memref_squeeze %dma_start3A_404 : memref<1x128x128xf32, #tpu.memory_space<hbm>> -> memref<128x128xf32, #tpu.memory_space<hbm>>
    tpu.enqueue_dma source(%arg10 : memref<128x128xf32, #tpu.memory_space<vmem>>) target(%dma_start3A_405 : memref<128x128xf32, #tpu.memory_space<hbm>>) target_semaphore(%arg16 : memref<!tpu.dma_semaphore, #tpu.memory_space<semaphore_mem>>)
    %dma_wait3A_406 = arith.constant 39 : i32
    %dma_wait3A_407 = arith.constant 0 : i32
    %dma_wait3A_408 = tpu.memref_slice %arg4[%dma_wait3A_406, %mul3A_2, %dma_wait3A_407] : memref<50x4096x128xf32, #tpu.memory_space<hbm>> -> memref<1x128x128xf32, #tpu.memory_space<hbm>>
    %dma_wait3A_409 = tpu.memref_squeeze %dma_wait3A_408 : memref<1x128x128xf32, #tpu.memory_space<hbm>> -> memref<128x128xf32, #tpu.memory_space<hbm>>
    %dma_wait3A_410 = arith.constant 0 : i32
    %dma_wait3A_411 = tpu.memref_slice %arg4[%dma_wait3A_406, %mul3A_2, %dma_wait3A_410] : memref<50x4096x128xf32, #tpu.memory_space<hbm>> -> memref<1x128x128xf32, #tpu.memory_space<hbm>>
    %dma_wait3A_412 = tpu.memref_squeeze %dma_wait3A_411 : memref<1x128x128xf32, #tpu.memory_space<hbm>> -> memref<128x128xf32, #tpu.memory_space<hbm>>
    tpu.wait_dma2 semaphore(%arg15 : memref<!tpu.dma_semaphore, #tpu.memory_space<semaphore_mem>>) src(%arg9 : memref<128x128xf32, #tpu.memory_space<vmem>>) dst(%dma_wait3A_412 : memref<128x128xf32, #tpu.memory_space<hbm>>)
    %dma_start3A_413 = arith.constant 45 : i32
    %dma_start3A_414 = arith.constant 0 : i32
    %dma_start3A_415 = tpu.memref_slice %arg5[%dma_start3A_413, %dma_start3A_414] : memref<50x128xi32, #tpu.memory_space<vmem>> -> memref<1x128xi32, #tpu.memory_space<vmem>>
    %dma_start3A_416 = tpu.memref_squeeze %dma_start3A_415 : memref<1x128xi32, #tpu.memory_space<vmem>> -> memref<128xi32, #tpu.memory_space<vmem>>
    %dma_start3A_417 = arith.constant 0 : i32
    %dma_start3A_418 = arith.constant 0 : i32
    %dma_start3A_419 = tpu.memref_slice %arg3[%dma_start3A_417, %dma_start3A_418] : memref<100000x128xf32, #tpu.memory_space<hbm>> -> memref<100000x128xf32, #tpu.memory_space<hbm>>
    tpu.enqueue_indirect_dma source(%dma_start3A_419 : memref<100000x128xf32, #tpu.memory_space<hbm>>) target(%arg9 : memref<128x128xf32, #tpu.memory_space<vmem>>) offsets(%dma_start3A_416 : memref<128xi32, #tpu.memory_space<vmem>>) semaphore(%arg15 : memref<!tpu.dma_semaphore, #tpu.memory_space<semaphore_mem>>)
    %dma_wait3A_420 = arith.constant 41 : i32
    %dma_wait3A_421 = arith.constant 0 : i32
    %dma_wait3A_422 = tpu.memref_slice %arg5[%dma_wait3A_420, %dma_wait3A_421] : memref<50x128xi32, #tpu.memory_space<vmem>> -> memref<1x128xi32, #tpu.memory_space<vmem>>
    %dma_wait3A_423 = tpu.memref_squeeze %dma_wait3A_422 : memref<1x128xi32, #tpu.memory_space<vmem>> -> memref<128xi32, #tpu.memory_space<vmem>>
    %dma_wait3A_424 = arith.constant 0 : i32
    %dma_wait3A_425 = arith.constant 0 : i32
    %dma_wait3A_426 = tpu.memref_slice %arg3[%dma_wait3A_424, %dma_wait3A_425] : memref<100000x128xf32, #tpu.memory_space<hbm>> -> memref<100000x128xf32, #tpu.memory_space<hbm>>
    tpu.wait_indirect_dma semaphore(%arg17 : memref<!tpu.dma_semaphore, #tpu.memory_space<semaphore_mem>>) src(%dma_wait3A_426 : memref<100000x128xf32, #tpu.memory_space<hbm>>) dst(%arg11 : memref<128x128xf32, #tpu.memory_space<vmem>>)
    %scan3A_427 = arith.constant 0 : i32
    %scan3A_428 = arith.constant 0 : i32
    %scan3A_429 = arith.constant 128 : i32
    %scan3A_430 = arith.addi %scan3A_428, %scan3A_429 : i32
    %scan3A_431 = arith.constant 1 : i32
    %scan3A_432 = scf.for %scan3A_707 = %scan3A_428 to %scan3A_430 step %scan3A_431 iter_args(%scan3A_708 = %scan3A_427) -> (i32)  : i32 {
      %get3A = arith.index_cast %scan3A_707 : i32 to index
      %get3A_709 = arith.constant 0 : index
      %get3A_710 = tpu.vector_load %arg11[%get3A, %get3A_709] {strides = array<i32>} : memref<128x128xf32, #tpu.memory_space<vmem>>, vector<1x16xf32>,
      %get3A_711 = vector.shape_cast %get3A_710 : vector<1x16xf32> to vector<16xf32>
      %mul3A_712 = arith.constant 11.3137083 : f32
      %mul3A_713 = vector.broadcast %mul3A_712 : f32 to vector<16xf32>
      %mul3A_714 = arith.mulf %get3A_711, %mul3A_713 : vector<16xf32>
      %swap3A = arith.index_cast %scan3A_707 : i32 to index
      %swap3A_715 = arith.constant 0 : index
      %swap3A_716 = tpu.vector_load %arg11[%swap3A, %swap3A_715] {strides = array<i32>} : memref<128x128xf32, #tpu.memory_space<vmem>>, vector<1x16xf32>,
      %swap3A_717 = vector.shape_cast %swap3A_716 : vector<1x16xf32> to vector<16xf32>
      %swap3A_718 = vector.shape_cast %mul3A_714 : vector<16xf32> to vector<1x16xf32>
      tpu.vector_store %arg11[%swap3A, %swap3A_715], %swap3A_718 {strides = array<i32>} : memref<128x128xf32, #tpu.memory_space<vmem>>, vector<1x16xf32>,
      %get3A_719 = arith.index_cast %scan3A_707 : i32 to index
      %get3A_720 = arith.constant 16 : index
      %get3A_721 = tpu.vector_load %arg11[%get3A_719, %get3A_720] {strides = array<i32>} : memref<128x128xf32, #tpu.memory_space<vmem>>, vector<1x16xf32>,
      %get3A_722 = vector.shape_cast %get3A_721 : vector<1x16xf32> to vector<16xf32>
      %mul3A_723 = arith.constant 11.3137083 : f32
      %mul3A_724 = vector.broadcast %mul3A_723 : f32 to vector<16xf32>
      %mul3A_725 = arith.mulf %get3A_722, %mul3A_724 : vector<16xf32>
      %swap3A_726 = arith.index_cast %scan3A_707 : i32 to index
      %swap3A_727 = arith.constant 16 : index
      %swap3A_728 = tpu.vector_load %arg11[%swap3A_726, %swap3A_727] {strides = array<i32>} : memref<128x128xf32, #tpu.memory_space<vmem>>, vector<1x16xf32>,
      %swap3A_729 = vector.shape_cast %swap3A_728 : vector<1x16xf32> to vector<16xf32>
      %swap3A_730 = vector.shape_cast %mul3A_725 : vector<16xf32> to vector<1x16xf32>
      tpu.vector_store %arg11[%swap3A_726, %swap3A_727], %swap3A_730 {strides = array<i32>} : memref<128x128xf32, #tpu.memory_space<vmem>>, vector<1x16xf32>,
      %get3A_731 = arith.index_cast %scan3A_707 : i32 to index
      %get3A_732 = arith.constant 32 : index
      %get3A_733 = tpu.vector_load %arg11[%get3A_731, %get3A_732] {strides = array<i32>} : memref<128x128xf32, #tpu.memory_space<vmem>>, vector<1x16xf32>,
      %get3A_734 = vector.shape_cast %get3A_733 : vector<1x16xf32> to vector<16xf32>
      %mul3A_735 = arith.constant 11.3137083 : f32
      %mul3A_736 = vector.broadcast %mul3A_735 : f32 to vector<16xf32>
      %mul3A_737 = arith.mulf %get3A_734, %mul3A_736 : vector<16xf32>
      %swap3A_738 = arith.index_cast %scan3A_707 : i32 to index
      %swap3A_739 = arith.constant 32 : index
      %swap3A_740 = tpu.vector_load %arg11[%swap3A_738, %swap3A_739] {strides = array<i32>} : memref<128x128xf32, #tpu.memory_space<vmem>>, vector<1x16xf32>,
      %swap3A_741 = vector.shape_cast %swap3A_740 : vector<1x16xf32> to vector<16xf32>
      %swap3A_742 = vector.shape_cast %mul3A_737 : vector<16xf32> to vector<1x16xf32>
      tpu.vector_store %arg11[%swap3A_738, %swap3A_739], %swap3A_742 {strides = array<i32>} : memref<128x128xf32, #tpu.memory_space<vmem>>, vector<1x16xf32>,
      %get3A_743 = arith.index_cast %scan3A_707 : i32 to index
      %get3A_744 = arith.constant 48 : index
      %get3A_745 = tpu.vector_load %arg11[%get3A_743, %get3A_744] {strides = array<i32>} : memref<128x128xf32, #tpu.memory_space<vmem>>, vector<1x16xf32>,
      %get3A_746 = vector.shape_cast %get3A_745 : vector<1x16xf32> to vector<16xf32>
      %mul3A_747 = arith.constant 11.3137083 : f32
      %mul3A_748 = vector.broadcast %mul3A_747 : f32 to vector<16xf32>
      %mul3A_749 = arith.mulf %get3A_746, %mul3A_748 : vector<16xf32>
      %swap3A_750 = arith.index_cast %scan3A_707 : i32 to index
      %swap3A_751 = arith.constant 48 : index
      %swap3A_752 = tpu.vector_load %arg11[%swap3A_750, %swap3A_751] {strides = array<i32>} : memref<128x128xf32, #tpu.memory_space<vmem>>, vector<1x16xf32>,
      %swap3A_753 = vector.shape_cast %swap3A_752 : vector<1x16xf32> to vector<16xf32>
      %swap3A_754 = vector.shape_cast %mul3A_749 : vector<16xf32> to vector<1x16xf32>
      tpu.vector_store %arg11[%swap3A_750, %swap3A_751], %swap3A_754 {strides = array<i32>} : memref<128x128xf32, #tpu.memory_space<vmem>>, vector<1x16xf32>,
      %get3A_755 = arith.index_cast %scan3A_707 : i32 to index
      %get3A_756 = arith.constant 64 : index
      %get3A_757 = tpu.vector_load %arg11[%get3A_755, %get3A_756] {strides = array<i32>} : memref<128x128xf32, #tpu.memory_space<vmem>>, vector<1x16xf32>,
      %get3A_758 = vector.shape_cast %get3A_757 : vector<1x16xf32> to vector<16xf32>
      %mul3A_759 = arith.constant 11.3137083 : f32
      %mul3A_760 = vector.broadcast %mul3A_759 : f32 to vector<16xf32>
      %mul3A_761 = arith.mulf %get3A_758, %mul3A_760 : vector<16xf32>
      %swap3A_762 = arith.index_cast %scan3A_707 : i32 to index
      %swap3A_763 = arith.constant 64 : index
      %swap3A_764 = tpu.vector_load %arg11[%swap3A_762, %swap3A_763] {strides = array<i32>} : memref<128x128xf32, #tpu.memory_space<vmem>>, vector<1x16xf32>,
      %swap3A_765 = vector.shape_cast %swap3A_764 : vector<1x16xf32> to vector<16xf32>
      %swap3A_766 = vector.shape_cast %mul3A_761 : vector<16xf32> to vector<1x16xf32>
      tpu.vector_store %arg11[%swap3A_762, %swap3A_763], %swap3A_766 {strides = array<i32>} : memref<128x128xf32, #tpu.memory_space<vmem>>, vector<1x16xf32>,
      %get3A_767 = arith.index_cast %scan3A_707 : i32 to index
      %get3A_768 = arith.constant 80 : index
      %get3A_769 = tpu.vector_load %arg11[%get3A_767, %get3A_768] {strides = array<i32>} : memref<128x128xf32, #tpu.memory_space<vmem>>, vector<1x16xf32>,
      %get3A_770 = vector.shape_cast %get3A_769 : vector<1x16xf32> to vector<16xf32>
      %mul3A_771 = arith.constant 11.3137083 : f32
      %mul3A_772 = vector.broadcast %mul3A_771 : f32 to vector<16xf32>
      %mul3A_773 = arith.mulf %get3A_770, %mul3A_772 : vector<16xf32>
      %swap3A_774 = arith.index_cast %scan3A_707 : i32 to index
      %swap3A_775 = arith.constant 80 : index
      %swap3A_776 = tpu.vector_load %arg11[%swap3A_774, %swap3A_775] {strides = array<i32>} : memref<128x128xf32, #tpu.memory_space<vmem>>, vector<1x16xf32>,
      %swap3A_777 = vector.shape_cast %swap3A_776 : vector<1x16xf32> to vector<16xf32>
      %swap3A_778 = vector.shape_cast %mul3A_773 : vector<16xf32> to vector<1x16xf32>
      tpu.vector_store %arg11[%swap3A_774, %swap3A_775], %swap3A_778 {strides = array<i32>} : memref<128x128xf32, #tpu.memory_space<vmem>>, vector<1x16xf32>,
      %get3A_779 = arith.index_cast %scan3A_707 : i32 to index
      %get3A_780 = arith.constant 96 : index
      %get3A_781 = tpu.vector_load %arg11[%get3A_779, %get3A_780] {strides = array<i32>} : memref<128x128xf32, #tpu.memory_space<vmem>>, vector<1x16xf32>,
      %get3A_782 = vector.shape_cast %get3A_781 : vector<1x16xf32> to vector<16xf32>
      %mul3A_783 = arith.constant 11.3137083 : f32
      %mul3A_784 = vector.broadcast %mul3A_783 : f32 to vector<16xf32>
      %mul3A_785 = arith.mulf %get3A_782, %mul3A_784 : vector<16xf32>
      %swap3A_786 = arith.index_cast %scan3A_707 : i32 to index
      %swap3A_787 = arith.constant 96 : index
      %swap3A_788 = tpu.vector_load %arg11[%swap3A_786, %swap3A_787] {strides = array<i32>} : memref<128x128xf32, #tpu.memory_space<vmem>>, vector<1x16xf32>,
      %swap3A_789 = vector.shape_cast %swap3A_788 : vector<1x16xf32> to vector<16xf32>
      %swap3A_790 = vector.shape_cast %mul3A_785 : vector<16xf32> to vector<1x16xf32>
      tpu.vector_store %arg11[%swap3A_786, %swap3A_787], %swap3A_790 {strides = array<i32>} : memref<128x128xf32, #tpu.memory_space<vmem>>, vector<1x16xf32>,
      %get3A_791 = arith.index_cast %scan3A_707 : i32 to index
      %get3A_792 = arith.constant 112 : index
      %get3A_793 = tpu.vector_load %arg11[%get3A_791, %get3A_792] {strides = array<i32>} : memref<128x128xf32, #tpu.memory_space<vmem>>, vector<1x16xf32>,
      %get3A_794 = vector.shape_cast %get3A_793 : vector<1x16xf32> to vector<16xf32>
      %mul3A_795 = arith.constant 11.3137083 : f32
      %mul3A_796 = vector.broadcast %mul3A_795 : f32 to vector<16xf32>
      %mul3A_797 = arith.mulf %get3A_794, %mul3A_796 : vector<16xf32>
      %swap3A_798 = arith.index_cast %scan3A_707 : i32 to index
      %swap3A_799 = arith.constant 112 : index
      %swap3A_800 = tpu.vector_load %arg11[%swap3A_798, %swap3A_799] {strides = array<i32>} : memref<128x128xf32, #tpu.memory_space<vmem>>, vector<1x16xf32>,
      %swap3A_801 = vector.shape_cast %swap3A_800 : vector<1x16xf32> to vector<16xf32>
      %swap3A_802 = vector.shape_cast %mul3A_797 : vector<16xf32> to vector<1x16xf32>
      tpu.vector_store %arg11[%swap3A_798, %swap3A_799], %swap3A_802 {strides = array<i32>} : memref<128x128xf32, #tpu.memory_space<vmem>>, vector<1x16xf32>,
      %scan3A_803 = arith.constant 0 : i32
      scf.yield %scan3A_803 : i32
    }
    %scan3A_433 = arith.constant 128 : i32
    %dma_start3A_434 = arith.constant 41 : i32
    %dma_start3A_435 = arith.constant 0 : i32
    %dma_start3A_436 = tpu.memref_slice %arg4[%dma_start3A_434, %mul3A_2, %dma_start3A_435] : memref<50x4096x128xf32, #tpu.memory_space<hbm>> -> memref<1x128x128xf32, #tpu.memory_space<hbm>>
    %dma_start3A_437 = tpu.memref_squeeze %dma_start3A_436 : memref<1x128x128xf32, #tpu.memory_space<hbm>> -> memref<128x128xf32, #tpu.memory_space<hbm>>
    %dma_start3A_438 = arith.constant 0 : i32
    %dma_start3A_439 = tpu.memref_slice %arg4[%dma_start3A_434, %mul3A_2, %dma_start3A_438] : memref<50x4096x128xf32, #tpu.memory_space<hbm>> -> memref<1x128x128xf32, #tpu.memory_space<hbm>>
    %dma_start3A_440 = tpu.memref_squeeze %dma_start3A_439 : memref<1x128x128xf32, #tpu.memory_space<hbm>> -> memref<128x128xf32, #tpu.memory_space<hbm>>
    tpu.enqueue_dma source(%arg11 : memref<128x128xf32, #tpu.memory_space<vmem>>) target(%dma_start3A_440 : memref<128x128xf32, #tpu.memory_space<hbm>>) target_semaphore(%arg17 : memref<!tpu.dma_semaphore, #tpu.memory_space<semaphore_mem>>)
    %dma_wait3A_441 = arith.constant 40 : i32
    %dma_wait3A_442 = arith.constant 0 : i32
    %dma_wait3A_443 = tpu.memref_slice %arg4[%dma_wait3A_441, %mul3A_2, %dma_wait3A_442] : memref<50x4096x128xf32, #tpu.memory_space<hbm>> -> memref<1x128x128xf32, #tpu.memory_space<hbm>>
    %dma_wait3A_444 = tpu.memref_squeeze %dma_wait3A_443 : memref<1x128x128xf32, #tpu.memory_space<hbm>> -> memref<128x128xf32, #tpu.memory_space<hbm>>
    %dma_wait3A_445 = arith.constant 0 : i32
    %dma_wait3A_446 = tpu.memref_slice %arg4[%dma_wait3A_441, %mul3A_2, %dma_wait3A_445] : memref<50x4096x128xf32, #tpu.memory_space<hbm>> -> memref<1x128x128xf32, #tpu.memory_space<hbm>>
    %dma_wait3A_447 = tpu.memref_squeeze %dma_wait3A_446 : memref<1x128x128xf32, #tpu.memory_space<hbm>> -> memref<128x128xf32, #tpu.memory_space<hbm>>
    tpu.wait_dma2 semaphore(%arg16 : memref<!tpu.dma_semaphore, #tpu.memory_space<semaphore_mem>>) src(%arg10 : memref<128x128xf32, #tpu.memory_space<vmem>>) dst(%dma_wait3A_447 : memref<128x128xf32, #tpu.memory_space<hbm>>)
    %dma_start3A_448 = arith.constant 46 : i32
    %dma_start3A_449 = arith.constant 0 : i32
    %dma_start3A_450 = tpu.memref_slice %arg5[%dma_start3A_448, %dma_start3A_449] : memref<50x128xi32, #tpu.memory_space<vmem>> -> memref<1x128xi32, #tpu.memory_space<vmem>>
    %dma_start3A_451 = tpu.memref_squeeze %dma_start3A_450 : memref<1x128xi32, #tpu.memory_space<vmem>> -> memref<128xi32, #tpu.memory_space<vmem>>
    %dma_start3A_452 = arith.constant 0 : i32
    %dma_start3A_453 = arith.constant 0 : i32
    %dma_start3A_454 = tpu.memref_slice %arg3[%dma_start3A_452, %dma_start3A_453] : memref<100000x128xf32, #tpu.memory_space<hbm>> -> memref<100000x128xf32, #tpu.memory_space<hbm>>
    tpu.enqueue_indirect_dma source(%dma_start3A_454 : memref<100000x128xf32, #tpu.memory_space<hbm>>) target(%arg10 : memref<128x128xf32, #tpu.memory_space<vmem>>) offsets(%dma_start3A_451 : memref<128xi32, #tpu.memory_space<vmem>>) semaphore(%arg16 : memref<!tpu.dma_semaphore, #tpu.memory_space<semaphore_mem>>)
    %dma_wait3A_455 = arith.constant 42 : i32
    %dma_wait3A_456 = arith.constant 0 : i32
    %dma_wait3A_457 = tpu.memref_slice %arg5[%dma_wait3A_455, %dma_wait3A_456] : memref<50x128xi32, #tpu.memory_space<vmem>> -> memref<1x128xi32, #tpu.memory_space<vmem>>
    %dma_wait3A_458 = tpu.memref_squeeze %dma_wait3A_457 : memref<1x128xi32, #tpu.memory_space<vmem>> -> memref<128xi32, #tpu.memory_space<vmem>>
    %dma_wait3A_459 = arith.constant 0 : i32
    %dma_wait3A_460 = arith.constant 0 : i32
    %dma_wait3A_461 = tpu.memref_slice %arg3[%dma_wait3A_459, %dma_wait3A_460] : memref<100000x128xf32, #tpu.memory_space<hbm>> -> memref<100000x128xf32, #tpu.memory_space<hbm>>
    tpu.wait_indirect_dma semaphore(%arg12 : memref<!tpu.dma_semaphore, #tpu.memory_space<semaphore_mem>>) src(%dma_wait3A_461 : memref<100000x128xf32, #tpu.memory_space<hbm>>) dst(%arg6 : memref<128x128xf32, #tpu.memory_space<vmem>>)
    %scan3A_462 = arith.constant 0 : i32
    %scan3A_463 = arith.constant 0 : i32
    %scan3A_464 = arith.constant 128 : i32
    %scan3A_465 = arith.addi %scan3A_463, %scan3A_464 : i32
    %scan3A_466 = arith.constant 1 : i32
    %scan3A_467 = scf.for %scan3A_707 = %scan3A_463 to %scan3A_465 step %scan3A_466 iter_args(%scan3A_708 = %scan3A_462) -> (i32)  : i32 {
      %get3A = arith.index_cast %scan3A_707 : i32 to index
      %get3A_709 = arith.constant 0 : index
      %get3A_710 = tpu.vector_load %arg6[%get3A, %get3A_709] {strides = array<i32>} : memref<128x128xf32, #tpu.memory_space<vmem>>, vector<1x16xf32>,
      %get3A_711 = vector.shape_cast %get3A_710 : vector<1x16xf32> to vector<16xf32>
      %mul3A_712 = arith.constant 11.3137083 : f32
      %mul3A_713 = vector.broadcast %mul3A_712 : f32 to vector<16xf32>
      %mul3A_714 = arith.mulf %get3A_711, %mul3A_713 : vector<16xf32>
      %swap3A = arith.index_cast %scan3A_707 : i32 to index
      %swap3A_715 = arith.constant 0 : index
      %swap3A_716 = tpu.vector_load %arg6[%swap3A, %swap3A_715] {strides = array<i32>} : memref<128x128xf32, #tpu.memory_space<vmem>>, vector<1x16xf32>,
      %swap3A_717 = vector.shape_cast %swap3A_716 : vector<1x16xf32> to vector<16xf32>
      %swap3A_718 = vector.shape_cast %mul3A_714 : vector<16xf32> to vector<1x16xf32>
      tpu.vector_store %arg6[%swap3A, %swap3A_715], %swap3A_718 {strides = array<i32>} : memref<128x128xf32, #tpu.memory_space<vmem>>, vector<1x16xf32>,
      %get3A_719 = arith.index_cast %scan3A_707 : i32 to index
      %get3A_720 = arith.constant 16 : index
      %get3A_721 = tpu.vector_load %arg6[%get3A_719, %get3A_720] {strides = array<i32>} : memref<128x128xf32, #tpu.memory_space<vmem>>, vector<1x16xf32>,
      %get3A_722 = vector.shape_cast %get3A_721 : vector<1x16xf32> to vector<16xf32>
      %mul3A_723 = arith.constant 11.3137083 : f32
      %mul3A_724 = vector.broadcast %mul3A_723 : f32 to vector<16xf32>
      %mul3A_725 = arith.mulf %get3A_722, %mul3A_724 : vector<16xf32>
      %swap3A_726 = arith.index_cast %scan3A_707 : i32 to index
      %swap3A_727 = arith.constant 16 : index
      %swap3A_728 = tpu.vector_load %arg6[%swap3A_726, %swap3A_727] {strides = array<i32>} : memref<128x128xf32, #tpu.memory_space<vmem>>, vector<1x16xf32>,
      %swap3A_729 = vector.shape_cast %swap3A_728 : vector<1x16xf32> to vector<16xf32>
      %swap3A_730 = vector.shape_cast %mul3A_725 : vector<16xf32> to vector<1x16xf32>
      tpu.vector_store %arg6[%swap3A_726, %swap3A_727], %swap3A_730 {strides = array<i32>} : memref<128x128xf32, #tpu.memory_space<vmem>>, vector<1x16xf32>,
      %get3A_731 = arith.index_cast %scan3A_707 : i32 to index
      %get3A_732 = arith.constant 32 : index
      %get3A_733 = tpu.vector_load %arg6[%get3A_731, %get3A_732] {strides = array<i32>} : memref<128x128xf32, #tpu.memory_space<vmem>>, vector<1x16xf32>,
      %get3A_734 = vector.shape_cast %get3A_733 : vector<1x16xf32> to vector<16xf32>
      %mul3A_735 = arith.constant 11.3137083 : f32
      %mul3A_736 = vector.broadcast %mul3A_735 : f32 to vector<16xf32>
      %mul3A_737 = arith.mulf %get3A_734, %mul3A_736 : vector<16xf32>
      %swap3A_738 = arith.index_cast %scan3A_707 : i32 to index
      %swap3A_739 = arith.constant 32 : index
      %swap3A_740 = tpu.vector_load %arg6[%swap3A_738, %swap3A_739] {strides = array<i32>} : memref<128x128xf32, #tpu.memory_space<vmem>>, vector<1x16xf32>,
      %swap3A_741 = vector.shape_cast %swap3A_740 : vector<1x16xf32> to vector<16xf32>
      %swap3A_742 = vector.shape_cast %mul3A_737 : vector<16xf32> to vector<1x16xf32>
      tpu.vector_store %arg6[%swap3A_738, %swap3A_739], %swap3A_742 {strides = array<i32>} : memref<128x128xf32, #tpu.memory_space<vmem>>, vector<1x16xf32>,
      %get3A_743 = arith.index_cast %scan3A_707 : i32 to index
      %get3A_744 = arith.constant 48 : index
      %get3A_745 = tpu.vector_load %arg6[%get3A_743, %get3A_744] {strides = array<i32>} : memref<128x128xf32, #tpu.memory_space<vmem>>, vector<1x16xf32>,
      %get3A_746 = vector.shape_cast %get3A_745 : vector<1x16xf32> to vector<16xf32>
      %mul3A_747 = arith.constant 11.3137083 : f32
      %mul3A_748 = vector.broadcast %mul3A_747 : f32 to vector<16xf32>
      %mul3A_749 = arith.mulf %get3A_746, %mul3A_748 : vector<16xf32>
      %swap3A_750 = arith.index_cast %scan3A_707 : i32 to index
      %swap3A_751 = arith.constant 48 : index
      %swap3A_752 = tpu.vector_load %arg6[%swap3A_750, %swap3A_751] {strides = array<i32>} : memref<128x128xf32, #tpu.memory_space<vmem>>, vector<1x16xf32>,
      %swap3A_753 = vector.shape_cast %swap3A_752 : vector<1x16xf32> to vector<16xf32>
      %swap3A_754 = vector.shape_cast %mul3A_749 : vector<16xf32> to vector<1x16xf32>
      tpu.vector_store %arg6[%swap3A_750, %swap3A_751], %swap3A_754 {strides = array<i32>} : memref<128x128xf32, #tpu.memory_space<vmem>>, vector<1x16xf32>,
      %get3A_755 = arith.index_cast %scan3A_707 : i32 to index
      %get3A_756 = arith.constant 64 : index
      %get3A_757 = tpu.vector_load %arg6[%get3A_755, %get3A_756] {strides = array<i32>} : memref<128x128xf32, #tpu.memory_space<vmem>>, vector<1x16xf32>,
      %get3A_758 = vector.shape_cast %get3A_757 : vector<1x16xf32> to vector<16xf32>
      %mul3A_759 = arith.constant 11.3137083 : f32
      %mul3A_760 = vector.broadcast %mul3A_759 : f32 to vector<16xf32>
      %mul3A_761 = arith.mulf %get3A_758, %mul3A_760 : vector<16xf32>
      %swap3A_762 = arith.index_cast %scan3A_707 : i32 to index
      %swap3A_763 = arith.constant 64 : index
      %swap3A_764 = tpu.vector_load %arg6[%swap3A_762, %swap3A_763] {strides = array<i32>} : memref<128x128xf32, #tpu.memory_space<vmem>>, vector<1x16xf32>,
      %swap3A_765 = vector.shape_cast %swap3A_764 : vector<1x16xf32> to vector<16xf32>
      %swap3A_766 = vector.shape_cast %mul3A_761 : vector<16xf32> to vector<1x16xf32>
      tpu.vector_store %arg6[%swap3A_762, %swap3A_763], %swap3A_766 {strides = array<i32>} : memref<128x128xf32, #tpu.memory_space<vmem>>, vector<1x16xf32>,
      %get3A_767 = arith.index_cast %scan3A_707 : i32 to index
      %get3A_768 = arith.constant 80 : index
      %get3A_769 = tpu.vector_load %arg6[%get3A_767, %get3A_768] {strides = array<i32>} : memref<128x128xf32, #tpu.memory_space<vmem>>, vector<1x16xf32>,
      %get3A_770 = vector.shape_cast %get3A_769 : vector<1x16xf32> to vector<16xf32>
      %mul3A_771 = arith.constant 11.3137083 : f32
      %mul3A_772 = vector.broadcast %mul3A_771 : f32 to vector<16xf32>
      %mul3A_773 = arith.mulf %get3A_770, %mul3A_772 : vector<16xf32>
      %swap3A_774 = arith.index_cast %scan3A_707 : i32 to index
      %swap3A_775 = arith.constant 80 : index
      %swap3A_776 = tpu.vector_load %arg6[%swap3A_774, %swap3A_775] {strides = array<i32>} : memref<128x128xf32, #tpu.memory_space<vmem>>, vector<1x16xf32>,
      %swap3A_777 = vector.shape_cast %swap3A_776 : vector<1x16xf32> to vector<16xf32>
      %swap3A_778 = vector.shape_cast %mul3A_773 : vector<16xf32> to vector<1x16xf32>
      tpu.vector_store %arg6[%swap3A_774, %swap3A_775], %swap3A_778 {strides = array<i32>} : memref<128x128xf32, #tpu.memory_space<vmem>>, vector<1x16xf32>,
      %get3A_779 = arith.index_cast %scan3A_707 : i32 to index
      %get3A_780 = arith.constant 96 : index
      %get3A_781 = tpu.vector_load %arg6[%get3A_779, %get3A_780] {strides = array<i32>} : memref<128x128xf32, #tpu.memory_space<vmem>>, vector<1x16xf32>,
      %get3A_782 = vector.shape_cast %get3A_781 : vector<1x16xf32> to vector<16xf32>
      %mul3A_783 = arith.constant 11.3137083 : f32
      %mul3A_784 = vector.broadcast %mul3A_783 : f32 to vector<16xf32>
      %mul3A_785 = arith.mulf %get3A_782, %mul3A_784 : vector<16xf32>
      %swap3A_786 = arith.index_cast %scan3A_707 : i32 to index
      %swap3A_787 = arith.constant 96 : index
      %swap3A_788 = tpu.vector_load %arg6[%swap3A_786, %swap3A_787] {strides = array<i32>} : memref<128x128xf32, #tpu.memory_space<vmem>>, vector<1x16xf32>,
      %swap3A_789 = vector.shape_cast %swap3A_788 : vector<1x16xf32> to vector<16xf32>
      %swap3A_790 = vector.shape_cast %mul3A_785 : vector<16xf32> to vector<1x16xf32>
      tpu.vector_store %arg6[%swap3A_786, %swap3A_787], %swap3A_790 {strides = array<i32>} : memref<128x128xf32, #tpu.memory_space<vmem>>, vector<1x16xf32>,
      %get3A_791 = arith.index_cast %scan3A_707 : i32 to index
      %get3A_792 = arith.constant 112 : index
      %get3A_793 = tpu.vector_load %arg6[%get3A_791, %get3A_792] {strides = array<i32>} : memref<128x128xf32, #tpu.memory_space<vmem>>, vector<1x16xf32>,
      %get3A_794 = vector.shape_cast %get3A_793 : vector<1x16xf32> to vector<16xf32>
      %mul3A_795 = arith.constant 11.3137083 : f32
      %mul3A_796 = vector.broadcast %mul3A_795 : f32 to vector<16xf32>
      %mul3A_797 = arith.mulf %get3A_794, %mul3A_796 : vector<16xf32>
      %swap3A_798 = arith.index_cast %scan3A_707 : i32 to index
      %swap3A_799 = arith.constant 112 : index
      %swap3A_800 = tpu.vector_load %arg6[%swap3A_798, %swap3A_799] {strides = array<i32>} : memref<128x128xf32, #tpu.memory_space<vmem>>, vector<1x16xf32>,
      %swap3A_801 = vector.shape_cast %swap3A_800 : vector<1x16xf32> to vector<16xf32>
      %swap3A_802 = vector.shape_cast %mul3A_797 : vector<16xf32> to vector<1x16xf32>
      tpu.vector_store %arg6[%swap3A_798, %swap3A_799], %swap3A_802 {strides = array<i32>} : memref<128x128xf32, #tpu.memory_space<vmem>>, vector<1x16xf32>,
      %scan3A_803 = arith.constant 0 : i32
      scf.yield %scan3A_803 : i32
    }
    %scan3A_468 = arith.constant 128 : i32
    %dma_start3A_469 = arith.constant 42 : i32
    %dma_start3A_470 = arith.constant 0 : i32
    %dma_start3A_471 = tpu.memref_slice %arg4[%dma_start3A_469, %mul3A_2, %dma_start3A_470] : memref<50x4096x128xf32, #tpu.memory_space<hbm>> -> memref<1x128x128xf32, #tpu.memory_space<hbm>>
    %dma_start3A_472 = tpu.memref_squeeze %dma_start3A_471 : memref<1x128x128xf32, #tpu.memory_space<hbm>> -> memref<128x128xf32, #tpu.memory_space<hbm>>
    %dma_start3A_473 = arith.constant 0 : i32
    %dma_start3A_474 = tpu.memref_slice %arg4[%dma_start3A_469, %mul3A_2, %dma_start3A_473] : memref<50x4096x128xf32, #tpu.memory_space<hbm>> -> memref<1x128x128xf32, #tpu.memory_space<hbm>>
    %dma_start3A_475 = tpu.memref_squeeze %dma_start3A_474 : memref<1x128x128xf32, #tpu.memory_space<hbm>> -> memref<128x128xf32, #tpu.memory_space<hbm>>
    tpu.enqueue_dma source(%arg6 : memref<128x128xf32, #tpu.memory_space<vmem>>) target(%dma_start3A_475 : memref<128x128xf32, #tpu.memory_space<hbm>>) target_semaphore(%arg12 : memref<!tpu.dma_semaphore, #tpu.memory_space<semaphore_mem>>)
    %dma_wait3A_476 = arith.constant 41 : i32
    %dma_wait3A_477 = arith.constant 0 : i32
    %dma_wait3A_478 = tpu.memref_slice %arg4[%dma_wait3A_476, %mul3A_2, %dma_wait3A_477] : memref<50x4096x128xf32, #tpu.memory_space<hbm>> -> memref<1x128x128xf32, #tpu.memory_space<hbm>>
    %dma_wait3A_479 = tpu.memref_squeeze %dma_wait3A_478 : memref<1x128x128xf32, #tpu.memory_space<hbm>> -> memref<128x128xf32, #tpu.memory_space<hbm>>
    %dma_wait3A_480 = arith.constant 0 : i32
    %dma_wait3A_481 = tpu.memref_slice %arg4[%dma_wait3A_476, %mul3A_2, %dma_wait3A_480] : memref<50x4096x128xf32, #tpu.memory_space<hbm>> -> memref<1x128x128xf32, #tpu.memory_space<hbm>>
    %dma_wait3A_482 = tpu.memref_squeeze %dma_wait3A_481 : memref<1x128x128xf32, #tpu.memory_space<hbm>> -> memref<128x128xf32, #tpu.memory_space<hbm>>
    tpu.wait_dma2 semaphore(%arg17 : memref<!tpu.dma_semaphore, #tpu.memory_space<semaphore_mem>>) src(%arg11 : memref<128x128xf32, #tpu.memory_space<vmem>>) dst(%dma_wait3A_482 : memref<128x128xf32, #tpu.memory_space<hbm>>)
    %dma_start3A_483 = arith.constant 47 : i32
    %dma_start3A_484 = arith.constant 0 : i32
    %dma_start3A_485 = tpu.memref_slice %arg5[%dma_start3A_483, %dma_start3A_484] : memref<50x128xi32, #tpu.memory_space<vmem>> -> memref<1x128xi32, #tpu.memory_space<vmem>>
    %dma_start3A_486 = tpu.memref_squeeze %dma_start3A_485 : memref<1x128xi32, #tpu.memory_space<vmem>> -> memref<128xi32, #tpu.memory_space<vmem>>
    %dma_start3A_487 = arith.constant 0 : i32
    %dma_start3A_488 = arith.constant 0 : i32
    %dma_start3A_489 = tpu.memref_slice %arg3[%dma_start3A_487, %dma_start3A_488] : memref<100000x128xf32, #tpu.memory_space<hbm>> -> memref<100000x128xf32, #tpu.memory_space<hbm>>
    tpu.enqueue_indirect_dma source(%dma_start3A_489 : memref<100000x128xf32, #tpu.memory_space<hbm>>) target(%arg11 : memref<128x128xf32, #tpu.memory_space<vmem>>) offsets(%dma_start3A_486 : memref<128xi32, #tpu.memory_space<vmem>>) semaphore(%arg17 : memref<!tpu.dma_semaphore, #tpu.memory_space<semaphore_mem>>)
    %dma_wait3A_490 = arith.constant 43 : i32
    %dma_wait3A_491 = arith.constant 0 : i32
    %dma_wait3A_492 = tpu.memref_slice %arg5[%dma_wait3A_490, %dma_wait3A_491] : memref<50x128xi32, #tpu.memory_space<vmem>> -> memref<1x128xi32, #tpu.memory_space<vmem>>
    %dma_wait3A_493 = tpu.memref_squeeze %dma_wait3A_492 : memref<1x128xi32, #tpu.memory_space<vmem>> -> memref<128xi32, #tpu.memory_space<vmem>>
    %dma_wait3A_494 = arith.constant 0 : i32
    %dma_wait3A_495 = arith.constant 0 : i32
    %dma_wait3A_496 = tpu.memref_slice %arg3[%dma_wait3A_494, %dma_wait3A_495] : memref<100000x128xf32, #tpu.memory_space<hbm>> -> memref<100000x128xf32, #tpu.memory_space<hbm>>
    tpu.wait_indirect_dma semaphore(%arg13 : memref<!tpu.dma_semaphore, #tpu.memory_space<semaphore_mem>>) src(%dma_wait3A_496 : memref<100000x128xf32, #tpu.memory_space<hbm>>) dst(%arg7 : memref<128x128xf32, #tpu.memory_space<vmem>>)
    %scan3A_497 = arith.constant 0 : i32
    %scan3A_498 = arith.constant 0 : i32
    %scan3A_499 = arith.constant 128 : i32
    %scan3A_500 = arith.addi %scan3A_498, %scan3A_499 : i32
    %scan3A_501 = arith.constant 1 : i32
    %scan3A_502 = scf.for %scan3A_707 = %scan3A_498 to %scan3A_500 step %scan3A_501 iter_args(%scan3A_708 = %scan3A_497) -> (i32)  : i32 {
      %get3A = arith.index_cast %scan3A_707 : i32 to index
      %get3A_709 = arith.constant 0 : index
      %get3A_710 = tpu.vector_load %arg7[%get3A, %get3A_709] {strides = array<i32>} : memref<128x128xf32, #tpu.memory_space<vmem>>, vector<1x16xf32>,
      %get3A_711 = vector.shape_cast %get3A_710 : vector<1x16xf32> to vector<16xf32>
      %mul3A_712 = arith.constant 11.3137083 : f32
      %mul3A_713 = vector.broadcast %mul3A_712 : f32 to vector<16xf32>
      %mul3A_714 = arith.mulf %get3A_711, %mul3A_713 : vector<16xf32>
      %swap3A = arith.index_cast %scan3A_707 : i32 to index
      %swap3A_715 = arith.constant 0 : index
      %swap3A_716 = tpu.vector_load %arg7[%swap3A, %swap3A_715] {strides = array<i32>} : memref<128x128xf32, #tpu.memory_space<vmem>>, vector<1x16xf32>,
      %swap3A_717 = vector.shape_cast %swap3A_716 : vector<1x16xf32> to vector<16xf32>
      %swap3A_718 = vector.shape_cast %mul3A_714 : vector<16xf32> to vector<1x16xf32>
      tpu.vector_store %arg7[%swap3A, %swap3A_715], %swap3A_718 {strides = array<i32>} : memref<128x128xf32, #tpu.memory_space<vmem>>, vector<1x16xf32>,
      %get3A_719 = arith.index_cast %scan3A_707 : i32 to index
      %get3A_720 = arith.constant 16 : index
      %get3A_721 = tpu.vector_load %arg7[%get3A_719, %get3A_720] {strides = array<i32>} : memref<128x128xf32, #tpu.memory_space<vmem>>, vector<1x16xf32>,
      %get3A_722 = vector.shape_cast %get3A_721 : vector<1x16xf32> to vector<16xf32>
      %mul3A_723 = arith.constant 11.3137083 : f32
      %mul3A_724 = vector.broadcast %mul3A_723 : f32 to vector<16xf32>
      %mul3A_725 = arith.mulf %get3A_722, %mul3A_724 : vector<16xf32>
      %swap3A_726 = arith.index_cast %scan3A_707 : i32 to index
      %swap3A_727 = arith.constant 16 : index
      %swap3A_728 = tpu.vector_load %arg7[%swap3A_726, %swap3A_727] {strides = array<i32>} : memref<128x128xf32, #tpu.memory_space<vmem>>, vector<1x16xf32>,
      %swap3A_729 = vector.shape_cast %swap3A_728 : vector<1x16xf32> to vector<16xf32>
      %swap3A_730 = vector.shape_cast %mul3A_725 : vector<16xf32> to vector<1x16xf32>
      tpu.vector_store %arg7[%swap3A_726, %swap3A_727], %swap3A_730 {strides = array<i32>} : memref<128x128xf32, #tpu.memory_space<vmem>>, vector<1x16xf32>,
      %get3A_731 = arith.index_cast %scan3A_707 : i32 to index
      %get3A_732 = arith.constant 32 : index
      %get3A_733 = tpu.vector_load %arg7[%get3A_731, %get3A_732] {strides = array<i32>} : memref<128x128xf32, #tpu.memory_space<vmem>>, vector<1x16xf32>,
      %get3A_734 = vector.shape_cast %get3A_733 : vector<1x16xf32> to vector<16xf32>
      %mul3A_735 = arith.constant 11.3137083 : f32
      %mul3A_736 = vector.broadcast %mul3A_735 : f32 to vector<16xf32>
      %mul3A_737 = arith.mulf %get3A_734, %mul3A_736 : vector<16xf32>
      %swap3A_738 = arith.index_cast %scan3A_707 : i32 to index
      %swap3A_739 = arith.constant 32 : index
      %swap3A_740 = tpu.vector_load %arg7[%swap3A_738, %swap3A_739] {strides = array<i32>} : memref<128x128xf32, #tpu.memory_space<vmem>>, vector<1x16xf32>,
      %swap3A_741 = vector.shape_cast %swap3A_740 : vector<1x16xf32> to vector<16xf32>
      %swap3A_742 = vector.shape_cast %mul3A_737 : vector<16xf32> to vector<1x16xf32>
      tpu.vector_store %arg7[%swap3A_738, %swap3A_739], %swap3A_742 {strides = array<i32>} : memref<128x128xf32, #tpu.memory_space<vmem>>, vector<1x16xf32>,
      %get3A_743 = arith.index_cast %scan3A_707 : i32 to index
      %get3A_744 = arith.constant 48 : index
      %get3A_745 = tpu.vector_load %arg7[%get3A_743, %get3A_744] {strides = array<i32>} : memref<128x128xf32, #tpu.memory_space<vmem>>, vector<1x16xf32>,
      %get3A_746 = vector.shape_cast %get3A_745 : vector<1x16xf32> to vector<16xf32>
      %mul3A_747 = arith.constant 11.3137083 : f32
      %mul3A_748 = vector.broadcast %mul3A_747 : f32 to vector<16xf32>
      %mul3A_749 = arith.mulf %get3A_746, %mul3A_748 : vector<16xf32>
      %swap3A_750 = arith.index_cast %scan3A_707 : i32 to index
      %swap3A_751 = arith.constant 48 : index
      %swap3A_752 = tpu.vector_load %arg7[%swap3A_750, %swap3A_751] {strides = array<i32>} : memref<128x128xf32, #tpu.memory_space<vmem>>, vector<1x16xf32>,
      %swap3A_753 = vector.shape_cast %swap3A_752 : vector<1x16xf32> to vector<16xf32>
      %swap3A_754 = vector.shape_cast %mul3A_749 : vector<16xf32> to vector<1x16xf32>
      tpu.vector_store %arg7[%swap3A_750, %swap3A_751], %swap3A_754 {strides = array<i32>} : memref<128x128xf32, #tpu.memory_space<vmem>>, vector<1x16xf32>,
      %get3A_755 = arith.index_cast %scan3A_707 : i32 to index
      %get3A_756 = arith.constant 64 : index
      %get3A_757 = tpu.vector_load %arg7[%get3A_755, %get3A_756] {strides = array<i32>} : memref<128x128xf32, #tpu.memory_space<vmem>>, vector<1x16xf32>,
      %get3A_758 = vector.shape_cast %get3A_757 : vector<1x16xf32> to vector<16xf32>
      %mul3A_759 = arith.constant 11.3137083 : f32
      %mul3A_760 = vector.broadcast %mul3A_759 : f32 to vector<16xf32>
      %mul3A_761 = arith.mulf %get3A_758, %mul3A_760 : vector<16xf32>
      %swap3A_762 = arith.index_cast %scan3A_707 : i32 to index
      %swap3A_763 = arith.constant 64 : index
      %swap3A_764 = tpu.vector_load %arg7[%swap3A_762, %swap3A_763] {strides = array<i32>} : memref<128x128xf32, #tpu.memory_space<vmem>>, vector<1x16xf32>,
      %swap3A_765 = vector.shape_cast %swap3A_764 : vector<1x16xf32> to vector<16xf32>
      %swap3A_766 = vector.shape_cast %mul3A_761 : vector<16xf32> to vector<1x16xf32>
      tpu.vector_store %arg7[%swap3A_762, %swap3A_763], %swap3A_766 {strides = array<i32>} : memref<128x128xf32, #tpu.memory_space<vmem>>, vector<1x16xf32>,
      %get3A_767 = arith.index_cast %scan3A_707 : i32 to index
      %get3A_768 = arith.constant 80 : index
      %get3A_769 = tpu.vector_load %arg7[%get3A_767, %get3A_768] {strides = array<i32>} : memref<128x128xf32, #tpu.memory_space<vmem>>, vector<1x16xf32>,
      %get3A_770 = vector.shape_cast %get3A_769 : vector<1x16xf32> to vector<16xf32>
      %mul3A_771 = arith.constant 11.3137083 : f32
      %mul3A_772 = vector.broadcast %mul3A_771 : f32 to vector<16xf32>
      %mul3A_773 = arith.mulf %get3A_770, %mul3A_772 : vector<16xf32>
      %swap3A_774 = arith.index_cast %scan3A_707 : i32 to index
      %swap3A_775 = arith.constant 80 : index
      %swap3A_776 = tpu.vector_load %arg7[%swap3A_774, %swap3A_775] {strides = array<i32>} : memref<128x128xf32, #tpu.memory_space<vmem>>, vector<1x16xf32>,
      %swap3A_777 = vector.shape_cast %swap3A_776 : vector<1x16xf32> to vector<16xf32>
      %swap3A_778 = vector.shape_cast %mul3A_773 : vector<16xf32> to vector<1x16xf32>
      tpu.vector_store %arg7[%swap3A_774, %swap3A_775], %swap3A_778 {strides = array<i32>} : memref<128x128xf32, #tpu.memory_space<vmem>>, vector<1x16xf32>,
      %get3A_779 = arith.index_cast %scan3A_707 : i32 to index
      %get3A_780 = arith.constant 96 : index
      %get3A_781 = tpu.vector_load %arg7[%get3A_779, %get3A_780] {strides = array<i32>} : memref<128x128xf32, #tpu.memory_space<vmem>>, vector<1x16xf32>,
      %get3A_782 = vector.shape_cast %get3A_781 : vector<1x16xf32> to vector<16xf32>
      %mul3A_783 = arith.constant 11.3137083 : f32
      %mul3A_784 = vector.broadcast %mul3A_783 : f32 to vector<16xf32>
      %mul3A_785 = arith.mulf %get3A_782, %mul3A_784 : vector<16xf32>
      %swap3A_786 = arith.index_cast %scan3A_707 : i32 to index
      %swap3A_787 = arith.constant 96 : index
      %swap3A_788 = tpu.vector_load %arg7[%swap3A_786, %swap3A_787] {strides = array<i32>} : memref<128x128xf32, #tpu.memory_space<vmem>>, vector<1x16xf32>,
      %swap3A_789 = vector.shape_cast %swap3A_788 : vector<1x16xf32> to vector<16xf32>
      %swap3A_790 = vector.shape_cast %mul3A_785 : vector<16xf32> to vector<1x16xf32>
      tpu.vector_store %arg7[%swap3A_786, %swap3A_787], %swap3A_790 {strides = array<i32>} : memref<128x128xf32, #tpu.memory_space<vmem>>, vector<1x16xf32>,
      %get3A_791 = arith.index_cast %scan3A_707 : i32 to index
      %get3A_792 = arith.constant 112 : index
      %get3A_793 = tpu.vector_load %arg7[%get3A_791, %get3A_792] {strides = array<i32>} : memref<128x128xf32, #tpu.memory_space<vmem>>, vector<1x16xf32>,
      %get3A_794 = vector.shape_cast %get3A_793 : vector<1x16xf32> to vector<16xf32>
      %mul3A_795 = arith.constant 11.3137083 : f32
      %mul3A_796 = vector.broadcast %mul3A_795 : f32 to vector<16xf32>
      %mul3A_797 = arith.mulf %get3A_794, %mul3A_796 : vector<16xf32>
      %swap3A_798 = arith.index_cast %scan3A_707 : i32 to index
      %swap3A_799 = arith.constant 112 : index
      %swap3A_800 = tpu.vector_load %arg7[%swap3A_798, %swap3A_799] {strides = array<i32>} : memref<128x128xf32, #tpu.memory_space<vmem>>, vector<1x16xf32>,
      %swap3A_801 = vector.shape_cast %swap3A_800 : vector<1x16xf32> to vector<16xf32>
      %swap3A_802 = vector.shape_cast %mul3A_797 : vector<16xf32> to vector<1x16xf32>
      tpu.vector_store %arg7[%swap3A_798, %swap3A_799], %swap3A_802 {strides = array<i32>} : memref<128x128xf32, #tpu.memory_space<vmem>>, vector<1x16xf32>,
      %scan3A_803 = arith.constant 0 : i32
      scf.yield %scan3A_803 : i32
    }
    %scan3A_503 = arith.constant 128 : i32
    %dma_start3A_504 = arith.constant 43 : i32
    %dma_start3A_505 = arith.constant 0 : i32
    %dma_start3A_506 = tpu.memref_slice %arg4[%dma_start3A_504, %mul3A_2, %dma_start3A_505] : memref<50x4096x128xf32, #tpu.memory_space<hbm>> -> memref<1x128x128xf32, #tpu.memory_space<hbm>>
    %dma_start3A_507 = tpu.memref_squeeze %dma_start3A_506 : memref<1x128x128xf32, #tpu.memory_space<hbm>> -> memref<128x128xf32, #tpu.memory_space<hbm>>
    %dma_start3A_508 = arith.constant 0 : i32
    %dma_start3A_509 = tpu.memref_slice %arg4[%dma_start3A_504, %mul3A_2, %dma_start3A_508] : memref<50x4096x128xf32, #tpu.memory_space<hbm>> -> memref<1x128x128xf32, #tpu.memory_space<hbm>>
    %dma_start3A_510 = tpu.memref_squeeze %dma_start3A_509 : memref<1x128x128xf32, #tpu.memory_space<hbm>> -> memref<128x128xf32, #tpu.memory_space<hbm>>
    tpu.enqueue_dma source(%arg7 : memref<128x128xf32, #tpu.memory_space<vmem>>) target(%dma_start3A_510 : memref<128x128xf32, #tpu.memory_space<hbm>>) target_semaphore(%arg13 : memref<!tpu.dma_semaphore, #tpu.memory_space<semaphore_mem>>)
    %dma_wait3A_511 = arith.constant 42 : i32
    %dma_wait3A_512 = arith.constant 0 : i32
    %dma_wait3A_513 = tpu.memref_slice %arg4[%dma_wait3A_511, %mul3A_2, %dma_wait3A_512] : memref<50x4096x128xf32, #tpu.memory_space<hbm>> -> memref<1x128x128xf32, #tpu.memory_space<hbm>>
    %dma_wait3A_514 = tpu.memref_squeeze %dma_wait3A_513 : memref<1x128x128xf32, #tpu.memory_space<hbm>> -> memref<128x128xf32, #tpu.memory_space<hbm>>
    %dma_wait3A_515 = arith.constant 0 : i32
    %dma_wait3A_516 = tpu.memref_slice %arg4[%dma_wait3A_511, %mul3A_2, %dma_wait3A_515] : memref<50x4096x128xf32, #tpu.memory_space<hbm>> -> memref<1x128x128xf32, #tpu.memory_space<hbm>>
    %dma_wait3A_517 = tpu.memref_squeeze %dma_wait3A_516 : memref<1x128x128xf32, #tpu.memory_space<hbm>> -> memref<128x128xf32, #tpu.memory_space<hbm>>
    tpu.wait_dma2 semaphore(%arg12 : memref<!tpu.dma_semaphore, #tpu.memory_space<semaphore_mem>>) src(%arg6 : memref<128x128xf32, #tpu.memory_space<vmem>>) dst(%dma_wait3A_517 : memref<128x128xf32, #tpu.memory_space<hbm>>)
    %dma_start3A_518 = arith.constant 48 : i32
    %dma_start3A_519 = arith.constant 0 : i32
    %dma_start3A_520 = tpu.memref_slice %arg5[%dma_start3A_518, %dma_start3A_519] : memref<50x128xi32, #tpu.memory_space<vmem>> -> memref<1x128xi32, #tpu.memory_space<vmem>>
    %dma_start3A_521 = tpu.memref_squeeze %dma_start3A_520 : memref<1x128xi32, #tpu.memory_space<vmem>> -> memref<128xi32, #tpu.memory_space<vmem>>
    %dma_start3A_522 = arith.constant 0 : i32
    %dma_start3A_523 = arith.constant 0 : i32
    %dma_start3A_524 = tpu.memref_slice %arg3[%dma_start3A_522, %dma_start3A_523] : memref<100000x128xf32, #tpu.memory_space<hbm>> -> memref<100000x128xf32, #tpu.memory_space<hbm>>
    tpu.enqueue_indirect_dma source(%dma_start3A_524 : memref<100000x128xf32, #tpu.memory_space<hbm>>) target(%arg6 : memref<128x128xf32, #tpu.memory_space<vmem>>) offsets(%dma_start3A_521 : memref<128xi32, #tpu.memory_space<vmem>>) semaphore(%arg12 : memref<!tpu.dma_semaphore, #tpu.memory_space<semaphore_mem>>)
    %dma_wait3A_525 = arith.constant 44 : i32
    %dma_wait3A_526 = arith.constant 0 : i32
    %dma_wait3A_527 = tpu.memref_slice %arg5[%dma_wait3A_525, %dma_wait3A_526] : memref<50x128xi32, #tpu.memory_space<vmem>> -> memref<1x128xi32, #tpu.memory_space<vmem>>
    %dma_wait3A_528 = tpu.memref_squeeze %dma_wait3A_527 : memref<1x128xi32, #tpu.memory_space<vmem>> -> memref<128xi32, #tpu.memory_space<vmem>>
    %dma_wait3A_529 = arith.constant 0 : i32
    %dma_wait3A_530 = arith.constant 0 : i32
    %dma_wait3A_531 = tpu.memref_slice %arg3[%dma_wait3A_529, %dma_wait3A_530] : memref<100000x128xf32, #tpu.memory_space<hbm>> -> memref<100000x128xf32, #tpu.memory_space<hbm>>
    tpu.wait_indirect_dma semaphore(%arg14 : memref<!tpu.dma_semaphore, #tpu.memory_space<semaphore_mem>>) src(%dma_wait3A_531 : memref<100000x128xf32, #tpu.memory_space<hbm>>) dst(%arg8 : memref<128x128xf32, #tpu.memory_space<vmem>>)
    %scan3A_532 = arith.constant 0 : i32
    %scan3A_533 = arith.constant 0 : i32
    %scan3A_534 = arith.constant 128 : i32
    %scan3A_535 = arith.addi %scan3A_533, %scan3A_534 : i32
    %scan3A_536 = arith.constant 1 : i32
    %scan3A_537 = scf.for %scan3A_707 = %scan3A_533 to %scan3A_535 step %scan3A_536 iter_args(%scan3A_708 = %scan3A_532) -> (i32)  : i32 {
      %get3A = arith.index_cast %scan3A_707 : i32 to index
      %get3A_709 = arith.constant 0 : index
      %get3A_710 = tpu.vector_load %arg8[%get3A, %get3A_709] {strides = array<i32>} : memref<128x128xf32, #tpu.memory_space<vmem>>, vector<1x16xf32>,
      %get3A_711 = vector.shape_cast %get3A_710 : vector<1x16xf32> to vector<16xf32>
      %mul3A_712 = arith.constant 11.3137083 : f32
      %mul3A_713 = vector.broadcast %mul3A_712 : f32 to vector<16xf32>
      %mul3A_714 = arith.mulf %get3A_711, %mul3A_713 : vector<16xf32>
      %swap3A = arith.index_cast %scan3A_707 : i32 to index
      %swap3A_715 = arith.constant 0 : index
      %swap3A_716 = tpu.vector_load %arg8[%swap3A, %swap3A_715] {strides = array<i32>} : memref<128x128xf32, #tpu.memory_space<vmem>>, vector<1x16xf32>,
      %swap3A_717 = vector.shape_cast %swap3A_716 : vector<1x16xf32> to vector<16xf32>
      %swap3A_718 = vector.shape_cast %mul3A_714 : vector<16xf32> to vector<1x16xf32>
      tpu.vector_store %arg8[%swap3A, %swap3A_715], %swap3A_718 {strides = array<i32>} : memref<128x128xf32, #tpu.memory_space<vmem>>, vector<1x16xf32>,
      %get3A_719 = arith.index_cast %scan3A_707 : i32 to index
      %get3A_720 = arith.constant 16 : index
      %get3A_721 = tpu.vector_load %arg8[%get3A_719, %get3A_720] {strides = array<i32>} : memref<128x128xf32, #tpu.memory_space<vmem>>, vector<1x16xf32>,
      %get3A_722 = vector.shape_cast %get3A_721 : vector<1x16xf32> to vector<16xf32>
      %mul3A_723 = arith.constant 11.3137083 : f32
      %mul3A_724 = vector.broadcast %mul3A_723 : f32 to vector<16xf32>
      %mul3A_725 = arith.mulf %get3A_722, %mul3A_724 : vector<16xf32>
      %swap3A_726 = arith.index_cast %scan3A_707 : i32 to index
      %swap3A_727 = arith.constant 16 : index
      %swap3A_728 = tpu.vector_load %arg8[%swap3A_726, %swap3A_727] {strides = array<i32>} : memref<128x128xf32, #tpu.memory_space<vmem>>, vector<1x16xf32>,
      %swap3A_729 = vector.shape_cast %swap3A_728 : vector<1x16xf32> to vector<16xf32>
      %swap3A_730 = vector.shape_cast %mul3A_725 : vector<16xf32> to vector<1x16xf32>
      tpu.vector_store %arg8[%swap3A_726, %swap3A_727], %swap3A_730 {strides = array<i32>} : memref<128x128xf32, #tpu.memory_space<vmem>>, vector<1x16xf32>,
      %get3A_731 = arith.index_cast %scan3A_707 : i32 to index
      %get3A_732 = arith.constant 32 : index
      %get3A_733 = tpu.vector_load %arg8[%get3A_731, %get3A_732] {strides = array<i32>} : memref<128x128xf32, #tpu.memory_space<vmem>>, vector<1x16xf32>,
      %get3A_734 = vector.shape_cast %get3A_733 : vector<1x16xf32> to vector<16xf32>
      %mul3A_735 = arith.constant 11.3137083 : f32
      %mul3A_736 = vector.broadcast %mul3A_735 : f32 to vector<16xf32>
      %mul3A_737 = arith.mulf %get3A_734, %mul3A_736 : vector<16xf32>
      %swap3A_738 = arith.index_cast %scan3A_707 : i32 to index
      %swap3A_739 = arith.constant 32 : index
      %swap3A_740 = tpu.vector_load %arg8[%swap3A_738, %swap3A_739] {strides = array<i32>} : memref<128x128xf32, #tpu.memory_space<vmem>>, vector<1x16xf32>,
      %swap3A_741 = vector.shape_cast %swap3A_740 : vector<1x16xf32> to vector<16xf32>
      %swap3A_742 = vector.shape_cast %mul3A_737 : vector<16xf32> to vector<1x16xf32>
      tpu.vector_store %arg8[%swap3A_738, %swap3A_739], %swap3A_742 {strides = array<i32>} : memref<128x128xf32, #tpu.memory_space<vmem>>, vector<1x16xf32>,
      %get3A_743 = arith.index_cast %scan3A_707 : i32 to index
      %get3A_744 = arith.constant 48 : index
      %get3A_745 = tpu.vector_load %arg8[%get3A_743, %get3A_744] {strides = array<i32>} : memref<128x128xf32, #tpu.memory_space<vmem>>, vector<1x16xf32>,
      %get3A_746 = vector.shape_cast %get3A_745 : vector<1x16xf32> to vector<16xf32>
      %mul3A_747 = arith.constant 11.3137083 : f32
      %mul3A_748 = vector.broadcast %mul3A_747 : f32 to vector<16xf32>
      %mul3A_749 = arith.mulf %get3A_746, %mul3A_748 : vector<16xf32>
      %swap3A_750 = arith.index_cast %scan3A_707 : i32 to index
      %swap3A_751 = arith.constant 48 : index
      %swap3A_752 = tpu.vector_load %arg8[%swap3A_750, %swap3A_751] {strides = array<i32>} : memref<128x128xf32, #tpu.memory_space<vmem>>, vector<1x16xf32>,
      %swap3A_753 = vector.shape_cast %swap3A_752 : vector<1x16xf32> to vector<16xf32>
      %swap3A_754 = vector.shape_cast %mul3A_749 : vector<16xf32> to vector<1x16xf32>
      tpu.vector_store %arg8[%swap3A_750, %swap3A_751], %swap3A_754 {strides = array<i32>} : memref<128x128xf32, #tpu.memory_space<vmem>>, vector<1x16xf32>,
      %get3A_755 = arith.index_cast %scan3A_707 : i32 to index
      %get3A_756 = arith.constant 64 : index
      %get3A_757 = tpu.vector_load %arg8[%get3A_755, %get3A_756] {strides = array<i32>} : memref<128x128xf32, #tpu.memory_space<vmem>>, vector<1x16xf32>,
      %get3A_758 = vector.shape_cast %get3A_757 : vector<1x16xf32> to vector<16xf32>
      %mul3A_759 = arith.constant 11.3137083 : f32
      %mul3A_760 = vector.broadcast %mul3A_759 : f32 to vector<16xf32>
      %mul3A_761 = arith.mulf %get3A_758, %mul3A_760 : vector<16xf32>
      %swap3A_762 = arith.index_cast %scan3A_707 : i32 to index
      %swap3A_763 = arith.constant 64 : index
      %swap3A_764 = tpu.vector_load %arg8[%swap3A_762, %swap3A_763] {strides = array<i32>} : memref<128x128xf32, #tpu.memory_space<vmem>>, vector<1x16xf32>,
      %swap3A_765 = vector.shape_cast %swap3A_764 : vector<1x16xf32> to vector<16xf32>
      %swap3A_766 = vector.shape_cast %mul3A_761 : vector<16xf32> to vector<1x16xf32>
      tpu.vector_store %arg8[%swap3A_762, %swap3A_763], %swap3A_766 {strides = array<i32>} : memref<128x128xf32, #tpu.memory_space<vmem>>, vector<1x16xf32>,
      %get3A_767 = arith.index_cast %scan3A_707 : i32 to index
      %get3A_768 = arith.constant 80 : index
      %get3A_769 = tpu.vector_load %arg8[%get3A_767, %get3A_768] {strides = array<i32>} : memref<128x128xf32, #tpu.memory_space<vmem>>, vector<1x16xf32>,
      %get3A_770 = vector.shape_cast %get3A_769 : vector<1x16xf32> to vector<16xf32>
      %mul3A_771 = arith.constant 11.3137083 : f32
      %mul3A_772 = vector.broadcast %mul3A_771 : f32 to vector<16xf32>
      %mul3A_773 = arith.mulf %get3A_770, %mul3A_772 : vector<16xf32>
      %swap3A_774 = arith.index_cast %scan3A_707 : i32 to index
      %swap3A_775 = arith.constant 80 : index
      %swap3A_776 = tpu.vector_load %arg8[%swap3A_774, %swap3A_775] {strides = array<i32>} : memref<128x128xf32, #tpu.memory_space<vmem>>, vector<1x16xf32>,
      %swap3A_777 = vector.shape_cast %swap3A_776 : vector<1x16xf32> to vector<16xf32>
      %swap3A_778 = vector.shape_cast %mul3A_773 : vector<16xf32> to vector<1x16xf32>
      tpu.vector_store %arg8[%swap3A_774, %swap3A_775], %swap3A_778 {strides = array<i32>} : memref<128x128xf32, #tpu.memory_space<vmem>>, vector<1x16xf32>,
      %get3A_779 = arith.index_cast %scan3A_707 : i32 to index
      %get3A_780 = arith.constant 96 : index
      %get3A_781 = tpu.vector_load %arg8[%get3A_779, %get3A_780] {strides = array<i32>} : memref<128x128xf32, #tpu.memory_space<vmem>>, vector<1x16xf32>,
      %get3A_782 = vector.shape_cast %get3A_781 : vector<1x16xf32> to vector<16xf32>
      %mul3A_783 = arith.constant 11.3137083 : f32
      %mul3A_784 = vector.broadcast %mul3A_783 : f32 to vector<16xf32>
      %mul3A_785 = arith.mulf %get3A_782, %mul3A_784 : vector<16xf32>
      %swap3A_786 = arith.index_cast %scan3A_707 : i32 to index
      %swap3A_787 = arith.constant 96 : index
      %swap3A_788 = tpu.vector_load %arg8[%swap3A_786, %swap3A_787] {strides = array<i32>} : memref<128x128xf32, #tpu.memory_space<vmem>>, vector<1x16xf32>,
      %swap3A_789 = vector.shape_cast %swap3A_788 : vector<1x16xf32> to vector<16xf32>
      %swap3A_790 = vector.shape_cast %mul3A_785 : vector<16xf32> to vector<1x16xf32>
      tpu.vector_store %arg8[%swap3A_786, %swap3A_787], %swap3A_790 {strides = array<i32>} : memref<128x128xf32, #tpu.memory_space<vmem>>, vector<1x16xf32>,
      %get3A_791 = arith.index_cast %scan3A_707 : i32 to index
      %get3A_792 = arith.constant 112 : index
      %get3A_793 = tpu.vector_load %arg8[%get3A_791, %get3A_792] {strides = array<i32>} : memref<128x128xf32, #tpu.memory_space<vmem>>, vector<1x16xf32>,
      %get3A_794 = vector.shape_cast %get3A_793 : vector<1x16xf32> to vector<16xf32>
      %mul3A_795 = arith.constant 11.3137083 : f32
      %mul3A_796 = vector.broadcast %mul3A_795 : f32 to vector<16xf32>
      %mul3A_797 = arith.mulf %get3A_794, %mul3A_796 : vector<16xf32>
      %swap3A_798 = arith.index_cast %scan3A_707 : i32 to index
      %swap3A_799 = arith.constant 112 : index
      %swap3A_800 = tpu.vector_load %arg8[%swap3A_798, %swap3A_799] {strides = array<i32>} : memref<128x128xf32, #tpu.memory_space<vmem>>, vector<1x16xf32>,
      %swap3A_801 = vector.shape_cast %swap3A_800 : vector<1x16xf32> to vector<16xf32>
      %swap3A_802 = vector.shape_cast %mul3A_797 : vector<16xf32> to vector<1x16xf32>
      tpu.vector_store %arg8[%swap3A_798, %swap3A_799], %swap3A_802 {strides = array<i32>} : memref<128x128xf32, #tpu.memory_space<vmem>>, vector<1x16xf32>,
      %scan3A_803 = arith.constant 0 : i32
      scf.yield %scan3A_803 : i32
    }
    %scan3A_538 = arith.constant 128 : i32
    %dma_start3A_539 = arith.constant 44 : i32
    %dma_start3A_540 = arith.constant 0 : i32
    %dma_start3A_541 = tpu.memref_slice %arg4[%dma_start3A_539, %mul3A_2, %dma_start3A_540] : memref<50x4096x128xf32, #tpu.memory_space<hbm>> -> memref<1x128x128xf32, #tpu.memory_space<hbm>>
    %dma_start3A_542 = tpu.memref_squeeze %dma_start3A_541 : memref<1x128x128xf32, #tpu.memory_space<hbm>> -> memref<128x128xf32, #tpu.memory_space<hbm>>
    %dma_start3A_543 = arith.constant 0 : i32
    %dma_start3A_544 = tpu.memref_slice %arg4[%dma_start3A_539, %mul3A_2, %dma_start3A_543] : memref<50x4096x128xf32, #tpu.memory_space<hbm>> -> memref<1x128x128xf32, #tpu.memory_space<hbm>>
    %dma_start3A_545 = tpu.memref_squeeze %dma_start3A_544 : memref<1x128x128xf32, #tpu.memory_space<hbm>> -> memref<128x128xf32, #tpu.memory_space<hbm>>
    tpu.enqueue_dma source(%arg8 : memref<128x128xf32, #tpu.memory_space<vmem>>) target(%dma_start3A_545 : memref<128x128xf32, #tpu.memory_space<hbm>>) target_semaphore(%arg14 : memref<!tpu.dma_semaphore, #tpu.memory_space<semaphore_mem>>)
    %dma_wait3A_546 = arith.constant 43 : i32
    %dma_wait3A_547 = arith.constant 0 : i32
    %dma_wait3A_548 = tpu.memref_slice %arg4[%dma_wait3A_546, %mul3A_2, %dma_wait3A_547] : memref<50x4096x128xf32, #tpu.memory_space<hbm>> -> memref<1x128x128xf32, #tpu.memory_space<hbm>>
    %dma_wait3A_549 = tpu.memref_squeeze %dma_wait3A_548 : memref<1x128x128xf32, #tpu.memory_space<hbm>> -> memref<128x128xf32, #tpu.memory_space<hbm>>
    %dma_wait3A_550 = arith.constant 0 : i32
    %dma_wait3A_551 = tpu.memref_slice %arg4[%dma_wait3A_546, %mul3A_2, %dma_wait3A_550] : memref<50x4096x128xf32, #tpu.memory_space<hbm>> -> memref<1x128x128xf32, #tpu.memory_space<hbm>>
    %dma_wait3A_552 = tpu.memref_squeeze %dma_wait3A_551 : memref<1x128x128xf32, #tpu.memory_space<hbm>> -> memref<128x128xf32, #tpu.memory_space<hbm>>
    tpu.wait_dma2 semaphore(%arg13 : memref<!tpu.dma_semaphore, #tpu.memory_space<semaphore_mem>>) src(%arg7 : memref<128x128xf32, #tpu.memory_space<vmem>>) dst(%dma_wait3A_552 : memref<128x128xf32, #tpu.memory_space<hbm>>)
    %dma_start3A_553 = arith.constant 49 : i32
    %dma_start3A_554 = arith.constant 0 : i32
    %dma_start3A_555 = tpu.memref_slice %arg5[%dma_start3A_553, %dma_start3A_554] : memref<50x128xi32, #tpu.memory_space<vmem>> -> memref<1x128xi32, #tpu.memory_space<vmem>>
    %dma_start3A_556 = tpu.memref_squeeze %dma_start3A_555 : memref<1x128xi32, #tpu.memory_space<vmem>> -> memref<128xi32, #tpu.memory_space<vmem>>
    %dma_start3A_557 = arith.constant 0 : i32
    %dma_start3A_558 = arith.constant 0 : i32
    %dma_start3A_559 = tpu.memref_slice %arg3[%dma_start3A_557, %dma_start3A_558] : memref<100000x128xf32, #tpu.memory_space<hbm>> -> memref<100000x128xf32, #tpu.memory_space<hbm>>
    tpu.enqueue_indirect_dma source(%dma_start3A_559 : memref<100000x128xf32, #tpu.memory_space<hbm>>) target(%arg7 : memref<128x128xf32, #tpu.memory_space<vmem>>) offsets(%dma_start3A_556 : memref<128xi32, #tpu.memory_space<vmem>>) semaphore(%arg13 : memref<!tpu.dma_semaphore, #tpu.memory_space<semaphore_mem>>)
    %dma_wait3A_560 = arith.constant 45 : i32
    %dma_wait3A_561 = arith.constant 0 : i32
    %dma_wait3A_562 = tpu.memref_slice %arg5[%dma_wait3A_560, %dma_wait3A_561] : memref<50x128xi32, #tpu.memory_space<vmem>> -> memref<1x128xi32, #tpu.memory_space<vmem>>
    %dma_wait3A_563 = tpu.memref_squeeze %dma_wait3A_562 : memref<1x128xi32, #tpu.memory_space<vmem>> -> memref<128xi32, #tpu.memory_space<vmem>>
    %dma_wait3A_564 = arith.constant 0 : i32
    %dma_wait3A_565 = arith.constant 0 : i32
    %dma_wait3A_566 = tpu.memref_slice %arg3[%dma_wait3A_564, %dma_wait3A_565] : memref<100000x128xf32, #tpu.memory_space<hbm>> -> memref<100000x128xf32, #tpu.memory_space<hbm>>
    tpu.wait_indirect_dma semaphore(%arg15 : memref<!tpu.dma_semaphore, #tpu.memory_space<semaphore_mem>>) src(%dma_wait3A_566 : memref<100000x128xf32, #tpu.memory_space<hbm>>) dst(%arg9 : memref<128x128xf32, #tpu.memory_space<vmem>>)
    %scan3A_567 = arith.constant 0 : i32
    %scan3A_568 = arith.constant 0 : i32
    %scan3A_569 = arith.constant 128 : i32
    %scan3A_570 = arith.addi %scan3A_568, %scan3A_569 : i32
    %scan3A_571 = arith.constant 1 : i32
    %scan3A_572 = scf.for %scan3A_707 = %scan3A_568 to %scan3A_570 step %scan3A_571 iter_args(%scan3A_708 = %scan3A_567) -> (i32)  : i32 {
      %get3A = arith.index_cast %scan3A_707 : i32 to index
      %get3A_709 = arith.constant 0 : index
      %get3A_710 = tpu.vector_load %arg9[%get3A, %get3A_709] {strides = array<i32>} : memref<128x128xf32, #tpu.memory_space<vmem>>, vector<1x16xf32>,
      %get3A_711 = vector.shape_cast %get3A_710 : vector<1x16xf32> to vector<16xf32>
      %mul3A_712 = arith.constant 11.3137083 : f32
      %mul3A_713 = vector.broadcast %mul3A_712 : f32 to vector<16xf32>
      %mul3A_714 = arith.mulf %get3A_711, %mul3A_713 : vector<16xf32>
      %swap3A = arith.index_cast %scan3A_707 : i32 to index
      %swap3A_715 = arith.constant 0 : index
      %swap3A_716 = tpu.vector_load %arg9[%swap3A, %swap3A_715] {strides = array<i32>} : memref<128x128xf32, #tpu.memory_space<vmem>>, vector<1x16xf32>,
      %swap3A_717 = vector.shape_cast %swap3A_716 : vector<1x16xf32> to vector<16xf32>
      %swap3A_718 = vector.shape_cast %mul3A_714 : vector<16xf32> to vector<1x16xf32>
      tpu.vector_store %arg9[%swap3A, %swap3A_715], %swap3A_718 {strides = array<i32>} : memref<128x128xf32, #tpu.memory_space<vmem>>, vector<1x16xf32>,
      %get3A_719 = arith.index_cast %scan3A_707 : i32 to index
      %get3A_720 = arith.constant 16 : index
      %get3A_721 = tpu.vector_load %arg9[%get3A_719, %get3A_720] {strides = array<i32>} : memref<128x128xf32, #tpu.memory_space<vmem>>, vector<1x16xf32>,
      %get3A_722 = vector.shape_cast %get3A_721 : vector<1x16xf32> to vector<16xf32>
      %mul3A_723 = arith.constant 11.3137083 : f32
      %mul3A_724 = vector.broadcast %mul3A_723 : f32 to vector<16xf32>
      %mul3A_725 = arith.mulf %get3A_722, %mul3A_724 : vector<16xf32>
      %swap3A_726 = arith.index_cast %scan3A_707 : i32 to index
      %swap3A_727 = arith.constant 16 : index
      %swap3A_728 = tpu.vector_load %arg9[%swap3A_726, %swap3A_727] {strides = array<i32>} : memref<128x128xf32, #tpu.memory_space<vmem>>, vector<1x16xf32>,
      %swap3A_729 = vector.shape_cast %swap3A_728 : vector<1x16xf32> to vector<16xf32>
      %swap3A_730 = vector.shape_cast %mul3A_725 : vector<16xf32> to vector<1x16xf32>
      tpu.vector_store %arg9[%swap3A_726, %swap3A_727], %swap3A_730 {strides = array<i32>} : memref<128x128xf32, #tpu.memory_space<vmem>>, vector<1x16xf32>,
      %get3A_731 = arith.index_cast %scan3A_707 : i32 to index
      %get3A_732 = arith.constant 32 : index
      %get3A_733 = tpu.vector_load %arg9[%get3A_731, %get3A_732] {strides = array<i32>} : memref<128x128xf32, #tpu.memory_space<vmem>>, vector<1x16xf32>,
      %get3A_734 = vector.shape_cast %get3A_733 : vector<1x16xf32> to vector<16xf32>
      %mul3A_735 = arith.constant 11.3137083 : f32
      %mul3A_736 = vector.broadcast %mul3A_735 : f32 to vector<16xf32>
      %mul3A_737 = arith.mulf %get3A_734, %mul3A_736 : vector<16xf32>
      %swap3A_738 = arith.index_cast %scan3A_707 : i32 to index
      %swap3A_739 = arith.constant 32 : index
      %swap3A_740 = tpu.vector_load %arg9[%swap3A_738, %swap3A_739] {strides = array<i32>} : memref<128x128xf32, #tpu.memory_space<vmem>>, vector<1x16xf32>,
      %swap3A_741 = vector.shape_cast %swap3A_740 : vector<1x16xf32> to vector<16xf32>
      %swap3A_742 = vector.shape_cast %mul3A_737 : vector<16xf32> to vector<1x16xf32>
      tpu.vector_store %arg9[%swap3A_738, %swap3A_739], %swap3A_742 {strides = array<i32>} : memref<128x128xf32, #tpu.memory_space<vmem>>, vector<1x16xf32>,
      %get3A_743 = arith.index_cast %scan3A_707 : i32 to index
      %get3A_744 = arith.constant 48 : index
      %get3A_745 = tpu.vector_load %arg9[%get3A_743, %get3A_744] {strides = array<i32>} : memref<128x128xf32, #tpu.memory_space<vmem>>, vector<1x16xf32>,
      %get3A_746 = vector.shape_cast %get3A_745 : vector<1x16xf32> to vector<16xf32>
      %mul3A_747 = arith.constant 11.3137083 : f32
      %mul3A_748 = vector.broadcast %mul3A_747 : f32 to vector<16xf32>
      %mul3A_749 = arith.mulf %get3A_746, %mul3A_748 : vector<16xf32>
      %swap3A_750 = arith.index_cast %scan3A_707 : i32 to index
      %swap3A_751 = arith.constant 48 : index
      %swap3A_752 = tpu.vector_load %arg9[%swap3A_750, %swap3A_751] {strides = array<i32>} : memref<128x128xf32, #tpu.memory_space<vmem>>, vector<1x16xf32>,
      %swap3A_753 = vector.shape_cast %swap3A_752 : vector<1x16xf32> to vector<16xf32>
      %swap3A_754 = vector.shape_cast %mul3A_749 : vector<16xf32> to vector<1x16xf32>
      tpu.vector_store %arg9[%swap3A_750, %swap3A_751], %swap3A_754 {strides = array<i32>} : memref<128x128xf32, #tpu.memory_space<vmem>>, vector<1x16xf32>,
      %get3A_755 = arith.index_cast %scan3A_707 : i32 to index
      %get3A_756 = arith.constant 64 : index
      %get3A_757 = tpu.vector_load %arg9[%get3A_755, %get3A_756] {strides = array<i32>} : memref<128x128xf32, #tpu.memory_space<vmem>>, vector<1x16xf32>,
      %get3A_758 = vector.shape_cast %get3A_757 : vector<1x16xf32> to vector<16xf32>
      %mul3A_759 = arith.constant 11.3137083 : f32
      %mul3A_760 = vector.broadcast %mul3A_759 : f32 to vector<16xf32>
      %mul3A_761 = arith.mulf %get3A_758, %mul3A_760 : vector<16xf32>
      %swap3A_762 = arith.index_cast %scan3A_707 : i32 to index
      %swap3A_763 = arith.constant 64 : index
      %swap3A_764 = tpu.vector_load %arg9[%swap3A_762, %swap3A_763] {strides = array<i32>} : memref<128x128xf32, #tpu.memory_space<vmem>>, vector<1x16xf32>,
      %swap3A_765 = vector.shape_cast %swap3A_764 : vector<1x16xf32> to vector<16xf32>
      %swap3A_766 = vector.shape_cast %mul3A_761 : vector<16xf32> to vector<1x16xf32>
      tpu.vector_store %arg9[%swap3A_762, %swap3A_763], %swap3A_766 {strides = array<i32>} : memref<128x128xf32, #tpu.memory_space<vmem>>, vector<1x16xf32>,
      %get3A_767 = arith.index_cast %scan3A_707 : i32 to index
      %get3A_768 = arith.constant 80 : index
      %get3A_769 = tpu.vector_load %arg9[%get3A_767, %get3A_768] {strides = array<i32>} : memref<128x128xf32, #tpu.memory_space<vmem>>, vector<1x16xf32>,
      %get3A_770 = vector.shape_cast %get3A_769 : vector<1x16xf32> to vector<16xf32>
      %mul3A_771 = arith.constant 11.3137083 : f32
      %mul3A_772 = vector.broadcast %mul3A_771 : f32 to vector<16xf32>
      %mul3A_773 = arith.mulf %get3A_770, %mul3A_772 : vector<16xf32>
      %swap3A_774 = arith.index_cast %scan3A_707 : i32 to index
      %swap3A_775 = arith.constant 80 : index
      %swap3A_776 = tpu.vector_load %arg9[%swap3A_774, %swap3A_775] {strides = array<i32>} : memref<128x128xf32, #tpu.memory_space<vmem>>, vector<1x16xf32>,
      %swap3A_777 = vector.shape_cast %swap3A_776 : vector<1x16xf32> to vector<16xf32>
      %swap3A_778 = vector.shape_cast %mul3A_773 : vector<16xf32> to vector<1x16xf32>
      tpu.vector_store %arg9[%swap3A_774, %swap3A_775], %swap3A_778 {strides = array<i32>} : memref<128x128xf32, #tpu.memory_space<vmem>>, vector<1x16xf32>,
      %get3A_779 = arith.index_cast %scan3A_707 : i32 to index
      %get3A_780 = arith.constant 96 : index
      %get3A_781 = tpu.vector_load %arg9[%get3A_779, %get3A_780] {strides = array<i32>} : memref<128x128xf32, #tpu.memory_space<vmem>>, vector<1x16xf32>,
      %get3A_782 = vector.shape_cast %get3A_781 : vector<1x16xf32> to vector<16xf32>
      %mul3A_783 = arith.constant 11.3137083 : f32
      %mul3A_784 = vector.broadcast %mul3A_783 : f32 to vector<16xf32>
      %mul3A_785 = arith.mulf %get3A_782, %mul3A_784 : vector<16xf32>
      %swap3A_786 = arith.index_cast %scan3A_707 : i32 to index
      %swap3A_787 = arith.constant 96 : index
      %swap3A_788 = tpu.vector_load %arg9[%swap3A_786, %swap3A_787] {strides = array<i32>} : memref<128x128xf32, #tpu.memory_space<vmem>>, vector<1x16xf32>,
      %swap3A_789 = vector.shape_cast %swap3A_788 : vector<1x16xf32> to vector<16xf32>
      %swap3A_790 = vector.shape_cast %mul3A_785 : vector<16xf32> to vector<1x16xf32>
      tpu.vector_store %arg9[%swap3A_786, %swap3A_787], %swap3A_790 {strides = array<i32>} : memref<128x128xf32, #tpu.memory_space<vmem>>, vector<1x16xf32>,
      %get3A_791 = arith.index_cast %scan3A_707 : i32 to index
      %get3A_792 = arith.constant 112 : index
      %get3A_793 = tpu.vector_load %arg9[%get3A_791, %get3A_792] {strides = array<i32>} : memref<128x128xf32, #tpu.memory_space<vmem>>, vector<1x16xf32>,
      %get3A_794 = vector.shape_cast %get3A_793 : vector<1x16xf32> to vector<16xf32>
      %mul3A_795 = arith.constant 11.3137083 : f32
      %mul3A_796 = vector.broadcast %mul3A_795 : f32 to vector<16xf32>
      %mul3A_797 = arith.mulf %get3A_794, %mul3A_796 : vector<16xf32>
      %swap3A_798 = arith.index_cast %scan3A_707 : i32 to index
      %swap3A_799 = arith.constant 112 : index
      %swap3A_800 = tpu.vector_load %arg9[%swap3A_798, %swap3A_799] {strides = array<i32>} : memref<128x128xf32, #tpu.memory_space<vmem>>, vector<1x16xf32>,
      %swap3A_801 = vector.shape_cast %swap3A_800 : vector<1x16xf32> to vector<16xf32>
      %swap3A_802 = vector.shape_cast %mul3A_797 : vector<16xf32> to vector<1x16xf32>
      tpu.vector_store %arg9[%swap3A_798, %swap3A_799], %swap3A_802 {strides = array<i32>} : memref<128x128xf32, #tpu.memory_space<vmem>>, vector<1x16xf32>,
      %scan3A_803 = arith.constant 0 : i32
      scf.yield %scan3A_803 : i32
    }
    %scan3A_573 = arith.constant 128 : i32
    %dma_start3A_574 = arith.constant 45 : i32
    %dma_start3A_575 = arith.constant 0 : i32
    %dma_start3A_576 = tpu.memref_slice %arg4[%dma_start3A_574, %mul3A_2, %dma_start3A_575] : memref<50x4096x128xf32, #tpu.memory_space<hbm>> -> memref<1x128x128xf32, #tpu.memory_space<hbm>>
    %dma_start3A_577 = tpu.memref_squeeze %dma_start3A_576 : memref<1x128x128xf32, #tpu.memory_space<hbm>> -> memref<128x128xf32, #tpu.memory_space<hbm>>
    %dma_start3A_578 = arith.constant 0 : i32
    %dma_start3A_579 = tpu.memref_slice %arg4[%dma_start3A_574, %mul3A_2, %dma_start3A_578] : memref<50x4096x128xf32, #tpu.memory_space<hbm>> -> memref<1x128x128xf32, #tpu.memory_space<hbm>>
    %dma_start3A_580 = tpu.memref_squeeze %dma_start3A_579 : memref<1x128x128xf32, #tpu.memory_space<hbm>> -> memref<128x128xf32, #tpu.memory_space<hbm>>
    tpu.enqueue_dma source(%arg9 : memref<128x128xf32, #tpu.memory_space<vmem>>) target(%dma_start3A_580 : memref<128x128xf32, #tpu.memory_space<hbm>>) target_semaphore(%arg15 : memref<!tpu.dma_semaphore, #tpu.memory_space<semaphore_mem>>)
    %dma_wait3A_581 = arith.constant 44 : i32
    %dma_wait3A_582 = arith.constant 0 : i32
    %dma_wait3A_583 = tpu.memref_slice %arg4[%dma_wait3A_581, %mul3A_2, %dma_wait3A_582] : memref<50x4096x128xf32, #tpu.memory_space<hbm>> -> memref<1x128x128xf32, #tpu.memory_space<hbm>>
    %dma_wait3A_584 = tpu.memref_squeeze %dma_wait3A_583 : memref<1x128x128xf32, #tpu.memory_space<hbm>> -> memref<128x128xf32, #tpu.memory_space<hbm>>
    %dma_wait3A_585 = arith.constant 0 : i32
    %dma_wait3A_586 = tpu.memref_slice %arg4[%dma_wait3A_581, %mul3A_2, %dma_wait3A_585] : memref<50x4096x128xf32, #tpu.memory_space<hbm>> -> memref<1x128x128xf32, #tpu.memory_space<hbm>>
    %dma_wait3A_587 = tpu.memref_squeeze %dma_wait3A_586 : memref<1x128x128xf32, #tpu.memory_space<hbm>> -> memref<128x128xf32, #tpu.memory_space<hbm>>
    tpu.wait_dma2 semaphore(%arg14 : memref<!tpu.dma_semaphore, #tpu.memory_space<semaphore_mem>>) src(%arg8 : memref<128x128xf32, #tpu.memory_space<vmem>>) dst(%dma_wait3A_587 : memref<128x128xf32, #tpu.memory_space<hbm>>)
    %dma_wait3A_588 = arith.constant 46 : i32
    %dma_wait3A_589 = arith.constant 0 : i32
    %dma_wait3A_590 = tpu.memref_slice %arg5[%dma_wait3A_588, %dma_wait3A_589] : memref<50x128xi32, #tpu.memory_space<vmem>> -> memref<1x128xi32, #tpu.memory_space<vmem>>
    %dma_wait3A_591 = tpu.memref_squeeze %dma_wait3A_590 : memref<1x128xi32, #tpu.memory_space<vmem>> -> memref<128xi32, #tpu.memory_space<vmem>>
    %dma_wait3A_592 = arith.constant 0 : i32
    %dma_wait3A_593 = arith.constant 0 : i32
    %dma_wait3A_594 = tpu.memref_slice %arg3[%dma_wait3A_592, %dma_wait3A_593] : memref<100000x128xf32, #tpu.memory_space<hbm>> -> memref<100000x128xf32, #tpu.memory_space<hbm>>
    tpu.wait_indirect_dma semaphore(%arg16 : memref<!tpu.dma_semaphore, #tpu.memory_space<semaphore_mem>>) src(%dma_wait3A_594 : memref<100000x128xf32, #tpu.memory_space<hbm>>) dst(%arg10 : memref<128x128xf32, #tpu.memory_space<vmem>>)
    %scan3A_595 = arith.constant 0 : i32
    %scan3A_596 = arith.constant 0 : i32
    %scan3A_597 = arith.constant 128 : i32
    %scan3A_598 = arith.addi %scan3A_596, %scan3A_597 : i32
    %scan3A_599 = arith.constant 1 : i32
    %scan3A_600 = scf.for %scan3A_707 = %scan3A_596 to %scan3A_598 step %scan3A_599 iter_args(%scan3A_708 = %scan3A_595) -> (i32)  : i32 {
      %get3A = arith.index_cast %scan3A_707 : i32 to index
      %get3A_709 = arith.constant 0 : index
      %get3A_710 = tpu.vector_load %arg10[%get3A, %get3A_709] {strides = array<i32>} : memref<128x128xf32, #tpu.memory_space<vmem>>, vector<1x16xf32>,
      %get3A_711 = vector.shape_cast %get3A_710 : vector<1x16xf32> to vector<16xf32>
      %mul3A_712 = arith.constant 11.3137083 : f32
      %mul3A_713 = vector.broadcast %mul3A_712 : f32 to vector<16xf32>
      %mul3A_714 = arith.mulf %get3A_711, %mul3A_713 : vector<16xf32>
      %swap3A = arith.index_cast %scan3A_707 : i32 to index
      %swap3A_715 = arith.constant 0 : index
      %swap3A_716 = tpu.vector_load %arg10[%swap3A, %swap3A_715] {strides = array<i32>} : memref<128x128xf32, #tpu.memory_space<vmem>>, vector<1x16xf32>,
      %swap3A_717 = vector.shape_cast %swap3A_716 : vector<1x16xf32> to vector<16xf32>
      %swap3A_718 = vector.shape_cast %mul3A_714 : vector<16xf32> to vector<1x16xf32>
      tpu.vector_store %arg10[%swap3A, %swap3A_715], %swap3A_718 {strides = array<i32>} : memref<128x128xf32, #tpu.memory_space<vmem>>, vector<1x16xf32>,
      %get3A_719 = arith.index_cast %scan3A_707 : i32 to index
      %get3A_720 = arith.constant 16 : index
      %get3A_721 = tpu.vector_load %arg10[%get3A_719, %get3A_720] {strides = array<i32>} : memref<128x128xf32, #tpu.memory_space<vmem>>, vector<1x16xf32>,
      %get3A_722 = vector.shape_cast %get3A_721 : vector<1x16xf32> to vector<16xf32>
      %mul3A_723 = arith.constant 11.3137083 : f32
      %mul3A_724 = vector.broadcast %mul3A_723 : f32 to vector<16xf32>
      %mul3A_725 = arith.mulf %get3A_722, %mul3A_724 : vector<16xf32>
      %swap3A_726 = arith.index_cast %scan3A_707 : i32 to index
      %swap3A_727 = arith.constant 16 : index
      %swap3A_728 = tpu.vector_load %arg10[%swap3A_726, %swap3A_727] {strides = array<i32>} : memref<128x128xf32, #tpu.memory_space<vmem>>, vector<1x16xf32>,
      %swap3A_729 = vector.shape_cast %swap3A_728 : vector<1x16xf32> to vector<16xf32>
      %swap3A_730 = vector.shape_cast %mul3A_725 : vector<16xf32> to vector<1x16xf32>
      tpu.vector_store %arg10[%swap3A_726, %swap3A_727], %swap3A_730 {strides = array<i32>} : memref<128x128xf32, #tpu.memory_space<vmem>>, vector<1x16xf32>,
      %get3A_731 = arith.index_cast %scan3A_707 : i32 to index
      %get3A_732 = arith.constant 32 : index
      %get3A_733 = tpu.vector_load %arg10[%get3A_731, %get3A_732] {strides = array<i32>} : memref<128x128xf32, #tpu.memory_space<vmem>>, vector<1x16xf32>,
      %get3A_734 = vector.shape_cast %get3A_733 : vector<1x16xf32> to vector<16xf32>
      %mul3A_735 = arith.constant 11.3137083 : f32
      %mul3A_736 = vector.broadcast %mul3A_735 : f32 to vector<16xf32>
      %mul3A_737 = arith.mulf %get3A_734, %mul3A_736 : vector<16xf32>
      %swap3A_738 = arith.index_cast %scan3A_707 : i32 to index
      %swap3A_739 = arith.constant 32 : index
      %swap3A_740 = tpu.vector_load %arg10[%swap3A_738, %swap3A_739] {strides = array<i32>} : memref<128x128xf32, #tpu.memory_space<vmem>>, vector<1x16xf32>,
      %swap3A_741 = vector.shape_cast %swap3A_740 : vector<1x16xf32> to vector<16xf32>
      %swap3A_742 = vector.shape_cast %mul3A_737 : vector<16xf32> to vector<1x16xf32>
      tpu.vector_store %arg10[%swap3A_738, %swap3A_739], %swap3A_742 {strides = array<i32>} : memref<128x128xf32, #tpu.memory_space<vmem>>, vector<1x16xf32>,
      %get3A_743 = arith.index_cast %scan3A_707 : i32 to index
      %get3A_744 = arith.constant 48 : index
      %get3A_745 = tpu.vector_load %arg10[%get3A_743, %get3A_744] {strides = array<i32>} : memref<128x128xf32, #tpu.memory_space<vmem>>, vector<1x16xf32>,
      %get3A_746 = vector.shape_cast %get3A_745 : vector<1x16xf32> to vector<16xf32>
      %mul3A_747 = arith.constant 11.3137083 : f32
      %mul3A_748 = vector.broadcast %mul3A_747 : f32 to vector<16xf32>
      %mul3A_749 = arith.mulf %get3A_746, %mul3A_748 : vector<16xf32>
      %swap3A_750 = arith.index_cast %scan3A_707 : i32 to index
      %swap3A_751 = arith.constant 48 : index
      %swap3A_752 = tpu.vector_load %arg10[%swap3A_750, %swap3A_751] {strides = array<i32>} : memref<128x128xf32, #tpu.memory_space<vmem>>, vector<1x16xf32>,
      %swap3A_753 = vector.shape_cast %swap3A_752 : vector<1x16xf32> to vector<16xf32>
      %swap3A_754 = vector.shape_cast %mul3A_749 : vector<16xf32> to vector<1x16xf32>
      tpu.vector_store %arg10[%swap3A_750, %swap3A_751], %swap3A_754 {strides = array<i32>} : memref<128x128xf32, #tpu.memory_space<vmem>>, vector<1x16xf32>,
      %get3A_755 = arith.index_cast %scan3A_707 : i32 to index
      %get3A_756 = arith.constant 64 : index
      %get3A_757 = tpu.vector_load %arg10[%get3A_755, %get3A_756] {strides = array<i32>} : memref<128x128xf32, #tpu.memory_space<vmem>>, vector<1x16xf32>,
      %get3A_758 = vector.shape_cast %get3A_757 : vector<1x16xf32> to vector<16xf32>
      %mul3A_759 = arith.constant 11.3137083 : f32
      %mul3A_760 = vector.broadcast %mul3A_759 : f32 to vector<16xf32>
      %mul3A_761 = arith.mulf %get3A_758, %mul3A_760 : vector<16xf32>
      %swap3A_762 = arith.index_cast %scan3A_707 : i32 to index
      %swap3A_763 = arith.constant 64 : index
      %swap3A_764 = tpu.vector_load %arg10[%swap3A_762, %swap3A_763] {strides = array<i32>} : memref<128x128xf32, #tpu.memory_space<vmem>>, vector<1x16xf32>,
      %swap3A_765 = vector.shape_cast %swap3A_764 : vector<1x16xf32> to vector<16xf32>
      %swap3A_766 = vector.shape_cast %mul3A_761 : vector<16xf32> to vector<1x16xf32>
      tpu.vector_store %arg10[%swap3A_762, %swap3A_763], %swap3A_766 {strides = array<i32>} : memref<128x128xf32, #tpu.memory_space<vmem>>, vector<1x16xf32>,
      %get3A_767 = arith.index_cast %scan3A_707 : i32 to index
      %get3A_768 = arith.constant 80 : index
      %get3A_769 = tpu.vector_load %arg10[%get3A_767, %get3A_768] {strides = array<i32>} : memref<128x128xf32, #tpu.memory_space<vmem>>, vector<1x16xf32>,
      %get3A_770 = vector.shape_cast %get3A_769 : vector<1x16xf32> to vector<16xf32>
      %mul3A_771 = arith.constant 11.3137083 : f32
      %mul3A_772 = vector.broadcast %mul3A_771 : f32 to vector<16xf32>
      %mul3A_773 = arith.mulf %get3A_770, %mul3A_772 : vector<16xf32>
      %swap3A_774 = arith.index_cast %scan3A_707 : i32 to index
      %swap3A_775 = arith.constant 80 : index
      %swap3A_776 = tpu.vector_load %arg10[%swap3A_774, %swap3A_775] {strides = array<i32>} : memref<128x128xf32, #tpu.memory_space<vmem>>, vector<1x16xf32>,
      %swap3A_777 = vector.shape_cast %swap3A_776 : vector<1x16xf32> to vector<16xf32>
      %swap3A_778 = vector.shape_cast %mul3A_773 : vector<16xf32> to vector<1x16xf32>
      tpu.vector_store %arg10[%swap3A_774, %swap3A_775], %swap3A_778 {strides = array<i32>} : memref<128x128xf32, #tpu.memory_space<vmem>>, vector<1x16xf32>,
      %get3A_779 = arith.index_cast %scan3A_707 : i32 to index
      %get3A_780 = arith.constant 96 : index
      %get3A_781 = tpu.vector_load %arg10[%get3A_779, %get3A_780] {strides = array<i32>} : memref<128x128xf32, #tpu.memory_space<vmem>>, vector<1x16xf32>,
      %get3A_782 = vector.shape_cast %get3A_781 : vector<1x16xf32> to vector<16xf32>
      %mul3A_783 = arith.constant 11.3137083 : f32
      %mul3A_784 = vector.broadcast %mul3A_783 : f32 to vector<16xf32>
      %mul3A_785 = arith.mulf %get3A_782, %mul3A_784 : vector<16xf32>
      %swap3A_786 = arith.index_cast %scan3A_707 : i32 to index
      %swap3A_787 = arith.constant 96 : index
      %swap3A_788 = tpu.vector_load %arg10[%swap3A_786, %swap3A_787] {strides = array<i32>} : memref<128x128xf32, #tpu.memory_space<vmem>>, vector<1x16xf32>,
      %swap3A_789 = vector.shape_cast %swap3A_788 : vector<1x16xf32> to vector<16xf32>
      %swap3A_790 = vector.shape_cast %mul3A_785 : vector<16xf32> to vector<1x16xf32>
      tpu.vector_store %arg10[%swap3A_786, %swap3A_787], %swap3A_790 {strides = array<i32>} : memref<128x128xf32, #tpu.memory_space<vmem>>, vector<1x16xf32>,
      %get3A_791 = arith.index_cast %scan3A_707 : i32 to index
      %get3A_792 = arith.constant 112 : index
      %get3A_793 = tpu.vector_load %arg10[%get3A_791, %get3A_792] {strides = array<i32>} : memref<128x128xf32, #tpu.memory_space<vmem>>, vector<1x16xf32>,
      %get3A_794 = vector.shape_cast %get3A_793 : vector<1x16xf32> to vector<16xf32>
      %mul3A_795 = arith.constant 11.3137083 : f32
      %mul3A_796 = vector.broadcast %mul3A_795 : f32 to vector<16xf32>
      %mul3A_797 = arith.mulf %get3A_794, %mul3A_796 : vector<16xf32>
      %swap3A_798 = arith.index_cast %scan3A_707 : i32 to index
      %swap3A_799 = arith.constant 112 : index
      %swap3A_800 = tpu.vector_load %arg10[%swap3A_798, %swap3A_799] {strides = array<i32>} : memref<128x128xf32, #tpu.memory_space<vmem>>, vector<1x16xf32>,
      %swap3A_801 = vector.shape_cast %swap3A_800 : vector<1x16xf32> to vector<16xf32>
      %swap3A_802 = vector.shape_cast %mul3A_797 : vector<16xf32> to vector<1x16xf32>
      tpu.vector_store %arg10[%swap3A_798, %swap3A_799], %swap3A_802 {strides = array<i32>} : memref<128x128xf32, #tpu.memory_space<vmem>>, vector<1x16xf32>,
      %scan3A_803 = arith.constant 0 : i32
      scf.yield %scan3A_803 : i32
    }
    %scan3A_601 = arith.constant 128 : i32
    %dma_start3A_602 = arith.constant 46 : i32
    %dma_start3A_603 = arith.constant 0 : i32
    %dma_start3A_604 = tpu.memref_slice %arg4[%dma_start3A_602, %mul3A_2, %dma_start3A_603] : memref<50x4096x128xf32, #tpu.memory_space<hbm>> -> memref<1x128x128xf32, #tpu.memory_space<hbm>>
    %dma_start3A_605 = tpu.memref_squeeze %dma_start3A_604 : memref<1x128x128xf32, #tpu.memory_space<hbm>> -> memref<128x128xf32, #tpu.memory_space<hbm>>
    %dma_start3A_606 = arith.constant 0 : i32
    %dma_start3A_607 = tpu.memref_slice %arg4[%dma_start3A_602, %mul3A_2, %dma_start3A_606] : memref<50x4096x128xf32, #tpu.memory_space<hbm>> -> memref<1x128x128xf32, #tpu.memory_space<hbm>>
    %dma_start3A_608 = tpu.memref_squeeze %dma_start3A_607 : memref<1x128x128xf32, #tpu.memory_space<hbm>> -> memref<128x128xf32, #tpu.memory_space<hbm>>
    tpu.enqueue_dma source(%arg10 : memref<128x128xf32, #tpu.memory_space<vmem>>) target(%dma_start3A_608 : memref<128x128xf32, #tpu.memory_space<hbm>>) target_semaphore(%arg16 : memref<!tpu.dma_semaphore, #tpu.memory_space<semaphore_mem>>)
    %dma_wait3A_609 = arith.constant 45 : i32
    %dma_wait3A_610 = arith.constant 0 : i32
    %dma_wait3A_611 = tpu.memref_slice %arg4[%dma_wait3A_609, %mul3A_2, %dma_wait3A_610] : memref<50x4096x128xf32, #tpu.memory_space<hbm>> -> memref<1x128x128xf32, #tpu.memory_space<hbm>>
    %dma_wait3A_612 = tpu.memref_squeeze %dma_wait3A_611 : memref<1x128x128xf32, #tpu.memory_space<hbm>> -> memref<128x128xf32, #tpu.memory_space<hbm>>
    %dma_wait3A_613 = arith.constant 0 : i32
    %dma_wait3A_614 = tpu.memref_slice %arg4[%dma_wait3A_609, %mul3A_2, %dma_wait3A_613] : memref<50x4096x128xf32, #tpu.memory_space<hbm>> -> memref<1x128x128xf32, #tpu.memory_space<hbm>>
    %dma_wait3A_615 = tpu.memref_squeeze %dma_wait3A_614 : memref<1x128x128xf32, #tpu.memory_space<hbm>> -> memref<128x128xf32, #tpu.memory_space<hbm>>
    tpu.wait_dma2 semaphore(%arg15 : memref<!tpu.dma_semaphore, #tpu.memory_space<semaphore_mem>>) src(%arg9 : memref<128x128xf32, #tpu.memory_space<vmem>>) dst(%dma_wait3A_615 : memref<128x128xf32, #tpu.memory_space<hbm>>)
    %dma_wait3A_616 = arith.constant 47 : i32
    %dma_wait3A_617 = arith.constant 0 : i32
    %dma_wait3A_618 = tpu.memref_slice %arg5[%dma_wait3A_616, %dma_wait3A_617] : memref<50x128xi32, #tpu.memory_space<vmem>> -> memref<1x128xi32, #tpu.memory_space<vmem>>
    %dma_wait3A_619 = tpu.memref_squeeze %dma_wait3A_618 : memref<1x128xi32, #tpu.memory_space<vmem>> -> memref<128xi32, #tpu.memory_space<vmem>>
    %dma_wait3A_620 = arith.constant 0 : i32
    %dma_wait3A_621 = arith.constant 0 : i32
    %dma_wait3A_622 = tpu.memref_slice %arg3[%dma_wait3A_620, %dma_wait3A_621] : memref<100000x128xf32, #tpu.memory_space<hbm>> -> memref<100000x128xf32, #tpu.memory_space<hbm>>
    tpu.wait_indirect_dma semaphore(%arg17 : memref<!tpu.dma_semaphore, #tpu.memory_space<semaphore_mem>>) src(%dma_wait3A_622 : memref<100000x128xf32, #tpu.memory_space<hbm>>) dst(%arg11 : memref<128x128xf32, #tpu.memory_space<vmem>>)
    %scan3A_623 = arith.constant 0 : i32
    %scan3A_624 = arith.constant 0 : i32
    %scan3A_625 = arith.constant 128 : i32
    %scan3A_626 = arith.addi %scan3A_624, %scan3A_625 : i32
    %scan3A_627 = arith.constant 1 : i32
    %scan3A_628 = scf.for %scan3A_707 = %scan3A_624 to %scan3A_626 step %scan3A_627 iter_args(%scan3A_708 = %scan3A_623) -> (i32)  : i32 {
      %get3A = arith.index_cast %scan3A_707 : i32 to index
      %get3A_709 = arith.constant 0 : index
      %get3A_710 = tpu.vector_load %arg11[%get3A, %get3A_709] {strides = array<i32>} : memref<128x128xf32, #tpu.memory_space<vmem>>, vector<1x16xf32>,
      %get3A_711 = vector.shape_cast %get3A_710 : vector<1x16xf32> to vector<16xf32>
      %mul3A_712 = arith.constant 11.3137083 : f32
      %mul3A_713 = vector.broadcast %mul3A_712 : f32 to vector<16xf32>
      %mul3A_714 = arith.mulf %get3A_711, %mul3A_713 : vector<16xf32>
      %swap3A = arith.index_cast %scan3A_707 : i32 to index
      %swap3A_715 = arith.constant 0 : index
      %swap3A_716 = tpu.vector_load %arg11[%swap3A, %swap3A_715] {strides = array<i32>} : memref<128x128xf32, #tpu.memory_space<vmem>>, vector<1x16xf32>,
      %swap3A_717 = vector.shape_cast %swap3A_716 : vector<1x16xf32> to vector<16xf32>
      %swap3A_718 = vector.shape_cast %mul3A_714 : vector<16xf32> to vector<1x16xf32>
      tpu.vector_store %arg11[%swap3A, %swap3A_715], %swap3A_718 {strides = array<i32>} : memref<128x128xf32, #tpu.memory_space<vmem>>, vector<1x16xf32>,
      %get3A_719 = arith.index_cast %scan3A_707 : i32 to index
      %get3A_720 = arith.constant 16 : index
      %get3A_721 = tpu.vector_load %arg11[%get3A_719, %get3A_720] {strides = array<i32>} : memref<128x128xf32, #tpu.memory_space<vmem>>, vector<1x16xf32>,
      %get3A_722 = vector.shape_cast %get3A_721 : vector<1x16xf32> to vector<16xf32>
      %mul3A_723 = arith.constant 11.3137083 : f32
      %mul3A_724 = vector.broadcast %mul3A_723 : f32 to vector<16xf32>
      %mul3A_725 = arith.mulf %get3A_722, %mul3A_724 : vector<16xf32>
      %swap3A_726 = arith.index_cast %scan3A_707 : i32 to index
      %swap3A_727 = arith.constant 16 : index
      %swap3A_728 = tpu.vector_load %arg11[%swap3A_726, %swap3A_727] {strides = array<i32>} : memref<128x128xf32, #tpu.memory_space<vmem>>, vector<1x16xf32>,
      %swap3A_729 = vector.shape_cast %swap3A_728 : vector<1x16xf32> to vector<16xf32>
      %swap3A_730 = vector.shape_cast %mul3A_725 : vector<16xf32> to vector<1x16xf32>
      tpu.vector_store %arg11[%swap3A_726, %swap3A_727], %swap3A_730 {strides = array<i32>} : memref<128x128xf32, #tpu.memory_space<vmem>>, vector<1x16xf32>,
      %get3A_731 = arith.index_cast %scan3A_707 : i32 to index
      %get3A_732 = arith.constant 32 : index
      %get3A_733 = tpu.vector_load %arg11[%get3A_731, %get3A_732] {strides = array<i32>} : memref<128x128xf32, #tpu.memory_space<vmem>>, vector<1x16xf32>,
      %get3A_734 = vector.shape_cast %get3A_733 : vector<1x16xf32> to vector<16xf32>
      %mul3A_735 = arith.constant 11.3137083 : f32
      %mul3A_736 = vector.broadcast %mul3A_735 : f32 to vector<16xf32>
      %mul3A_737 = arith.mulf %get3A_734, %mul3A_736 : vector<16xf32>
      %swap3A_738 = arith.index_cast %scan3A_707 : i32 to index
      %swap3A_739 = arith.constant 32 : index
      %swap3A_740 = tpu.vector_load %arg11[%swap3A_738, %swap3A_739] {strides = array<i32>} : memref<128x128xf32, #tpu.memory_space<vmem>>, vector<1x16xf32>,
      %swap3A_741 = vector.shape_cast %swap3A_740 : vector<1x16xf32> to vector<16xf32>
      %swap3A_742 = vector.shape_cast %mul3A_737 : vector<16xf32> to vector<1x16xf32>
      tpu.vector_store %arg11[%swap3A_738, %swap3A_739], %swap3A_742 {strides = array<i32>} : memref<128x128xf32, #tpu.memory_space<vmem>>, vector<1x16xf32>,
      %get3A_743 = arith.index_cast %scan3A_707 : i32 to index
      %get3A_744 = arith.constant 48 : index
      %get3A_745 = tpu.vector_load %arg11[%get3A_743, %get3A_744] {strides = array<i32>} : memref<128x128xf32, #tpu.memory_space<vmem>>, vector<1x16xf32>,
      %get3A_746 = vector.shape_cast %get3A_745 : vector<1x16xf32> to vector<16xf32>
      %mul3A_747 = arith.constant 11.3137083 : f32
      %mul3A_748 = vector.broadcast %mul3A_747 : f32 to vector<16xf32>
      %mul3A_749 = arith.mulf %get3A_746, %mul3A_748 : vector<16xf32>
      %swap3A_750 = arith.index_cast %scan3A_707 : i32 to index
      %swap3A_751 = arith.constant 48 : index
      %swap3A_752 = tpu.vector_load %arg11[%swap3A_750, %swap3A_751] {strides = array<i32>} : memref<128x128xf32, #tpu.memory_space<vmem>>, vector<1x16xf32>,
      %swap3A_753 = vector.shape_cast %swap3A_752 : vector<1x16xf32> to vector<16xf32>
      %swap3A_754 = vector.shape_cast %mul3A_749 : vector<16xf32> to vector<1x16xf32>
      tpu.vector_store %arg11[%swap3A_750, %swap3A_751], %swap3A_754 {strides = array<i32>} : memref<128x128xf32, #tpu.memory_space<vmem>>, vector<1x16xf32>,
      %get3A_755 = arith.index_cast %scan3A_707 : i32 to index
      %get3A_756 = arith.constant 64 : index
      %get3A_757 = tpu.vector_load %arg11[%get3A_755, %get3A_756] {strides = array<i32>} : memref<128x128xf32, #tpu.memory_space<vmem>>, vector<1x16xf32>,
      %get3A_758 = vector.shape_cast %get3A_757 : vector<1x16xf32> to vector<16xf32>
      %mul3A_759 = arith.constant 11.3137083 : f32
      %mul3A_760 = vector.broadcast %mul3A_759 : f32 to vector<16xf32>
      %mul3A_761 = arith.mulf %get3A_758, %mul3A_760 : vector<16xf32>
      %swap3A_762 = arith.index_cast %scan3A_707 : i32 to index
      %swap3A_763 = arith.constant 64 : index
      %swap3A_764 = tpu.vector_load %arg11[%swap3A_762, %swap3A_763] {strides = array<i32>} : memref<128x128xf32, #tpu.memory_space<vmem>>, vector<1x16xf32>,
      %swap3A_765 = vector.shape_cast %swap3A_764 : vector<1x16xf32> to vector<16xf32>
      %swap3A_766 = vector.shape_cast %mul3A_761 : vector<16xf32> to vector<1x16xf32>
      tpu.vector_store %arg11[%swap3A_762, %swap3A_763], %swap3A_766 {strides = array<i32>} : memref<128x128xf32, #tpu.memory_space<vmem>>, vector<1x16xf32>,
      %get3A_767 = arith.index_cast %scan3A_707 : i32 to index
      %get3A_768 = arith.constant 80 : index
      %get3A_769 = tpu.vector_load %arg11[%get3A_767, %get3A_768] {strides = array<i32>} : memref<128x128xf32, #tpu.memory_space<vmem>>, vector<1x16xf32>,
      %get3A_770 = vector.shape_cast %get3A_769 : vector<1x16xf32> to vector<16xf32>
      %mul3A_771 = arith.constant 11.3137083 : f32
      %mul3A_772 = vector.broadcast %mul3A_771 : f32 to vector<16xf32>
      %mul3A_773 = arith.mulf %get3A_770, %mul3A_772 : vector<16xf32>
      %swap3A_774 = arith.index_cast %scan3A_707 : i32 to index
      %swap3A_775 = arith.constant 80 : index
      %swap3A_776 = tpu.vector_load %arg11[%swap3A_774, %swap3A_775] {strides = array<i32>} : memref<128x128xf32, #tpu.memory_space<vmem>>, vector<1x16xf32>,
      %swap3A_777 = vector.shape_cast %swap3A_776 : vector<1x16xf32> to vector<16xf32>
      %swap3A_778 = vector.shape_cast %mul3A_773 : vector<16xf32> to vector<1x16xf32>
      tpu.vector_store %arg11[%swap3A_774, %swap3A_775], %swap3A_778 {strides = array<i32>} : memref<128x128xf32, #tpu.memory_space<vmem>>, vector<1x16xf32>,
      %get3A_779 = arith.index_cast %scan3A_707 : i32 to index
      %get3A_780 = arith.constant 96 : index
      %get3A_781 = tpu.vector_load %arg11[%get3A_779, %get3A_780] {strides = array<i32>} : memref<128x128xf32, #tpu.memory_space<vmem>>, vector<1x16xf32>,
      %get3A_782 = vector.shape_cast %get3A_781 : vector<1x16xf32> to vector<16xf32>
      %mul3A_783 = arith.constant 11.3137083 : f32
      %mul3A_784 = vector.broadcast %mul3A_783 : f32 to vector<16xf32>
      %mul3A_785 = arith.mulf %get3A_782, %mul3A_784 : vector<16xf32>
      %swap3A_786 = arith.index_cast %scan3A_707 : i32 to index
      %swap3A_787 = arith.constant 96 : index
      %swap3A_788 = tpu.vector_load %arg11[%swap3A_786, %swap3A_787] {strides = array<i32>} : memref<128x128xf32, #tpu.memory_space<vmem>>, vector<1x16xf32>,
      %swap3A_789 = vector.shape_cast %swap3A_788 : vector<1x16xf32> to vector<16xf32>
      %swap3A_790 = vector.shape_cast %mul3A_785 : vector<16xf32> to vector<1x16xf32>
      tpu.vector_store %arg11[%swap3A_786, %swap3A_787], %swap3A_790 {strides = array<i32>} : memref<128x128xf32, #tpu.memory_space<vmem>>, vector<1x16xf32>,
      %get3A_791 = arith.index_cast %scan3A_707 : i32 to index
      %get3A_792 = arith.constant 112 : index
      %get3A_793 = tpu.vector_load %arg11[%get3A_791, %get3A_792] {strides = array<i32>} : memref<128x128xf32, #tpu.memory_space<vmem>>, vector<1x16xf32>,
      %get3A_794 = vector.shape_cast %get3A_793 : vector<1x16xf32> to vector<16xf32>
      %mul3A_795 = arith.constant 11.3137083 : f32
      %mul3A_796 = vector.broadcast %mul3A_795 : f32 to vector<16xf32>
      %mul3A_797 = arith.mulf %get3A_794, %mul3A_796 : vector<16xf32>
      %swap3A_798 = arith.index_cast %scan3A_707 : i32 to index
      %swap3A_799 = arith.constant 112 : index
      %swap3A_800 = tpu.vector_load %arg11[%swap3A_798, %swap3A_799] {strides = array<i32>} : memref<128x128xf32, #tpu.memory_space<vmem>>, vector<1x16xf32>,
      %swap3A_801 = vector.shape_cast %swap3A_800 : vector<1x16xf32> to vector<16xf32>
      %swap3A_802 = vector.shape_cast %mul3A_797 : vector<16xf32> to vector<1x16xf32>
      tpu.vector_store %arg11[%swap3A_798, %swap3A_799], %swap3A_802 {strides = array<i32>} : memref<128x128xf32, #tpu.memory_space<vmem>>, vector<1x16xf32>,
      %scan3A_803 = arith.constant 0 : i32
      scf.yield %scan3A_803 : i32
    }
    %scan3A_629 = arith.constant 128 : i32
    %dma_start3A_630 = arith.constant 47 : i32
    %dma_start3A_631 = arith.constant 0 : i32
    %dma_start3A_632 = tpu.memref_slice %arg4[%dma_start3A_630, %mul3A_2, %dma_start3A_631] : memref<50x4096x128xf32, #tpu.memory_space<hbm>> -> memref<1x128x128xf32, #tpu.memory_space<hbm>>
    %dma_start3A_633 = tpu.memref_squeeze %dma_start3A_632 : memref<1x128x128xf32, #tpu.memory_space<hbm>> -> memref<128x128xf32, #tpu.memory_space<hbm>>
    %dma_start3A_634 = arith.constant 0 : i32
    %dma_start3A_635 = tpu.memref_slice %arg4[%dma_start3A_630, %mul3A_2, %dma_start3A_634] : memref<50x4096x128xf32, #tpu.memory_space<hbm>> -> memref<1x128x128xf32, #tpu.memory_space<hbm>>
    %dma_start3A_636 = tpu.memref_squeeze %dma_start3A_635 : memref<1x128x128xf32, #tpu.memory_space<hbm>> -> memref<128x128xf32, #tpu.memory_space<hbm>>
    tpu.enqueue_dma source(%arg11 : memref<128x128xf32, #tpu.memory_space<vmem>>) target(%dma_start3A_636 : memref<128x128xf32, #tpu.memory_space<hbm>>) target_semaphore(%arg17 : memref<!tpu.dma_semaphore, #tpu.memory_space<semaphore_mem>>)
    %dma_wait3A_637 = arith.constant 46 : i32
    %dma_wait3A_638 = arith.constant 0 : i32
    %dma_wait3A_639 = tpu.memref_slice %arg4[%dma_wait3A_637, %mul3A_2, %dma_wait3A_638] : memref<50x4096x128xf32, #tpu.memory_space<hbm>> -> memref<1x128x128xf32, #tpu.memory_space<hbm>>
    %dma_wait3A_640 = tpu.memref_squeeze %dma_wait3A_639 : memref<1x128x128xf32, #tpu.memory_space<hbm>> -> memref<128x128xf32, #tpu.memory_space<hbm>>
    %dma_wait3A_641 = arith.constant 0 : i32
    %dma_wait3A_642 = tpu.memref_slice %arg4[%dma_wait3A_637, %mul3A_2, %dma_wait3A_641] : memref<50x4096x128xf32, #tpu.memory_space<hbm>> -> memref<1x128x128xf32, #tpu.memory_space<hbm>>
    %dma_wait3A_643 = tpu.memref_squeeze %dma_wait3A_642 : memref<1x128x128xf32, #tpu.memory_space<hbm>> -> memref<128x128xf32, #tpu.memory_space<hbm>>
    tpu.wait_dma2 semaphore(%arg16 : memref<!tpu.dma_semaphore, #tpu.memory_space<semaphore_mem>>) src(%arg10 : memref<128x128xf32, #tpu.memory_space<vmem>>) dst(%dma_wait3A_643 : memref<128x128xf32, #tpu.memory_space<hbm>>)
    %dma_wait3A_644 = arith.constant 48 : i32
    %dma_wait3A_645 = arith.constant 0 : i32
    %dma_wait3A_646 = tpu.memref_slice %arg5[%dma_wait3A_644, %dma_wait3A_645] : memref<50x128xi32, #tpu.memory_space<vmem>> -> memref<1x128xi32, #tpu.memory_space<vmem>>
    %dma_wait3A_647 = tpu.memref_squeeze %dma_wait3A_646 : memref<1x128xi32, #tpu.memory_space<vmem>> -> memref<128xi32, #tpu.memory_space<vmem>>
    %dma_wait3A_648 = arith.constant 0 : i32
    %dma_wait3A_649 = arith.constant 0 : i32
    %dma_wait3A_650 = tpu.memref_slice %arg3[%dma_wait3A_648, %dma_wait3A_649] : memref<100000x128xf32, #tpu.memory_space<hbm>> -> memref<100000x128xf32, #tpu.memory_space<hbm>>
    tpu.wait_indirect_dma semaphore(%arg12 : memref<!tpu.dma_semaphore, #tpu.memory_space<semaphore_mem>>) src(%dma_wait3A_650 : memref<100000x128xf32, #tpu.memory_space<hbm>>) dst(%arg6 : memref<128x128xf32, #tpu.memory_space<vmem>>)
    %scan3A_651 = arith.constant 0 : i32
    %scan3A_652 = arith.constant 0 : i32
    %scan3A_653 = arith.constant 128 : i32
    %scan3A_654 = arith.addi %scan3A_652, %scan3A_653 : i32
    %scan3A_655 = arith.constant 1 : i32
    %scan3A_656 = scf.for %scan3A_707 = %scan3A_652 to %scan3A_654 step %scan3A_655 iter_args(%scan3A_708 = %scan3A_651) -> (i32)  : i32 {
      %get3A = arith.index_cast %scan3A_707 : i32 to index
      %get3A_709 = arith.constant 0 : index
      %get3A_710 = tpu.vector_load %arg6[%get3A, %get3A_709] {strides = array<i32>} : memref<128x128xf32, #tpu.memory_space<vmem>>, vector<1x16xf32>,
      %get3A_711 = vector.shape_cast %get3A_710 : vector<1x16xf32> to vector<16xf32>
      %mul3A_712 = arith.constant 11.3137083 : f32
      %mul3A_713 = vector.broadcast %mul3A_712 : f32 to vector<16xf32>
      %mul3A_714 = arith.mulf %get3A_711, %mul3A_713 : vector<16xf32>
      %swap3A = arith.index_cast %scan3A_707 : i32 to index
      %swap3A_715 = arith.constant 0 : index
      %swap3A_716 = tpu.vector_load %arg6[%swap3A, %swap3A_715] {strides = array<i32>} : memref<128x128xf32, #tpu.memory_space<vmem>>, vector<1x16xf32>,
      %swap3A_717 = vector.shape_cast %swap3A_716 : vector<1x16xf32> to vector<16xf32>
      %swap3A_718 = vector.shape_cast %mul3A_714 : vector<16xf32> to vector<1x16xf32>
      tpu.vector_store %arg6[%swap3A, %swap3A_715], %swap3A_718 {strides = array<i32>} : memref<128x128xf32, #tpu.memory_space<vmem>>, vector<1x16xf32>,
      %get3A_719 = arith.index_cast %scan3A_707 : i32 to index
      %get3A_720 = arith.constant 16 : index
      %get3A_721 = tpu.vector_load %arg6[%get3A_719, %get3A_720] {strides = array<i32>} : memref<128x128xf32, #tpu.memory_space<vmem>>, vector<1x16xf32>,
      %get3A_722 = vector.shape_cast %get3A_721 : vector<1x16xf32> to vector<16xf32>
      %mul3A_723 = arith.constant 11.3137083 : f32
      %mul3A_724 = vector.broadcast %mul3A_723 : f32 to vector<16xf32>
      %mul3A_725 = arith.mulf %get3A_722, %mul3A_724 : vector<16xf32>
      %swap3A_726 = arith.index_cast %scan3A_707 : i32 to index
      %swap3A_727 = arith.constant 16 : index
      %swap3A_728 = tpu.vector_load %arg6[%swap3A_726, %swap3A_727] {strides = array<i32>} : memref<128x128xf32, #tpu.memory_space<vmem>>, vector<1x16xf32>,
      %swap3A_729 = vector.shape_cast %swap3A_728 : vector<1x16xf32> to vector<16xf32>
      %swap3A_730 = vector.shape_cast %mul3A_725 : vector<16xf32> to vector<1x16xf32>
      tpu.vector_store %arg6[%swap3A_726, %swap3A_727], %swap3A_730 {strides = array<i32>} : memref<128x128xf32, #tpu.memory_space<vmem>>, vector<1x16xf32>,
      %get3A_731 = arith.index_cast %scan3A_707 : i32 to index
      %get3A_732 = arith.constant 32 : index
      %get3A_733 = tpu.vector_load %arg6[%get3A_731, %get3A_732] {strides = array<i32>} : memref<128x128xf32, #tpu.memory_space<vmem>>, vector<1x16xf32>,
      %get3A_734 = vector.shape_cast %get3A_733 : vector<1x16xf32> to vector<16xf32>
      %mul3A_735 = arith.constant 11.3137083 : f32
      %mul3A_736 = vector.broadcast %mul3A_735 : f32 to vector<16xf32>
      %mul3A_737 = arith.mulf %get3A_734, %mul3A_736 : vector<16xf32>
      %swap3A_738 = arith.index_cast %scan3A_707 : i32 to index
      %swap3A_739 = arith.constant 32 : index
      %swap3A_740 = tpu.vector_load %arg6[%swap3A_738, %swap3A_739] {strides = array<i32>} : memref<128x128xf32, #tpu.memory_space<vmem>>, vector<1x16xf32>,
      %swap3A_741 = vector.shape_cast %swap3A_740 : vector<1x16xf32> to vector<16xf32>
      %swap3A_742 = vector.shape_cast %mul3A_737 : vector<16xf32> to vector<1x16xf32>
      tpu.vector_store %arg6[%swap3A_738, %swap3A_739], %swap3A_742 {strides = array<i32>} : memref<128x128xf32, #tpu.memory_space<vmem>>, vector<1x16xf32>,
      %get3A_743 = arith.index_cast %scan3A_707 : i32 to index
      %get3A_744 = arith.constant 48 : index
      %get3A_745 = tpu.vector_load %arg6[%get3A_743, %get3A_744] {strides = array<i32>} : memref<128x128xf32, #tpu.memory_space<vmem>>, vector<1x16xf32>,
      %get3A_746 = vector.shape_cast %get3A_745 : vector<1x16xf32> to vector<16xf32>
      %mul3A_747 = arith.constant 11.3137083 : f32
      %mul3A_748 = vector.broadcast %mul3A_747 : f32 to vector<16xf32>
      %mul3A_749 = arith.mulf %get3A_746, %mul3A_748 : vector<16xf32>
      %swap3A_750 = arith.index_cast %scan3A_707 : i32 to index
      %swap3A_751 = arith.constant 48 : index
      %swap3A_752 = tpu.vector_load %arg6[%swap3A_750, %swap3A_751] {strides = array<i32>} : memref<128x128xf32, #tpu.memory_space<vmem>>, vector<1x16xf32>,
      %swap3A_753 = vector.shape_cast %swap3A_752 : vector<1x16xf32> to vector<16xf32>
      %swap3A_754 = vector.shape_cast %mul3A_749 : vector<16xf32> to vector<1x16xf32>
      tpu.vector_store %arg6[%swap3A_750, %swap3A_751], %swap3A_754 {strides = array<i32>} : memref<128x128xf32, #tpu.memory_space<vmem>>, vector<1x16xf32>,
      %get3A_755 = arith.index_cast %scan3A_707 : i32 to index
      %get3A_756 = arith.constant 64 : index
      %get3A_757 = tpu.vector_load %arg6[%get3A_755, %get3A_756] {strides = array<i32>} : memref<128x128xf32, #tpu.memory_space<vmem>>, vector<1x16xf32>,
      %get3A_758 = vector.shape_cast %get3A_757 : vector<1x16xf32> to vector<16xf32>
      %mul3A_759 = arith.constant 11.3137083 : f32
      %mul3A_760 = vector.broadcast %mul3A_759 : f32 to vector<16xf32>
      %mul3A_761 = arith.mulf %get3A_758, %mul3A_760 : vector<16xf32>
      %swap3A_762 = arith.index_cast %scan3A_707 : i32 to index
      %swap3A_763 = arith.constant 64 : index
      %swap3A_764 = tpu.vector_load %arg6[%swap3A_762, %swap3A_763] {strides = array<i32>} : memref<128x128xf32, #tpu.memory_space<vmem>>, vector<1x16xf32>,
      %swap3A_765 = vector.shape_cast %swap3A_764 : vector<1x16xf32> to vector<16xf32>
      %swap3A_766 = vector.shape_cast %mul3A_761 : vector<16xf32> to vector<1x16xf32>
      tpu.vector_store %arg6[%swap3A_762, %swap3A_763], %swap3A_766 {strides = array<i32>} : memref<128x128xf32, #tpu.memory_space<vmem>>, vector<1x16xf32>,
      %get3A_767 = arith.index_cast %scan3A_707 : i32 to index
      %get3A_768 = arith.constant 80 : index
      %get3A_769 = tpu.vector_load %arg6[%get3A_767, %get3A_768] {strides = array<i32>} : memref<128x128xf32, #tpu.memory_space<vmem>>, vector<1x16xf32>,
      %get3A_770 = vector.shape_cast %get3A_769 : vector<1x16xf32> to vector<16xf32>
      %mul3A_771 = arith.constant 11.3137083 : f32
      %mul3A_772 = vector.broadcast %mul3A_771 : f32 to vector<16xf32>
      %mul3A_773 = arith.mulf %get3A_770, %mul3A_772 : vector<16xf32>
      %swap3A_774 = arith.index_cast %scan3A_707 : i32 to index
      %swap3A_775 = arith.constant 80 : index
      %swap3A_776 = tpu.vector_load %arg6[%swap3A_774, %swap3A_775] {strides = array<i32>} : memref<128x128xf32, #tpu.memory_space<vmem>>, vector<1x16xf32>,
      %swap3A_777 = vector.shape_cast %swap3A_776 : vector<1x16xf32> to vector<16xf32>
      %swap3A_778 = vector.shape_cast %mul3A_773 : vector<16xf32> to vector<1x16xf32>
      tpu.vector_store %arg6[%swap3A_774, %swap3A_775], %swap3A_778 {strides = array<i32>} : memref<128x128xf32, #tpu.memory_space<vmem>>, vector<1x16xf32>,
      %get3A_779 = arith.index_cast %scan3A_707 : i32 to index
      %get3A_780 = arith.constant 96 : index
      %get3A_781 = tpu.vector_load %arg6[%get3A_779, %get3A_780] {strides = array<i32>} : memref<128x128xf32, #tpu.memory_space<vmem>>, vector<1x16xf32>,
      %get3A_782 = vector.shape_cast %get3A_781 : vector<1x16xf32> to vector<16xf32>
      %mul3A_783 = arith.constant 11.3137083 : f32
      %mul3A_784 = vector.broadcast %mul3A_783 : f32 to vector<16xf32>
      %mul3A_785 = arith.mulf %get3A_782, %mul3A_784 : vector<16xf32>
      %swap3A_786 = arith.index_cast %scan3A_707 : i32 to index
      %swap3A_787 = arith.constant 96 : index
      %swap3A_788 = tpu.vector_load %arg6[%swap3A_786, %swap3A_787] {strides = array<i32>} : memref<128x128xf32, #tpu.memory_space<vmem>>, vector<1x16xf32>,
      %swap3A_789 = vector.shape_cast %swap3A_788 : vector<1x16xf32> to vector<16xf32>
      %swap3A_790 = vector.shape_cast %mul3A_785 : vector<16xf32> to vector<1x16xf32>
      tpu.vector_store %arg6[%swap3A_786, %swap3A_787], %swap3A_790 {strides = array<i32>} : memref<128x128xf32, #tpu.memory_space<vmem>>, vector<1x16xf32>,
      %get3A_791 = arith.index_cast %scan3A_707 : i32 to index
      %get3A_792 = arith.constant 112 : index
      %get3A_793 = tpu.vector_load %arg6[%get3A_791, %get3A_792] {strides = array<i32>} : memref<128x128xf32, #tpu.memory_space<vmem>>, vector<1x16xf32>,
      %get3A_794 = vector.shape_cast %get3A_793 : vector<1x16xf32> to vector<16xf32>
      %mul3A_795 = arith.constant 11.3137083 : f32
      %mul3A_796 = vector.broadcast %mul3A_795 : f32 to vector<16xf32>
      %mul3A_797 = arith.mulf %get3A_794, %mul3A_796 : vector<16xf32>
      %swap3A_798 = arith.index_cast %scan3A_707 : i32 to index
      %swap3A_799 = arith.constant 112 : index
      %swap3A_800 = tpu.vector_load %arg6[%swap3A_798, %swap3A_799] {strides = array<i32>} : memref<128x128xf32, #tpu.memory_space<vmem>>, vector<1x16xf32>,
      %swap3A_801 = vector.shape_cast %swap3A_800 : vector<1x16xf32> to vector<16xf32>
      %swap3A_802 = vector.shape_cast %mul3A_797 : vector<16xf32> to vector<1x16xf32>
      tpu.vector_store %arg6[%swap3A_798, %swap3A_799], %swap3A_802 {strides = array<i32>} : memref<128x128xf32, #tpu.memory_space<vmem>>, vector<1x16xf32>,
      %scan3A_803 = arith.constant 0 : i32
      scf.yield %scan3A_803 : i32
    }
    %scan3A_657 = arith.constant 128 : i32
    %dma_start3A_658 = arith.constant 48 : i32
    %dma_start3A_659 = arith.constant 0 : i32
    %dma_start3A_660 = tpu.memref_slice %arg4[%dma_start3A_658, %mul3A_2, %dma_start3A_659] : memref<50x4096x128xf32, #tpu.memory_space<hbm>> -> memref<1x128x128xf32, #tpu.memory_space<hbm>>
    %dma_start3A_661 = tpu.memref_squeeze %dma_start3A_660 : memref<1x128x128xf32, #tpu.memory_space<hbm>> -> memref<128x128xf32, #tpu.memory_space<hbm>>
    %dma_start3A_662 = arith.constant 0 : i32
    %dma_start3A_663 = tpu.memref_slice %arg4[%dma_start3A_658, %mul3A_2, %dma_start3A_662] : memref<50x4096x128xf32, #tpu.memory_space<hbm>> -> memref<1x128x128xf32, #tpu.memory_space<hbm>>
    %dma_start3A_664 = tpu.memref_squeeze %dma_start3A_663 : memref<1x128x128xf32, #tpu.memory_space<hbm>> -> memref<128x128xf32, #tpu.memory_space<hbm>>
    tpu.enqueue_dma source(%arg6 : memref<128x128xf32, #tpu.memory_space<vmem>>) target(%dma_start3A_664 : memref<128x128xf32, #tpu.memory_space<hbm>>) target_semaphore(%arg12 : memref<!tpu.dma_semaphore, #tpu.memory_space<semaphore_mem>>)
    %dma_wait3A_665 = arith.constant 47 : i32
    %dma_wait3A_666 = arith.constant 0 : i32
    %dma_wait3A_667 = tpu.memref_slice %arg4[%dma_wait3A_665, %mul3A_2, %dma_wait3A_666] : memref<50x4096x128xf32, #tpu.memory_space<hbm>> -> memref<1x128x128xf32, #tpu.memory_space<hbm>>
    %dma_wait3A_668 = tpu.memref_squeeze %dma_wait3A_667 : memref<1x128x128xf32, #tpu.memory_space<hbm>> -> memref<128x128xf32, #tpu.memory_space<hbm>>
    %dma_wait3A_669 = arith.constant 0 : i32
    %dma_wait3A_670 = tpu.memref_slice %arg4[%dma_wait3A_665, %mul3A_2, %dma_wait3A_669] : memref<50x4096x128xf32, #tpu.memory_space<hbm>> -> memref<1x128x128xf32, #tpu.memory_space<hbm>>
    %dma_wait3A_671 = tpu.memref_squeeze %dma_wait3A_670 : memref<1x128x128xf32, #tpu.memory_space<hbm>> -> memref<128x128xf32, #tpu.memory_space<hbm>>
    tpu.wait_dma2 semaphore(%arg17 : memref<!tpu.dma_semaphore, #tpu.memory_space<semaphore_mem>>) src(%arg11 : memref<128x128xf32, #tpu.memory_space<vmem>>) dst(%dma_wait3A_671 : memref<128x128xf32, #tpu.memory_space<hbm>>)
    %dma_wait3A_672 = arith.constant 49 : i32
    %dma_wait3A_673 = arith.constant 0 : i32
    %dma_wait3A_674 = tpu.memref_slice %arg5[%dma_wait3A_672, %dma_wait3A_673] : memref<50x128xi32, #tpu.memory_space<vmem>> -> memref<1x128xi32, #tpu.memory_space<vmem>>
    %dma_wait3A_675 = tpu.memref_squeeze %dma_wait3A_674 : memref<1x128xi32, #tpu.memory_space<vmem>> -> memref<128xi32, #tpu.memory_space<vmem>>
    %dma_wait3A_676 = arith.constant 0 : i32
    %dma_wait3A_677 = arith.constant 0 : i32
    %dma_wait3A_678 = tpu.memref_slice %arg3[%dma_wait3A_676, %dma_wait3A_677] : memref<100000x128xf32, #tpu.memory_space<hbm>> -> memref<100000x128xf32, #tpu.memory_space<hbm>>
    tpu.wait_indirect_dma semaphore(%arg13 : memref<!tpu.dma_semaphore, #tpu.memory_space<semaphore_mem>>) src(%dma_wait3A_678 : memref<100000x128xf32, #tpu.memory_space<hbm>>) dst(%arg7 : memref<128x128xf32, #tpu.memory_space<vmem>>)
    %scan3A_679 = arith.constant 0 : i32
    %scan3A_680 = arith.constant 0 : i32
    %scan3A_681 = arith.constant 128 : i32
    %scan3A_682 = arith.addi %scan3A_680, %scan3A_681 : i32
    %scan3A_683 = arith.constant 1 : i32
    %scan3A_684 = scf.for %scan3A_707 = %scan3A_680 to %scan3A_682 step %scan3A_683 iter_args(%scan3A_708 = %scan3A_679) -> (i32)  : i32 {
      %get3A = arith.index_cast %scan3A_707 : i32 to index
      %get3A_709 = arith.constant 0 : index
      %get3A_710 = tpu.vector_load %arg7[%get3A, %get3A_709] {strides = array<i32>} : memref<128x128xf32, #tpu.memory_space<vmem>>, vector<1x16xf32>,
      %get3A_711 = vector.shape_cast %get3A_710 : vector<1x16xf32> to vector<16xf32>
      %mul3A_712 = arith.constant 11.3137083 : f32
      %mul3A_713 = vector.broadcast %mul3A_712 : f32 to vector<16xf32>
      %mul3A_714 = arith.mulf %get3A_711, %mul3A_713 : vector<16xf32>
      %swap3A = arith.index_cast %scan3A_707 : i32 to index
      %swap3A_715 = arith.constant 0 : index
      %swap3A_716 = tpu.vector_load %arg7[%swap3A, %swap3A_715] {strides = array<i32>} : memref<128x128xf32, #tpu.memory_space<vmem>>, vector<1x16xf32>,
      %swap3A_717 = vector.shape_cast %swap3A_716 : vector<1x16xf32> to vector<16xf32>
      %swap3A_718 = vector.shape_cast %mul3A_714 : vector<16xf32> to vector<1x16xf32>
      tpu.vector_store %arg7[%swap3A, %swap3A_715], %swap3A_718 {strides = array<i32>} : memref<128x128xf32, #tpu.memory_space<vmem>>, vector<1x16xf32>,
      %get3A_719 = arith.index_cast %scan3A_707 : i32 to index
      %get3A_720 = arith.constant 16 : index
      %get3A_721 = tpu.vector_load %arg7[%get3A_719, %get3A_720] {strides = array<i32>} : memref<128x128xf32, #tpu.memory_space<vmem>>, vector<1x16xf32>,
      %get3A_722 = vector.shape_cast %get3A_721 : vector<1x16xf32> to vector<16xf32>
      %mul3A_723 = arith.constant 11.3137083 : f32
      %mul3A_724 = vector.broadcast %mul3A_723 : f32 to vector<16xf32>
      %mul3A_725 = arith.mulf %get3A_722, %mul3A_724 : vector<16xf32>
      %swap3A_726 = arith.index_cast %scan3A_707 : i32 to index
      %swap3A_727 = arith.constant 16 : index
      %swap3A_728 = tpu.vector_load %arg7[%swap3A_726, %swap3A_727] {strides = array<i32>} : memref<128x128xf32, #tpu.memory_space<vmem>>, vector<1x16xf32>,
      %swap3A_729 = vector.shape_cast %swap3A_728 : vector<1x16xf32> to vector<16xf32>
      %swap3A_730 = vector.shape_cast %mul3A_725 : vector<16xf32> to vector<1x16xf32>
      tpu.vector_store %arg7[%swap3A_726, %swap3A_727], %swap3A_730 {strides = array<i32>} : memref<128x128xf32, #tpu.memory_space<vmem>>, vector<1x16xf32>,
      %get3A_731 = arith.index_cast %scan3A_707 : i32 to index
      %get3A_732 = arith.constant 32 : index
      %get3A_733 = tpu.vector_load %arg7[%get3A_731, %get3A_732] {strides = array<i32>} : memref<128x128xf32, #tpu.memory_space<vmem>>, vector<1x16xf32>,
      %get3A_734 = vector.shape_cast %get3A_733 : vector<1x16xf32> to vector<16xf32>
      %mul3A_735 = arith.constant 11.3137083 : f32
      %mul3A_736 = vector.broadcast %mul3A_735 : f32 to vector<16xf32>
      %mul3A_737 = arith.mulf %get3A_734, %mul3A_736 : vector<16xf32>
      %swap3A_738 = arith.index_cast %scan3A_707 : i32 to index
      %swap3A_739 = arith.constant 32 : index
      %swap3A_740 = tpu.vector_load %arg7[%swap3A_738, %swap3A_739] {strides = array<i32>} : memref<128x128xf32, #tpu.memory_space<vmem>>, vector<1x16xf32>,
      %swap3A_741 = vector.shape_cast %swap3A_740 : vector<1x16xf32> to vector<16xf32>
      %swap3A_742 = vector.shape_cast %mul3A_737 : vector<16xf32> to vector<1x16xf32>
      tpu.vector_store %arg7[%swap3A_738, %swap3A_739], %swap3A_742 {strides = array<i32>} : memref<128x128xf32, #tpu.memory_space<vmem>>, vector<1x16xf32>,
      %get3A_743 = arith.index_cast %scan3A_707 : i32 to index
      %get3A_744 = arith.constant 48 : index
      %get3A_745 = tpu.vector_load %arg7[%get3A_743, %get3A_744] {strides = array<i32>} : memref<128x128xf32, #tpu.memory_space<vmem>>, vector<1x16xf32>,
      %get3A_746 = vector.shape_cast %get3A_745 : vector<1x16xf32> to vector<16xf32>
      %mul3A_747 = arith.constant 11.3137083 : f32
      %mul3A_748 = vector.broadcast %mul3A_747 : f32 to vector<16xf32>
      %mul3A_749 = arith.mulf %get3A_746, %mul3A_748 : vector<16xf32>
      %swap3A_750 = arith.index_cast %scan3A_707 : i32 to index
      %swap3A_751 = arith.constant 48 : index
      %swap3A_752 = tpu.vector_load %arg7[%swap3A_750, %swap3A_751] {strides = array<i32>} : memref<128x128xf32, #tpu.memory_space<vmem>>, vector<1x16xf32>,
      %swap3A_753 = vector.shape_cast %swap3A_752 : vector<1x16xf32> to vector<16xf32>
      %swap3A_754 = vector.shape_cast %mul3A_749 : vector<16xf32> to vector<1x16xf32>
      tpu.vector_store %arg7[%swap3A_750, %swap3A_751], %swap3A_754 {strides = array<i32>} : memref<128x128xf32, #tpu.memory_space<vmem>>, vector<1x16xf32>,
      %get3A_755 = arith.index_cast %scan3A_707 : i32 to index
      %get3A_756 = arith.constant 64 : index
      %get3A_757 = tpu.vector_load %arg7[%get3A_755, %get3A_756] {strides = array<i32>} : memref<128x128xf32, #tpu.memory_space<vmem>>, vector<1x16xf32>,
      %get3A_758 = vector.shape_cast %get3A_757 : vector<1x16xf32> to vector<16xf32>
      %mul3A_759 = arith.constant 11.3137083 : f32
      %mul3A_760 = vector.broadcast %mul3A_759 : f32 to vector<16xf32>
      %mul3A_761 = arith.mulf %get3A_758, %mul3A_760 : vector<16xf32>
      %swap3A_762 = arith.index_cast %scan3A_707 : i32 to index
      %swap3A_763 = arith.constant 64 : index
      %swap3A_764 = tpu.vector_load %arg7[%swap3A_762, %swap3A_763] {strides = array<i32>} : memref<128x128xf32, #tpu.memory_space<vmem>>, vector<1x16xf32>,
      %swap3A_765 = vector.shape_cast %swap3A_764 : vector<1x16xf32> to vector<16xf32>
      %swap3A_766 = vector.shape_cast %mul3A_761 : vector<16xf32> to vector<1x16xf32>
      tpu.vector_store %arg7[%swap3A_762, %swap3A_763], %swap3A_766 {strides = array<i32>} : memref<128x128xf32, #tpu.memory_space<vmem>>, vector<1x16xf32>,
      %get3A_767 = arith.index_cast %scan3A_707 : i32 to index
      %get3A_768 = arith.constant 80 : index
      %get3A_769 = tpu.vector_load %arg7[%get3A_767, %get3A_768] {strides = array<i32>} : memref<128x128xf32, #tpu.memory_space<vmem>>, vector<1x16xf32>,
      %get3A_770 = vector.shape_cast %get3A_769 : vector<1x16xf32> to vector<16xf32>
      %mul3A_771 = arith.constant 11.3137083 : f32
      %mul3A_772 = vector.broadcast %mul3A_771 : f32 to vector<16xf32>
      %mul3A_773 = arith.mulf %get3A_770, %mul3A_772 : vector<16xf32>
      %swap3A_774 = arith.index_cast %scan3A_707 : i32 to index
      %swap3A_775 = arith.constant 80 : index
      %swap3A_776 = tpu.vector_load %arg7[%swap3A_774, %swap3A_775] {strides = array<i32>} : memref<128x128xf32, #tpu.memory_space<vmem>>, vector<1x16xf32>,
      %swap3A_777 = vector.shape_cast %swap3A_776 : vector<1x16xf32> to vector<16xf32>
      %swap3A_778 = vector.shape_cast %mul3A_773 : vector<16xf32> to vector<1x16xf32>
      tpu.vector_store %arg7[%swap3A_774, %swap3A_775], %swap3A_778 {strides = array<i32>} : memref<128x128xf32, #tpu.memory_space<vmem>>, vector<1x16xf32>,
      %get3A_779 = arith.index_cast %scan3A_707 : i32 to index
      %get3A_780 = arith.constant 96 : index
      %get3A_781 = tpu.vector_load %arg7[%get3A_779, %get3A_780] {strides = array<i32>} : memref<128x128xf32, #tpu.memory_space<vmem>>, vector<1x16xf32>,
      %get3A_782 = vector.shape_cast %get3A_781 : vector<1x16xf32> to vector<16xf32>
      %mul3A_783 = arith.constant 11.3137083 : f32
      %mul3A_784 = vector.broadcast %mul3A_783 : f32 to vector<16xf32>
      %mul3A_785 = arith.mulf %get3A_782, %mul3A_784 : vector<16xf32>
      %swap3A_786 = arith.index_cast %scan3A_707 : i32 to index
      %swap3A_787 = arith.constant 96 : index
      %swap3A_788 = tpu.vector_load %arg7[%swap3A_786, %swap3A_787] {strides = array<i32>} : memref<128x128xf32, #tpu.memory_space<vmem>>, vector<1x16xf32>,
      %swap3A_789 = vector.shape_cast %swap3A_788 : vector<1x16xf32> to vector<16xf32>
      %swap3A_790 = vector.shape_cast %mul3A_785 : vector<16xf32> to vector<1x16xf32>
      tpu.vector_store %arg7[%swap3A_786, %swap3A_787], %swap3A_790 {strides = array<i32>} : memref<128x128xf32, #tpu.memory_space<vmem>>, vector<1x16xf32>,
      %get3A_791 = arith.index_cast %scan3A_707 : i32 to index
      %get3A_792 = arith.constant 112 : index
      %get3A_793 = tpu.vector_load %arg7[%get3A_791, %get3A_792] {strides = array<i32>} : memref<128x128xf32, #tpu.memory_space<vmem>>, vector<1x16xf32>,
      %get3A_794 = vector.shape_cast %get3A_793 : vector<1x16xf32> to vector<16xf32>
      %mul3A_795 = arith.constant 11.3137083 : f32
      %mul3A_796 = vector.broadcast %mul3A_795 : f32 to vector<16xf32>
      %mul3A_797 = arith.mulf %get3A_794, %mul3A_796 : vector<16xf32>
      %swap3A_798 = arith.index_cast %scan3A_707 : i32 to index
      %swap3A_799 = arith.constant 112 : index
      %swap3A_800 = tpu.vector_load %arg7[%swap3A_798, %swap3A_799] {strides = array<i32>} : memref<128x128xf32, #tpu.memory_space<vmem>>, vector<1x16xf32>,
      %swap3A_801 = vector.shape_cast %swap3A_800 : vector<1x16xf32> to vector<16xf32>
      %swap3A_802 = vector.shape_cast %mul3A_797 : vector<16xf32> to vector<1x16xf32>
      tpu.vector_store %arg7[%swap3A_798, %swap3A_799], %swap3A_802 {strides = array<i32>} : memref<128x128xf32, #tpu.memory_space<vmem>>, vector<1x16xf32>,
      %scan3A_803 = arith.constant 0 : i32
      scf.yield %scan3A_803 : i32
    }
    %scan3A_685 = arith.constant 128 : i32
    %dma_start3A_686 = arith.constant 49 : i32
    %dma_start3A_687 = arith.constant 0 : i32
    %dma_start3A_688 = tpu.memref_slice %arg4[%dma_start3A_686, %mul3A_2, %dma_start3A_687] : memref<50x4096x128xf32, #tpu.memory_space<hbm>> -> memref<1x128x128xf32, #tpu.memory_space<hbm>>
    %dma_start3A_689 = tpu.memref_squeeze %dma_start3A_688 : memref<1x128x128xf32, #tpu.memory_space<hbm>> -> memref<128x128xf32, #tpu.memory_space<hbm>>
    %dma_start3A_690 = arith.constant 0 : i32
    %dma_start3A_691 = tpu.memref_slice %arg4[%dma_start3A_686, %mul3A_2, %dma_start3A_690] : memref<50x4096x128xf32, #tpu.memory_space<hbm>> -> memref<1x128x128xf32, #tpu.memory_space<hbm>>
    %dma_start3A_692 = tpu.memref_squeeze %dma_start3A_691 : memref<1x128x128xf32, #tpu.memory_space<hbm>> -> memref<128x128xf32, #tpu.memory_space<hbm>>
    tpu.enqueue_dma source(%arg7 : memref<128x128xf32, #tpu.memory_space<vmem>>) target(%dma_start3A_692 : memref<128x128xf32, #tpu.memory_space<hbm>>) target_semaphore(%arg13 : memref<!tpu.dma_semaphore, #tpu.memory_space<semaphore_mem>>)
    %dma_wait3A_693 = arith.constant 48 : i32
    %dma_wait3A_694 = arith.constant 0 : i32
    %dma_wait3A_695 = tpu.memref_slice %arg4[%dma_wait3A_693, %mul3A_2, %dma_wait3A_694] : memref<50x4096x128xf32, #tpu.memory_space<hbm>> -> memref<1x128x128xf32, #tpu.memory_space<hbm>>
    %dma_wait3A_696 = tpu.memref_squeeze %dma_wait3A_695 : memref<1x128x128xf32, #tpu.memory_space<hbm>> -> memref<128x128xf32, #tpu.memory_space<hbm>>
    %dma_wait3A_697 = arith.constant 0 : i32
    %dma_wait3A_698 = tpu.memref_slice %arg4[%dma_wait3A_693, %mul3A_2, %dma_wait3A_697] : memref<50x4096x128xf32, #tpu.memory_space<hbm>> -> memref<1x128x128xf32, #tpu.memory_space<hbm>>
    %dma_wait3A_699 = tpu.memref_squeeze %dma_wait3A_698 : memref<1x128x128xf32, #tpu.memory_space<hbm>> -> memref<128x128xf32, #tpu.memory_space<hbm>>
    tpu.wait_dma2 semaphore(%arg12 : memref<!tpu.dma_semaphore, #tpu.memory_space<semaphore_mem>>) src(%arg6 : memref<128x128xf32, #tpu.memory_space<vmem>>) dst(%dma_wait3A_699 : memref<128x128xf32, #tpu.memory_space<hbm>>)
    %dma_wait3A_700 = arith.constant 49 : i32
    %dma_wait3A_701 = arith.constant 0 : i32
    %dma_wait3A_702 = tpu.memref_slice %arg4[%dma_wait3A_700, %mul3A_2, %dma_wait3A_701] : memref<50x4096x128xf32, #tpu.memory_space<hbm>> -> memref<1x128x128xf32, #tpu.memory_space<hbm>>
    %dma_wait3A_703 = tpu.memref_squeeze %dma_wait3A_702 : memref<1x128x128xf32, #tpu.memory_space<hbm>> -> memref<128x128xf32, #tpu.memory_space<hbm>>
    %dma_wait3A_704 = arith.constant 0 : i32
    %dma_wait3A_705 = tpu.memref_slice %arg4[%dma_wait3A_700, %mul3A_2, %dma_wait3A_704] : memref<50x4096x128xf32, #tpu.memory_space<hbm>> -> memref<1x128x128xf32, #tpu.memory_space<hbm>>
    %dma_wait3A_706 = tpu.memref_squeeze %dma_wait3A_705 : memref<1x128x128xf32, #tpu.memory_space<hbm>> -> memref<128x128xf32, #tpu.memory_space<hbm>>
    tpu.wait_dma2 semaphore(%arg13 : memref<!tpu.dma_semaphore, #tpu.memory_space<semaphore_mem>>) src(%arg7 : memref<128x128xf32, #tpu.memory_space<vmem>>) dst(%dma_wait3A_706 : memref<128x128xf32, #tpu.memory_space<hbm>>)
    return
  }
}

</mosaic_0001>

<sc_bundles>
// kernel: _embed.3.cloned.1.call-start
scs
__scs_entry_jumppad:
0x0: {  	(pc) =	sbr.rel $0x88, $3  }
0x1: {  	(tag) =	ssettag $0x0;
	lr =	simm.s32 $0x1  }
0x2: {  	[smem:$0x3F9F] =	sst lr;
	_ =	strace $0xD0000000  }
0x3: {  	_ = 	snop  }
0x4: {  	_ = 	snop  }
0x5: {  	_ = 	snop  }
0x6: {  	_ = 	snop  }
0x7: {  	_ = 	snop  }
__scs_overlays_trampoline_lowered:
0x8: {  	[smem:$0x3FAE] =	sst s0  }
0x9: {  	[smem:$0x3FAF] =	sst s1  }
0xa: {  	[smem:$0x3FB0] =	sst s2  }
0xb: {  	[smem:$0x3FB1] =	sst s3  }
0xc: {  	[smem:$0x3FB2] =	sst s4  }
0xd: {  	[smem:$0x3FB3] =	sst s5  }
0xe: {  	[smem:$0x3FB4] =	sst s6  }
0xf: {  	[smem:$0x3FB5] =	sst s7  }
0x10: {  	[smem:$0x3FB6] =	sst s8  }
0x11: {  	[smem:$0x3FB7] =	sst s9;
	s0 =	simm.s32 @!p0 $0x0  }
0x12: {  	s1 =	sld [smem:$0x3F9D];
	s0 =	simm.s32 @p0 $0x1  }
0x13: {  	[smem:$0x3FB8] =	sst s0;
	s0 =	simm.s32 @!p1 $0x0  }
0x14: {  	s2 =	sld [smem:$0x3F9C];
	s0 =	simm.s32 @p1 $0x1  }
0x15: {  	[smem:$0x3FB9] =	sst s0;
	s0 =	simm.s32 @!p2 $0x0  }
0x16: {  	s3 =	sld [smem:$0x3FDB];
	s0 =	simm.s32 @p2 $0x1  }
0x17: {  	s4 =	simm.s32 $0x1BF5;
	[smem:$0x3FBB] =	sst s0  }
0x18: {  	s0 =	sld [smem:$0x3F9E];
	_ =	swait.ge [sflag:s4], $0x0  }
0x19: {  	s7 =	sld [smem:$0x3F9F]  }
0x1a: {  	s8 =	sadd.s32 $0xFFFFE003, lr  }
0x1b: {  	s9 =	sadd.s32 $0xFFFFFEF7, lr;
	s5 =	simm.s32 $0xFFFFFFFF;
	p2 =	slt.u32 s8, $0xFFFFF086  }
0x1c: {  	p1 =	slt.u32 s9, $0xF7A;
	s5 =	simm.s32 @!p2 $0x0  }
0x1d: {  	s5 =	simm.s32 @p1 $0x1;
	p0 =	seq.s32 s7, s2  }
0x1e: {  	s7 =	smul.u32 @!p0 $0xF7A, s2;
	p2 =	seq.s32 @!p0 s5, $0x0  }
0x1f: {  	s9 =	smul.u32 $0xF7A, s1;
	s8 =	simm.s32 @!p0 $0x1BF5;
	p2 =	por !p2, p0  }
0x20: {  	[sflag:s8] =	ssyncset.s32 @!p0 $0xFFFFF086;
	s6 =	sadd.s32 @!p0 s3, s7;
	s7 =	simm.s32 @!p0 $0x108  }
0x21: {  	s3 =	sadd.s32 s3, s9;
	s6 =	sadd.s32 @!p0 $0x88, s6;
	s7 =	simm.s32 @p2 $0x1082  }
0x22: {  	[simem:s7], [sflag:s8] =	dma.local @!p0 [hbm:s6], $0xF7A  }
0x23: {  	s9 =	sor.u32 $0xD0000000, s2;
	s6 =	simm.s32 $0x108;
	_ =	swait.ge @!p0 [sflag:s8], $0x0  }
0x24: {  	s3 =	sadd.s32 $0x88, s3;
	s6 =	simm.s32 @!p1 $0x1082;
	[sflag:s4] =	ssyncset.s32 $0xFFFFF086  }
0x25: {  	[simem:s6], [sflag:s4] =	dma.local [hbm:s3], $0xF7A  }
0x26: {  	[smem:$0x3F9F] =	sst s1;
	(tag) =	ssettag s2;
	_ =	strace s9  }
0x27: {  	s1 =	sld [smem:$0x3FAF]  }
0x28: {  	s2 =	sld [smem:$0x3FB0]  }
0x29: {  	s4 =	sld [smem:$0x3FB2]  }
0x2a: {  	p0 =	seq.s32 s5, $0x0;
	s5 =	sld [smem:$0x3FB3]  }
0x2b: {  	s6 =	sld [smem:$0x3FB4]  }
0x2c: {  	s7 =	sld [smem:$0x3FB5]  }
0x2d: {  	s3 =	simm.s32 $0x108;
	s8 =	sld [smem:$0x3FB6]  }
0x2e: {  	s3 =	simm.s32 @!p0 $0x1082;
	s9 =	sld [smem:$0x3FB7]  }
0x2f: {  	lr =	sadd.s32 s0, s3;
	s0 =	sld [smem:$0x3FAE]  }
0x30: {  	s3 =	sld [smem:$0x3FB1]  }
0x31: {  	[smem:$0x3FBA] =	sst s10  }
0x32: {  	s10 =	sld [smem:$0x3FB8];
	_ =	sdelay $0x3  }
0x33: {  	p0 =	seq.s32 s10, $0x1;
	s10 =	sld [smem:$0x3FBA];
	_ =	sdelay $0x3  }
0x34: {  	[smem:$0x3FBA] =	sst s10  }
0x35: {  	s10 =	sld [smem:$0x3FB9];
	_ =	sdelay $0x3  }
0x36: {  	p1 =	seq.s32 s10, $0x1;
	s10 =	sld [smem:$0x3FBA];
	_ =	sdelay $0x3  }
0x37: {  	[smem:$0x3FBA] =	sst s10  }
0x38: {  	s10 =	sld [smem:$0x3FBB]  }
0x39: {  	_ = 	snop;
	(pc) =	sbr.ind lr, $3  }
0x3a: {  	_ = 	snop  }
0x3b: {  	_ = 	snop  }
0x3c: {  	p2 =	seq.s32 s10, $0x1;
	s10 =	sld [smem:$0x3FBA]  }
0x3d: {  	_ =	shalt  }
0x3e: {  	_ =	shalt  }
0x3f: {  	_ =	shalt  }
0x40: {  	_ =	shalt  }
0x41: {  	_ =	shalt  }
0x42: {  	_ =	shalt  }
0x43: {  	_ =	shalt  }
0x44: {  	_ =	shalt  }
0x45: {  	_ =	shalt  }
0x46: {  	_ =	shalt  }
0x47: {  	_ =	shalt  }
0x48: {  	_ =	shalt  }
0x49: {  	_ =	shalt  }
0x4a: {  	_ =	shalt  }
0x4b: {  	_ =	shalt  }
0x4c: {  	_ =	shalt  }
0x4d: {  	_ =	shalt  }
0x4e: {  	_ =	shalt  }
0x4f: {  	_ =	shalt  }
0x50: {  	_ =	shalt  }
0x51: {  	_ =	shalt  }
0x52: {  	_ =	shalt  }
0x53: {  	_ =	shalt  }
0x54: {  	_ =	shalt  }
0x55: {  	_ =	shalt  }
0x56: {  	_ =	shalt  }
0x57: {  	_ =	shalt  }
0x58: {  	_ =	shalt  }
0x59: {  	_ =	shalt  }
0x5a: {  	_ =	shalt  }
0x5b: {  	_ =	shalt  }
0x5c: {  	_ =	shalt  }
0x5d: {  	_ =	shalt  }
0x5e: {  	_ =	shalt  }
0x5f: {  	_ =	shalt  }
0x60: {  	_ =	shalt  }
0x61: {  	_ =	shalt  }
0x62: {  	_ =	shalt  }
0x63: {  	_ =	shalt  }
0x64: {  	_ =	shalt  }
0x65: {  	_ =	shalt  }
0x66: {  	_ =	shalt  }
0x67: {  	_ =	shalt  }
0x68: {  	_ =	shalt  }
0x69: {  	_ =	shalt  }
0x6a: {  	_ =	shalt  }
0x6b: {  	_ =	shalt  }
0x6c: {  	_ =	shalt  }
0x6d: {  	_ =	shalt  }
0x6e: {  	_ =	shalt  }
0x6f: {  	_ =	shalt  }
0x70: {  	_ =	shalt  }
0x71: {  	_ =	shalt  }
0x72: {  	_ =	shalt  }
0x73: {  	_ =	shalt  }
0x74: {  	_ =	shalt  }
0x75: {  	_ =	shalt  }
0x76: {  	_ =	shalt  }
0x77: {  	_ =	shalt  }
0x78: {  	_ =	shalt  }
0x79: {  	_ =	shalt  }
0x7a: {  	_ =	shalt  }
0x7b: {  	_ =	shalt  }
0x7c: {  	_ =	shalt  }
0x7d: {  	_ =	shalt  }
0x7e: {  	_ =	shalt  }
0x7f: {  	_ =	shalt  }
0x80: {  	_ =	shalt  }
0x81: {  	_ =	shalt  }
0x82: {  	_ =	shalt  }
0x83: {  	_ =	shalt  }
0x84: {  	_ =	shalt  }
0x85: {  	_ =	shalt  }
0x86: {  	_ =	shalt  }
0x87: {  	_ =	shalt  }
.Lfunc_end0:
.L_simem_size_0:
called_computation_lowered:
.L_overlay_start_0:
0x88: {  	s2 =	sld [smem:$0x3FD9]  }
0x89: {  	s3 =	sld [smem:$0x3FFE];
	_ =	sdelay $0x1  }
0x8a: {  	s1 =	srdreg.scid  }
0x8b: {  	s0 =	sand.u32 $0x1, s1  }
0x8c: {  	s17 =	sshll.u32 s0, $0xA;
	s2 =	sadd.s32 s3, s2  }
0x8d: {  	s2 =	sadd.s32 s2, s17  }
0x8e: {  	[smem:$0x3FC6] =	sst s2  }
0x8f: {  	_ = 	snop  }
0x90: {  	s2 =	sld [smem:$0x3FC8]  }
0x91: {  	s18 =	sld [smem:$0x3FD0];
	(tm) =	ssettm $0x1  }
0x92: {  	s4 =	sld [smem:$0x3FFB];
	_ =	sdelay $0x3  }
0x93: {  	_ =	strace s4  }
0x94: {  	s4 =	sld [smem:$0x3FFC];
	_ =	sdelay $0x3  }
0x95: {  	_ =	strace s4  }
0x96: {  	s4 =	sld [smem:$0x3FFD];
	_ =	sdelay $0x3  }
0x97: {  	_ =	strace s4  }
0x98: {  	_ =	strace $0x8FFFFFFF  }
0x99: {  	s19 =	sld [smem:$0x3FDB];
	_ =	sdelay $0x1  }
0x9a: {  	s5 =	simm.s32 $_scs_section_size  }
0x9b: {  	s6 =	simm.s32 $_size__tile_overlayer_lowered;
	s7 =	simm.s32 $_tile_overlayer_lowered  }
0x9c: {  	s22 =	simm.s32 $0x1BFF;
	s21 =	sshll.u32 s7, $0x1;
	s4 =	sadd.s32 s5, s19  }
0x9d: {  	s8 =	simm.s32 $0x0;
	s20 =	sshll.u32 s6, $0x1;
	s6 =	sadd.s32 s21, s4  }
0x9e: {  	[timem:s8], [sflag:s22] =	dma.local [hbm:s6], s20  }
0x9f: {  	_ =	swait.ge [sflag:s22], s20  }
0xa0: {  	s5 =	ssub.s32 $0x0, s20;
	[sflag:s22] =	ssyncset.done $0x0  }
0xa1: {  	[sflag:s22] =	ssyncadd.s32 s5;
	_ =	sdelay $0x1  }
0xa2: {  	s23 =	simm.s32 $0x1B8B  }
0xa3: {  	_ =	swait.ge [sflag:s23], $0x1  }
0xa4: {  	[sflag:s23] =	ssyncset.done $0x0  }
0xa5: {  	s25 =	simm.s32 $0x1B8E;
	s24 =	sld [smem:$0x3FFE];
	[sflag:s23] =	ssyncadd.s32 $0xFFFFFFFF  }
0xa6: {  	s26 =	simm.s32 $execute0_lowered;
	[smem:$0x3FD2] =	sst s25  }
0xa7: {  	s6 =	sshll.u32 s26, $0x1;
	_ =	strace $0x80000046;
	[dreg:$0x1] =	wrdreg $0xFFFFFFFF  }
0xa8: {  	s28 =	simm.s32 $_size_execute0_lowered;
	s4 =	sadd.s32 s4, s6;
	[dreg:$0x0] =	wrdreg $0x0  }
0xa9: {  	s6 =	sshll.u32 s28, $0x1;
	[dreg:$0x2] =	wrdreg s4  }
0xaa: {  	[dreg:$0x3] =	wrdreg s6  }
0xab: {  	[dreg:$0x4] =	wrdreg $0xC0  }
0xac: {  	_ =	task [dreg:s8], $0x5FFFF  }
0xad: {  	[dreg:$0x1] =	wrdreg $0xFFFFFFFF  }
0xae: {  	[dreg:$0x0] =	wrdreg $0x60  }
0xaf: {  	[dreg:$0x2] =	wrdreg s24  }
0xb0: {  	[dreg:$0x3] =	wrdreg s2  }
0xb1: {  	[dreg:$0x4] =	wrdreg s18  }
0xb2: {  	[dreg:$0x5] =	wrdreg $0x9  }
0xb3: {  	_ =	task.clear_ibuf [dreg:s8], $0x6FFFF;
	_ =	strace $0x90000046  }
0xb4: {  	s29 =	simm.s32 $0x9;
	_ =	strace $0x80000048  }
0xb5: {  	_ =	swait.ge [sflag:s29], $0x1  }
0xb6: {  	[sflag:s29] =	ssyncadd.s32 $0xFFFFFFFF  }
0xb7: {  	_ =	strace $0x90000048  }
0xb8: {  	_ =	sfence  }
0xb9: {  	s30 =	sld [smem:$0x0];
	_ =	sdelay $0x2  }
0xba: {  	s31 =	sshll.u32 s1, $0xD;
	s1 =	sshrl.u32 s1, $0x2  }
0xbb: {  	s3 =	sand.u32 $0x4000, s31;
	s1 =	sadd.s32 s1, s30  }
0xbc: {  	s0 =	sor.u32 s3, s0;
	s1 =	sshll.u32 s1, $0x11  }
0xbd: {  	s0 =	sor.u32 s1, s0  }
0xbe: {  	s0 =	sadd.s32 $0x8F2B, s0  }
0xbf: {  	[sflag:s0] =	ssyncadd.remote.s32 $0x1  }
0xc0: {  	_ =	sfence.sel $0xFFFF  }
0xc1: {  	[dreg:$0x0] =	wrdreg $0xFFFFFFFF;
	(pc) =	sbr.abs _section_cstart, $3  }
0xc2: {  	[dreg:$0x1] =	wrdreg $0xFFFFFFFF  }
0xc3: {  	_ =	task.clear_ibuf [dreg:s8], $0x2FFFF;
	_ =	strace $0x9FFFFFFF  }
0xc4: {  	(tm) =	ssettm $0x7FFFFFFF  }
0xc5: {  	_ =	shalt  }
tec
execute0_lowered:
.L_overlay_start_1:
0x0: {  	(tag) =	ssettag $0x1  }
0x1: {  	s0 =	rddreg [dreg:$0x0]  }
0x2: {  	s2 =	rddreg [dreg:$0x1]  }
0x3: {  	s1 =	srdreg.scid;
	s4 =	stileid.u32  }
0x4: {  	s3 =	rddreg [dreg:$0x2];
	s1 =	sand.u32 $0x1, s1;
	s5 =	sshll.u32 s4, $0x1  }
0x5: {  	s4 =	simm.s32 $0x0;
	s5 =	sor.u32 s1, s5;
	s1 =	ssub.s32 $0x2, s1  }
0x6: {  	[smem:$0x7FF] =	sst s4;
	s6 =	smul.u32 $0x380, s5;
	s7 =	sshrl.u32 s1, $0x1  }
0x7: {  	s9 =	sshll.u32 s5, $0xB;
	s1 =	ssub.s32 s1, s7;
	s7 =	sadd.s32 $0x10000, s3  }
0x8: {  	_ =	strace $0x80000047;
	s8 =	sshll.u32 s5, $0xE;
	s5 =	sadd.s32 s9, s7  }
0x9: {  	s0 =	sadd.s32 s6, s0;
	s24 =	smax.u32 s1, $0x1;
	[dreg:$0x5] =	wrdreg s5  }
0xa: {  	s6 =	sadd.s32 s3, s9;
	s0 =	sadd.s32 $0x400, s0;
	[dreg:$0x12] =	wrdreg s24  }
0xb: {  	s9 =	sadd.s32 $0x20000, s6;
	[dreg:$0x4] =	wrdreg s0  }
0xc: {  	s10 =	sadd.s32 $0x30000, s6;
	[dreg:$0x6] =	wrdreg s9  }
0xd: {  	s11 =	sadd.s32 $0x40000, s6;
	[dreg:$0x7] =	wrdreg s10  }
0xe: {  	s12 =	sadd.s32 $0x50000, s6;
	[dreg:$0x8] =	wrdreg s11  }
0xf: {  	s13 =	sadd.s32 $0x240000, s6;
	[dreg:$0x9] =	wrdreg s12  }
0x10: {  	s17 =	sadd.s32 $0x250000, s6;
	[dreg:$0xa] =	wrdreg s13  }
0x11: {  	s18 =	sadd.s32 $0x260000, s6;
	[dreg:$0xb] =	wrdreg s17  }
0x12: {  	s19 =	sadd.s32 $0x270000, s6;
	[dreg:$0xc] =	wrdreg s18  }
0x13: {  	s20 =	sadd.s32 $0x280000, s6;
	[dreg:$0xd] =	wrdreg s19  }
0x14: {  	s21 =	sadd.s32 $0x290000, s6;
	[dreg:$0xe] =	wrdreg s20  }
0x15: {  	s22 =	sadd.s32 $0x2A0000, s6;
	[dreg:$0xf] =	wrdreg s21  }
0x16: {  	s23 =	sadd.s32 $0x2B0000, s6;
	[dreg:$0x10] =	wrdreg s22  }
0x17: {  	s25 =	sadd.s32 $0x2C0000, s6;
	[dreg:$0x11] =	wrdreg s23  }
0x18: {  	s26 =	sadd.s32 $0x2D0000, s6;
	[dreg:$0x13] =	wrdreg s25  }
0x19: {  	s14 =	sor.u32 $0x100000, s8;
	s28 =	sadd.s32 $0x2E0000, s6;
	[dreg:$0x14] =	wrdreg s26  }
0x1a: {  	s15 =	sor.u32 $0x180000, s8;
	s29 =	sadd.s32 $0x2F0000, s6;
	[dreg:$0x15] =	wrdreg s28  }
0x1b: {  	s16 =	sor.u32 $0x200000, s8;
	s30 =	sadd.s32 $0x300000, s6;
	[dreg:$0x16] =	wrdreg s29  }
0x1c: {  	s31 =	sadd.s32 $0x310000, s6;
	s5 =	simm.s32 $0x80;
	[dreg:$0x17] =	wrdreg s30  }
0x1d: {  	s24 =	simm.s32 $0x0;
	[dreg:$0x18] =	wrdreg s31;
	s0 =	simm.s32 $0x7  }
0x1e: {  	s9 =	simm.s32 $0x1C00;
	s10 =	simm.s32 $0x5C00;
	s11 =	simm.s32 $0x9C00  }
0x1f: {  	s12 =	simm.s32 $0xDC00;
	s13 =	simm.s32 $0x11C00;
	s17 =	simm.s32 $0x1  }
0x20: {  	s18 =	simm.s32 $0x15C00;
	s19 =	simm.s32 $0x2;
	s20 =	simm.s32 $0x3  }
0x21: {  	s21 =	simm.s32 $0x4;
	s22 =	simm.s32 $0x5;
	s23 =	simm.s32 $0x6  }
.LBB2_1:
0x22: {  	s1 =	rddreg [dreg:$0x4]  }
0x23: {  	[tilespmem:s4], [sflag:$0x7] =	stream.linear.gather [hbm4b:s1+s4], $0x1900, $0x38;
	[tilespmem:$0x19C00] =	vst v63  }
0x24: {  	_ =	swait.ge [sflag:s0], $0x1900  }
0x25: {  	[sflag:s0] =	ssyncset.done $0x0  }
0x26: {  	[sflag:s0] =	ssyncadd.s32 $0xFFFFE700  }
0x27: {  	[tilespmem:s9], [sflag:$0x1] =	stream.indirect.gather [hbm4b:s2+s5], $0x80, s4, s5, $0xb8;
	[tilespmem:$0x19C00] =	vst v63  }
0x28: {  	_ = 	snop  }
0x29: {  	[tilespmem:s10], [sflag:$0x2] =	stream.indirect.gather [hbm4b:s2+s5], $0x80, s5, s5, $0xb8;
	[tilespmem:$0x19C00] =	vst v63  }
0x2a: {  	s29 =	simm.s32 $0x100  }
0x2b: {  	[tilespmem:s11], [sflag:$0x3] =	stream.indirect.gather [hbm4b:s2+s5], $0x80, s29, s5, $0xb8;
	[tilespmem:$0x19C00] =	vst v63  }
0x2c: {  	s30 =	simm.s32 $0x180  }
0x2d: {  	[tilespmem:s12], [sflag:$0x4] =	stream.indirect.gather [hbm4b:s2+s5], $0x80, s30, s5, $0xb8;
	[tilespmem:$0x19C00] =	vst v63  }
0x2e: {  	s31 =	simm.s32 $0x200  }
0x2f: {  	[tilespmem:s13], [sflag:$0x5] =	stream.indirect.gather [hbm4b:s2+s5], $0x80, s31, s5, $0xb8;
	[tilespmem:$0x19C00] =	vst v63  }
0x30: {  	_ =	swait.ge [sflag:s17], $0x4000  }
0x31: {  	[sflag:s17] =	ssyncset.done $0x0  }
0x32: {  	s25 =	simm.s32 $0x0;
	[sflag:s17] =	ssyncadd.s32 $0xFFFFC000  }
0x33: {  	v3 =	vld [tilespmem:s25+$0x1C00]  }
0x34: {  	v5 =	vld [tilespmem:s25+$0x1C10]  }
0x35: {  	v4 =	vld [tilespmem:s25+$0x1C20]  }
0x36: {  	v2 =	vld [tilespmem:s25+$0x1C30]  }
0x37: {  	v0 =	vld [tilespmem:s25+$0x1C40]  }
0x38: {  	v1 =	vld [tilespmem:s25+$0x1C50];
	v6 =	vmul.f32 $1.131370830e+01, v3  }
0x39: {  	s26 =	simm.s32 $0x200;
	v5 =	vmul.f32 $1.131370830e+01, v5;
	v3 =	vld [tilespmem:s25+$0x1C60]  }
.LBB2_2:
0x3a: {  	s28 =	sshra.s32 s26, $0x2;
	p0 =	sne.s32 s26, $0xFE00;
	[tilespmem:s25+$0x1C00] =	vst v6;
	v4 =	vmul.f32 $1.131370830e+01, v4;
	v6 =	vld [tilespmem:s25+$0x1C70]  }
0x3b: {  	v7 =	vld [tilespmem:s28+$0x1C00];
	[tilespmem:s25+$0x1C10] =	vst v5;
	v2 =	vmul.f32 $1.131370830e+01, v2  }
0x3c: {  	v5 =	vld [tilespmem:s28+$0x1C10];
	[tilespmem:s25+$0x1C20] =	vst v4;
	v0 =	vmul.f32 $1.131370830e+01, v0  }
.Ltmp0:
0x3d: {  	v4 =	vld [tilespmem:s28+$0x1C20];
	[tilespmem:s25+$0x1C30] =	vst v2;
	v1 =	vmul.f32 $1.131370830e+01, v1;
	(pc) =	sbr.rel @p0 .LBB2_2-.Ltmp0, $4  }
0x3e: {  	v2 =	vld [tilespmem:s28+$0x1C30];
	[tilespmem:s25+$0x1C40] =	vst v0;
	v3 =	vmul.f32 $1.131370830e+01, v3  }
0x3f: {  	v0 =	vld [tilespmem:s28+$0x1C40];
	[tilespmem:s25+$0x1C50] =	vst v1;
	v8 =	vmul.f32 $1.131370830e+01, v6  }
0x40: {  	v6 =	vmul.f32 $1.131370830e+01, v7;
	v1 =	vld [tilespmem:s28+$0x1C50];
	[tilespmem:s25+$0x1C60] =	vst v3  }
0x41: {  	s26 =	sadd.s32 $0x200, s26;
	v5 =	vmul.f32 $1.131370830e+01, v5;
	v3 =	vld [tilespmem:s28+$0x1C60];
	[tilespmem:s25+$0x1C70] =	vst v8;
	s25 =	smov.u32 s28  }
0x42: {  	[tilespmem:s25+$0x1C00] =	vst v6;
	v4 =	vmul.f32 $1.131370830e+01, v4;
	v6 =	vld [tilespmem:s25+$0x1C70]  }
0x43: {  	[tilespmem:s25+$0x1C10] =	vst v5;
	v2 =	vmul.f32 $1.131370830e+01, v2  }
0x44: {  	[tilespmem:s25+$0x1C20] =	vst v4;
	v0 =	vmul.f32 $1.131370830e+01, v0  }
0x45: {  	[tilespmem:s25+$0x1C30] =	vst v2;
	v1 =	vmul.f32 $1.131370830e+01, v1  }
0x46: {  	[tilespmem:s25+$0x1C40] =	vst v0;
	v0 =	vmul.f32 $1.131370830e+01, v3  }
0x47: {  	[tilespmem:s25+$0x1C50] =	vst v1;
	v1 =	vmul.f32 $1.131370830e+01, v6  }
0x48: {  	[tilespmem:s25+$0x1C60] =	vst v0  }
0x49: {  	s31 =	simm.s32 $0x0;
	[tilespmem:s25+$0x1C70] =	vst v1  }
0x4a: {  	[hbm4b:s6+s31] =	stream.linear.scatter [tilespmem:s9], [sflag:$0x1], $0x4000, $0x38;
	[tilespmem:$0x19C00] =	vst v63  }
0x4b: {  	s1 =	simm.s32 $0x280  }
0x4c: {  	[tilespmem:s18], [sflag:$0x6] =	stream.indirect.gather [hbm4b:s2+s5], $0x80, s1, s5, $0xb8;
	[tilespmem:$0x19C00] =	vst v63  }
0x4d: {  	_ =	swait.ge [sflag:s19], $0x4000  }
0x4e: {  	[sflag:s19] =	ssyncset.done $0x0  }
0x4f: {  	s25 =	simm.s32 $0x0;
	[sflag:s19] =	ssyncadd.s32 $0xFFFFC000  }
0x50: {  	v3 =	vld [tilespmem:s25+$0x5C00]  }
0x51: {  	v5 =	vld [tilespmem:s25+$0x5C10]  }
0x52: {  	v4 =	vld [tilespmem:s25+$0x5C20]  }
0x53: {  	v2 =	vld [tilespmem:s25+$0x5C30]  }
0x54: {  	v0 =	vld [tilespmem:s25+$0x5C40]  }
0x55: {  	v1 =	vld [tilespmem:s25+$0x5C50];
	v6 =	vmul.f32 $1.131370830e+01, v3  }
0x56: {  	s26 =	simm.s32 $0x200;
	v5 =	vmul.f32 $1.131370830e+01, v5;
	v3 =	vld [tilespmem:s25+$0x5C60]  }
.LBB2_4:
0x57: {  	s28 =	sshra.s32 s26, $0x2;
	p0 =	sne.s32 s26, $0xFE00;
	[tilespmem:s25+$0x5C00] =	vst v6;
	v4 =	vmul.f32 $1.131370830e+01, v4;
	v6 =	vld [tilespmem:s25+$0x5C70]  }
0x58: {  	v7 =	vld [tilespmem:s28+$0x5C00];
	[tilespmem:s25+$0x5C10] =	vst v5;
	v2 =	vmul.f32 $1.131370830e+01, v2  }
0x59: {  	v5 =	vld [tilespmem:s28+$0x5C10];
	[tilespmem:s25+$0x5C20] =	vst v4;
	v0 =	vmul.f32 $1.131370830e+01, v0  }
.Ltmp1:
0x5a: {  	v4 =	vld [tilespmem:s28+$0x5C20];
	[tilespmem:s25+$0x5C30] =	vst v2;
	v1 =	vmul.f32 $1.131370830e+01, v1;
	(pc) =	sbr.rel @p0 .LBB2_4-.Ltmp1, $4  }
0x5b: {  	v2 =	vld [tilespmem:s28+$0x5C30];
	[tilespmem:s25+$0x5C40] =	vst v0;
	v3 =	vmul.f32 $1.131370830e+01, v3  }
0x5c: {  	v0 =	vld [tilespmem:s28+$0x5C40];
	[tilespmem:s25+$0x5C50] =	vst v1;
	v8 =	vmul.f32 $1.131370830e+01, v6  }
0x5d: {  	v6 =	vmul.f32 $1.131370830e+01, v7;
	v1 =	vld [tilespmem:s28+$0x5C50];
	[tilespmem:s25+$0x5C60] =	vst v3  }
0x5e: {  	s26 =	sadd.s32 $0x200, s26;
	v5 =	vmul.f32 $1.131370830e+01, v5;
	v3 =	vld [tilespmem:s28+$0x5C60];
	[tilespmem:s25+$0x5C70] =	vst v8;
	s25 =	smov.u32 s28  }
0x5f: {  	[tilespmem:s25+$0x5C00] =	vst v6;
	v4 =	vmul.f32 $1.131370830e+01, v4;
	v6 =	vld [tilespmem:s25+$0x5C70]  }
0x60: {  	[tilespmem:s25+$0x5C10] =	vst v5;
	v2 =	vmul.f32 $1.131370830e+01, v2  }
0x61: {  	[tilespmem:s25+$0x5C20] =	vst v4;
	v0 =	vmul.f32 $1.131370830e+01, v0  }
0x62: {  	[tilespmem:s25+$0x5C30] =	vst v2;
	v1 =	vmul.f32 $1.131370830e+01, v1  }
0x63: {  	[tilespmem:s25+$0x5C40] =	vst v0;
	v0 =	vmul.f32 $1.131370830e+01, v3  }
0x64: {  	[tilespmem:s25+$0x5C50] =	vst v1;
	v1 =	vmul.f32 $1.131370830e+01, v6  }
0x65: {  	[tilespmem:s25+$0x5C60] =	vst v0  }
0x66: {  	s30 =	simm.s32 $0x0;
	s1 =	rddreg [dreg:$0x5];
	[tilespmem:s25+$0x5C70] =	vst v1  }
0x67: {  	[hbm4b:s1+s30] =	stream.linear.scatter [tilespmem:s10], [sflag:$0x2], $0x4000, $0x38;
	[tilespmem:$0x19C00] =	vst v63  }
0x68: {  	_ =	swait.ge [sflag:s17], $0x4000  }
0x69: {  	[sflag:s17] =	ssyncset.done $0x0  }
0x6a: {  	s31 =	simm.s32 $0x300;
	[sflag:s17] =	ssyncadd.s32 $0xFFFFC000  }
0x6b: {  	[tilespmem:s9], [sflag:$0x1] =	stream.indirect.gather [hbm4b:s2+s5], $0x80, s31, s5, $0xb8;
	[tilespmem:$0x19C00] =	vst v63  }
0x6c: {  	_ =	swait.ge [sflag:s20], $0x4000  }
0x6d: {  	[sflag:s20] =	ssyncset.done $0x0  }
0x6e: {  	s25 =	simm.s32 $0x0;
	[sflag:s20] =	ssyncadd.s32 $0xFFFFC000  }
0x6f: {  	v3 =	vld [tilespmem:s25+$0x9C00]  }
0x70: {  	v5 =	vld [tilespmem:s25+$0x9C10]  }
0x71: {  	v4 =	vld [tilespmem:s25+$0x9C20]  }
0x72: {  	v2 =	vld [tilespmem:s25+$0x9C30]  }
0x73: {  	v0 =	vld [tilespmem:s25+$0x9C40]  }
0x74: {  	v1 =	vld [tilespmem:s25+$0x9C50];
	v6 =	vmul.f32 $1.131370830e+01, v3  }
0x75: {  	s26 =	simm.s32 $0x200;
	v5 =	vmul.f32 $1.131370830e+01, v5;
	v3 =	vld [tilespmem:s25+$0x9C60]  }
.LBB2_6:
0x76: {  	s28 =	sshra.s32 s26, $0x2;
	p0 =	sne.s32 s26, $0xFE00;
	[tilespmem:s25+$0x9C00] =	vst v6;
	v4 =	vmul.f32 $1.131370830e+01, v4;
	v6 =	vld [tilespmem:s25+$0x9C70]  }
0x77: {  	v7 =	vld [tilespmem:s28+$0x9C00];
	[tilespmem:s25+$0x9C10] =	vst v5;
	v2 =	vmul.f32 $1.131370830e+01, v2  }
0x78: {  	v5 =	vld [tilespmem:s28+$0x9C10];
	[tilespmem:s25+$0x9C20] =	vst v4;
	v0 =	vmul.f32 $1.131370830e+01, v0  }
.Ltmp2:
0x79: {  	v4 =	vld [tilespmem:s28+$0x9C20];
	[tilespmem:s25+$0x9C30] =	vst v2;
	v1 =	vmul.f32 $1.131370830e+01, v1;
	(pc) =	sbr.rel @p0 .LBB2_6-.Ltmp2, $4  }
0x7a: {  	v2 =	vld [tilespmem:s28+$0x9C30];
	[tilespmem:s25+$0x9C40] =	vst v0;
	v3 =	vmul.f32 $1.131370830e+01, v3  }
0x7b: {  	v0 =	vld [tilespmem:s28+$0x9C40];
	[tilespmem:s25+$0x9C50] =	vst v1;
	v8 =	vmul.f32 $1.131370830e+01, v6  }
0x7c: {  	v6 =	vmul.f32 $1.131370830e+01, v7;
	v1 =	vld [tilespmem:s28+$0x9C50];
	[tilespmem:s25+$0x9C60] =	vst v3  }
0x7d: {  	s26 =	sadd.s32 $0x200, s26;
	v5 =	vmul.f32 $1.131370830e+01, v5;
	v3 =	vld [tilespmem:s28+$0x9C60];
	[tilespmem:s25+$0x9C70] =	vst v8;
	s25 =	smov.u32 s28  }
0x7e: {  	[tilespmem:s25+$0x9C00] =	vst v6;
	v4 =	vmul.f32 $1.131370830e+01, v4;
	v6 =	vld [tilespmem:s25+$0x9C70]  }
0x7f: {  	[tilespmem:s25+$0x9C10] =	vst v5;
	v2 =	vmul.f32 $1.131370830e+01, v2  }
0x80: {  	[tilespmem:s25+$0x9C20] =	vst v4;
	v0 =	vmul.f32 $1.131370830e+01, v0  }
0x81: {  	[tilespmem:s25+$0x9C30] =	vst v2;
	v1 =	vmul.f32 $1.131370830e+01, v1  }
0x82: {  	[tilespmem:s25+$0x9C40] =	vst v0;
	v0 =	vmul.f32 $1.131370830e+01, v3  }
0x83: {  	[tilespmem:s25+$0x9C50] =	vst v1;
	v1 =	vmul.f32 $1.131370830e+01, v6  }
0x84: {  	[tilespmem:s25+$0x9C60] =	vst v0  }
0x85: {  	s30 =	simm.s32 $0x0;
	s1 =	rddreg [dreg:$0x6];
	[tilespmem:s25+$0x9C70] =	vst v1  }
0x86: {  	[hbm4b:s1+s30] =	stream.linear.scatter [tilespmem:s11], [sflag:$0x3], $0x4000, $0x38;
	[tilespmem:$0x19C00] =	vst v63  }
0x87: {  	_ =	swait.ge [sflag:s19], $0x4000  }
0x88: {  	[sflag:s19] =	ssyncset.done $0x0  }
0x89: {  	s31 =	simm.s32 $0x380;
	[sflag:s19] =	ssyncadd.s32 $0xFFFFC000  }
0x8a: {  	[tilespmem:s10], [sflag:$0x2] =	stream.indirect.gather [hbm4b:s2+s5], $0x80, s31, s5, $0xb8;
	[tilespmem:$0x19C00] =	vst v63  }
0x8b: {  	_ =	swait.ge [sflag:s21], $0x4000  }
0x8c: {  	[sflag:s21] =	ssyncset.done $0x0  }
0x8d: {  	s25 =	simm.s32 $0x0;
	[sflag:s21] =	ssyncadd.s32 $0xFFFFC000  }
0x8e: {  	v3 =	vld [tilespmem:s25+$0xDC00]  }
0x8f: {  	v5 =	vld [tilespmem:s25+$0xDC10]  }
0x90: {  	v4 =	vld [tilespmem:s25+$0xDC20]  }
0x91: {  	v2 =	vld [tilespmem:s25+$0xDC30]  }
0x92: {  	v0 =	vld [tilespmem:s25+$0xDC40]  }
0x93: {  	v1 =	vld [tilespmem:s25+$0xDC50];
	v6 =	vmul.f32 $1.131370830e+01, v3  }
0x94: {  	s26 =	simm.s32 $0x200;
	v5 =	vmul.f32 $1.131370830e+01, v5;
	v3 =	vld [tilespmem:s25+$0xDC60]  }
.LBB2_8:
0x95: {  	s28 =	sshra.s32 s26, $0x2;
	p0 =	sne.s32 s26, $0xFE00;
	[tilespmem:s25+$0xDC00] =	vst v6;
	v4 =	vmul.f32 $1.131370830e+01, v4;
	v6 =	vld [tilespmem:s25+$0xDC70]  }
0x96: {  	v7 =	vld [tilespmem:s28+$0xDC00];
	[tilespmem:s25+$0xDC10] =	vst v5;
	v2 =	vmul.f32 $1.131370830e+01, v2  }
0x97: {  	v5 =	vld [tilespmem:s28+$0xDC10];
	[tilespmem:s25+$0xDC20] =	vst v4;
	v0 =	vmul.f32 $1.131370830e+01, v0  }
.Ltmp3:
0x98: {  	v4 =	vld [tilespmem:s28+$0xDC20];
	[tilespmem:s25+$0xDC30] =	vst v2;
	v1 =	vmul.f32 $1.131370830e+01, v1;
	(pc) =	sbr.rel @p0 .LBB2_8-.Ltmp3, $4  }
0x99: {  	v2 =	vld [tilespmem:s28+$0xDC30];
	[tilespmem:s25+$0xDC40] =	vst v0;
	v3 =	vmul.f32 $1.131370830e+01, v3  }
0x9a: {  	v0 =	vld [tilespmem:s28+$0xDC40];
	[tilespmem:s25+$0xDC50] =	vst v1;
	v8 =	vmul.f32 $1.131370830e+01, v6  }
0x9b: {  	v6 =	vmul.f32 $1.131370830e+01, v7;
	v1 =	vld [tilespmem:s28+$0xDC50];
	[tilespmem:s25+$0xDC60] =	vst v3  }
0x9c: {  	s26 =	sadd.s32 $0x200, s26;
	v5 =	vmul.f32 $1.131370830e+01, v5;
	v3 =	vld [tilespmem:s28+$0xDC60];
	[tilespmem:s25+$0xDC70] =	vst v8;
	s25 =	smov.u32 s28  }
0x9d: {  	[tilespmem:s25+$0xDC00] =	vst v6;
	v4 =	vmul.f32 $1.131370830e+01, v4;
	v6 =	vld [tilespmem:s25+$0xDC70]  }
0x9e: {  	[tilespmem:s25+$0xDC10] =	vst v5;
	v2 =	vmul.f32 $1.131370830e+01, v2  }
0x9f: {  	[tilespmem:s25+$0xDC20] =	vst v4;
	v0 =	vmul.f32 $1.131370830e+01, v0  }
0xa0: {  	[tilespmem:s25+$0xDC30] =	vst v2;
	v1 =	vmul.f32 $1.131370830e+01, v1  }
0xa1: {  	[tilespmem:s25+$0xDC40] =	vst v0;
	v0 =	vmul.f32 $1.131370830e+01, v3  }
0xa2: {  	[tilespmem:s25+$0xDC50] =	vst v1;
	v1 =	vmul.f32 $1.131370830e+01, v6  }
0xa3: {  	[tilespmem:s25+$0xDC60] =	vst v0  }
0xa4: {  	s30 =	simm.s32 $0x0;
	s1 =	rddreg [dreg:$0x7];
	[tilespmem:s25+$0xDC70] =	vst v1  }
0xa5: {  	[hbm4b:s1+s30] =	stream.linear.scatter [tilespmem:s12], [sflag:$0x4], $0x4000, $0x38;
	[tilespmem:$0x19C00] =	vst v63  }
0xa6: {  	_ =	swait.ge [sflag:s20], $0x4000  }
0xa7: {  	[sflag:s20] =	ssyncset.done $0x0  }
0xa8: {  	s31 =	simm.s32 $0x400;
	[sflag:s20] =	ssyncadd.s32 $0xFFFFC000  }
0xa9: {  	[tilespmem:s11], [sflag:$0x3] =	stream.indirect.gather [hbm4b:s2+s5], $0x80, s31, s5, $0xb8;
	[tilespmem:$0x19C00] =	vst v63  }
0xaa: {  	_ =	swait.ge [sflag:s22], $0x4000  }
0xab: {  	[sflag:s22] =	ssyncset.done $0x0  }
0xac: {  	s25 =	simm.s32 $0x0;
	[sflag:s22] =	ssyncadd.s32 $0xFFFFC000  }
0xad: {  	v3 =	vld [tilespmem:s25+$0x11C00]  }
0xae: {  	v5 =	vld [tilespmem:s25+$0x11C10]  }
0xaf: {  	v4 =	vld [tilespmem:s25+$0x11C20]  }
0xb0: {  	v2 =	vld [tilespmem:s25+$0x11C30]  }
0xb1: {  	v0 =	vld [tilespmem:s25+$0x11C40]  }
0xb2: {  	v1 =	vld [tilespmem:s25+$0x11C50];
	v6 =	vmul.f32 $1.131370830e+01, v3  }
0xb3: {  	s26 =	simm.s32 $0x200;
	v5 =	vmul.f32 $1.131370830e+01, v5;
	v3 =	vld [tilespmem:s25+$0x11C60]  }
.LBB2_10:
0xb4: {  	s28 =	sshra.s32 s26, $0x2;
	p0 =	sne.s32 s26, $0xFE00;
	[tilespmem:s25+$0x11C00] =	vst v6;
	v4 =	vmul.f32 $1.131370830e+01, v4;
	v6 =	vld [tilespmem:s25+$0x11C70]  }
0xb5: {  	v7 =	vld [tilespmem:s28+$0x11C00];
	[tilespmem:s25+$0x11C10] =	vst v5;
	v2 =	vmul.f32 $1.131370830e+01, v2  }
0xb6: {  	v5 =	vld [tilespmem:s28+$0x11C10];
	[tilespmem:s25+$0x11C20] =	vst v4;
	v0 =	vmul.f32 $1.131370830e+01, v0  }
.Ltmp4:
0xb7: {  	v4 =	vld [tilespmem:s28+$0x11C20];
	[tilespmem:s25+$0x11C30] =	vst v2;
	v1 =	vmul.f32 $1.131370830e+01, v1;
	(pc) =	sbr.rel @p0 .LBB2_10-.Ltmp4, $4  }
0xb8: {  	v2 =	vld [tilespmem:s28+$0x11C30];
	[tilespmem:s25+$0x11C40] =	vst v0;
	v3 =	vmul.f32 $1.131370830e+01, v3  }
0xb9: {  	v0 =	vld [tilespmem:s28+$0x11C40];
	[tilespmem:s25+$0x11C50] =	vst v1;
	v8 =	vmul.f32 $1.131370830e+01, v6  }
0xba: {  	v6 =	vmul.f32 $1.131370830e+01, v7;
	v1 =	vld [tilespmem:s28+$0x11C50];
	[tilespmem:s25+$0x11C60] =	vst v3  }
0xbb: {  	s26 =	sadd.s32 $0x200, s26;
	v5 =	vmul.f32 $1.131370830e+01, v5;
	v3 =	vld [tilespmem:s28+$0x11C60];
	[tilespmem:s25+$0x11C70] =	vst v8;
	s25 =	smov.u32 s28  }
0xbc: {  	[tilespmem:s25+$0x11C00] =	vst v6;
	v4 =	vmul.f32 $1.131370830e+01, v4;
	v6 =	vld [tilespmem:s25+$0x11C70]  }
0xbd: {  	[tilespmem:s25+$0x11C10] =	vst v5;
	v2 =	vmul.f32 $1.131370830e+01, v2  }
0xbe: {  	[tilespmem:s25+$0x11C20] =	vst v4;
	v0 =	vmul.f32 $1.131370830e+01, v0  }
0xbf: {  	[tilespmem:s25+$0x11C30] =	vst v2;
	v1 =	vmul.f32 $1.131370830e+01, v1  }
0xc0: {  	[tilespmem:s25+$0x11C40] =	vst v0;
	v0 =	vmul.f32 $1.131370830e+01, v3  }
0xc1: {  	[tilespmem:s25+$0x11C50] =	vst v1;
	v1 =	vmul.f32 $1.131370830e+01, v6  }
0xc2: {  	[tilespmem:s25+$0x11C60] =	vst v0  }
0xc3: {  	s30 =	simm.s32 $0x0;
	s1 =	rddreg [dreg:$0x8];
	[tilespmem:s25+$0x11C70] =	vst v1  }
0xc4: {  	[hbm4b:s1+s30] =	stream.linear.scatter [tilespmem:s13], [sflag:$0x5], $0x4000, $0x38;
	[tilespmem:$0x19C00] =	vst v63  }
0xc5: {  	_ =	swait.ge [sflag:s21], $0x4000  }
0xc6: {  	[sflag:s21] =	ssyncset.done $0x0  }
0xc7: {  	s31 =	simm.s32 $0x480;
	[sflag:s21] =	ssyncadd.s32 $0xFFFFC000  }
0xc8: {  	[tilespmem:s12], [sflag:$0x4] =	stream.indirect.gather [hbm4b:s2+s5], $0x80, s31, s5, $0xb8;
	[tilespmem:$0x19C00] =	vst v63  }
0xc9: {  	_ =	swait.ge [sflag:s23], $0x4000  }
0xca: {  	[sflag:s23] =	ssyncset.done $0x0  }
0xcb: {  	s25 =	simm.s32 $0x0;
	[sflag:s23] =	ssyncadd.s32 $0xFFFFC000  }
0xcc: {  	v3 =	vld [tilespmem:s25+$0x15C00]  }
0xcd: {  	v5 =	vld [tilespmem:s25+$0x15C10]  }
0xce: {  	v4 =	vld [tilespmem:s25+$0x15C20]  }
0xcf: {  	v2 =	vld [tilespmem:s25+$0x15C30]  }
0xd0: {  	v0 =	vld [tilespmem:s25+$0x15C40]  }
0xd1: {  	v1 =	vld [tilespmem:s25+$0x15C50];
	v6 =	vmul.f32 $1.131370830e+01, v3  }
0xd2: {  	s26 =	simm.s32 $0x200;
	v5 =	vmul.f32 $1.131370830e+01, v5;
	v3 =	vld [tilespmem:s25+$0x15C60]  }
.LBB2_12:
0xd3: {  	s28 =	sshra.s32 s26, $0x2;
	p0 =	sne.s32 s26, $0xFE00;
	[tilespmem:s25+$0x15C00] =	vst v6;
	v4 =	vmul.f32 $1.131370830e+01, v4;
	v6 =	vld [tilespmem:s25+$0x15C70]  }
0xd4: {  	v7 =	vld [tilespmem:s28+$0x15C00];
	[tilespmem:s25+$0x15C10] =	vst v5;
	v2 =	vmul.f32 $1.131370830e+01, v2  }
0xd5: {  	v5 =	vld [tilespmem:s28+$0x15C10];
	[tilespmem:s25+$0x15C20] =	vst v4;
	v0 =	vmul.f32 $1.131370830e+01, v0  }
.Ltmp5:
0xd6: {  	v4 =	vld [tilespmem:s28+$0x15C20];
	[tilespmem:s25+$0x15C30] =	vst v2;
	v1 =	vmul.f32 $1.131370830e+01, v1;
	(pc) =	sbr.rel @p0 .LBB2_12-.Ltmp5, $4  }
0xd7: {  	v2 =	vld [tilespmem:s28+$0x15C30];
	[tilespmem:s25+$0x15C40] =	vst v0;
	v3 =	vmul.f32 $1.131370830e+01, v3  }
0xd8: {  	v0 =	vld [tilespmem:s28+$0x15C40];
	[tilespmem:s25+$0x15C50] =	vst v1;
	v8 =	vmul.f32 $1.131370830e+01, v6  }
0xd9: {  	v6 =	vmul.f32 $1.131370830e+01, v7;
	v1 =	vld [tilespmem:s28+$0x15C50];
	[tilespmem:s25+$0x15C60] =	vst v3  }
0xda: {  	s26 =	sadd.s32 $0x200, s26;
	v5 =	vmul.f32 $1.131370830e+01, v5;
	v3 =	vld [tilespmem:s28+$0x15C60];
	[tilespmem:s25+$0x15C70] =	vst v8;
	s25 =	smov.u32 s28  }
0xdb: {  	[tilespmem:s25+$0x15C00] =	vst v6;
	v4 =	vmul.f32 $1.131370830e+01, v4;
	v61 =	vld [tilespmem:s25+$0x15C70]  }
0xdc: {  	[tilespmem:s25+$0x15C10] =	vst v5;
	v2 =	vmul.f32 $1.131370830e+01, v2  }
0xdd: {  	[tilespmem:s25+$0x15C20] =	vst v4;
	v0 =	vmul.f32 $1.131370830e+01, v0  }
0xde: {  	[tilespmem:s25+$0x15C30] =	vst v2;
	v1 =	vmul.f32 $1.131370830e+01, v1  }
0xdf: {  	[tilespmem:s25+$0x15C40] =	vst v0;
	v62 =	vmul.f32 $1.131370830e+01, v3  }
0xe0: {  	[tilespmem:s25+$0x15C50] =	vst v1;
	v63 =	vmul.f32 $1.131370830e+01, v61  }
0xe1: {  	[tilespmem:s25+$0x15C60] =	vst v62  }
0xe2: {  	s1 =	rddreg [dreg:$0x9];
	[tilespmem:s25+$0x15C70] =	vst v63  }
0xe3: {  	[hbm4b:s1+s4] =	stream.linear.scatter [tilespmem:s18], [sflag:$0x6], $0x4000, $0x38;
	[tilespmem:$0x19C00] =	vst v63  }
0xe4: {  	_ =	swait.ge [sflag:s22], $0x4000  }
0xe5: {  	[sflag:s22] =	ssyncset.done $0x0  }
0xe6: {  	s31 =	simm.s32 $0x500;
	s25 =	simm.s32 $0x1;
	[sflag:s22] =	ssyncadd.s32 $0xFFFFC000  }
0xe7: {  	[tilespmem:s13], [sflag:$0x5] =	stream.indirect.gather [hbm4b:s2+s5], $0x80, s31, s5, $0xb8;
	[tilespmem:$0x19C00] =	vst v63  }
.LBB2_14:
0xe8: {  	_ =	swait.ge [sflag:s17], $0x4000  }
0xe9: {  	[sflag:s17] =	ssyncset.done $0x0  }
0xea: {  	s26 =	simm.s32 $0x0;
	[sflag:s17] =	ssyncadd.s32 $0xFFFFC000  }
0xeb: {  	v2 =	vld [tilespmem:s26+$0x1C00]  }
0xec: {  	v5 =	vld [tilespmem:s26+$0x1C10]  }
0xed: {  	v4 =	vld [tilespmem:s26+$0x1C20]  }
0xee: {  	v3 =	vld [tilespmem:s26+$0x1C30]  }
0xef: {  	v0 =	vld [tilespmem:s26+$0x1C40]  }
0xf0: {  	v1 =	vld [tilespmem:s26+$0x1C50];
	v6 =	vmul.f32 $1.131370830e+01, v2  }
0xf1: {  	s28 =	simm.s32 $0x200;
	v5 =	vmul.f32 $1.131370830e+01, v5;
	v2 =	vld [tilespmem:s26+$0x1C60]  }
.LBB2_15:
0xf2: {  	s29 =	sshra.s32 s28, $0x2;
	p0 =	sne.s32 s28, $0xFE00;
	[tilespmem:s26+$0x1C00] =	vst v6;
	v4 =	vmul.f32 $1.131370830e+01, v4;
	v6 =	vld [tilespmem:s26+$0x1C70]  }
0xf3: {  	v7 =	vld [tilespmem:s29+$0x1C00];
	[tilespmem:s26+$0x1C10] =	vst v5;
	v3 =	vmul.f32 $1.131370830e+01, v3  }
0xf4: {  	v5 =	vld [tilespmem:s29+$0x1C10];
	[tilespmem:s26+$0x1C20] =	vst v4;
	v0 =	vmul.f32 $1.131370830e+01, v0  }
.Ltmp6:
0xf5: {  	v4 =	vld [tilespmem:s29+$0x1C20];
	[tilespmem:s26+$0x1C30] =	vst v3;
	v1 =	vmul.f32 $1.131370830e+01, v1;
	(pc) =	sbr.rel @p0 .LBB2_15-.Ltmp6, $4  }
0xf6: {  	v3 =	vld [tilespmem:s29+$0x1C30];
	[tilespmem:s26+$0x1C40] =	vst v0;
	v2 =	vmul.f32 $1.131370830e+01, v2  }
0xf7: {  	v0 =	vld [tilespmem:s29+$0x1C40];
	[tilespmem:s26+$0x1C50] =	vst v1;
	v8 =	vmul.f32 $1.131370830e+01, v6  }
0xf8: {  	v6 =	vmul.f32 $1.131370830e+01, v7;
	v1 =	vld [tilespmem:s29+$0x1C50];
	[tilespmem:s26+$0x1C60] =	vst v2  }
0xf9: {  	s28 =	sadd.s32 $0x200, s28;
	v5 =	vmul.f32 $1.131370830e+01, v5;
	v2 =	vld [tilespmem:s29+$0x1C60];
	[tilespmem:s26+$0x1C70] =	vst v8;
	s26 =	smov.u32 s29  }
0xfa: {  	[tilespmem:s26+$0x1C00] =	vst v6;
	v4 =	vmul.f32 $1.131370830e+01, v4;
	v6 =	vld [tilespmem:s26+$0x1C70]  }
0xfb: {  	[tilespmem:s26+$0x1C10] =	vst v5;
	v3 =	vmul.f32 $1.131370830e+01, v3  }
0xfc: {  	[tilespmem:s26+$0x1C20] =	vst v4;
	v0 =	vmul.f32 $1.131370830e+01, v0  }
0xfd: {  	s28 =	smul.u32 $0x300000, s25;
	[tilespmem:s26+$0x1C30] =	vst v3;
	v1 =	vmul.f32 $1.131370830e+01, v1  }
0xfe: {  	[tilespmem:s26+$0x1C40] =	vst v0;
	v0 =	vmul.f32 $1.131370830e+01, v2  }
0xff: {  	s29 =	sor.u32 s8, s28;
	[tilespmem:s26+$0x1C50] =	vst v1;
	v1 =	vmul.f32 $1.131370830e+01, v6  }
0x100: {  	s29 =	sshrl.u32 s29, $0x3;
	[tilespmem:s26+$0x1C60] =	vst v0  }
0x101: {  	s1 =	smul.u32 $0x6, s25;
	s31 =	simm.s32 $0x0;
	s30 =	sadd.s32 s3, s29;
	[tilespmem:s26+$0x1C70] =	vst v1  }
0x102: {  	[hbm4b:s30+s31] =	stream.linear.scatter [tilespmem:s9], [sflag:$0x1], $0x4000, $0x38;
	[tilespmem:$0x19C00] =	vst v63  }
0x103: {  	s26 =	sadd.s32 $0x5, s1;
	_ =	swait.ge [sflag:s23], $0x4000  }
0x104: {  	s30 =	sshll.u32 s26, $0x7;
	[sflag:s23] =	ssyncset.done $0x0  }
0x105: {  	s30 =	sand.u32 $0x3FFFFF80, s30;
	[sflag:s23] =	ssyncadd.s32 $0xFFFFC000  }
0x106: {  	[tilespmem:s18], [sflag:$0x6] =	stream.indirect.gather [hbm4b:s2+s5], $0x80, s30, s5, $0xb8;
	[tilespmem:$0x19C00] =	vst v63  }
0x107: {  	_ =	swait.ge [sflag:s19], $0x4000  }
0x108: {  	[sflag:s19] =	ssyncset.done $0x0  }
0x109: {  	s30 =	simm.s32 $0x0;
	[sflag:s19] =	ssyncadd.s32 $0xFFFFC000  }
0x10a: {  	v3 =	vld [tilespmem:s30+$0x5C00]  }
0x10b: {  	v5 =	vld [tilespmem:s30+$0x5C10]  }
0x10c: {  	v4 =	vld [tilespmem:s30+$0x5C20]  }
0x10d: {  	v2 =	vld [tilespmem:s30+$0x5C30]  }
0x10e: {  	v0 =	vld [tilespmem:s30+$0x5C40]  }
0x10f: {  	v1 =	vld [tilespmem:s30+$0x5C50];
	v6 =	vmul.f32 $1.131370830e+01, v3  }
0x110: {  	s31 =	simm.s32 $0x200;
	v5 =	vmul.f32 $1.131370830e+01, v5;
	v3 =	vld [tilespmem:s30+$0x5C60]  }
.LBB2_17:
0x111: {  	s1 =	sshra.s32 s31, $0x2;
	p0 =	sne.s32 s31, $0xFE00;
	[tilespmem:s30+$0x5C00] =	vst v6;
	v4 =	vmul.f32 $1.131370830e+01, v4;
	v6 =	vld [tilespmem:s30+$0x5C70]  }
0x112: {  	v7 =	vld [tilespmem:s1+$0x5C00];
	[tilespmem:s30+$0x5C10] =	vst v5;
	v2 =	vmul.f32 $1.131370830e+01, v2  }
0x113: {  	v5 =	vld [tilespmem:s1+$0x5C10];
	[tilespmem:s30+$0x5C20] =	vst v4;
	v0 =	vmul.f32 $1.131370830e+01, v0  }
.Ltmp7:
0x114: {  	v4 =	vld [tilespmem:s1+$0x5C20];
	[tilespmem:s30+$0x5C30] =	vst v2;
	v1 =	vmul.f32 $1.131370830e+01, v1;
	(pc) =	sbr.rel @p0 .LBB2_17-.Ltmp7, $4  }
0x115: {  	v2 =	vld [tilespmem:s1+$0x5C30];
	[tilespmem:s30+$0x5C40] =	vst v0;
	v3 =	vmul.f32 $1.131370830e+01, v3  }
0x116: {  	v0 =	vld [tilespmem:s1+$0x5C40];
	[tilespmem:s30+$0x5C50] =	vst v1;
	v8 =	vmul.f32 $1.131370830e+01, v6  }
0x117: {  	v6 =	vmul.f32 $1.131370830e+01, v7;
	v1 =	vld [tilespmem:s1+$0x5C50];
	[tilespmem:s30+$0x5C60] =	vst v3  }
0x118: {  	s31 =	sadd.s32 $0x200, s31;
	v5 =	vmul.f32 $1.131370830e+01, v5;
	v3 =	vld [tilespmem:s1+$0x5C60];
	[tilespmem:s30+$0x5C70] =	vst v8;
	s30 =	smov.u32 s1  }
0x119: {  	[tilespmem:s30+$0x5C00] =	vst v6;
	v4 =	vmul.f32 $1.131370830e+01, v4;
	v6 =	vld [tilespmem:s30+$0x5C70]  }
0x11a: {  	[tilespmem:s30+$0x5C10] =	vst v5;
	v2 =	vmul.f32 $1.131370830e+01, v2  }
0x11b: {  	[tilespmem:s30+$0x5C20] =	vst v4;
	v0 =	vmul.f32 $1.131370830e+01, v0  }
0x11c: {  	[tilespmem:s30+$0x5C30] =	vst v2;
	v1 =	vmul.f32 $1.131370830e+01, v1  }
0x11d: {  	[tilespmem:s30+$0x5C40] =	vst v0;
	v0 =	vmul.f32 $1.131370830e+01, v3  }
0x11e: {  	[tilespmem:s30+$0x5C50] =	vst v1;
	v1 =	vmul.f32 $1.131370830e+01, v6  }
0x11f: {  	[tilespmem:s30+$0x5C60] =	vst v0  }
0x120: {  	s1 =	sadd.s32 s29, s7;
	s29 =	simm.s32 $0x0;
	[tilespmem:s30+$0x5C70] =	vst v1  }
0x121: {  	[hbm4b:s1+s29] =	stream.linear.scatter [tilespmem:s10], [sflag:$0x2], $0x4000, $0x38;
	[tilespmem:$0x19C00] =	vst v63  }
0x122: {  	s1 =	smul.u32 $0xC00, s25  }
0x123: {  	_ =	swait.ge [sflag:s17], $0x4000  }
0x124: {  	[sflag:s17] =	ssyncset.done $0x0;
	s29 =	sshra.s32 s1, $0x2  }
0x125: {  	[sflag:s17] =	ssyncadd.s32 $0xFFFFC000;
	s1 =	sadd.s32 $0x300, s29  }
0x126: {  	[tilespmem:s9], [sflag:$0x1] =	stream.indirect.gather [hbm4b:s2+s5], $0x80, s1, s5, $0xb8;
	[tilespmem:$0x19C00] =	vst v63  }
0x127: {  	_ =	swait.ge [sflag:s20], $0x4000  }
0x128: {  	[sflag:s20] =	ssyncset.done $0x0  }
0x129: {  	s30 =	simm.s32 $0x0;
	[sflag:s20] =	ssyncadd.s32 $0xFFFFC000  }
0x12a: {  	v3 =	vld [tilespmem:s30+$0x9C00]  }
0x12b: {  	v5 =	vld [tilespmem:s30+$0x9C10]  }
0x12c: {  	v4 =	vld [tilespmem:s30+$0x9C20]  }
0x12d: {  	v2 =	vld [tilespmem:s30+$0x9C30]  }
0x12e: {  	v0 =	vld [tilespmem:s30+$0x9C40]  }
0x12f: {  	v1 =	vld [tilespmem:s30+$0x9C50];
	v6 =	vmul.f32 $1.131370830e+01, v3  }
0x130: {  	s31 =	simm.s32 $0x200;
	v5 =	vmul.f32 $1.131370830e+01, v5;
	v3 =	vld [tilespmem:s30+$0x9C60]  }
.LBB2_19:
0x131: {  	s1 =	sshra.s32 s31, $0x2;
	p0 =	sne.s32 s31, $0xFE00;
	[tilespmem:s30+$0x9C00] =	vst v6;
	v4 =	vmul.f32 $1.131370830e+01, v4;
	v6 =	vld [tilespmem:s30+$0x9C70]  }
0x132: {  	v7 =	vld [tilespmem:s1+$0x9C00];
	[tilespmem:s30+$0x9C10] =	vst v5;
	v2 =	vmul.f32 $1.131370830e+01, v2  }
0x133: {  	v5 =	vld [tilespmem:s1+$0x9C10];
	[tilespmem:s30+$0x9C20] =	vst v4;
	v0 =	vmul.f32 $1.131370830e+01, v0  }
.Ltmp8:
0x134: {  	v4 =	vld [tilespmem:s1+$0x9C20];
	[tilespmem:s30+$0x9C30] =	vst v2;
	v1 =	vmul.f32 $1.131370830e+01, v1;
	(pc) =	sbr.rel @p0 .LBB2_19-.Ltmp8, $4  }
0x135: {  	v2 =	vld [tilespmem:s1+$0x9C30];
	[tilespmem:s30+$0x9C40] =	vst v0;
	v3 =	vmul.f32 $1.131370830e+01, v3  }
0x136: {  	v0 =	vld [tilespmem:s1+$0x9C40];
	[tilespmem:s30+$0x9C50] =	vst v1;
	v8 =	vmul.f32 $1.131370830e+01, v6  }
0x137: {  	v6 =	vmul.f32 $1.131370830e+01, v7;
	v1 =	vld [tilespmem:s1+$0x9C50];
	[tilespmem:s30+$0x9C60] =	vst v3  }
0x138: {  	s31 =	sadd.s32 $0x200, s31;
	v5 =	vmul.f32 $1.131370830e+01, v5;
	v3 =	vld [tilespmem:s1+$0x9C60];
	[tilespmem:s30+$0x9C70] =	vst v8;
	s30 =	smov.u32 s1  }
0x139: {  	[tilespmem:s30+$0x9C00] =	vst v6;
	v4 =	vmul.f32 $1.131370830e+01, v4;
	v6 =	vld [tilespmem:s30+$0x9C70]  }
0x13a: {  	[tilespmem:s30+$0x9C10] =	vst v5;
	v2 =	vmul.f32 $1.131370830e+01, v2  }
0x13b: {  	[tilespmem:s30+$0x9C20] =	vst v4;
	v0 =	vmul.f32 $1.131370830e+01, v0  }
0x13c: {  	[tilespmem:s30+$0x9C30] =	vst v2;
	v1 =	vmul.f32 $1.131370830e+01, v1  }
0x13d: {  	[tilespmem:s30+$0x9C40] =	vst v0;
	v0 =	vmul.f32 $1.131370830e+01, v3  }
0x13e: {  	s1 =	sadd.s32 s14, s28;
	[tilespmem:s30+$0x9C50] =	vst v1;
	v1 =	vmul.f32 $1.131370830e+01, v6  }
0x13f: {  	s1 =	sshrl.u32 s1, $0x3;
	[tilespmem:s30+$0x9C60] =	vst v0  }
0x140: {  	s1 =	sadd.s32 s3, s1;
	[tilespmem:s30+$0x9C70] =	vst v1;
	s30 =	simm.s32 $0x0  }
0x141: {  	[hbm4b:s1+s30] =	stream.linear.scatter [tilespmem:s11], [sflag:$0x3], $0x4000, $0x38;
	[tilespmem:$0x19C00] =	vst v63  }
0x142: {  	_ =	swait.ge [sflag:s19], $0x4000  }
0x143: {  	[sflag:s19] =	ssyncset.done $0x0  }
0x144: {  	s1 =	sadd.s32 $0x380, s29;
	[sflag:s19] =	ssyncadd.s32 $0xFFFFC000  }
0x145: {  	[tilespmem:s10], [sflag:$0x2] =	stream.indirect.gather [hbm4b:s2+s5], $0x80, s1, s5, $0xb8;
	[tilespmem:$0x19C00] =	vst v63  }
0x146: {  	_ =	swait.ge [sflag:s21], $0x4000  }
0x147: {  	[sflag:s21] =	ssyncset.done $0x0  }
0x148: {  	s30 =	simm.s32 $0x0;
	[sflag:s21] =	ssyncadd.s32 $0xFFFFC000  }
0x149: {  	v3 =	vld [tilespmem:s30+$0xDC00]  }
0x14a: {  	v5 =	vld [tilespmem:s30+$0xDC10]  }
0x14b: {  	v4 =	vld [tilespmem:s30+$0xDC20]  }
0x14c: {  	v2 =	vld [tilespmem:s30+$0xDC30]  }
0x14d: {  	v0 =	vld [tilespmem:s30+$0xDC40]  }
0x14e: {  	v1 =	vld [tilespmem:s30+$0xDC50];
	v6 =	vmul.f32 $1.131370830e+01, v3  }
0x14f: {  	s31 =	simm.s32 $0x200;
	v5 =	vmul.f32 $1.131370830e+01, v5;
	v3 =	vld [tilespmem:s30+$0xDC60]  }
.LBB2_21:
0x150: {  	s1 =	sshra.s32 s31, $0x2;
	p0 =	sne.s32 s31, $0xFE00;
	[tilespmem:s30+$0xDC00] =	vst v6;
	v4 =	vmul.f32 $1.131370830e+01, v4;
	v6 =	vld [tilespmem:s30+$0xDC70]  }
0x151: {  	v7 =	vld [tilespmem:s1+$0xDC00];
	[tilespmem:s30+$0xDC10] =	vst v5;
	v2 =	vmul.f32 $1.131370830e+01, v2  }
0x152: {  	v5 =	vld [tilespmem:s1+$0xDC10];
	[tilespmem:s30+$0xDC20] =	vst v4;
	v0 =	vmul.f32 $1.131370830e+01, v0  }
.Ltmp9:
0x153: {  	v4 =	vld [tilespmem:s1+$0xDC20];
	[tilespmem:s30+$0xDC30] =	vst v2;
	v1 =	vmul.f32 $1.131370830e+01, v1;
	(pc) =	sbr.rel @p0 .LBB2_21-.Ltmp9, $4  }
0x154: {  	v2 =	vld [tilespmem:s1+$0xDC30];
	[tilespmem:s30+$0xDC40] =	vst v0;
	v3 =	vmul.f32 $1.131370830e+01, v3  }
0x155: {  	v0 =	vld [tilespmem:s1+$0xDC40];
	[tilespmem:s30+$0xDC50] =	vst v1;
	v8 =	vmul.f32 $1.131370830e+01, v6  }
0x156: {  	v6 =	vmul.f32 $1.131370830e+01, v7;
	v1 =	vld [tilespmem:s1+$0xDC50];
	[tilespmem:s30+$0xDC60] =	vst v3  }
0x157: {  	s31 =	sadd.s32 $0x200, s31;
	v5 =	vmul.f32 $1.131370830e+01, v5;
	v3 =	vld [tilespmem:s1+$0xDC60];
	[tilespmem:s30+$0xDC70] =	vst v8;
	s30 =	smov.u32 s1  }
0x158: {  	[tilespmem:s30+$0xDC00] =	vst v6;
	v4 =	vmul.f32 $1.131370830e+01, v4;
	v6 =	vld [tilespmem:s30+$0xDC70]  }
0x159: {  	[tilespmem:s30+$0xDC10] =	vst v5;
	v2 =	vmul.f32 $1.131370830e+01, v2  }
0x15a: {  	[tilespmem:s30+$0xDC20] =	vst v4;
	v0 =	vmul.f32 $1.131370830e+01, v0  }
0x15b: {  	[tilespmem:s30+$0xDC30] =	vst v2;
	v1 =	vmul.f32 $1.131370830e+01, v1  }
0x15c: {  	[tilespmem:s30+$0xDC40] =	vst v0;
	v0 =	vmul.f32 $1.131370830e+01, v3  }
0x15d: {  	s1 =	sadd.s32 s15, s28;
	[tilespmem:s30+$0xDC50] =	vst v1;
	v1 =	vmul.f32 $1.131370830e+01, v6  }
0x15e: {  	s1 =	sshrl.u32 s1, $0x3;
	[tilespmem:s30+$0xDC60] =	vst v0  }
0x15f: {  	s1 =	sadd.s32 s3, s1;
	[tilespmem:s30+$0xDC70] =	vst v1;
	s30 =	simm.s32 $0x0  }
0x160: {  	[hbm4b:s1+s30] =	stream.linear.scatter [tilespmem:s12], [sflag:$0x4], $0x4000, $0x38;
	[tilespmem:$0x19C00] =	vst v63  }
0x161: {  	_ =	swait.ge [sflag:s20], $0x4000  }
0x162: {  	[sflag:s20] =	ssyncset.done $0x0  }
0x163: {  	s1 =	sadd.s32 $0x400, s29;
	[sflag:s20] =	ssyncadd.s32 $0xFFFFC000  }
0x164: {  	[tilespmem:s11], [sflag:$0x3] =	stream.indirect.gather [hbm4b:s2+s5], $0x80, s1, s5, $0xb8;
	[tilespmem:$0x19C00] =	vst v63  }
0x165: {  	_ =	swait.ge [sflag:s22], $0x4000  }
0x166: {  	[sflag:s22] =	ssyncset.done $0x0  }
0x167: {  	s30 =	simm.s32 $0x0;
	[sflag:s22] =	ssyncadd.s32 $0xFFFFC000  }
0x168: {  	v3 =	vld [tilespmem:s30+$0x11C00]  }
0x169: {  	v5 =	vld [tilespmem:s30+$0x11C10]  }
0x16a: {  	v4 =	vld [tilespmem:s30+$0x11C20]  }
0x16b: {  	v2 =	vld [tilespmem:s30+$0x11C30]  }
0x16c: {  	v0 =	vld [tilespmem:s30+$0x11C40]  }
0x16d: {  	v1 =	vld [tilespmem:s30+$0x11C50];
	v6 =	vmul.f32 $1.131370830e+01, v3  }
0x16e: {  	s31 =	simm.s32 $0x200;
	v5 =	vmul.f32 $1.131370830e+01, v5;
	v3 =	vld [tilespmem:s30+$0x11C60]  }
.LBB2_23:
0x16f: {  	s1 =	sshra.s32 s31, $0x2;
	p0 =	sne.s32 s31, $0xFE00;
	[tilespmem:s30+$0x11C00] =	vst v6;
	v4 =	vmul.f32 $1.131370830e+01, v4;
	v6 =	vld [tilespmem:s30+$0x11C70]  }
0x170: {  	v7 =	vld [tilespmem:s1+$0x11C00];
	[tilespmem:s30+$0x11C10] =	vst v5;
	v2 =	vmul.f32 $1.131370830e+01, v2  }
0x171: {  	v5 =	vld [tilespmem:s1+$0x11C10];
	[tilespmem:s30+$0x11C20] =	vst v4;
	v0 =	vmul.f32 $1.131370830e+01, v0  }
.Ltmp10:
0x172: {  	v4 =	vld [tilespmem:s1+$0x11C20];
	[tilespmem:s30+$0x11C30] =	vst v2;
	v1 =	vmul.f32 $1.131370830e+01, v1;
	(pc) =	sbr.rel @p0 .LBB2_23-.Ltmp10, $4  }
0x173: {  	v2 =	vld [tilespmem:s1+$0x11C30];
	[tilespmem:s30+$0x11C40] =	vst v0;
	v3 =	vmul.f32 $1.131370830e+01, v3  }
0x174: {  	v0 =	vld [tilespmem:s1+$0x11C40];
	[tilespmem:s30+$0x11C50] =	vst v1;
	v8 =	vmul.f32 $1.131370830e+01, v6  }
0x175: {  	v6 =	vmul.f32 $1.131370830e+01, v7;
	v1 =	vld [tilespmem:s1+$0x11C50];
	[tilespmem:s30+$0x11C60] =	vst v3  }
0x176: {  	s31 =	sadd.s32 $0x200, s31;
	v5 =	vmul.f32 $1.131370830e+01, v5;
	v3 =	vld [tilespmem:s1+$0x11C60];
	[tilespmem:s30+$0x11C70] =	vst v8;
	s30 =	smov.u32 s1  }
0x177: {  	[tilespmem:s30+$0x11C00] =	vst v6;
	v4 =	vmul.f32 $1.131370830e+01, v4;
	v6 =	vld [tilespmem:s30+$0x11C70]  }
0x178: {  	[tilespmem:s30+$0x11C10] =	vst v5;
	v2 =	vmul.f32 $1.131370830e+01, v2  }
0x179: {  	[tilespmem:s30+$0x11C20] =	vst v4;
	v0 =	vmul.f32 $1.131370830e+01, v0  }
0x17a: {  	[tilespmem:s30+$0x11C30] =	vst v2;
	v1 =	vmul.f32 $1.131370830e+01, v1  }
0x17b: {  	[tilespmem:s30+$0x11C40] =	vst v0;
	v0 =	vmul.f32 $1.131370830e+01, v3  }
0x17c: {  	s1 =	sadd.s32 s16, s28;
	[tilespmem:s30+$0x11C50] =	vst v1;
	v1 =	vmul.f32 $1.131370830e+01, v6  }
0x17d: {  	s1 =	sshrl.u32 s1, $0x3;
	[tilespmem:s30+$0x11C60] =	vst v0  }
0x17e: {  	s28 =	simm.s32 $0x0;
	s1 =	sadd.s32 s3, s1;
	[tilespmem:s30+$0x11C70] =	vst v1  }
0x17f: {  	[hbm4b:s1+s28] =	stream.linear.scatter [tilespmem:s13], [sflag:$0x5], $0x4000, $0x38;
	[tilespmem:$0x19C00] =	vst v63  }
0x180: {  	_ =	swait.ge [sflag:s21], $0x4000  }
0x181: {  	[sflag:s21] =	ssyncset.done $0x0  }
0x182: {  	s31 =	sadd.s32 $0x480, s29;
	[sflag:s21] =	ssyncadd.s32 $0xFFFFC000  }
0x183: {  	[tilespmem:s12], [sflag:$0x4] =	stream.indirect.gather [hbm4b:s2+s5], $0x80, s31, s5, $0xb8;
	[tilespmem:$0x19C00] =	vst v63  }
0x184: {  	_ =	swait.ge [sflag:s23], $0x4000  }
0x185: {  	[sflag:s23] =	ssyncset.done $0x0  }
0x186: {  	s28 =	simm.s32 $0x0;
	[sflag:s23] =	ssyncadd.s32 $0xFFFFC000  }
0x187: {  	v3 =	vld [tilespmem:s28+$0x15C00]  }
0x188: {  	v5 =	vld [tilespmem:s28+$0x15C10]  }
0x189: {  	v4 =	vld [tilespmem:s28+$0x15C20]  }
0x18a: {  	v2 =	vld [tilespmem:s28+$0x15C30]  }
0x18b: {  	v0 =	vld [tilespmem:s28+$0x15C40]  }
0x18c: {  	v1 =	vld [tilespmem:s28+$0x15C50];
	v6 =	vmul.f32 $1.131370830e+01, v3  }
0x18d: {  	s30 =	simm.s32 $0x200;
	v5 =	vmul.f32 $1.131370830e+01, v5;
	v3 =	vld [tilespmem:s28+$0x15C60]  }
.LBB2_25:
0x18e: {  	s1 =	sshra.s32 s30, $0x2;
	p0 =	sne.s32 s30, $0xFE00;
	[tilespmem:s28+$0x15C00] =	vst v6;
	v4 =	vmul.f32 $1.131370830e+01, v4;
	v6 =	vld [tilespmem:s28+$0x15C70]  }
0x18f: {  	v7 =	vld [tilespmem:s1+$0x15C00];
	[tilespmem:s28+$0x15C10] =	vst v5;
	v2 =	vmul.f32 $1.131370830e+01, v2  }
0x190: {  	v5 =	vld [tilespmem:s1+$0x15C10];
	[tilespmem:s28+$0x15C20] =	vst v4;
	v0 =	vmul.f32 $1.131370830e+01, v0  }
.Ltmp11:
0x191: {  	v4 =	vld [tilespmem:s1+$0x15C20];
	[tilespmem:s28+$0x15C30] =	vst v2;
	v1 =	vmul.f32 $1.131370830e+01, v1;
	(pc) =	sbr.rel @p0 .LBB2_25-.Ltmp11, $4  }
0x192: {  	v2 =	vld [tilespmem:s1+$0x15C30];
	[tilespmem:s28+$0x15C40] =	vst v0;
	v3 =	vmul.f32 $1.131370830e+01, v3  }
0x193: {  	v0 =	vld [tilespmem:s1+$0x15C40];
	[tilespmem:s28+$0x15C50] =	vst v1;
	v8 =	vmul.f32 $1.131370830e+01, v6  }
0x194: {  	v6 =	vmul.f32 $1.131370830e+01, v7;
	v1 =	vld [tilespmem:s1+$0x15C50];
	[tilespmem:s28+$0x15C60] =	vst v3  }
0x195: {  	s30 =	sadd.s32 $0x200, s30;
	v5 =	vmul.f32 $1.131370830e+01, v5;
	v3 =	vld [tilespmem:s1+$0x15C60];
	[tilespmem:s28+$0x15C70] =	vst v8;
	s28 =	smov.u32 s1  }
0x196: {  	[tilespmem:s28+$0x15C00] =	vst v6;
	v4 =	vmul.f32 $1.131370830e+01, v4;
	v61 =	vld [tilespmem:s28+$0x15C70]  }
0x197: {  	[tilespmem:s28+$0x15C10] =	vst v5;
	v2 =	vmul.f32 $1.131370830e+01, v2  }
0x198: {  	[tilespmem:s28+$0x15C20] =	vst v4;
	v0 =	vmul.f32 $1.131370830e+01, v0  }
0x199: {  	[tilespmem:s28+$0x15C30] =	vst v2;
	v1 =	vmul.f32 $1.131370830e+01, v1  }
0x19a: {  	s1 =	sshll.u32 s26, $0x13;
	[tilespmem:s28+$0x15C40] =	vst v0;
	v62 =	vmul.f32 $1.131370830e+01, v3  }
0x19b: {  	s1 =	sor.u32 s8, s1;
	[tilespmem:s28+$0x15C50] =	vst v1;
	v63 =	vmul.f32 $1.131370830e+01, v61  }
0x19c: {  	s25 =	sadd.s32 $0x1, s25;
	s1 =	sshrl.u32 s1, $0x3;
	[tilespmem:s28+$0x15C60] =	vst v62  }
0x19d: {  	p0 =	sne.s32 s25, $0x6;
	s1 =	sadd.s32 s3, s1;
	[tilespmem:s28+$0x15C70] =	vst v63  }
0x19e: {  	[hbm4b:s1+s4] =	stream.linear.scatter [tilespmem:s18], [sflag:$0x6], $0x4000, $0x38;
	[tilespmem:$0x19C00] =	vst v63  }
.Ltmp12:
0x19f: {  	_ = 	snop;
	(pc) =	sbr.rel @p0 .LBB2_14-.Ltmp12, $4  }
0x1a0: {  	_ =	swait.ge [sflag:s22], $0x4000  }
0x1a1: {  	[sflag:s22] =	ssyncset.done $0x0  }
0x1a2: {  	s31 =	sadd.s32 $0x500, s29;
	[sflag:s22] =	ssyncadd.s32 $0xFFFFC000  }
0x1a3: {  	[tilespmem:s13], [sflag:$0x5] =	stream.indirect.gather [hbm4b:s2+s5], $0x80, s31, s5, $0xb8;
	[tilespmem:$0x19C00] =	vst v63  }
0x1a4: {  	_ =	swait.ge [sflag:s17], $0x4000  }
0x1a5: {  	[sflag:s17] =	ssyncset.done $0x0  }
0x1a6: {  	s25 =	simm.s32 $0x0;
	[sflag:s17] =	ssyncadd.s32 $0xFFFFC000  }
0x1a7: {  	v3 =	vld [tilespmem:s25+$0x1C00]  }
0x1a8: {  	v5 =	vld [tilespmem:s25+$0x1C10]  }
0x1a9: {  	v4 =	vld [tilespmem:s25+$0x1C20]  }
0x1aa: {  	v2 =	vld [tilespmem:s25+$0x1C30]  }
0x1ab: {  	v0 =	vld [tilespmem:s25+$0x1C40]  }
0x1ac: {  	v1 =	vld [tilespmem:s25+$0x1C50];
	v6 =	vmul.f32 $1.131370830e+01, v3  }
0x1ad: {  	s26 =	simm.s32 $0x200;
	v5 =	vmul.f32 $1.131370830e+01, v5;
	v3 =	vld [tilespmem:s25+$0x1C60]  }
.LBB2_28:
0x1ae: {  	s1 =	sshra.s32 s26, $0x2;
	p0 =	sne.s32 s26, $0xFE00;
	[tilespmem:s25+$0x1C00] =	vst v6;
	v4 =	vmul.f32 $1.131370830e+01, v4;
	v6 =	vld [tilespmem:s25+$0x1C70]  }
0x1af: {  	v7 =	vld [tilespmem:s1+$0x1C00];
	[tilespmem:s25+$0x1C10] =	vst v5;
	v2 =	vmul.f32 $1.131370830e+01, v2  }
0x1b0: {  	v5 =	vld [tilespmem:s1+$0x1C10];
	[tilespmem:s25+$0x1C20] =	vst v4;
	v0 =	vmul.f32 $1.131370830e+01, v0  }
.Ltmp13:
0x1b1: {  	v4 =	vld [tilespmem:s1+$0x1C20];
	[tilespmem:s25+$0x1C30] =	vst v2;
	v1 =	vmul.f32 $1.131370830e+01, v1;
	(pc) =	sbr.rel @p0 .LBB2_28-.Ltmp13, $4  }
0x1b2: {  	v2 =	vld [tilespmem:s1+$0x1C30];
	[tilespmem:s25+$0x1C40] =	vst v0;
	v3 =	vmul.f32 $1.131370830e+01, v3  }
0x1b3: {  	v0 =	vld [tilespmem:s1+$0x1C40];
	[tilespmem:s25+$0x1C50] =	vst v1;
	v8 =	vmul.f32 $1.131370830e+01, v6  }
0x1b4: {  	v6 =	vmul.f32 $1.131370830e+01, v7;
	v1 =	vld [tilespmem:s1+$0x1C50];
	[tilespmem:s25+$0x1C60] =	vst v3  }
0x1b5: {  	s26 =	sadd.s32 $0x200, s26;
	v5 =	vmul.f32 $1.131370830e+01, v5;
	v3 =	vld [tilespmem:s1+$0x1C60];
	[tilespmem:s25+$0x1C70] =	vst v8;
	s25 =	smov.u32 s1  }
0x1b6: {  	[tilespmem:s25+$0x1C00] =	vst v6;
	v4 =	vmul.f32 $1.131370830e+01, v4;
	v6 =	vld [tilespmem:s25+$0x1C70]  }
0x1b7: {  	[tilespmem:s25+$0x1C10] =	vst v5;
	v2 =	vmul.f32 $1.131370830e+01, v2  }
0x1b8: {  	[tilespmem:s25+$0x1C20] =	vst v4;
	v0 =	vmul.f32 $1.131370830e+01, v0  }
0x1b9: {  	[tilespmem:s25+$0x1C30] =	vst v2;
	v1 =	vmul.f32 $1.131370830e+01, v1  }
0x1ba: {  	[tilespmem:s25+$0x1C40] =	vst v0;
	v0 =	vmul.f32 $1.131370830e+01, v3  }
0x1bb: {  	[tilespmem:s25+$0x1C50] =	vst v1;
	v1 =	vmul.f32 $1.131370830e+01, v6  }
0x1bc: {  	[tilespmem:s25+$0x1C60] =	vst v0  }
0x1bd: {  	s1 =	simm.s32 $0x0;
	s30 =	rddreg [dreg:$0xa];
	[tilespmem:s25+$0x1C70] =	vst v1  }
0x1be: {  	[hbm4b:s30+s1] =	stream.linear.scatter [tilespmem:s9], [sflag:$0x1], $0x4000, $0x38;
	[tilespmem:$0x19C00] =	vst v63  }
0x1bf: {  	_ =	swait.ge [sflag:s23], $0x4000  }
0x1c0: {  	[sflag:s23] =	ssyncset.done $0x0  }
0x1c1: {  	s31 =	simm.s32 $0x1480;
	[sflag:s23] =	ssyncadd.s32 $0xFFFFC000  }
0x1c2: {  	[tilespmem:s18], [sflag:$0x6] =	stream.indirect.gather [hbm4b:s2+s5], $0x80, s31, s5, $0xb8;
	[tilespmem:$0x19C00] =	vst v63  }
0x1c3: {  	_ =	swait.ge [sflag:s19], $0x4000  }
0x1c4: {  	[sflag:s19] =	ssyncset.done $0x0  }
0x1c5: {  	s25 =	simm.s32 $0x0;
	[sflag:s19] =	ssyncadd.s32 $0xFFFFC000  }
0x1c6: {  	v3 =	vld [tilespmem:s25+$0x5C00]  }
0x1c7: {  	v5 =	vld [tilespmem:s25+$0x5C10]  }
0x1c8: {  	v4 =	vld [tilespmem:s25+$0x5C20]  }
0x1c9: {  	v2 =	vld [tilespmem:s25+$0x5C30]  }
0x1ca: {  	v0 =	vld [tilespmem:s25+$0x5C40]  }
0x1cb: {  	v1 =	vld [tilespmem:s25+$0x5C50];
	v6 =	vmul.f32 $1.131370830e+01, v3  }
0x1cc: {  	s26 =	simm.s32 $0x200;
	v5 =	vmul.f32 $1.131370830e+01, v5;
	v3 =	vld [tilespmem:s25+$0x5C60]  }
.LBB2_30:
0x1cd: {  	s1 =	sshra.s32 s26, $0x2;
	p0 =	sne.s32 s26, $0xFE00;
	[tilespmem:s25+$0x5C00] =	vst v6;
	v4 =	vmul.f32 $1.131370830e+01, v4;
	v6 =	vld [tilespmem:s25+$0x5C70]  }
0x1ce: {  	v7 =	vld [tilespmem:s1+$0x5C00];
	[tilespmem:s25+$0x5C10] =	vst v5;
	v2 =	vmul.f32 $1.131370830e+01, v2  }
0x1cf: {  	v5 =	vld [tilespmem:s1+$0x5C10];
	[tilespmem:s25+$0x5C20] =	vst v4;
	v0 =	vmul.f32 $1.131370830e+01, v0  }
.Ltmp14:
0x1d0: {  	v4 =	vld [tilespmem:s1+$0x5C20];
	[tilespmem:s25+$0x5C30] =	vst v2;
	v1 =	vmul.f32 $1.131370830e+01, v1;
	(pc) =	sbr.rel @p0 .LBB2_30-.Ltmp14, $4  }
0x1d1: {  	v2 =	vld [tilespmem:s1+$0x5C30];
	[tilespmem:s25+$0x5C40] =	vst v0;
	v3 =	vmul.f32 $1.131370830e+01, v3  }
0x1d2: {  	v0 =	vld [tilespmem:s1+$0x5C40];
	[tilespmem:s25+$0x5C50] =	vst v1;
	v8 =	vmul.f32 $1.131370830e+01, v6  }
0x1d3: {  	v6 =	vmul.f32 $1.131370830e+01, v7;
	v1 =	vld [tilespmem:s1+$0x5C50];
	[tilespmem:s25+$0x5C60] =	vst v3  }
0x1d4: {  	s26 =	sadd.s32 $0x200, s26;
	v5 =	vmul.f32 $1.131370830e+01, v5;
	v3 =	vld [tilespmem:s1+$0x5C60];
	[tilespmem:s25+$0x5C70] =	vst v8;
	s25 =	smov.u32 s1  }
0x1d5: {  	[tilespmem:s25+$0x5C00] =	vst v6;
	v4 =	vmul.f32 $1.131370830e+01, v4;
	v6 =	vld [tilespmem:s25+$0x5C70]  }
0x1d6: {  	[tilespmem:s25+$0x5C10] =	vst v5;
	v2 =	vmul.f32 $1.131370830e+01, v2  }
0x1d7: {  	[tilespmem:s25+$0x5C20] =	vst v4;
	v0 =	vmul.f32 $1.131370830e+01, v0  }
0x1d8: {  	[tilespmem:s25+$0x5C30] =	vst v2;
	v1 =	vmul.f32 $1.131370830e+01, v1  }
0x1d9: {  	[tilespmem:s25+$0x5C40] =	vst v0;
	v0 =	vmul.f32 $1.131370830e+01, v3  }
0x1da: {  	[tilespmem:s25+$0x5C50] =	vst v1;
	v1 =	vmul.f32 $1.131370830e+01, v6  }
0x1db: {  	[tilespmem:s25+$0x5C60] =	vst v0  }
0x1dc: {  	s1 =	simm.s32 $0x0;
	s30 =	rddreg [dreg:$0xb];
	[tilespmem:s25+$0x5C70] =	vst v1  }
0x1dd: {  	[hbm4b:s30+s1] =	stream.linear.scatter [tilespmem:s10], [sflag:$0x2], $0x4000, $0x38;
	[tilespmem:$0x19C00] =	vst v63  }
0x1de: {  	_ =	swait.ge [sflag:s17], $0x4000  }
0x1df: {  	[sflag:s17] =	ssyncset.done $0x0  }
0x1e0: {  	s31 =	simm.s32 $0x1500;
	[sflag:s17] =	ssyncadd.s32 $0xFFFFC000  }
0x1e1: {  	[tilespmem:s9], [sflag:$0x1] =	stream.indirect.gather [hbm4b:s2+s5], $0x80, s31, s5, $0xb8;
	[tilespmem:$0x19C00] =	vst v63  }
0x1e2: {  	_ =	swait.ge [sflag:s20], $0x4000  }
0x1e3: {  	[sflag:s20] =	ssyncset.done $0x0  }
0x1e4: {  	s25 =	simm.s32 $0x0;
	[sflag:s20] =	ssyncadd.s32 $0xFFFFC000  }
0x1e5: {  	v3 =	vld [tilespmem:s25+$0x9C00]  }
0x1e6: {  	v5 =	vld [tilespmem:s25+$0x9C10]  }
0x1e7: {  	v4 =	vld [tilespmem:s25+$0x9C20]  }
0x1e8: {  	v2 =	vld [tilespmem:s25+$0x9C30]  }
0x1e9: {  	v0 =	vld [tilespmem:s25+$0x9C40]  }
0x1ea: {  	v1 =	vld [tilespmem:s25+$0x9C50];
	v6 =	vmul.f32 $1.131370830e+01, v3  }
0x1eb: {  	s26 =	simm.s32 $0x200;
	v5 =	vmul.f32 $1.131370830e+01, v5;
	v3 =	vld [tilespmem:s25+$0x9C60]  }
.LBB2_32:
0x1ec: {  	s1 =	sshra.s32 s26, $0x2;
	p0 =	sne.s32 s26, $0xFE00;
	[tilespmem:s25+$0x9C00] =	vst v6;
	v4 =	vmul.f32 $1.131370830e+01, v4;
	v6 =	vld [tilespmem:s25+$0x9C70]  }
0x1ed: {  	v7 =	vld [tilespmem:s1+$0x9C00];
	[tilespmem:s25+$0x9C10] =	vst v5;
	v2 =	vmul.f32 $1.131370830e+01, v2  }
0x1ee: {  	v5 =	vld [tilespmem:s1+$0x9C10];
	[tilespmem:s25+$0x9C20] =	vst v4;
	v0 =	vmul.f32 $1.131370830e+01, v0  }
.Ltmp15:
0x1ef: {  	v4 =	vld [tilespmem:s1+$0x9C20];
	[tilespmem:s25+$0x9C30] =	vst v2;
	v1 =	vmul.f32 $1.131370830e+01, v1;
	(pc) =	sbr.rel @p0 .LBB2_32-.Ltmp15, $4  }
0x1f0: {  	v2 =	vld [tilespmem:s1+$0x9C30];
	[tilespmem:s25+$0x9C40] =	vst v0;
	v3 =	vmul.f32 $1.131370830e+01, v3  }
0x1f1: {  	v0 =	vld [tilespmem:s1+$0x9C40];
	[tilespmem:s25+$0x9C50] =	vst v1;
	v8 =	vmul.f32 $1.131370830e+01, v6  }
0x1f2: {  	v6 =	vmul.f32 $1.131370830e+01, v7;
	v1 =	vld [tilespmem:s1+$0x9C50];
	[tilespmem:s25+$0x9C60] =	vst v3  }
0x1f3: {  	s26 =	sadd.s32 $0x200, s26;
	v5 =	vmul.f32 $1.131370830e+01, v5;
	v3 =	vld [tilespmem:s1+$0x9C60];
	[tilespmem:s25+$0x9C70] =	vst v8;
	s25 =	smov.u32 s1  }
0x1f4: {  	[tilespmem:s25+$0x9C00] =	vst v6;
	v4 =	vmul.f32 $1.131370830e+01, v4;
	v6 =	vld [tilespmem:s25+$0x9C70]  }
0x1f5: {  	[tilespmem:s25+$0x9C10] =	vst v5;
	v2 =	vmul.f32 $1.131370830e+01, v2  }
0x1f6: {  	[tilespmem:s25+$0x9C20] =	vst v4;
	v0 =	vmul.f32 $1.131370830e+01, v0  }
0x1f7: {  	[tilespmem:s25+$0x9C30] =	vst v2;
	v1 =	vmul.f32 $1.131370830e+01, v1  }
0x1f8: {  	[tilespmem:s25+$0x9C40] =	vst v0;
	v0 =	vmul.f32 $1.131370830e+01, v3  }
0x1f9: {  	[tilespmem:s25+$0x9C50] =	vst v1;
	v1 =	vmul.f32 $1.131370830e+01, v6  }
0x1fa: {  	[tilespmem:s25+$0x9C60] =	vst v0  }
0x1fb: {  	s1 =	simm.s32 $0x0;
	s30 =	rddreg [dreg:$0xc];
	[tilespmem:s25+$0x9C70] =	vst v1  }
0x1fc: {  	[hbm4b:s30+s1] =	stream.linear.scatter [tilespmem:s11], [sflag:$0x3], $0x4000, $0x38;
	[tilespmem:$0x19C00] =	vst v63  }
0x1fd: {  	_ =	swait.ge [sflag:s19], $0x4000  }
0x1fe: {  	[sflag:s19] =	ssyncset.done $0x0  }
0x1ff: {  	s31 =	simm.s32 $0x1580;
	[sflag:s19] =	ssyncadd.s32 $0xFFFFC000  }
0x200: {  	[tilespmem:s10], [sflag:$0x2] =	stream.indirect.gather [hbm4b:s2+s5], $0x80, s31, s5, $0xb8;
	[tilespmem:$0x19C00] =	vst v63  }
0x201: {  	_ =	swait.ge [sflag:s21], $0x4000  }
0x202: {  	[sflag:s21] =	ssyncset.done $0x0  }
0x203: {  	s25 =	simm.s32 $0x0;
	[sflag:s21] =	ssyncadd.s32 $0xFFFFC000  }
0x204: {  	v3 =	vld [tilespmem:s25+$0xDC00]  }
0x205: {  	v5 =	vld [tilespmem:s25+$0xDC10]  }
0x206: {  	v4 =	vld [tilespmem:s25+$0xDC20]  }
0x207: {  	v2 =	vld [tilespmem:s25+$0xDC30]  }
0x208: {  	v0 =	vld [tilespmem:s25+$0xDC40]  }
0x209: {  	v1 =	vld [tilespmem:s25+$0xDC50];
	v6 =	vmul.f32 $1.131370830e+01, v3  }
0x20a: {  	s26 =	simm.s32 $0x200;
	v5 =	vmul.f32 $1.131370830e+01, v5;
	v3 =	vld [tilespmem:s25+$0xDC60]  }
.LBB2_34:
0x20b: {  	s1 =	sshra.s32 s26, $0x2;
	p0 =	sne.s32 s26, $0xFE00;
	[tilespmem:s25+$0xDC00] =	vst v6;
	v4 =	vmul.f32 $1.131370830e+01, v4;
	v6 =	vld [tilespmem:s25+$0xDC70]  }
0x20c: {  	v7 =	vld [tilespmem:s1+$0xDC00];
	[tilespmem:s25+$0xDC10] =	vst v5;
	v2 =	vmul.f32 $1.131370830e+01, v2  }
0x20d: {  	v5 =	vld [tilespmem:s1+$0xDC10];
	[tilespmem:s25+$0xDC20] =	vst v4;
	v0 =	vmul.f32 $1.131370830e+01, v0  }
.Ltmp16:
0x20e: {  	v4 =	vld [tilespmem:s1+$0xDC20];
	[tilespmem:s25+$0xDC30] =	vst v2;
	v1 =	vmul.f32 $1.131370830e+01, v1;
	(pc) =	sbr.rel @p0 .LBB2_34-.Ltmp16, $4  }
0x20f: {  	v2 =	vld [tilespmem:s1+$0xDC30];
	[tilespmem:s25+$0xDC40] =	vst v0;
	v3 =	vmul.f32 $1.131370830e+01, v3  }
0x210: {  	v0 =	vld [tilespmem:s1+$0xDC40];
	[tilespmem:s25+$0xDC50] =	vst v1;
	v8 =	vmul.f32 $1.131370830e+01, v6  }
0x211: {  	v6 =	vmul.f32 $1.131370830e+01, v7;
	v1 =	vld [tilespmem:s1+$0xDC50];
	[tilespmem:s25+$0xDC60] =	vst v3  }
0x212: {  	s26 =	sadd.s32 $0x200, s26;
	v5 =	vmul.f32 $1.131370830e+01, v5;
	v3 =	vld [tilespmem:s1+$0xDC60];
	[tilespmem:s25+$0xDC70] =	vst v8;
	s25 =	smov.u32 s1  }
0x213: {  	[tilespmem:s25+$0xDC00] =	vst v6;
	v4 =	vmul.f32 $1.131370830e+01, v4;
	v6 =	vld [tilespmem:s25+$0xDC70]  }
0x214: {  	[tilespmem:s25+$0xDC10] =	vst v5;
	v2 =	vmul.f32 $1.131370830e+01, v2  }
0x215: {  	[tilespmem:s25+$0xDC20] =	vst v4;
	v0 =	vmul.f32 $1.131370830e+01, v0  }
0x216: {  	[tilespmem:s25+$0xDC30] =	vst v2;
	v1 =	vmul.f32 $1.131370830e+01, v1  }
0x217: {  	[tilespmem:s25+$0xDC40] =	vst v0;
	v0 =	vmul.f32 $1.131370830e+01, v3  }
0x218: {  	[tilespmem:s25+$0xDC50] =	vst v1;
	v1 =	vmul.f32 $1.131370830e+01, v6  }
0x219: {  	[tilespmem:s25+$0xDC60] =	vst v0  }
0x21a: {  	s1 =	simm.s32 $0x0;
	s30 =	rddreg [dreg:$0xd];
	[tilespmem:s25+$0xDC70] =	vst v1  }
0x21b: {  	[hbm4b:s30+s1] =	stream.linear.scatter [tilespmem:s12], [sflag:$0x4], $0x4000, $0x38;
	[tilespmem:$0x19C00] =	vst v63  }
0x21c: {  	_ =	swait.ge [sflag:s20], $0x4000  }
0x21d: {  	[sflag:s20] =	ssyncset.done $0x0  }
0x21e: {  	s31 =	simm.s32 $0x1600;
	[sflag:s20] =	ssyncadd.s32 $0xFFFFC000  }
0x21f: {  	[tilespmem:s11], [sflag:$0x3] =	stream.indirect.gather [hbm4b:s2+s5], $0x80, s31, s5, $0xb8;
	[tilespmem:$0x19C00] =	vst v63  }
0x220: {  	_ =	swait.ge [sflag:s22], $0x4000  }
0x221: {  	[sflag:s22] =	ssyncset.done $0x0  }
0x222: {  	s25 =	simm.s32 $0x0;
	[sflag:s22] =	ssyncadd.s32 $0xFFFFC000  }
0x223: {  	v3 =	vld [tilespmem:s25+$0x11C00]  }
0x224: {  	v5 =	vld [tilespmem:s25+$0x11C10]  }
0x225: {  	v4 =	vld [tilespmem:s25+$0x11C20]  }
0x226: {  	v2 =	vld [tilespmem:s25+$0x11C30]  }
0x227: {  	v0 =	vld [tilespmem:s25+$0x11C40]  }
0x228: {  	v1 =	vld [tilespmem:s25+$0x11C50];
	v6 =	vmul.f32 $1.131370830e+01, v3  }
0x229: {  	s26 =	simm.s32 $0x200;
	v5 =	vmul.f32 $1.131370830e+01, v5;
	v3 =	vld [tilespmem:s25+$0x11C60]  }
.LBB2_36:
0x22a: {  	s1 =	sshra.s32 s26, $0x2;
	p0 =	sne.s32 s26, $0xFE00;
	[tilespmem:s25+$0x11C00] =	vst v6;
	v4 =	vmul.f32 $1.131370830e+01, v4;
	v6 =	vld [tilespmem:s25+$0x11C70]  }
0x22b: {  	v7 =	vld [tilespmem:s1+$0x11C00];
	[tilespmem:s25+$0x11C10] =	vst v5;
	v2 =	vmul.f32 $1.131370830e+01, v2  }
0x22c: {  	v5 =	vld [tilespmem:s1+$0x11C10];
	[tilespmem:s25+$0x11C20] =	vst v4;
	v0 =	vmul.f32 $1.131370830e+01, v0  }
.Ltmp17:
0x22d: {  	v4 =	vld [tilespmem:s1+$0x11C20];
	[tilespmem:s25+$0x11C30] =	vst v2;
	v1 =	vmul.f32 $1.131370830e+01, v1;
	(pc) =	sbr.rel @p0 .LBB2_36-.Ltmp17, $4  }
0x22e: {  	v2 =	vld [tilespmem:s1+$0x11C30];
	[tilespmem:s25+$0x11C40] =	vst v0;
	v3 =	vmul.f32 $1.131370830e+01, v3  }
0x22f: {  	v0 =	vld [tilespmem:s1+$0x11C40];
	[tilespmem:s25+$0x11C50] =	vst v1;
	v8 =	vmul.f32 $1.131370830e+01, v6  }
0x230: {  	v6 =	vmul.f32 $1.131370830e+01, v7;
	v1 =	vld [tilespmem:s1+$0x11C50];
	[tilespmem:s25+$0x11C60] =	vst v3  }
0x231: {  	s26 =	sadd.s32 $0x200, s26;
	v5 =	vmul.f32 $1.131370830e+01, v5;
	v3 =	vld [tilespmem:s1+$0x11C60];
	[tilespmem:s25+$0x11C70] =	vst v8;
	s25 =	smov.u32 s1  }
0x232: {  	[tilespmem:s25+$0x11C00] =	vst v6;
	v4 =	vmul.f32 $1.131370830e+01, v4;
	v6 =	vld [tilespmem:s25+$0x11C70]  }
0x233: {  	[tilespmem:s25+$0x11C10] =	vst v5;
	v2 =	vmul.f32 $1.131370830e+01, v2  }
0x234: {  	[tilespmem:s25+$0x11C20] =	vst v4;
	v0 =	vmul.f32 $1.131370830e+01, v0  }
0x235: {  	[tilespmem:s25+$0x11C30] =	vst v2;
	v1 =	vmul.f32 $1.131370830e+01, v1  }
0x236: {  	[tilespmem:s25+$0x11C40] =	vst v0;
	v0 =	vmul.f32 $1.131370830e+01, v3  }
0x237: {  	[tilespmem:s25+$0x11C50] =	vst v1;
	v1 =	vmul.f32 $1.131370830e+01, v6  }
0x238: {  	[tilespmem:s25+$0x11C60] =	vst v0  }
0x239: {  	s1 =	simm.s32 $0x0;
	s30 =	rddreg [dreg:$0xe];
	[tilespmem:s25+$0x11C70] =	vst v1  }
0x23a: {  	[hbm4b:s30+s1] =	stream.linear.scatter [tilespmem:s13], [sflag:$0x5], $0x4000, $0x38;
	[tilespmem:$0x19C00] =	vst v63  }
0x23b: {  	_ =	swait.ge [sflag:s21], $0x4000  }
0x23c: {  	[sflag:s21] =	ssyncset.done $0x0  }
0x23d: {  	s31 =	simm.s32 $0x1680;
	[sflag:s21] =	ssyncadd.s32 $0xFFFFC000  }
0x23e: {  	[tilespmem:s12], [sflag:$0x4] =	stream.indirect.gather [hbm4b:s2+s5], $0x80, s31, s5, $0xb8;
	[tilespmem:$0x19C00] =	vst v63  }
0x23f: {  	_ =	swait.ge [sflag:s23], $0x4000  }
0x240: {  	[sflag:s23] =	ssyncset.done $0x0  }
0x241: {  	s25 =	simm.s32 $0x0;
	[sflag:s23] =	ssyncadd.s32 $0xFFFFC000  }
0x242: {  	v3 =	vld [tilespmem:s25+$0x15C00]  }
0x243: {  	v5 =	vld [tilespmem:s25+$0x15C10]  }
0x244: {  	v4 =	vld [tilespmem:s25+$0x15C20]  }
0x245: {  	v2 =	vld [tilespmem:s25+$0x15C30]  }
0x246: {  	v0 =	vld [tilespmem:s25+$0x15C40]  }
0x247: {  	v1 =	vld [tilespmem:s25+$0x15C50];
	v6 =	vmul.f32 $1.131370830e+01, v3  }
0x248: {  	s26 =	simm.s32 $0x200;
	v5 =	vmul.f32 $1.131370830e+01, v5;
	v3 =	vld [tilespmem:s25+$0x15C60]  }
.LBB2_38:
0x249: {  	s1 =	sshra.s32 s26, $0x2;
	p0 =	sne.s32 s26, $0xFE00;
	[tilespmem:s25+$0x15C00] =	vst v6;
	v4 =	vmul.f32 $1.131370830e+01, v4;
	v6 =	vld [tilespmem:s25+$0x15C70]  }
0x24a: {  	v7 =	vld [tilespmem:s1+$0x15C00];
	[tilespmem:s25+$0x15C10] =	vst v5;
	v2 =	vmul.f32 $1.131370830e+01, v2  }
0x24b: {  	v5 =	vld [tilespmem:s1+$0x15C10];
	[tilespmem:s25+$0x15C20] =	vst v4;
	v0 =	vmul.f32 $1.131370830e+01, v0  }
.Ltmp18:
0x24c: {  	v4 =	vld [tilespmem:s1+$0x15C20];
	[tilespmem:s25+$0x15C30] =	vst v2;
	v1 =	vmul.f32 $1.131370830e+01, v1;
	(pc) =	sbr.rel @p0 .LBB2_38-.Ltmp18, $4  }
0x24d: {  	v2 =	vld [tilespmem:s1+$0x15C30];
	[tilespmem:s25+$0x15C40] =	vst v0;
	v3 =	vmul.f32 $1.131370830e+01, v3  }
0x24e: {  	v0 =	vld [tilespmem:s1+$0x15C40];
	[tilespmem:s25+$0x15C50] =	vst v1;
	v8 =	vmul.f32 $1.131370830e+01, v6  }
0x24f: {  	v6 =	vmul.f32 $1.131370830e+01, v7;
	v1 =	vld [tilespmem:s1+$0x15C50];
	[tilespmem:s25+$0x15C60] =	vst v3  }
0x250: {  	s26 =	sadd.s32 $0x200, s26;
	v5 =	vmul.f32 $1.131370830e+01, v5;
	v3 =	vld [tilespmem:s1+$0x15C60];
	[tilespmem:s25+$0x15C70] =	vst v8;
	s25 =	smov.u32 s1  }
0x251: {  	[tilespmem:s25+$0x15C00] =	vst v6;
	v4 =	vmul.f32 $1.131370830e+01, v4;
	v6 =	vld [tilespmem:s25+$0x15C70]  }
0x252: {  	[tilespmem:s25+$0x15C10] =	vst v5;
	v2 =	vmul.f32 $1.131370830e+01, v2  }
0x253: {  	[tilespmem:s25+$0x15C20] =	vst v4;
	v0 =	vmul.f32 $1.131370830e+01, v0  }
0x254: {  	[tilespmem:s25+$0x15C30] =	vst v2;
	v1 =	vmul.f32 $1.131370830e+01, v1  }
0x255: {  	[tilespmem:s25+$0x15C40] =	vst v0;
	v0 =	vmul.f32 $1.131370830e+01, v3  }
0x256: {  	[tilespmem:s25+$0x15C50] =	vst v1;
	v1 =	vmul.f32 $1.131370830e+01, v6  }
0x257: {  	[tilespmem:s25+$0x15C60] =	vst v0  }
0x258: {  	s1 =	simm.s32 $0x0;
	s30 =	rddreg [dreg:$0xf];
	[tilespmem:s25+$0x15C70] =	vst v1  }
0x259: {  	[hbm4b:s30+s1] =	stream.linear.scatter [tilespmem:s18], [sflag:$0x6], $0x4000, $0x38;
	[tilespmem:$0x19C00] =	vst v63  }
0x25a: {  	_ =	swait.ge [sflag:s22], $0x4000  }
0x25b: {  	[sflag:s22] =	ssyncset.done $0x0  }
0x25c: {  	s31 =	simm.s32 $0x1700;
	[sflag:s22] =	ssyncadd.s32 $0xFFFFC000  }
0x25d: {  	[tilespmem:s13], [sflag:$0x5] =	stream.indirect.gather [hbm4b:s2+s5], $0x80, s31, s5, $0xb8;
	[tilespmem:$0x19C00] =	vst v63  }
0x25e: {  	_ =	swait.ge [sflag:s17], $0x4000  }
0x25f: {  	[sflag:s17] =	ssyncset.done $0x0  }
0x260: {  	s25 =	simm.s32 $0x0;
	[sflag:s17] =	ssyncadd.s32 $0xFFFFC000  }
0x261: {  	v3 =	vld [tilespmem:s25+$0x1C00]  }
0x262: {  	v5 =	vld [tilespmem:s25+$0x1C10]  }
0x263: {  	v4 =	vld [tilespmem:s25+$0x1C20]  }
0x264: {  	v2 =	vld [tilespmem:s25+$0x1C30]  }
0x265: {  	v0 =	vld [tilespmem:s25+$0x1C40]  }
0x266: {  	v1 =	vld [tilespmem:s25+$0x1C50];
	v6 =	vmul.f32 $1.131370830e+01, v3  }
0x267: {  	s26 =	simm.s32 $0x200;
	v5 =	vmul.f32 $1.131370830e+01, v5;
	v3 =	vld [tilespmem:s25+$0x1C60]  }
.LBB2_40:
0x268: {  	s1 =	sshra.s32 s26, $0x2;
	p0 =	sne.s32 s26, $0xFE00;
	[tilespmem:s25+$0x1C00] =	vst v6;
	v4 =	vmul.f32 $1.131370830e+01, v4;
	v6 =	vld [tilespmem:s25+$0x1C70]  }
0x269: {  	v7 =	vld [tilespmem:s1+$0x1C00];
	[tilespmem:s25+$0x1C10] =	vst v5;
	v2 =	vmul.f32 $1.131370830e+01, v2  }
0x26a: {  	v5 =	vld [tilespmem:s1+$0x1C10];
	[tilespmem:s25+$0x1C20] =	vst v4;
	v0 =	vmul.f32 $1.131370830e+01, v0  }
.Ltmp19:
0x26b: {  	v4 =	vld [tilespmem:s1+$0x1C20];
	[tilespmem:s25+$0x1C30] =	vst v2;
	v1 =	vmul.f32 $1.131370830e+01, v1;
	(pc) =	sbr.rel @p0 .LBB2_40-.Ltmp19, $4  }
0x26c: {  	v2 =	vld [tilespmem:s1+$0x1C30];
	[tilespmem:s25+$0x1C40] =	vst v0;
	v3 =	vmul.f32 $1.131370830e+01, v3  }
0x26d: {  	v0 =	vld [tilespmem:s1+$0x1C40];
	[tilespmem:s25+$0x1C50] =	vst v1;
	v8 =	vmul.f32 $1.131370830e+01, v6  }
0x26e: {  	v6 =	vmul.f32 $1.131370830e+01, v7;
	v1 =	vld [tilespmem:s1+$0x1C50];
	[tilespmem:s25+$0x1C60] =	vst v3  }
0x26f: {  	s26 =	sadd.s32 $0x200, s26;
	v5 =	vmul.f32 $1.131370830e+01, v5;
	v3 =	vld [tilespmem:s1+$0x1C60];
	[tilespmem:s25+$0x1C70] =	vst v8;
	s25 =	smov.u32 s1  }
0x270: {  	[tilespmem:s25+$0x1C00] =	vst v6;
	v4 =	vmul.f32 $1.131370830e+01, v4;
	v6 =	vld [tilespmem:s25+$0x1C70]  }
0x271: {  	[tilespmem:s25+$0x1C10] =	vst v5;
	v2 =	vmul.f32 $1.131370830e+01, v2  }
0x272: {  	[tilespmem:s25+$0x1C20] =	vst v4;
	v0 =	vmul.f32 $1.131370830e+01, v0  }
0x273: {  	[tilespmem:s25+$0x1C30] =	vst v2;
	v1 =	vmul.f32 $1.131370830e+01, v1  }
0x274: {  	[tilespmem:s25+$0x1C40] =	vst v0;
	v0 =	vmul.f32 $1.131370830e+01, v3  }
0x275: {  	[tilespmem:s25+$0x1C50] =	vst v1;
	v1 =	vmul.f32 $1.131370830e+01, v6  }
0x276: {  	[tilespmem:s25+$0x1C60] =	vst v0  }
0x277: {  	s1 =	simm.s32 $0x0;
	s30 =	rddreg [dreg:$0x10];
	[tilespmem:s25+$0x1C70] =	vst v1  }
0x278: {  	[hbm4b:s30+s1] =	stream.linear.scatter [tilespmem:s9], [sflag:$0x1], $0x4000, $0x38;
	[tilespmem:$0x19C00] =	vst v63  }
0x279: {  	_ =	swait.ge [sflag:s23], $0x4000  }
0x27a: {  	[sflag:s23] =	ssyncset.done $0x0  }
0x27b: {  	s31 =	simm.s32 $0x1780;
	[sflag:s23] =	ssyncadd.s32 $0xFFFFC000  }
0x27c: {  	[tilespmem:s18], [sflag:$0x6] =	stream.indirect.gather [hbm4b:s2+s5], $0x80, s31, s5, $0xb8;
	[tilespmem:$0x19C00] =	vst v63  }
0x27d: {  	_ =	swait.ge [sflag:s19], $0x4000  }
0x27e: {  	[sflag:s19] =	ssyncset.done $0x0  }
0x27f: {  	s25 =	simm.s32 $0x0;
	[sflag:s19] =	ssyncadd.s32 $0xFFFFC000  }
0x280: {  	v3 =	vld [tilespmem:s25+$0x5C00]  }
0x281: {  	v5 =	vld [tilespmem:s25+$0x5C10]  }
0x282: {  	v4 =	vld [tilespmem:s25+$0x5C20]  }
0x283: {  	v2 =	vld [tilespmem:s25+$0x5C30]  }
0x284: {  	v0 =	vld [tilespmem:s25+$0x5C40]  }
0x285: {  	v1 =	vld [tilespmem:s25+$0x5C50];
	v6 =	vmul.f32 $1.131370830e+01, v3  }
0x286: {  	s26 =	simm.s32 $0x200;
	v5 =	vmul.f32 $1.131370830e+01, v5;
	v3 =	vld [tilespmem:s25+$0x5C60]  }
.LBB2_42:
0x287: {  	s1 =	sshra.s32 s26, $0x2;
	p0 =	sne.s32 s26, $0xFE00;
	[tilespmem:s25+$0x5C00] =	vst v6;
	v4 =	vmul.f32 $1.131370830e+01, v4;
	v6 =	vld [tilespmem:s25+$0x5C70]  }
0x288: {  	v7 =	vld [tilespmem:s1+$0x5C00];
	[tilespmem:s25+$0x5C10] =	vst v5;
	v2 =	vmul.f32 $1.131370830e+01, v2  }
0x289: {  	v5 =	vld [tilespmem:s1+$0x5C10];
	[tilespmem:s25+$0x5C20] =	vst v4;
	v0 =	vmul.f32 $1.131370830e+01, v0  }
.Ltmp20:
0x28a: {  	v4 =	vld [tilespmem:s1+$0x5C20];
	[tilespmem:s25+$0x5C30] =	vst v2;
	v1 =	vmul.f32 $1.131370830e+01, v1;
	(pc) =	sbr.rel @p0 .LBB2_42-.Ltmp20, $4  }
0x28b: {  	v2 =	vld [tilespmem:s1+$0x5C30];
	[tilespmem:s25+$0x5C40] =	vst v0;
	v3 =	vmul.f32 $1.131370830e+01, v3  }
0x28c: {  	v0 =	vld [tilespmem:s1+$0x5C40];
	[tilespmem:s25+$0x5C50] =	vst v1;
	v8 =	vmul.f32 $1.131370830e+01, v6  }
0x28d: {  	v6 =	vmul.f32 $1.131370830e+01, v7;
	v1 =	vld [tilespmem:s1+$0x5C50];
	[tilespmem:s25+$0x5C60] =	vst v3  }
0x28e: {  	s26 =	sadd.s32 $0x200, s26;
	v5 =	vmul.f32 $1.131370830e+01, v5;
	v3 =	vld [tilespmem:s1+$0x5C60];
	[tilespmem:s25+$0x5C70] =	vst v8;
	s25 =	smov.u32 s1  }
0x28f: {  	[tilespmem:s25+$0x5C00] =	vst v6;
	v4 =	vmul.f32 $1.131370830e+01, v4;
	v6 =	vld [tilespmem:s25+$0x5C70]  }
0x290: {  	[tilespmem:s25+$0x5C10] =	vst v5;
	v2 =	vmul.f32 $1.131370830e+01, v2  }
0x291: {  	[tilespmem:s25+$0x5C20] =	vst v4;
	v0 =	vmul.f32 $1.131370830e+01, v0  }
0x292: {  	[tilespmem:s25+$0x5C30] =	vst v2;
	v1 =	vmul.f32 $1.131370830e+01, v1  }
0x293: {  	[tilespmem:s25+$0x5C40] =	vst v0;
	v0 =	vmul.f32 $1.131370830e+01, v3  }
0x294: {  	[tilespmem:s25+$0x5C50] =	vst v1;
	v1 =	vmul.f32 $1.131370830e+01, v6  }
0x295: {  	[tilespmem:s25+$0x5C60] =	vst v0  }
0x296: {  	s1 =	simm.s32 $0x0;
	s30 =	rddreg [dreg:$0x11];
	[tilespmem:s25+$0x5C70] =	vst v1  }
0x297: {  	[hbm4b:s30+s1] =	stream.linear.scatter [tilespmem:s10], [sflag:$0x2], $0x4000, $0x38;
	[tilespmem:$0x19C00] =	vst v63  }
0x298: {  	_ =	swait.ge [sflag:s17], $0x4000  }
0x299: {  	[sflag:s17] =	ssyncset.done $0x0  }
0x29a: {  	s31 =	simm.s32 $0x1800;
	[sflag:s17] =	ssyncadd.s32 $0xFFFFC000  }
0x29b: {  	[tilespmem:s9], [sflag:$0x1] =	stream.indirect.gather [hbm4b:s2+s5], $0x80, s31, s5, $0xb8;
	[tilespmem:$0x19C00] =	vst v63  }
0x29c: {  	_ =	swait.ge [sflag:s20], $0x4000  }
0x29d: {  	[sflag:s20] =	ssyncset.done $0x0  }
0x29e: {  	s25 =	simm.s32 $0x0;
	[sflag:s20] =	ssyncadd.s32 $0xFFFFC000  }
0x29f: {  	v3 =	vld [tilespmem:s25+$0x9C00]  }
0x2a0: {  	v5 =	vld [tilespmem:s25+$0x9C10]  }
0x2a1: {  	v4 =	vld [tilespmem:s25+$0x9C20]  }
0x2a2: {  	v2 =	vld [tilespmem:s25+$0x9C30]  }
0x2a3: {  	v0 =	vld [tilespmem:s25+$0x9C40]  }
0x2a4: {  	v1 =	vld [tilespmem:s25+$0x9C50];
	v6 =	vmul.f32 $1.131370830e+01, v3  }
0x2a5: {  	s26 =	simm.s32 $0x200;
	v5 =	vmul.f32 $1.131370830e+01, v5;
	v3 =	vld [tilespmem:s25+$0x9C60]  }
.LBB2_44:
0x2a6: {  	s1 =	sshra.s32 s26, $0x2;
	p0 =	sne.s32 s26, $0xFE00;
	[tilespmem:s25+$0x9C00] =	vst v6;
	v4 =	vmul.f32 $1.131370830e+01, v4;
	v6 =	vld [tilespmem:s25+$0x9C70]  }
0x2a7: {  	v7 =	vld [tilespmem:s1+$0x9C00];
	[tilespmem:s25+$0x9C10] =	vst v5;
	v2 =	vmul.f32 $1.131370830e+01, v2  }
0x2a8: {  	v5 =	vld [tilespmem:s1+$0x9C10];
	[tilespmem:s25+$0x9C20] =	vst v4;
	v0 =	vmul.f32 $1.131370830e+01, v0  }
.Ltmp21:
0x2a9: {  	v4 =	vld [tilespmem:s1+$0x9C20];
	[tilespmem:s25+$0x9C30] =	vst v2;
	v1 =	vmul.f32 $1.131370830e+01, v1;
	(pc) =	sbr.rel @p0 .LBB2_44-.Ltmp21, $4  }
0x2aa: {  	v2 =	vld [tilespmem:s1+$0x9C30];
	[tilespmem:s25+$0x9C40] =	vst v0;
	v3 =	vmul.f32 $1.131370830e+01, v3  }
0x2ab: {  	v0 =	vld [tilespmem:s1+$0x9C40];
	[tilespmem:s25+$0x9C50] =	vst v1;
	v8 =	vmul.f32 $1.131370830e+01, v6  }
0x2ac: {  	v6 =	vmul.f32 $1.131370830e+01, v7;
	v1 =	vld [tilespmem:s1+$0x9C50];
	[tilespmem:s25+$0x9C60] =	vst v3  }
0x2ad: {  	s26 =	sadd.s32 $0x200, s26;
	v5 =	vmul.f32 $1.131370830e+01, v5;
	v3 =	vld [tilespmem:s1+$0x9C60];
	[tilespmem:s25+$0x9C70] =	vst v8;
	s25 =	smov.u32 s1  }
0x2ae: {  	[tilespmem:s25+$0x9C00] =	vst v6;
	v4 =	vmul.f32 $1.131370830e+01, v4;
	v6 =	vld [tilespmem:s25+$0x9C70]  }
0x2af: {  	[tilespmem:s25+$0x9C10] =	vst v5;
	v2 =	vmul.f32 $1.131370830e+01, v2  }
0x2b0: {  	[tilespmem:s25+$0x9C20] =	vst v4;
	v0 =	vmul.f32 $1.131370830e+01, v0  }
0x2b1: {  	[tilespmem:s25+$0x9C30] =	vst v2;
	v1 =	vmul.f32 $1.131370830e+01, v1  }
0x2b2: {  	[tilespmem:s25+$0x9C40] =	vst v0;
	v0 =	vmul.f32 $1.131370830e+01, v3  }
0x2b3: {  	[tilespmem:s25+$0x9C50] =	vst v1;
	v1 =	vmul.f32 $1.131370830e+01, v6  }
0x2b4: {  	[tilespmem:s25+$0x9C60] =	vst v0  }
0x2b5: {  	s1 =	simm.s32 $0x0;
	s30 =	rddreg [dreg:$0x13];
	[tilespmem:s25+$0x9C70] =	vst v1  }
0x2b6: {  	[hbm4b:s30+s1] =	stream.linear.scatter [tilespmem:s11], [sflag:$0x3], $0x4000, $0x38;
	[tilespmem:$0x19C00] =	vst v63  }
0x2b7: {  	_ =	swait.ge [sflag:s19], $0x4000  }
0x2b8: {  	[sflag:s19] =	ssyncset.done $0x0  }
0x2b9: {  	s31 =	simm.s32 $0x1880;
	[sflag:s19] =	ssyncadd.s32 $0xFFFFC000  }
0x2ba: {  	[tilespmem:s10], [sflag:$0x2] =	stream.indirect.gather [hbm4b:s2+s5], $0x80, s31, s5, $0xb8;
	[tilespmem:$0x19C00] =	vst v63  }
0x2bb: {  	_ =	swait.ge [sflag:s21], $0x4000  }
0x2bc: {  	[sflag:s21] =	ssyncset.done $0x0  }
0x2bd: {  	s25 =	simm.s32 $0x0;
	[sflag:s21] =	ssyncadd.s32 $0xFFFFC000  }
0x2be: {  	v3 =	vld [tilespmem:s25+$0xDC00]  }
0x2bf: {  	v5 =	vld [tilespmem:s25+$0xDC10]  }
0x2c0: {  	v4 =	vld [tilespmem:s25+$0xDC20]  }
0x2c1: {  	v2 =	vld [tilespmem:s25+$0xDC30]  }
0x2c2: {  	v0 =	vld [tilespmem:s25+$0xDC40]  }
0x2c3: {  	v1 =	vld [tilespmem:s25+$0xDC50];
	v6 =	vmul.f32 $1.131370830e+01, v3  }
0x2c4: {  	s26 =	simm.s32 $0x200;
	v5 =	vmul.f32 $1.131370830e+01, v5;
	v3 =	vld [tilespmem:s25+$0xDC60]  }
.LBB2_46:
0x2c5: {  	s1 =	sshra.s32 s26, $0x2;
	p0 =	sne.s32 s26, $0xFE00;
	[tilespmem:s25+$0xDC00] =	vst v6;
	v4 =	vmul.f32 $1.131370830e+01, v4;
	v6 =	vld [tilespmem:s25+$0xDC70]  }
0x2c6: {  	v7 =	vld [tilespmem:s1+$0xDC00];
	[tilespmem:s25+$0xDC10] =	vst v5;
	v2 =	vmul.f32 $1.131370830e+01, v2  }
0x2c7: {  	v5 =	vld [tilespmem:s1+$0xDC10];
	[tilespmem:s25+$0xDC20] =	vst v4;
	v0 =	vmul.f32 $1.131370830e+01, v0  }
.Ltmp22:
0x2c8: {  	v4 =	vld [tilespmem:s1+$0xDC20];
	[tilespmem:s25+$0xDC30] =	vst v2;
	v1 =	vmul.f32 $1.131370830e+01, v1;
	(pc) =	sbr.rel @p0 .LBB2_46-.Ltmp22, $4  }
0x2c9: {  	v2 =	vld [tilespmem:s1+$0xDC30];
	[tilespmem:s25+$0xDC40] =	vst v0;
	v3 =	vmul.f32 $1.131370830e+01, v3  }
0x2ca: {  	v0 =	vld [tilespmem:s1+$0xDC40];
	[tilespmem:s25+$0xDC50] =	vst v1;
	v8 =	vmul.f32 $1.131370830e+01, v6  }
0x2cb: {  	v6 =	vmul.f32 $1.131370830e+01, v7;
	v1 =	vld [tilespmem:s1+$0xDC50];
	[tilespmem:s25+$0xDC60] =	vst v3  }
0x2cc: {  	s26 =	sadd.s32 $0x200, s26;
	v5 =	vmul.f32 $1.131370830e+01, v5;
	v3 =	vld [tilespmem:s1+$0xDC60];
	[tilespmem:s25+$0xDC70] =	vst v8;
	s25 =	smov.u32 s1  }
0x2cd: {  	[tilespmem:s25+$0xDC00] =	vst v6;
	v4 =	vmul.f32 $1.131370830e+01, v4;
	v6 =	vld [tilespmem:s25+$0xDC70]  }
0x2ce: {  	[tilespmem:s25+$0xDC10] =	vst v5;
	v2 =	vmul.f32 $1.131370830e+01, v2  }
0x2cf: {  	[tilespmem:s25+$0xDC20] =	vst v4;
	v0 =	vmul.f32 $1.131370830e+01, v0  }
0x2d0: {  	[tilespmem:s25+$0xDC30] =	vst v2;
	v1 =	vmul.f32 $1.131370830e+01, v1  }
0x2d1: {  	[tilespmem:s25+$0xDC40] =	vst v0;
	v0 =	vmul.f32 $1.131370830e+01, v3  }
0x2d2: {  	[tilespmem:s25+$0xDC50] =	vst v1;
	v1 =	vmul.f32 $1.131370830e+01, v6  }
0x2d3: {  	[tilespmem:s25+$0xDC60] =	vst v0  }
0x2d4: {  	s1 =	simm.s32 $0x0;
	s31 =	rddreg [dreg:$0x14];
	[tilespmem:s25+$0xDC70] =	vst v1  }
0x2d5: {  	[hbm4b:s31+s1] =	stream.linear.scatter [tilespmem:s12], [sflag:$0x4], $0x4000, $0x38;
	[tilespmem:$0x19C00] =	vst v63  }
0x2d6: {  	_ =	swait.ge [sflag:s20], $0x4000  }
0x2d7: {  	[sflag:s20] =	ssyncset.done $0x0  }
0x2d8: {  	[sflag:s20] =	ssyncadd.s32 $0xFFFFC000  }
0x2d9: {  	_ =	swait.ge [sflag:s22], $0x4000  }
0x2da: {  	[sflag:s22] =	ssyncset.done $0x0  }
0x2db: {  	s25 =	simm.s32 $0x0;
	[sflag:s22] =	ssyncadd.s32 $0xFFFFC000  }
0x2dc: {  	v3 =	vld [tilespmem:s25+$0x11C00]  }
0x2dd: {  	v5 =	vld [tilespmem:s25+$0x11C10]  }
0x2de: {  	v4 =	vld [tilespmem:s25+$0x11C20]  }
0x2df: {  	v2 =	vld [tilespmem:s25+$0x11C30]  }
0x2e0: {  	v0 =	vld [tilespmem:s25+$0x11C40]  }
0x2e1: {  	v1 =	vld [tilespmem:s25+$0x11C50];
	v6 =	vmul.f32 $1.131370830e+01, v3  }
0x2e2: {  	s26 =	simm.s32 $0x200;
	v5 =	vmul.f32 $1.131370830e+01, v5;
	v3 =	vld [tilespmem:s25+$0x11C60]  }
.LBB2_48:
0x2e3: {  	s1 =	sshra.s32 s26, $0x2;
	p0 =	sne.s32 s26, $0xFE00;
	[tilespmem:s25+$0x11C00] =	vst v6;
	v4 =	vmul.f32 $1.131370830e+01, v4;
	v6 =	vld [tilespmem:s25+$0x11C70]  }
0x2e4: {  	v7 =	vld [tilespmem:s1+$0x11C00];
	[tilespmem:s25+$0x11C10] =	vst v5;
	v2 =	vmul.f32 $1.131370830e+01, v2  }
0x2e5: {  	v5 =	vld [tilespmem:s1+$0x11C10];
	[tilespmem:s25+$0x11C20] =	vst v4;
	v0 =	vmul.f32 $1.131370830e+01, v0  }
.Ltmp23:
0x2e6: {  	v4 =	vld [tilespmem:s1+$0x11C20];
	[tilespmem:s25+$0x11C30] =	vst v2;
	v1 =	vmul.f32 $1.131370830e+01, v1;
	(pc) =	sbr.rel @p0 .LBB2_48-.Ltmp23, $4  }
0x2e7: {  	v2 =	vld [tilespmem:s1+$0x11C30];
	[tilespmem:s25+$0x11C40] =	vst v0;
	v3 =	vmul.f32 $1.131370830e+01, v3  }
0x2e8: {  	v0 =	vld [tilespmem:s1+$0x11C40];
	[tilespmem:s25+$0x11C50] =	vst v1;
	v8 =	vmul.f32 $1.131370830e+01, v6  }
0x2e9: {  	v6 =	vmul.f32 $1.131370830e+01, v7;
	v1 =	vld [tilespmem:s1+$0x11C50];
	[tilespmem:s25+$0x11C60] =	vst v3  }
0x2ea: {  	s26 =	sadd.s32 $0x200, s26;
	v5 =	vmul.f32 $1.131370830e+01, v5;
	v3 =	vld [tilespmem:s1+$0x11C60];
	[tilespmem:s25+$0x11C70] =	vst v8;
	s25 =	smov.u32 s1  }
0x2eb: {  	[tilespmem:s25+$0x11C00] =	vst v6;
	v4 =	vmul.f32 $1.131370830e+01, v4;
	v6 =	vld [tilespmem:s25+$0x11C70]  }
0x2ec: {  	[tilespmem:s25+$0x11C10] =	vst v5;
	v2 =	vmul.f32 $1.131370830e+01, v2  }
0x2ed: {  	[tilespmem:s25+$0x11C20] =	vst v4;
	v0 =	vmul.f32 $1.131370830e+01, v0  }
0x2ee: {  	[tilespmem:s25+$0x11C30] =	vst v2;
	v1 =	vmul.f32 $1.131370830e+01, v1  }
0x2ef: {  	[tilespmem:s25+$0x11C40] =	vst v0;
	v0 =	vmul.f32 $1.131370830e+01, v3  }
0x2f0: {  	[tilespmem:s25+$0x11C50] =	vst v1;
	v1 =	vmul.f32 $1.131370830e+01, v6  }
0x2f1: {  	[tilespmem:s25+$0x11C60] =	vst v0  }
0x2f2: {  	s1 =	simm.s32 $0x0;
	s31 =	rddreg [dreg:$0x15];
	[tilespmem:s25+$0x11C70] =	vst v1  }
0x2f3: {  	[hbm4b:s31+s1] =	stream.linear.scatter [tilespmem:s13], [sflag:$0x5], $0x4000, $0x38;
	[tilespmem:$0x19C00] =	vst v63  }
0x2f4: {  	_ =	swait.ge [sflag:s21], $0x4000  }
0x2f5: {  	[sflag:s21] =	ssyncset.done $0x0  }
0x2f6: {  	[sflag:s21] =	ssyncadd.s32 $0xFFFFC000  }
0x2f7: {  	_ =	swait.ge [sflag:s23], $0x4000  }
0x2f8: {  	[sflag:s23] =	ssyncset.done $0x0  }
0x2f9: {  	s25 =	simm.s32 $0x0;
	[sflag:s23] =	ssyncadd.s32 $0xFFFFC000  }
0x2fa: {  	v3 =	vld [tilespmem:s25+$0x15C00]  }
0x2fb: {  	v5 =	vld [tilespmem:s25+$0x15C10]  }
0x2fc: {  	v4 =	vld [tilespmem:s25+$0x15C20]  }
0x2fd: {  	v2 =	vld [tilespmem:s25+$0x15C30]  }
0x2fe: {  	v0 =	vld [tilespmem:s25+$0x15C40]  }
0x2ff: {  	v1 =	vld [tilespmem:s25+$0x15C50];
	v6 =	vmul.f32 $1.131370830e+01, v3  }
0x300: {  	s26 =	simm.s32 $0x200;
	v5 =	vmul.f32 $1.131370830e+01, v5;
	v3 =	vld [tilespmem:s25+$0x15C60]  }
.LBB2_50:
0x301: {  	s1 =	sshra.s32 s26, $0x2;
	p0 =	sne.s32 s26, $0xFE00;
	[tilespmem:s25+$0x15C00] =	vst v6;
	v4 =	vmul.f32 $1.131370830e+01, v4;
	v6 =	vld [tilespmem:s25+$0x15C70]  }
0x302: {  	v7 =	vld [tilespmem:s1+$0x15C00];
	[tilespmem:s25+$0x15C10] =	vst v5;
	v2 =	vmul.f32 $1.131370830e+01, v2  }
0x303: {  	v5 =	vld [tilespmem:s1+$0x15C10];
	[tilespmem:s25+$0x15C20] =	vst v4;
	v0 =	vmul.f32 $1.131370830e+01, v0  }
.Ltmp24:
0x304: {  	v4 =	vld [tilespmem:s1+$0x15C20];
	[tilespmem:s25+$0x15C30] =	vst v2;
	v1 =	vmul.f32 $1.131370830e+01, v1;
	(pc) =	sbr.rel @p0 .LBB2_50-.Ltmp24, $4  }
0x305: {  	v2 =	vld [tilespmem:s1+$0x15C30];
	[tilespmem:s25+$0x15C40] =	vst v0;
	v3 =	vmul.f32 $1.131370830e+01, v3  }
0x306: {  	v0 =	vld [tilespmem:s1+$0x15C40];
	[tilespmem:s25+$0x15C50] =	vst v1;
	v8 =	vmul.f32 $1.131370830e+01, v6  }
0x307: {  	v6 =	vmul.f32 $1.131370830e+01, v7;
	v1 =	vld [tilespmem:s1+$0x15C50];
	[tilespmem:s25+$0x15C60] =	vst v3  }
0x308: {  	s26 =	sadd.s32 $0x200, s26;
	v5 =	vmul.f32 $1.131370830e+01, v5;
	v3 =	vld [tilespmem:s1+$0x15C60];
	[tilespmem:s25+$0x15C70] =	vst v8;
	s25 =	smov.u32 s1  }
0x309: {  	[tilespmem:s25+$0x15C00] =	vst v6;
	v4 =	vmul.f32 $1.131370830e+01, v4;
	v6 =	vld [tilespmem:s25+$0x15C70]  }
0x30a: {  	[tilespmem:s25+$0x15C10] =	vst v5;
	v2 =	vmul.f32 $1.131370830e+01, v2  }
0x30b: {  	[tilespmem:s25+$0x15C20] =	vst v4;
	v0 =	vmul.f32 $1.131370830e+01, v0  }
0x30c: {  	[tilespmem:s25+$0x15C30] =	vst v2;
	v1 =	vmul.f32 $1.131370830e+01, v1  }
0x30d: {  	[tilespmem:s25+$0x15C40] =	vst v0;
	v0 =	vmul.f32 $1.131370830e+01, v3  }
0x30e: {  	[tilespmem:s25+$0x15C50] =	vst v1;
	v1 =	vmul.f32 $1.131370830e+01, v6  }
0x30f: {  	[tilespmem:s25+$0x15C60] =	vst v0  }
0x310: {  	s1 =	simm.s32 $0x0;
	s31 =	rddreg [dreg:$0x16];
	[tilespmem:s25+$0x15C70] =	vst v1  }
0x311: {  	[hbm4b:s31+s1] =	stream.linear.scatter [tilespmem:s18], [sflag:$0x6], $0x4000, $0x38;
	[tilespmem:$0x19C00] =	vst v63  }
0x312: {  	_ =	swait.ge [sflag:s22], $0x4000  }
0x313: {  	[sflag:s22] =	ssyncset.done $0x0  }
0x314: {  	[sflag:s22] =	ssyncadd.s32 $0xFFFFC000  }
0x315: {  	_ =	swait.ge [sflag:s17], $0x4000  }
0x316: {  	[sflag:s17] =	ssyncset.done $0x0  }
0x317: {  	s25 =	simm.s32 $0x0;
	[sflag:s17] =	ssyncadd.s32 $0xFFFFC000  }
0x318: {  	v3 =	vld [tilespmem:s25+$0x1C00]  }
0x319: {  	v5 =	vld [tilespmem:s25+$0x1C10]  }
0x31a: {  	v4 =	vld [tilespmem:s25+$0x1C20]  }
0x31b: {  	v2 =	vld [tilespmem:s25+$0x1C30]  }
0x31c: {  	v0 =	vld [tilespmem:s25+$0x1C40]  }
0x31d: {  	v1 =	vld [tilespmem:s25+$0x1C50];
	v6 =	vmul.f32 $1.131370830e+01, v3  }
0x31e: {  	s26 =	simm.s32 $0x200;
	v5 =	vmul.f32 $1.131370830e+01, v5;
	v3 =	vld [tilespmem:s25+$0x1C60]  }
.LBB2_52:
0x31f: {  	s1 =	sshra.s32 s26, $0x2;
	p0 =	sne.s32 s26, $0xFE00;
	[tilespmem:s25+$0x1C00] =	vst v6;
	v4 =	vmul.f32 $1.131370830e+01, v4;
	v6 =	vld [tilespmem:s25+$0x1C70]  }
0x320: {  	v7 =	vld [tilespmem:s1+$0x1C00];
	[tilespmem:s25+$0x1C10] =	vst v5;
	v2 =	vmul.f32 $1.131370830e+01, v2  }
0x321: {  	v5 =	vld [tilespmem:s1+$0x1C10];
	[tilespmem:s25+$0x1C20] =	vst v4;
	v0 =	vmul.f32 $1.131370830e+01, v0  }
.Ltmp25:
0x322: {  	v4 =	vld [tilespmem:s1+$0x1C20];
	[tilespmem:s25+$0x1C30] =	vst v2;
	v1 =	vmul.f32 $1.131370830e+01, v1;
	(pc) =	sbr.rel @p0 .LBB2_52-.Ltmp25, $4  }
0x323: {  	v2 =	vld [tilespmem:s1+$0x1C30];
	[tilespmem:s25+$0x1C40] =	vst v0;
	v3 =	vmul.f32 $1.131370830e+01, v3  }
0x324: {  	v0 =	vld [tilespmem:s1+$0x1C40];
	[tilespmem:s25+$0x1C50] =	vst v1;
	v8 =	vmul.f32 $1.131370830e+01, v6  }
0x325: {  	v6 =	vmul.f32 $1.131370830e+01, v7;
	v1 =	vld [tilespmem:s1+$0x1C50];
	[tilespmem:s25+$0x1C60] =	vst v3  }
0x326: {  	s26 =	sadd.s32 $0x200, s26;
	v5 =	vmul.f32 $1.131370830e+01, v5;
	v3 =	vld [tilespmem:s1+$0x1C60];
	[tilespmem:s25+$0x1C70] =	vst v8;
	s25 =	smov.u32 s1  }
0x327: {  	[tilespmem:s25+$0x1C00] =	vst v6;
	v4 =	vmul.f32 $1.131370830e+01, v4;
	v6 =	vld [tilespmem:s25+$0x1C70]  }
0x328: {  	[tilespmem:s25+$0x1C10] =	vst v5;
	v2 =	vmul.f32 $1.131370830e+01, v2  }
0x329: {  	[tilespmem:s25+$0x1C20] =	vst v4;
	v0 =	vmul.f32 $1.131370830e+01, v0  }
0x32a: {  	[tilespmem:s25+$0x1C30] =	vst v2;
	v1 =	vmul.f32 $1.131370830e+01, v1  }
0x32b: {  	[tilespmem:s25+$0x1C40] =	vst v0;
	v0 =	vmul.f32 $1.131370830e+01, v3  }
0x32c: {  	[tilespmem:s25+$0x1C50] =	vst v1;
	v1 =	vmul.f32 $1.131370830e+01, v6  }
0x32d: {  	[tilespmem:s25+$0x1C60] =	vst v0  }
0x32e: {  	s1 =	simm.s32 $0x0;
	s31 =	rddreg [dreg:$0x17];
	[tilespmem:s25+$0x1C70] =	vst v1  }
0x32f: {  	[hbm4b:s31+s1] =	stream.linear.scatter [tilespmem:s9], [sflag:$0x1], $0x4000, $0x38;
	[tilespmem:$0x19C00] =	vst v63  }
0x330: {  	_ =	swait.ge [sflag:s23], $0x4000  }
0x331: {  	[sflag:s23] =	ssyncset.done $0x0  }
0x332: {  	[sflag:s23] =	ssyncadd.s32 $0xFFFFC000  }
0x333: {  	_ =	swait.ge [sflag:s19], $0x4000  }
0x334: {  	[sflag:s19] =	ssyncset.done $0x0  }
0x335: {  	s25 =	simm.s32 $0x0;
	[sflag:s19] =	ssyncadd.s32 $0xFFFFC000  }
0x336: {  	v3 =	vld [tilespmem:s25+$0x5C00]  }
0x337: {  	v5 =	vld [tilespmem:s25+$0x5C10]  }
0x338: {  	v4 =	vld [tilespmem:s25+$0x5C20]  }
0x339: {  	v2 =	vld [tilespmem:s25+$0x5C30]  }
0x33a: {  	v0 =	vld [tilespmem:s25+$0x5C40]  }
0x33b: {  	v1 =	vld [tilespmem:s25+$0x5C50];
	v6 =	vmul.f32 $1.131370830e+01, v3  }
0x33c: {  	s26 =	simm.s32 $0x200;
	v5 =	vmul.f32 $1.131370830e+01, v5;
	v3 =	vld [tilespmem:s25+$0x5C60]  }
.LBB2_54:
0x33d: {  	s1 =	sshra.s32 s26, $0x2;
	p0 =	sne.s32 s26, $0xFE00;
	[tilespmem:s25+$0x5C00] =	vst v6;
	v4 =	vmul.f32 $1.131370830e+01, v4;
	v6 =	vld [tilespmem:s25+$0x5C70]  }
0x33e: {  	v7 =	vld [tilespmem:s1+$0x5C00];
	[tilespmem:s25+$0x5C10] =	vst v5;
	v2 =	vmul.f32 $1.131370830e+01, v2  }
0x33f: {  	v5 =	vld [tilespmem:s1+$0x5C10];
	[tilespmem:s25+$0x5C20] =	vst v4;
	v0 =	vmul.f32 $1.131370830e+01, v0  }
.Ltmp26:
0x340: {  	v4 =	vld [tilespmem:s1+$0x5C20];
	[tilespmem:s25+$0x5C30] =	vst v2;
	v1 =	vmul.f32 $1.131370830e+01, v1;
	(pc) =	sbr.rel @p0 .LBB2_54-.Ltmp26, $4  }
0x341: {  	v2 =	vld [tilespmem:s1+$0x5C30];
	[tilespmem:s25+$0x5C40] =	vst v0;
	v3 =	vmul.f32 $1.131370830e+01, v3  }
0x342: {  	v0 =	vld [tilespmem:s1+$0x5C40];
	[tilespmem:s25+$0x5C50] =	vst v1;
	v8 =	vmul.f32 $1.131370830e+01, v6  }
0x343: {  	v6 =	vmul.f32 $1.131370830e+01, v7;
	v1 =	vld [tilespmem:s1+$0x5C50];
	[tilespmem:s25+$0x5C60] =	vst v3  }
0x344: {  	s26 =	sadd.s32 $0x200, s26;
	v5 =	vmul.f32 $1.131370830e+01, v5;
	v3 =	vld [tilespmem:s1+$0x5C60];
	[tilespmem:s25+$0x5C70] =	vst v8;
	s25 =	smov.u32 s1  }
0x345: {  	[tilespmem:s25+$0x5C00] =	vst v6;
	v4 =	vmul.f32 $1.131370830e+01, v4;
	v61 =	vld [tilespmem:s25+$0x5C70]  }
0x346: {  	[tilespmem:s25+$0x5C10] =	vst v5;
	v2 =	vmul.f32 $1.131370830e+01, v2  }
0x347: {  	[tilespmem:s25+$0x5C20] =	vst v4;
	v0 =	vmul.f32 $1.131370830e+01, v0  }
0x348: {  	[tilespmem:s25+$0x5C30] =	vst v2;
	v1 =	vmul.f32 $1.131370830e+01, v1  }
0x349: {  	[tilespmem:s25+$0x5C40] =	vst v0;
	v62 =	vmul.f32 $1.131370830e+01, v3  }
0x34a: {  	[tilespmem:s25+$0x5C50] =	vst v1;
	v63 =	vmul.f32 $1.131370830e+01, v61  }
0x34b: {  	[tilespmem:s25+$0x5C60] =	vst v62  }
0x34c: {  	s1 =	rddreg [dreg:$0x18];
	[tilespmem:s25+$0x5C70] =	vst v63  }
0x34d: {  	[hbm4b:s1+s4] =	stream.linear.scatter [tilespmem:s10], [sflag:$0x2], $0x4000, $0x38;
	[tilespmem:$0x19C00] =	vst v63  }
0x34e: {  	_ =	swait.ge [sflag:s17], $0x4000  }
0x34f: {  	[sflag:s17] =	ssyncset.done $0x0  }
0x350: {  	[sflag:s17] =	ssyncadd.s32 $0xFFFFC000  }
0x351: {  	_ =	swait.ge [sflag:s19], $0x4000  }
0x352: {  	s24 =	sadd.s32 $0x1, s24;
	s31 =	rddreg [dreg:$0x12]  }
0x353: {  	p0 =	sne.s32 s24, s31  }
.Ltmp27:
0x354: {  	_ = 	snop;
	(pc) =	sbr.rel @p0 .LBB2_1-.Ltmp27, $3  }
0x355: {  	_ =	sdelay $0x1  }
0x356: {  	[sflag:s19] =	ssyncset.done $0x0  }
0x357: {  	[sflag:s19] =	ssyncadd.s32 $0xFFFFC000  }
0x358: {  	_ =	sfence.sel $0x180000  }
0x359: {  	[bflag:$0x0] =	sbarrier.arrive $0xFFFF  }
0x35a: {  	_ =	strace $0x90000047  }
0x35b: {  	s0 =	stileid.u32;
	[bflag:$0x2] =	sbarrier.arrive $0xFFFF  }
0x35c: {  	p0 =	sne.s32 s0, $0x0;
	s0 =	rddreg [dreg:$0x3]  }
0x35d: {  	s0 =	sadd.s32 @!p0 $0x100000, s0  }
0x35e: {  	[sflag:s0] =	ssyncadd.tile.s32 @!p0 $0x1;
	_ =	shalt  }
.Lfunc_end2:
_tile_overlayer_lowered:
.L_overlay_start_2:
0x35f: {  	(tag) =	ssettag $0x2  }
0x360: {  	s0 =	rddreg [dreg:$0x0];
	s2 =	stileid.u32  }
0x361: {  	s1 =	rddreg [dreg:$0x1];
	p0 =	sne.s32 s2, $0x0  }
0x362: {  	s3 =	rddreg [dreg:$0x2];
	[bflag:$0x3] =	sbarrier.arrive $0xFFFF;
	s2 =	simm.s32 @!p0 $0x1C07  }
0x363: {  	[timem:s3], [sflag:s2] =	dma.local @!p0 [hbm:s0], s1  }
0x364: {  	s0 =	simm.s32 @!p0 $0x7  }
0x365: {  	_ =	swait.ge @!p0 [sflag:s0], s1  }
0x366: {  	s1 =	ssub.s32 @!p0 $0x0, s1;
	[sflag:s0] =	ssyncset.done @!p0 $0x0  }
0x367: {  	[sflag:s0] =	ssyncadd.s32 @!p0 s1  }
0x368: {  	[bflag:$0x3] =	sbarrier.arrive $0xFFFF  }
0x369: {  	_ =	shalt  }

</sc_bundles>
